<compile_context>
chip_gen: v7x
topology: tpu7x:2x2x1
jax: 0.10.2.dev20260603
libtpu: 0.0.44.dev20260713+nightly
codegen_flags: <defaults>
</compile_context>

<pallas_src>
import math

import jax
import jax.numpy as jnp
from jax.experimental import pallas as pl
from jax.experimental.pallas import tpu as pltpu

_LANE = 128


def _pad_up(n, m):
    return ((n + m - 1) // m) * m


def _colmat(v):
    return v[:, None] * jnp.ones((1, _LANE), jnp.float32)


def _rowscale_mm(x, w, smat):
    m, d = x.shape
    bm = min(512, m)

    def kern(x_ref, w_ref, s_ref, o_ref):
        o_ref[...] = s_ref[...] * jnp.dot(
            x_ref[...], w_ref[...], preferred_element_type=jnp.float32
        )

    return pl.pallas_call(
        kern,
        grid=(m // bm,),
        in_specs=[
            pl.BlockSpec((bm, d), lambda i: (i, 0)),
            pl.BlockSpec((d, w.shape[1]), lambda i: (0, 0)),
            pl.BlockSpec((bm, _LANE), lambda i: (i, 0)),
        ],
        out_specs=pl.BlockSpec((bm, w.shape[1]), lambda i: (i, 0)),
        out_shape=jax.ShapeDtypeStruct((m, w.shape[1]), jnp.float32),
    )(x, w, smat)


def _agg(a, w, dinvmat, bias2d, pmat, transpose):
    m = a.shape[1] if transpose else a.shape[0]
    kdim = a.shape[0] if transpose else a.shape[1]
    d = w.shape[1]
    bm = min(512, m)
    bk = min(1024, kdim)
    jt, it = m // bm, kdim // bk
    nsteps = it

    def kern(a_ref, w_ref, dinv_ref, b_ref, p_ref, wj_ref, h_ref, s_ref):
        i = pl.program_id(1)
        if transpose:
            part = jax.lax.dot_general(
                a_ref[...], w_ref[...],
                dimension_numbers=(((0,), (0,)), ((), ())),
                preferred_element_type=jnp.float32,
            )
        else:
            part = jnp.dot(a_ref[...], w_ref[...], preferred_element_type=jnp.float32)

        @pl.when(i == 0)
        def _():
            h_ref[...] = part

        @pl.when(i > 0)
        def _():
            h_ref[...] += part

        @pl.when(i == nsteps - 1)
        def _():
            acc = h_ref[...]
            if transpose:
                acc = acc + 2.0 * wj_ref[...]
            h = jnp.maximum(dinv_ref[...] * acc + b_ref[...], 0.0)
            h_ref[...] = h
            s_ref[...] = jnp.tanh(
                jnp.dot(h, p_ref[...], preferred_element_type=jnp.float32)
            )

    if transpose:
        a_spec = pl.BlockSpec((bk, bm), lambda j, i: (i, j))
    else:
        a_spec = pl.BlockSpec((bm, bk), lambda j, i: (j, i))

    return pl.pallas_call(
        kern,
        grid=(jt, it),
        in_specs=[
            a_spec,
            pl.BlockSpec((bk, d), lambda j, i: (i, 0)),
            pl.BlockSpec((bm, _LANE), lambda j, i: (j, 0)),
            pl.BlockSpec((1, _LANE), lambda j, i: (0, 0)),
            pl.BlockSpec((d, _LANE), lambda j, i: (0, 0)),
            pl.BlockSpec((bm, d), lambda j, i: (j, 0)),
        ],
        out_specs=[
            pl.BlockSpec((bm, d), lambda j, i: (j, 0)),
            pl.BlockSpec((bm, _LANE), lambda j, i: (j, 0)),
        ],
        out_shape=[
            jax.ShapeDtypeStruct((m, d), jnp.float32),
            jax.ShapeDtypeStruct((m, _LANE), jnp.float32),
        ],
    )(a, w, dinvmat, bias2d, pmat, w)


def _mm_nt_zerodiag(l, r, with_transpose=False):
    m, kdim = l.shape
    n = r.shape[0]
    bm = 1024 if m % 1024 == 0 else min(512, m)
    bn = 1024 if n % 1024 == 0 else min(512, n)
    bk = min(512, kdim)
    kt = kdim // bk

    def kern(l_ref, r_ref, o_ref, *maybe_t):
        i, j, k = pl.program_id(0), pl.program_id(1), pl.program_id(2)
        part = jax.lax.dot_general(
            l_ref[...], r_ref[...],
            dimension_numbers=(((1,), (1,)), ((), ())),
            preferred_element_type=jnp.float32,
        )

        @pl.when(k == 0)
        def _():
            o_ref[...] = part

        @pl.when(k > 0)
        def _():
            o_ref[...] += part

        @pl.when(k == kt - 1)
        def _():
            rows = i * bm + jax.lax.broadcasted_iota(jnp.int32, (bm, bn), 0)
            cols = j * bn + jax.lax.broadcasted_iota(jnp.int32, (bm, bn), 1)
            res = jnp.where(rows == cols, 0.0, o_ref[...])
            o_ref[...] = res
            if with_transpose:
                maybe_t[0][...] = res.T

    out_specs = [pl.BlockSpec((bm, bn), lambda i, j, k: (i, j))]
    out_shape = [jax.ShapeDtypeStruct((m, n), jnp.float32)]
    if with_transpose:
        out_specs.append(pl.BlockSpec((bn, bm), lambda i, j, k: (j, i)))
        out_shape.append(jax.ShapeDtypeStruct((n, m), jnp.float32))

    return pl.pallas_call(
        kern,
        grid=(m // bm, n // bn, kt),
        in_specs=[
            pl.BlockSpec((bm, bk), lambda i, j, k: (i, k)),
            pl.BlockSpec((bn, bk), lambda i, j, k: (j, k)),
        ],
        out_specs=out_specs,
        out_shape=out_shape,
    )(l, r)


def _colsum(a):
    m, n = a.shape
    bm = min(1024, m)
    bn = min(512, n)

    def kern(a_ref, o_ref):
        i = pl.program_id(1)
        part = jnp.sum(a_ref[...], axis=0, keepdims=True)

        @pl.when(i == 0)
        def _():
            o_ref[...] = jnp.broadcast_to(part, (8, bn))

        @pl.when(i > 0)
        def _():
            o_ref[...] += jnp.broadcast_to(part, (8, bn))

    return pl.pallas_call(
        kern,
        grid=(n // bn, m // bm),
        in_specs=[pl.BlockSpec((bm, bn), lambda j, i: (i, j))],
        out_specs=pl.BlockSpec((8, bn), lambda j, i: (0, j)),
        out_shape=jax.ShapeDtypeStruct((8, n), jnp.float32),
    )(a)


def _gather_rows(srcs, idx, dpos=None):
    r = idx.shape[0]
    n_dense = 2 if dpos is not None else 0

    def kern(*refs):
        if dpos is not None:
            _, dpos_ref = refs[0], refs[1]
            ins = refs[2:2 + len(srcs)]
            outs = refs[2 + len(srcs):]
            i = pl.program_id(0)
            d = dpos_ref[i]
            for t, (s_ref, o_ref) in enumerate(zip(ins, outs)):
                if t < n_dense:
                    lane = jax.lax.broadcasted_iota(
                        jnp.int32, (1, 1, s_ref.shape[2]), 2
                    )
                    o_ref[...] = jnp.where(lane == d, 1.0, s_ref[...])
                else:
                    o_ref[...] = s_ref[...]
        else:
            ins = refs[1:1 + len(srcs)]
            outs = refs[1 + len(srcs):]
            for s_ref, o_ref in zip(ins, outs):
                o_ref[...] = s_ref[...]

    nsp = 1 if dpos is None else 2
    in_specs = []
    out_specs = []
    out_shape = []
    for s in srcs:
        c = s.shape[1]
        in_specs.append(
            pl.BlockSpec((1, 1, c), lambda i, *sref, _c=c: (sref[0][i], 0, 0))
        )
        out_specs.append(pl.BlockSpec((1, 1, c), lambda i, *sref: (i, 0, 0)))
        out_shape.append(jax.ShapeDtypeStruct((r, 1, c), jnp.float32))

    grid_spec = pltpu.PrefetchScalarGridSpec(
        num_scalar_prefetch=nsp,
        grid=(r,),
        in_specs=in_specs,
        out_specs=out_specs,
    )
    args = (idx,) if dpos is None else (idx, dpos)
    outs = pl.pallas_call(kern, grid_spec=grid_spec, out_shape=out_shape)(
        *args, *[s[:, None, :] for s in srcs]
    )
    return [o[:, 0, :] for o in outs]


def _final_head(h2, nreal, wcp, bcp, ncls):
    m, d = h2.shape

    def kern(h_ref, wc_ref, bc_ref, emb_ref, lp_ref):
        rows = jax.lax.broadcasted_iota(jnp.int32, (m, 1), 0)
        h = jnp.where(rows < nreal, h_ref[...], 0.0)
        emb = jnp.sum(h, axis=0, keepdims=True) / float(nreal)
        nrm = jnp.sqrt(jnp.sum(emb * emb))
        emb = emb / jnp.maximum(nrm, 1e-12)
        logits = jnp.dot(emb, wc_ref[...], preferred_element_type=jnp.float32)
        logits = logits + bc_ref[...]
        lanes = jax.lax.broadcasted_iota(jnp.int32, (1, _LANE), 1)
        valid = lanes < ncls
        ml = jnp.where(valid, logits, -jnp.inf)
        mx = jnp.max(ml)
        z = jnp.where(valid, jnp.exp(ml - mx), 0.0)
        lse = mx + jnp.log(jnp.sum(z))
        emb_ref[...] = jnp.broadcast_to(emb, (8, _LANE))
        lp_ref[...] = jnp.broadcast_to(logits - lse, (8, _LANE))

    return pl.pallas_call(
        kern,
        grid=(1,),
        in_specs=[
            pl.BlockSpec((m, d), lambda i: (0, 0)),
            pl.BlockSpec((d, _LANE), lambda i: (0, 0)),
            pl.BlockSpec((1, _LANE), lambda i: (0, 0)),
        ],
        out_specs=[
            pl.BlockSpec((8, _LANE), lambda i: (0, 0)),
            pl.BlockSpec((8, _LANE), lambda i: (0, 0)),
        ],
        out_shape=[
            jax.ShapeDtypeStruct((8, _LANE), jnp.float32),
            jax.ShapeDtypeStruct((8, _LANE), jnp.float32),
        ],
    )(h2, wcp, bcp)


def kernel(x, edge_index, W0, b0, W1, b1, W2, b2, p1, p2, Wc, bc):
    n, d = x.shape
    ncls = Wc.shape[1]
    np_ = _pad_up(n + 1, 512)
    k1 = math.ceil(0.5 * n)
    k1p = _pad_up(k1 + 1, 512)
    k2 = math.ceil(0.5 * k1)
    k2p = _pad_up(k2 + 1, 512)

    r, c = edge_index[0], edge_index[1]
    ii = jnp.arange(n)

    selfw = jnp.where(r == c, 1.0, 0.0)
    diagcnt = jnp.zeros((n,), jnp.float32).at[r].add(selfw)
    newdiag = jnp.where(diagcnt != 0.0, diagcnt, 2.0)

    at_sl = (
        jnp.zeros((np_, np_), jnp.float32)
        .at[jnp.concatenate([c, ii]), jnp.concatenate([r, ii])]
        .add(jnp.concatenate([jnp.ones_like(selfw), newdiag - diagcnt]))
    )

    deg0 = jnp.zeros((n,), jnp.float32).at[c].add(1.0 - selfw) + newdiag
    dinv0 = jnp.where(deg0 > 0, jax.lax.rsqrt(deg0), 0.0)
    dinv0p = jnp.pad(dinv0, (0, np_ - n))

    xp = jnp.pad(x, ((0, np_ - n), (0, 0)))
    b0m, b1m, b2m = b0[None, :], b1[None, :], b2[None, :]
    p1m = _colmat(p1 / jnp.linalg.norm(p1))
    p2m = _colmat(p2 / jnp.linalg.norm(p2))

    w0 = _rowscale_mm(xp, W0, _colmat(dinv0p))
    h0, score1 = _agg(at_sl, w0, _colmat(dinv0p), b0m, p1m, transpose=False)

    vals1, perm1 = jax.lax.top_k(score1[:n, 0], k1)
    order1 = jnp.argsort(perm1)
    perm1 = perm1[order1]
    vals1 = vals1[order1]
    idx1 = jnp.concatenate([perm1, jnp.full((k1p - k1,), np_ - 1, jnp.int32)])
    vals1p = jnp.pad(vals1, (0, k1p - k1))

    g1 = jnp.full((n,), -1, jnp.int32).at[perm1].set(jnp.arange(k1, dtype=jnp.int32))
    ar1 = jnp.arange(k1)
    gr = g1[r]
    br1 = (
        jnp.zeros((k1p, np_), jnp.float32)
        .at[jnp.where(gr >= 0, gr, k1p - 1), c].add(1.0)
        .at[k1p - 1, :].set(0.0)
        .at[ar1, perm1].set(1.0)
    )
    gc = g1[c]
    btr1 = (
        jnp.zeros((k1p, np_), jnp.float32)
        .at[jnp.where(gc >= 0, gc, k1p - 1), r].add(1.0)
        .at[k1p - 1, :].set(0.0)
        .at[ar1, perm1].set(1.0)
    )
    (h0g,) = _gather_rows([h0], idx1)
    ap1, ap1t = _mm_nt_zerodiag(
        br1.astype(jnp.bfloat16), btr1.astype(jnp.bfloat16), with_transpose=True
    )

    cs1 = _colsum(ap1)[0]
    deg1 = cs1 + 2.0
    dinv1 = jax.lax.rsqrt(deg1)

    w1 = _rowscale_mm(h0g, W1, _colmat(dinv1 * vals1p))
    h1, score2 = _agg(ap1, w1, _colmat(dinv1), b1m, p2m, transpose=True)

    vals2, perm2 = jax.lax.top_k(score2[:k1, 0], k2)
    order2 = jnp.argsort(perm2)
    perm2 = perm2[order2]
    vals2 = vals2[order2]
    idx2 = jnp.concatenate([perm2, jnp.full((k2p - k2,), k1p - 1, jnp.int32)])
    dpos2 = jnp.concatenate([perm2, jnp.full((k2p - k2,), -1, jnp.int32)])
    vals2p = jnp.pad(vals2, (0, k2p - k2))

    cr2, ctr2, h1g = _gather_rows([ap1, ap1t, h1], idx2, dpos=dpos2)
    (ap2,) = _mm_nt_zerodiag(cr2.astype(jnp.bfloat16), ctr2.astype(jnp.bfloat16))

    cs2 = _colsum(ap2)[0]
    deg2 = cs2 + 2.0
    dinv2 = jax.lax.rsqrt(deg2)

    w2 = _rowscale_mm(h1g, W2, _colmat(dinv2 * vals2p))
    h2, _ = _agg(ap2, w2, _colmat(dinv2), b2m, p2m, transpose=True)

    wcp = jnp.zeros((d, _LANE), jnp.float32).at[:, :ncls].set(Wc)
    bcp = jnp.zeros((1, _LANE), jnp.float32).at[0, :ncls].set(bc)
    emb8, lp8 = _final_head(h2, k2, wcp, bcp, ncls)
    return emb8[0:1, :], lp8[0:1, :ncls]

# --- scband reference (transcript-rebuilt; emitter-appended) ---
"""Pipeline reference for scband-graph-unet-encoder-89996744720773 (READ-ONLY COPY).

The authoritative reference and input builder live on the scoring server;
editing this copy changes nothing except your own understanding.
"""

import jax, jax.numpy as jnp
import numpy as np
import math

N = 10000
E = 160000
D = 128
HID = 128
NCLS = 16
RATIO = 0.5


def setup_inputs(seed: int = 0) -> dict:
    key = jax.random.key(seed)
    ks = jax.random.split(key, 12)
    x = jax.random.normal(ks[0], (N, D), dtype=jnp.float32)
    edge_index = jax.random.randint(ks[1], (2, E), 0, N, dtype=jnp.int32)
    W0 = jax.random.normal(ks[2], (D, HID), dtype=jnp.float32) * (1.0 / math.sqrt(D))
    b0 = jnp.zeros((HID,), jnp.float32)
    W1 = jax.random.normal(ks[3], (HID, HID), dtype=jnp.float32) * (1.0 / math.sqrt(HID))
    b1 = jnp.zeros((HID,), jnp.float32)
    W2 = jax.random.normal(ks[4], (HID, HID), dtype=jnp.float32) * (1.0 / math.sqrt(HID))
    b2 = jnp.zeros((HID,), jnp.float32)
    p1 = jax.random.normal(ks[5], (HID,), dtype=jnp.float32) * (1.0 / math.sqrt(HID))
    p2 = jax.random.normal(ks[6], (HID,), dtype=jnp.float32) * (1.0 / math.sqrt(HID))
    Wc = jax.random.normal(ks[7], (HID, NCLS), dtype=jnp.float32) * (1.0 / math.sqrt(HID))
    bc = jnp.zeros((NCLS,), jnp.float32)
    return {"x": x, "edge_index": edge_index, "W0": W0, "b0": b0, "W1": W1, "b1": b1,
            "W2": W2, "b2": b2, "p1": p1, "p2": p2, "Wc": Wc, "bc": bc}


def _dense_adj(edge_index, n):
    # COO -> dense, duplicate edges accumulate (matches torch sparse coalesce-sum)
    A = jnp.zeros((n, n), jnp.float32)
    return A.at[edge_index[0], edge_index[1]].add(1.0)


def _gcn(A, x, W, b):
    # PyG GCNConv(improved=True): add_remaining_self_loops(fill=2.0), symmetric norm,
    # message from row -> aggregated at col, so out = A_hat.T @ (x W) + b
    n = A.shape[0]
    idx = jnp.arange(n)
    diag = A[idx, idx]
    newdiag = jnp.where(diag != 0, diag, 2.0)  # keep existing self loops, else fill=2.0
    A_sl = A.at[idx, idx].set(newdiag)
    deg = A_sl.sum(axis=0)  # scatter of edge_weight over col
    dinv = jnp.where(deg > 0, deg ** -0.5, 0.0)
    A_hat = dinv[:, None] * A_sl * dinv[None, :]
    return A_hat.T @ (x @ W) + b


def _augment(A):
    # remove_self_loops -> add_self_loops(w=1) -> A @ A -> remove_self_loops
    n = A.shape[0]
    idx = jnp.arange(n)
    A = A.at[idx, idx].set(0.0)
    A = A.at[idx, idx].add(1.0)
    A2 = A @ A
    A2 = A2.at[idx, idx].set(0.0)
    return A2


def _topk_pool(A, x, p):
    # PyG TopKPooling: score = tanh((x @ p)/||p||); keep top ceil(ratio*n) nodes;
    # gate kept features by score; subgraph-select adjacency.
    n = x.shape[0]
    score = jnp.tanh((x @ p) / jnp.linalg.norm(p))
    k = int(math.ceil(RATIO * n))
    vals, perm = jax.lax.top_k(score, k)
    xp = x[perm] * vals[:, None]
    Ap = A[perm][:, perm]
    return xp, Ap


def reference(x, edge_index, W0, b0, W1, b1, W2, b2, p1, p2, Wc, bc):
    A = _dense_adj(edge_index, x.shape[0])
    h = jax.nn.relu(_gcn(A, x, W0, b0))
    # level 1
    A_aug1 = _augment(A)
    h, Ap1 = _topk_pool(A_aug1, h, p1)
    h = jax.nn.relu(_gcn(Ap1, h, W1, b1))
    # level 2
    A_aug2 = _augment(Ap1)
    h, Ap2 = _topk_pool(A_aug2, h, p2)
    h = jax.nn.relu(_gcn(Ap2, h, W2, b2))
    # global mean pool over single graph (batch = zeros)
    emb = jnp.mean(h, axis=0, keepdims=True)
    emb = emb / jnp.maximum(jnp.linalg.norm(emb, axis=-1, keepdims=True), 1e-12)
    logits = emb @ Wc + bc
    logp = jax.nn.log_softmax(logits, axis=1)
    return (emb, logp)

if __name__ == "__main__":
    import jax
    _d = setup_inputs()
    print(jax.jit(kernel)(*tuple(_d.values())))

</pallas_src>

<mosaic_0001>
module attributes {stable_mosaic.version = 14 : i64} {
  func.func @kern(%arg0: i32, %arg1: memref<512x128xf32, #tpu.memory_space<vmem>>, %arg2: memref<128x128xf32, #tpu.memory_space<vmem>>, %arg3: memref<512x128xf32, #tpu.memory_space<vmem>>, %arg4: memref<512x128xf32, #tpu.memory_space<vmem>>) attributes {dimension_semantics = [#tpu.dimension_semantics<arbitrary>], iteration_bounds = array<i64: 20>, scalar_prefetch = 0 : i64, scratch_operands = 0 : i64, tpu.core_type = #tpu.core_type<tc>, window_params = [{transform_indices = @transform_0, window_bounds = array<i64: 512, 128>}, {pipeline_mode = #tpu.pipeline_mode<synchronous>, transform_indices = @transform_1, window_bounds = array<i64: 128, 128>}, {transform_indices = @transform_2, window_bounds = array<i64: 512, 128>}, {transform_indices = @transform_3, window_bounds = array<i64: 512, 128>}]} {
    %get3A = arith.constant 0 : index
    %get3A_0 = arith.constant 0 : index
    %get3A_1 = vector.load %arg3[%get3A, %get3A_0] : memref<512x128xf32, #tpu.memory_space<vmem>>, vector<512x128xf32>
    %get3A_2 = arith.constant 0 : index
    %get3A_3 = arith.constant 0 : index
    %get3A_4 = vector.load %arg1[%get3A_2, %get3A_3] : memref<512x128xf32, #tpu.memory_space<vmem>>, vector<512x128xf32>
    %get3A_5 = arith.constant 0 : index
    %get3A_6 = arith.constant 0 : index
    %get3A_7 = vector.load %arg2[%get3A_5, %get3A_6] : memref<128x128xf32, #tpu.memory_space<vmem>>, vector<128x128xf32>
    %dot_general3A = arith.constant dense<0.000000e+00> : vector<512x128xf32>
    %dot_general3A_8 = tpu.matmul %get3A_4, %get3A_7, %dot_general3A {dimension_numbers = #tpu.dot_dimension_numbers<[1], [0], [0], [1], [0, 0, 1, 1], [], []>, transpose_lhs_hint = false} : vector<512x128xf32>, vector<128x128xf32>, vector<512x128xf32> -> vector<512x128xf32>
    %mul3A = arith.mulf %get3A_1, %dot_general3A_8 : vector<512x128xf32>
    %swap3A = arith.constant 0 : index
    %swap3A_9 = arith.constant 0 : index
    %swap3A_10 = vector.load %arg4[%swap3A, %swap3A_9] : memref<512x128xf32, #tpu.memory_space<vmem>>, vector<512x128xf32>
    tpu.vector_store %arg4[%swap3A, %swap3A_9], %mul3A {strides = array<i32>} : memref<512x128xf32, #tpu.memory_space<vmem>>, vector<512x128xf32>,
    return
  }
  func.func @transform_0(%arg0: i32) -> (i32, i32) {
    %c0_i32 = arith.constant 0 : i32
    %c0_i32_0 = arith.constant 0 : i32
    return %arg0, %c0_i32 : i32, i32
  }
  func.func @transform_1(%arg0: i32) -> (i32, i32) {
    %c0_i32 = arith.constant 0 : i32
    %c0_i32_0 = arith.constant 0 : i32
    %c0_i32_1 = arith.constant 0 : i32
    return %c0_i32, %c0_i32_0 : i32, i32
  }
  func.func @transform_2(%arg0: i32) -> (i32, i32) {
    %c0_i32 = arith.constant 0 : i32
    %c0_i32_0 = arith.constant 0 : i32
    return %arg0, %c0_i32 : i32, i32
  }
  func.func @transform_3(%arg0: i32) -> (i32, i32) {
    %c0_i32 = arith.constant 0 : i32
    %c0_i32_0 = arith.constant 0 : i32
    return %arg0, %c0_i32 : i32, i32
  }
}

module attributes {stable_mosaic.version = 14 : i64} {
  func.func @kern(%arg0: i32, %arg1: i32, %arg2: memref<512x1024xf32, #tpu.memory_space<vmem>>, %arg3: memref<1024x128xf32, #tpu.memory_space<vmem>>, %arg4: memref<512x128xf32, #tpu.memory_space<vmem>>, %arg5: memref<1x128xf32, #tpu.memory_space<vmem>>, %arg6: memref<128x128xf32, #tpu.memory_space<vmem>>, %arg7: memref<512x128xf32, #tpu.memory_space<vmem>>, %arg8: memref<512x128xf32, #tpu.memory_space<vmem>>, %arg9: memref<512x128xf32, #tpu.memory_space<vmem>>) attributes {dimension_semantics = [#tpu.dimension_semantics<arbitrary>, #tpu.dimension_semantics<arbitrary>], iteration_bounds = array<i64: 20, 10>, scalar_prefetch = 0 : i64, scratch_operands = 0 : i64, tpu.core_type = #tpu.core_type<tc>, window_params = [{transform_indices = @transform_0, window_bounds = array<i64: 512, 1024>}, {transform_indices = @transform_1, window_bounds = array<i64: 1024, 128>}, {transform_indices = @transform_2, window_bounds = array<i64: 512, 128>}, {pipeline_mode = #tpu.pipeline_mode<synchronous>, transform_indices = @transform_3, window_bounds = array<i64: 1, 128>}, {pipeline_mode = #tpu.pipeline_mode<synchronous>, transform_indices = @transform_4, window_bounds = array<i64: 128, 128>}, {transform_indices = @transform_5, window_bounds = array<i64: 512, 128>}, {transform_indices = @transform_6, window_bounds = array<i64: 512, 128>}, {transform_indices = @transform_7, window_bounds = array<i64: 512, 128>}]} {
    %get3A = arith.constant 0 : index
    %get3A_0 = arith.constant 0 : index
    %get3A_1 = vector.load %arg2[%get3A, %get3A_0] : memref<512x1024xf32, #tpu.memory_space<vmem>>, vector<512x1024xf32>
    %get3A_2 = arith.constant 0 : index
    %get3A_3 = arith.constant 0 : index
    %get3A_4 = vector.load %arg3[%get3A_2, %get3A_3] : memref<1024x128xf32, #tpu.memory_space<vmem>>, vector<1024x128xf32>
    %dot_general3A = arith.constant dense<0.000000e+00> : vector<512x128xf32>
    %dot_general3A_5 = tpu.matmul %get3A_1, %get3A_4, %dot_general3A {dimension_numbers = #tpu.dot_dimension_numbers<[1], [0], [0], [1], [0, 0, 1, 1], [], []>, transpose_lhs_hint = false} : vector<512x1024xf32>, vector<1024x128xf32>, vector<512x128xf32> -> vector<512x128xf32>
    %eq3A = arith.constant 0 : i32
    %eq3A_6 = arith.cmpi eq, %arg1, %eq3A : i32
    %convert_element_type3A = arith.extui %eq3A_6 : i1 to i32
    %cond3A = arith.constant 0 : i32
    %cond3A_7 = arith.cmpi ne, %convert_element_type3A, %cond3A : i32
    scf.if %cond3A_7 {
      %swap3A = arith.constant 0 : index
      %swap3A_17 = arith.constant 0 : index
      %swap3A_18 = vector.load %arg8[%swap3A, %swap3A_17] : memref<512x128xf32, #tpu.memory_space<vmem>>, vector<512x128xf32>
      tpu.vector_store %arg8[%swap3A, %swap3A_17], %dot_general3A_5 {strides = array<i32>} : memref<512x128xf32, #tpu.memory_space<vmem>>, vector<512x128xf32>,
    } else {
    }
    %gt3A = arith.constant 0 : i32
    %gt3A_8 = arith.cmpi sgt, %arg1, %gt3A : i32
    %convert_element_type3A_9 = arith.extui %gt3A_8 : i1 to i32
    %cond3A_10 = arith.constant 0 : i32
    %cond3A_11 = arith.cmpi ne, %convert_element_type3A_9, %cond3A_10 : i32
    scf.if %cond3A_11 {
      %get3A_17 = arith.constant 0 : index
      %get3A_18 = arith.constant 0 : index
      %get3A_19 = vector.load %arg8[%get3A_17, %get3A_18] : memref<512x128xf32, #tpu.memory_space<vmem>>, vector<512x128xf32>
      %add3A = arith.addf %get3A_19, %dot_general3A_5 : vector<512x128xf32>
      %swap3A = arith.constant 0 : index
      %swap3A_20 = arith.constant 0 : index
      %swap3A_21 = vector.load %arg8[%swap3A, %swap3A_20] : memref<512x128xf32, #tpu.memory_space<vmem>>, vector<512x128xf32>
      tpu.vector_store %arg8[%swap3A, %swap3A_20], %add3A {strides = array<i32>} : memref<512x128xf32, #tpu.memory_space<vmem>>, vector<512x128xf32>,
    } else {
    }
    %eq3A_12 = arith.constant 9 : i32
    %eq3A_13 = arith.cmpi eq, %arg1, %eq3A_12 : i32
    %convert_element_type3A_14 = arith.extui %eq3A_13 : i1 to i32
    %cond3A_15 = arith.constant 0 : i32
    %cond3A_16 = arith.cmpi ne, %convert_element_type3A_14, %cond3A_15 : i32
    scf.if %cond3A_16 {
      %get3A_17 = arith.constant 0 : index
      %get3A_18 = arith.constant 0 : index
      %get3A_19 = vector.load %arg8[%get3A_17, %get3A_18] : memref<512x128xf32, #tpu.memory_space<vmem>>, vector<512x128xf32>
      %get3A_20 = arith.constant 0 : index
      %get3A_21 = arith.constant 0 : index
      %get3A_22 = vector.load %arg4[%get3A_20, %get3A_21] : memref<512x128xf32, #tpu.memory_space<vmem>>, vector<512x128xf32>
      %mul3A = arith.mulf %get3A_22, %get3A_19 : vector<512x128xf32>
      %get3A_23 = arith.constant 0 : index
      %get3A_24 = arith.constant 0 : index
      %get3A_25 = vector.load %arg5[%get3A_23, %get3A_24] : memref<1x128xf32, #tpu.memory_space<vmem>>, vector<1x128xf32>
      %add3A = vector.broadcast %get3A_25 : vector<1x128xf32> to vector<512x128xf32>
      %add3A_26 = arith.addf %mul3A, %add3A : vector<512x128xf32>
      %max3A = arith.constant 0.000000e+00 : f32
      %max3A_27 = vector.broadcast %max3A : f32 to vector<512x128xf32>
      %max3A_28 = arith.maximumf %add3A_26, %max3A_27 : vector<512x128xf32>
      %swap3A = arith.constant 0 : index
      %swap3A_29 = arith.constant 0 : index
      %swap3A_30 = vector.load %arg8[%swap3A, %swap3A_29] : memref<512x128xf32, #tpu.memory_space<vmem>>, vector<512x128xf32>
      tpu.vector_store %arg8[%swap3A, %swap3A_29], %max3A_28 {strides = array<i32>} : memref<512x128xf32, #tpu.memory_space<vmem>>, vector<512x128xf32>,
      %get3A_31 = arith.constant 0 : index
      %get3A_32 = arith.constant 0 : index
      %get3A_33 = vector.load %arg6[%get3A_31, %get3A_32] : memref<128x128xf32, #tpu.memory_space<vmem>>, vector<128x128xf32>
      %dot_general3A_34 = arith.constant dense<0.000000e+00> : vector<512x128xf32>
      %dot_general3A_35 = tpu.matmul %max3A_28, %get3A_33, %dot_general3A_34 {dimension_numbers = #tpu.dot_dimension_numbers<[1], [0], [0], [1], [0, 0, 1, 1], [], []>, transpose_lhs_hint = false} : vector<512x128xf32>, vector<128x128xf32>, vector<512x128xf32> -> vector<512x128xf32>
      %tanh3A = math.tanh %dot_general3A_35 : vector<512x128xf32>
      %swap3A_36 = arith.constant 0 : index
      %swap3A_37 = arith.constant 0 : index
      %swap3A_38 = vector.load %arg9[%swap3A_36, %swap3A_37] : memref<512x128xf32, #tpu.memory_space<vmem>>, vector<512x128xf32>
      tpu.vector_store %arg9[%swap3A_36, %swap3A_37], %tanh3A {strides = array<i32>} : memref<512x128xf32, #tpu.memory_space<vmem>>, vector<512x128xf32>,
    } else {
    }
    return
  }
  func.func @transform_0(%arg0: i32, %arg1: i32) -> (i32, i32) {
    %c0_i32 = arith.constant 0 : i32
    return %arg0, %arg1 : i32, i32
  }
  func.func @transform_1(%arg0: i32, %arg1: i32) -> (i32, i32) {
    %c0_i32 = arith.constant 0 : i32
    %c0_i32_0 = arith.constant 0 : i32
    return %arg1, %c0_i32 : i32, i32
  }
  func.func @transform_2(%arg0: i32, %arg1: i32) -> (i32, i32) {
    %c0_i32 = arith.constant 0 : i32
    %c0_i32_0 = arith.constant 0 : i32
    return %arg0, %c0_i32 : i32, i32
  }
  func.func @transform_3(%arg0: i32, %arg1: i32) -> (i32, i32) {
    %c0_i32 = arith.constant 0 : i32
    %c0_i32_0 = arith.constant 0 : i32
    %c0_i32_1 = arith.constant 0 : i32
    return %c0_i32, %c0_i32_0 : i32, i32
  }
  func.func @transform_4(%arg0: i32, %arg1: i32) -> (i32, i32) {
    %c0_i32 = arith.constant 0 : i32
    %c0_i32_0 = arith.constant 0 : i32
    %c0_i32_1 = arith.constant 0 : i32
    return %c0_i32, %c0_i32_0 : i32, i32
  }
  func.func @transform_5(%arg0: i32, %arg1: i32) -> (i32, i32) {
    %c0_i32 = arith.constant 0 : i32
    %c0_i32_0 = arith.constant 0 : i32
    return %arg0, %c0_i32 : i32, i32
  }
  func.func @transform_6(%arg0: i32, %arg1: i32) -> (i32, i32) {
    %c0_i32 = arith.constant 0 : i32
    %c0_i32_0 = arith.constant 0 : i32
    return %arg0, %c0_i32 : i32, i32
  }
  func.func @transform_7(%arg0: i32, %arg1: i32) -> (i32, i32) {
    %c0_i32 = arith.constant 0 : i32
    %c0_i32_0 = arith.constant 0 : i32
    return %arg0, %c0_i32 : i32, i32
  }
}

module attributes {stable_mosaic.version = 14 : i64} {
  func.func @kern(%arg0: i32, %arg1: memref<5120xi32, #tpu.memory_space<smem>>, %arg2: memref<1x1x128xf32, #tpu.memory_space<vmem>>, %arg3: memref<1x1x128xf32, #tpu.memory_space<vmem>>) attributes {dimension_semantics = [#tpu.dimension_semantics<arbitrary>], iteration_bounds = array<i64: 5120>, scalar_prefetch = 1 : i64, scratch_operands = 0 : i64, tpu.core_type = #tpu.core_type<tc>, window_params = [{transform_indices = @transform_0, window_bounds = array<i64: 1, 1, 128>}, {transform_indices = @transform_1, window_bounds = array<i64: 1, 1, 128>}]} {
    %get3A = arith.constant 0 : index
    %get3A_0 = arith.constant 0 : index
    %get3A_1 = arith.constant 0 : index
    %get3A_2 = vector.load %arg2[%get3A, %get3A_0, %get3A_1] : memref<1x1x128xf32, #tpu.memory_space<vmem>>, vector<1x1x128xf32>
    %swap3A = arith.constant 0 : index
    %swap3A_3 = arith.constant 0 : index
    %swap3A_4 = arith.constant 0 : index
    %swap3A_5 = vector.load %arg3[%swap3A, %swap3A_3, %swap3A_4] : memref<1x1x128xf32, #tpu.memory_space<vmem>>, vector<1x1x128xf32>
    tpu.vector_store %arg3[%swap3A, %swap3A_3, %swap3A_4], %get3A_2 {strides = array<i32>} : memref<1x1x128xf32, #tpu.memory_space<vmem>>, vector<1x1x128xf32>,
    return
  }
  func.func @transform_0(%arg0: i32, %arg1: memref<5120xi32, #tpu.memory_space<smem>>) -> (i32, i32, i32) {
    %get3A = arith.index_cast %arg0 : i32 to index
    %get3A_0 = memref.load %arg1[%get3A] : memref<5120xi32, #tpu.memory_space<smem>>
    %c0_i32 = arith.constant 0 : i32
    %c0_i32_1 = arith.constant 0 : i32
    %c0_i32_2 = arith.constant 0 : i32
    return %get3A_0, %c0_i32, %c0_i32_1 : i32, i32, i32
  }
  func.func @transform_1(%arg0: i32, %arg1: memref<5120xi32, #tpu.memory_space<smem>>) -> (i32, i32, i32) {
    %c0_i32 = arith.constant 0 : i32
    %c0_i32_0 = arith.constant 0 : i32
    %c0_i32_1 = arith.constant 0 : i32
    return %arg0, %c0_i32, %c0_i32_0 : i32, i32, i32
  }
}

module attributes {stable_mosaic.version = 14 : i64} {
  func.func @kern(%arg0: i32, %arg1: i32, %arg2: i32, %arg3: memref<1024x512xbf16, #tpu.memory_space<vmem>>, %arg4: memref<1024x512xbf16, #tpu.memory_space<vmem>>, %arg5: memref<1024x1024xf32, #tpu.memory_space<vmem>>, %arg6: memref<1024x1024xf32, #tpu.memory_space<vmem>>) attributes {dimension_semantics = [#tpu.dimension_semantics<arbitrary>, #tpu.dimension_semantics<arbitrary>, #tpu.dimension_semantics<arbitrary>], iteration_bounds = array<i64: 5, 5, 20>, scalar_prefetch = 0 : i64, scratch_operands = 0 : i64, tpu.core_type = #tpu.core_type<tc>, window_params = [{transform_indices = @transform_0, window_bounds = array<i64: 1024, 512>}, {transform_indices = @transform_1, window_bounds = array<i64: 1024, 512>}, {transform_indices = @transform_2, window_bounds = array<i64: 1024, 1024>}, {transform_indices = @transform_3, window_bounds = array<i64: 1024, 1024>}]} {
    %get3A = arith.constant 0 : index
    %get3A_0 = arith.constant 0 : index
    %get3A_1 = vector.load %arg3[%get3A, %get3A_0] : memref<1024x512xbf16, #tpu.memory_space<vmem>>, vector<1024x512xbf16>
    %get3A_2 = arith.constant 0 : index
    %get3A_3 = arith.constant 0 : index
    %get3A_4 = vector.load %arg4[%get3A_2, %get3A_3] : memref<1024x512xbf16, #tpu.memory_space<vmem>>, vector<1024x512xbf16>
    %dot_general3A = arith.constant dense<0.000000e+00> : vector<1024x1024xf32>
    %dot_general3A_5 = tpu.matmul %get3A_1, %get3A_4, %dot_general3A {dimension_numbers = #tpu.dot_dimension_numbers<[1], [1], [0], [0], [0, 0, 1, 0], [], []>, transpose_lhs_hint = false} : vector<1024x512xbf16>, vector<1024x512xbf16>, vector<1024x1024xf32> -> vector<1024x1024xf32>
    %eq3A = arith.constant 0 : i32
    %eq3A_6 = arith.cmpi eq, %arg2, %eq3A : i32
    %convert_element_type3A = arith.extui %eq3A_6 : i1 to i32
    %cond3A = arith.constant 0 : i32
    %cond3A_7 = arith.cmpi ne, %convert_element_type3A, %cond3A : i32
    scf.if %cond3A_7 {
      %swap3A = arith.constant 0 : index
      %swap3A_17 = arith.constant 0 : index
      %swap3A_18 = vector.load %arg5[%swap3A, %swap3A_17] : memref<1024x1024xf32, #tpu.memory_space<vmem>>, vector<1024x1024xf32>
      tpu.vector_store %arg5[%swap3A, %swap3A_17], %dot_general3A_5 {strides = array<i32>} : memref<1024x1024xf32, #tpu.memory_space<vmem>>, vector<1024x1024xf32>,
    } else {
    }
    %gt3A = arith.constant 0 : i32
    %gt3A_8 = arith.cmpi sgt, %arg2, %gt3A : i32
    %convert_element_type3A_9 = arith.extui %gt3A_8 : i1 to i32
    %cond3A_10 = arith.constant 0 : i32
    %cond3A_11 = arith.cmpi ne, %convert_element_type3A_9, %cond3A_10 : i32
    scf.if %cond3A_11 {
      %get3A_17 = arith.constant 0 : index
      %get3A_18 = arith.constant 0 : index
      %get3A_19 = vector.load %arg5[%get3A_17, %get3A_18] : memref<1024x1024xf32, #tpu.memory_space<vmem>>, vector<1024x1024xf32>
      %add3A = arith.addf %get3A_19, %dot_general3A_5 : vector<1024x1024xf32>
      %swap3A = arith.constant 0 : index
      %swap3A_20 = arith.constant 0 : index
      %swap3A_21 = vector.load %arg5[%swap3A, %swap3A_20] : memref<1024x1024xf32, #tpu.memory_space<vmem>>, vector<1024x1024xf32>
      tpu.vector_store %arg5[%swap3A, %swap3A_20], %add3A {strides = array<i32>} : memref<1024x1024xf32, #tpu.memory_space<vmem>>, vector<1024x1024xf32>,
    } else {
    }
    %eq3A_12 = arith.constant 19 : i32
    %eq3A_13 = arith.cmpi eq, %arg2, %eq3A_12 : i32
    %convert_element_type3A_14 = arith.extui %eq3A_13 : i1 to i32
    %cond3A_15 = arith.constant 0 : i32
    %cond3A_16 = arith.cmpi ne, %convert_element_type3A_14, %cond3A_15 : i32
    scf.if %cond3A_16 {
      %mul3A = arith.constant 1024 : i32
      %mul3A_17 = arith.muli %arg0, %mul3A : i32
      %iota3A = tpu.iota {dimensions = array<i32: 0>} : vector<1024x1024xi32>
      %add3A = vector.broadcast %mul3A_17 : i32 to vector<1024x1024xi32>
      %add3A_18 = arith.addi %add3A, %iota3A : vector<1024x1024xi32>
      %mul3A_19 = arith.constant 1024 : i32
      %mul3A_20 = arith.muli %arg1, %mul3A_19 : i32
      %iota3A_21 = tpu.iota {dimensions = array<i32: 1>} : vector<1024x1024xi32>
      %add3A_22 = vector.broadcast %mul3A_20 : i32 to vector<1024x1024xi32>
      %add3A_23 = arith.addi %add3A_22, %iota3A_21 : vector<1024x1024xi32>
      %eq3A_24 = arith.cmpi eq, %add3A_18, %add3A_23 : vector<1024x1024xi32>
      %get3A_25 = arith.constant 0 : index
      %get3A_26 = arith.constant 0 : index
      %get3A_27 = vector.load %arg5[%get3A_25, %get3A_26] : memref<1024x1024xf32, #tpu.memory_space<vmem>>, vector<1024x1024xf32>
      %jit3A = arith.constant 0.000000e+00 : f32
      %broadcast_in_dim3A = vector.broadcast %jit3A : f32 to vector<1024x1024xf32>
      %select_n3A = arith.select %eq3A_24, %broadcast_in_dim3A, %get3A_27 : vector<1024x1024xi1>, vector<1024x1024xf32>
      %swap3A = arith.constant 0 : index
      %swap3A_28 = arith.constant 0 : index
      %swap3A_29 = vector.load %arg5[%swap3A, %swap3A_28] : memref<1024x1024xf32, #tpu.memory_space<vmem>>, vector<1024x1024xf32>
      tpu.vector_store %arg5[%swap3A, %swap3A_28], %select_n3A {strides = array<i32>} : memref<1024x1024xf32, #tpu.memory_space<vmem>>, vector<1024x1024xf32>,
      %transpose3A = tpu.transpose %select_n3A, [1, 0] : vector<1024x1024xf32> -> vector<1024x1024xf32>
      %swap3A_30 = arith.constant 0 : index
      %swap3A_31 = arith.constant 0 : index
      %swap3A_32 = vector.load %arg6[%swap3A_30, %swap3A_31] : memref<1024x1024xf32, #tpu.memory_space<vmem>>, vector<1024x1024xf32>
      tpu.vector_store %arg6[%swap3A_30, %swap3A_31], %transpose3A {strides = array<i32>} : memref<1024x1024xf32, #tpu.memory_space<vmem>>, vector<1024x1024xf32>,
    } else {
    }
    return
  }
  func.func @transform_0(%arg0: i32, %arg1: i32, %arg2: i32) -> (i32, i32) {
    %c0_i32 = arith.constant 0 : i32
    return %arg0, %arg2 : i32, i32
  }
  func.func @transform_1(%arg0: i32, %arg1: i32, %arg2: i32) -> (i32, i32) {
    %c0_i32 = arith.constant 0 : i32
    return %arg1, %arg2 : i32, i32
  }
  func.func @transform_2(%arg0: i32, %arg1: i32, %arg2: i32) -> (i32, i32) {
    %c0_i32 = arith.constant 0 : i32
    return %arg0, %arg1 : i32, i32
  }
  func.func @transform_3(%arg0: i32, %arg1: i32, %arg2: i32) -> (i32, i32) {
    %c0_i32 = arith.constant 0 : i32
    return %arg1, %arg0 : i32, i32
  }
}

module attributes {stable_mosaic.version = 14 : i64} {
  func.func @kern(%arg0: i32, %arg1: i32, %arg2: memref<1024x512xf32, #tpu.memory_space<vmem>>, %arg3: memref<8x512xf32, #tpu.memory_space<vmem>>) attributes {dimension_semantics = [#tpu.dimension_semantics<arbitrary>, #tpu.dimension_semantics<arbitrary>], iteration_bounds = array<i64: 10, 5>, scalar_prefetch = 0 : i64, scratch_operands = 0 : i64, tpu.core_type = #tpu.core_type<tc>, window_params = [{transform_indices = @transform_0, window_bounds = array<i64: 1024, 512>}, {transform_indices = @transform_1, window_bounds = array<i64: 8, 512>}]} {
    %get3A = arith.constant 0 : index
    %get3A_0 = arith.constant 0 : index
    %get3A_1 = vector.load %arg2[%get3A, %get3A_0] : memref<1024x512xf32, #tpu.memory_space<vmem>>, vector<1024x512xf32>
    %reduce_sum3A = arith.constant dense<0.000000e+00> : vector<512xf32>
    %reduce_sum3A_2 = vector.multi_reduction <add>, %get3A_1, %reduce_sum3A [0] : vector<1024x512xf32> to vector<512xf32>
    %broadcast_in_dim3A = vector.shape_cast %reduce_sum3A_2 : vector<512xf32> to vector<1x512xf32>
    %eq3A = arith.constant 0 : i32
    %eq3A_3 = arith.cmpi eq, %arg1, %eq3A : i32
    %convert_element_type3A = arith.extui %eq3A_3 : i1 to i32
    %cond3A = arith.constant 0 : i32
    %cond3A_4 = arith.cmpi ne, %convert_element_type3A, %cond3A : i32
    scf.if %cond3A_4 {
      %broadcast_in_dim3A_9 = vector.shape_cast %broadcast_in_dim3A : vector<1x512xf32> to vector<1x512xf32>
      %broadcast_in_dim3A_10 = vector.broadcast %broadcast_in_dim3A_9 : vector<1x512xf32> to vector<8x512xf32>
      %swap3A = arith.constant 0 : index
      %swap3A_11 = arith.constant 0 : index
      %swap3A_12 = vector.load %arg3[%swap3A, %swap3A_11] : memref<8x512xf32, #tpu.memory_space<vmem>>, vector<8x512xf32>
      tpu.vector_store %arg3[%swap3A, %swap3A_11], %broadcast_in_dim3A_10 {strides = array<i32>} : memref<8x512xf32, #tpu.memory_space<vmem>>, vector<8x512xf32>,
    } else {
    }
    %gt3A = arith.constant 0 : i32
    %gt3A_5 = arith.cmpi sgt, %arg1, %gt3A : i32
    %convert_element_type3A_6 = arith.extui %gt3A_5 : i1 to i32
    %cond3A_7 = arith.constant 0 : i32
    %cond3A_8 = arith.cmpi ne, %convert_element_type3A_6, %cond3A_7 : i32
    scf.if %cond3A_8 {
      %get3A_9 = arith.constant 0 : index
      %get3A_10 = arith.constant 0 : index
      %get3A_11 = vector.load %arg3[%get3A_9, %get3A_10] : memref<8x512xf32, #tpu.memory_space<vmem>>, vector<8x512xf32>
      %broadcast_in_dim3A_12 = vector.shape_cast %broadcast_in_dim3A : vector<1x512xf32> to vector<1x512xf32>
      %broadcast_in_dim3A_13 = vector.broadcast %broadcast_in_dim3A_12 : vector<1x512xf32> to vector<8x512xf32>
      %add3A = arith.addf %get3A_11, %broadcast_in_dim3A_13 : vector<8x512xf32>
      %swap3A = arith.constant 0 : index
      %swap3A_14 = arith.constant 0 : index
      %swap3A_15 = vector.load %arg3[%swap3A, %swap3A_14] : memref<8x512xf32, #tpu.memory_space<vmem>>, vector<8x512xf32>
      tpu.vector_store %arg3[%swap3A, %swap3A_14], %add3A {strides = array<i32>} : memref<8x512xf32, #tpu.memory_space<vmem>>, vector<8x512xf32>,
    } else {
    }
    return
  }
  func.func @transform_0(%arg0: i32, %arg1: i32) -> (i32, i32) {
    %c0_i32 = arith.constant 0 : i32
    return %arg1, %arg0 : i32, i32
  }
  func.func @transform_1(%arg0: i32, %arg1: i32) -> (i32, i32) {
    %c0_i32 = arith.constant 0 : i32
    %c0_i32_0 = arith.constant 0 : i32
    return %c0_i32, %arg0 : i32, i32
  }
}

module attributes {stable_mosaic.version = 14 : i64} {
  func.func @kern(%arg0: i32, %arg1: memref<512x128xf32, #tpu.memory_space<vmem>>, %arg2: memref<128x128xf32, #tpu.memory_space<vmem>>, %arg3: memref<512x128xf32, #tpu.memory_space<vmem>>, %arg4: memref<512x128xf32, #tpu.memory_space<vmem>>) attributes {dimension_semantics = [#tpu.dimension_semantics<arbitrary>], iteration_bounds = array<i64: 10>, scalar_prefetch = 0 : i64, scratch_operands = 0 : i64, tpu.core_type = #tpu.core_type<tc>, window_params = [{transform_indices = @transform_0, window_bounds = array<i64: 512, 128>}, {pipeline_mode = #tpu.pipeline_mode<synchronous>, transform_indices = @transform_1, window_bounds = array<i64: 128, 128>}, {transform_indices = @transform_2, window_bounds = array<i64: 512, 128>}, {transform_indices = @transform_3, window_bounds = array<i64: 512, 128>}]} {
    %get3A = arith.constant 0 : index
    %get3A_0 = arith.constant 0 : index
    %get3A_1 = vector.load %arg3[%get3A, %get3A_0] : memref<512x128xf32, #tpu.memory_space<vmem>>, vector<512x128xf32>
    %get3A_2 = arith.constant 0 : index
    %get3A_3 = arith.constant 0 : index
    %get3A_4 = vector.load %arg1[%get3A_2, %get3A_3] : memref<512x128xf32, #tpu.memory_space<vmem>>, vector<512x128xf32>
    %get3A_5 = arith.constant 0 : index
    %get3A_6 = arith.constant 0 : index
    %get3A_7 = vector.load %arg2[%get3A_5, %get3A_6] : memref<128x128xf32, #tpu.memory_space<vmem>>, vector<128x128xf32>
    %dot_general3A = arith.constant dense<0.000000e+00> : vector<512x128xf32>
    %dot_general3A_8 = tpu.matmul %get3A_4, %get3A_7, %dot_general3A {dimension_numbers = #tpu.dot_dimension_numbers<[1], [0], [0], [1], [0, 0, 1, 1], [], []>, transpose_lhs_hint = false} : vector<512x128xf32>, vector<128x128xf32>, vector<512x128xf32> -> vector<512x128xf32>
    %mul3A = arith.mulf %get3A_1, %dot_general3A_8 : vector<512x128xf32>
    %swap3A = arith.constant 0 : index
    %swap3A_9 = arith.constant 0 : index
    %swap3A_10 = vector.load %arg4[%swap3A, %swap3A_9] : memref<512x128xf32, #tpu.memory_space<vmem>>, vector<512x128xf32>
    tpu.vector_store %arg4[%swap3A, %swap3A_9], %mul3A {strides = array<i32>} : memref<512x128xf32, #tpu.memory_space<vmem>>, vector<512x128xf32>,
    return
  }
  func.func @transform_0(%arg0: i32) -> (i32, i32) {
    %c0_i32 = arith.constant 0 : i32
    %c0_i32_0 = arith.constant 0 : i32
    return %arg0, %c0_i32 : i32, i32
  }
  func.func @transform_1(%arg0: i32) -> (i32, i32) {
    %c0_i32 = arith.constant 0 : i32
    %c0_i32_0 = arith.constant 0 : i32
    %c0_i32_1 = arith.constant 0 : i32
    return %c0_i32, %c0_i32_0 : i32, i32
  }
  func.func @transform_2(%arg0: i32) -> (i32, i32) {
    %c0_i32 = arith.constant 0 : i32
    %c0_i32_0 = arith.constant 0 : i32
    return %arg0, %c0_i32 : i32, i32
  }
  func.func @transform_3(%arg0: i32) -> (i32, i32) {
    %c0_i32 = arith.constant 0 : i32
    %c0_i32_0 = arith.constant 0 : i32
    return %arg0, %c0_i32 : i32, i32
  }
}

module attributes {stable_mosaic.version = 14 : i64} {
  func.func @kern(%arg0: i32, %arg1: i32, %arg2: memref<1024x512xf32, #tpu.memory_space<vmem>>, %arg3: memref<1024x128xf32, #tpu.memory_space<vmem>>, %arg4: memref<512x128xf32, #tpu.memory_space<vmem>>, %arg5: memref<1x128xf32, #tpu.memory_space<vmem>>, %arg6: memref<128x128xf32, #tpu.memory_space<vmem>>, %arg7: memref<512x128xf32, #tpu.memory_space<vmem>>, %arg8: memref<512x128xf32, #tpu.memory_space<vmem>>, %arg9: memref<512x128xf32, #tpu.memory_space<vmem>>) attributes {dimension_semantics = [#tpu.dimension_semantics<arbitrary>, #tpu.dimension_semantics<arbitrary>], iteration_bounds = array<i64: 10, 5>, scalar_prefetch = 0 : i64, scratch_operands = 0 : i64, tpu.core_type = #tpu.core_type<tc>, window_params = [{transform_indices = @transform_0, window_bounds = array<i64: 1024, 512>}, {transform_indices = @transform_1, window_bounds = array<i64: 1024, 128>}, {transform_indices = @transform_2, window_bounds = array<i64: 512, 128>}, {pipeline_mode = #tpu.pipeline_mode<synchronous>, transform_indices = @transform_3, window_bounds = array<i64: 1, 128>}, {pipeline_mode = #tpu.pipeline_mode<synchronous>, transform_indices = @transform_4, window_bounds = array<i64: 128, 128>}, {transform_indices = @transform_5, window_bounds = array<i64: 512, 128>}, {transform_indices = @transform_6, window_bounds = array<i64: 512, 128>}, {transform_indices = @transform_7, window_bounds = array<i64: 512, 128>}]} {
    %get3A = arith.constant 0 : index
    %get3A_0 = arith.constant 0 : index
    %get3A_1 = vector.load %arg2[%get3A, %get3A_0] : memref<1024x512xf32, #tpu.memory_space<vmem>>, vector<1024x512xf32>
    %get3A_2 = arith.constant 0 : index
    %get3A_3 = arith.constant 0 : index
    %get3A_4 = vector.load %arg3[%get3A_2, %get3A_3] : memref<1024x128xf32, #tpu.memory_space<vmem>>, vector<1024x128xf32>
    %dot_general3A = arith.constant dense<0.000000e+00> : vector<512x128xf32>
    %dot_general3A_5 = tpu.matmul %get3A_1, %get3A_4, %dot_general3A {dimension_numbers = #tpu.dot_dimension_numbers<[0], [0], [1], [1], [0, 1, 1, 1], [], []>, transpose_lhs_hint = false} : vector<1024x512xf32>, vector<1024x128xf32>, vector<512x128xf32> -> vector<512x128xf32>
    %eq3A = arith.constant 0 : i32
    %eq3A_6 = arith.cmpi eq, %arg1, %eq3A : i32
    %convert_element_type3A = arith.extui %eq3A_6 : i1 to i32
    %cond3A = arith.constant 0 : i32
    %cond3A_7 = arith.cmpi ne, %convert_element_type3A, %cond3A : i32
    scf.if %cond3A_7 {
      %swap3A = arith.constant 0 : index
      %swap3A_17 = arith.constant 0 : index
      %swap3A_18 = vector.load %arg8[%swap3A, %swap3A_17] : memref<512x128xf32, #tpu.memory_space<vmem>>, vector<512x128xf32>
      tpu.vector_store %arg8[%swap3A, %swap3A_17], %dot_general3A_5 {strides = array<i32>} : memref<512x128xf32, #tpu.memory_space<vmem>>, vector<512x128xf32>,
    } else {
    }
    %gt3A = arith.constant 0 : i32
    %gt3A_8 = arith.cmpi sgt, %arg1, %gt3A : i32
    %convert_element_type3A_9 = arith.extui %gt3A_8 : i1 to i32
    %cond3A_10 = arith.constant 0 : i32
    %cond3A_11 = arith.cmpi ne, %convert_element_type3A_9, %cond3A_10 : i32
    scf.if %cond3A_11 {
      %get3A_17 = arith.constant 0 : index
      %get3A_18 = arith.constant 0 : index
      %get3A_19 = vector.load %arg8[%get3A_17, %get3A_18] : memref<512x128xf32, #tpu.memory_space<vmem>>, vector<512x128xf32>
      %add3A = arith.addf %get3A_19, %dot_general3A_5 : vector<512x128xf32>
      %swap3A = arith.constant 0 : index
      %swap3A_20 = arith.constant 0 : index
      %swap3A_21 = vector.load %arg8[%swap3A, %swap3A_20] : memref<512x128xf32, #tpu.memory_space<vmem>>, vector<512x128xf32>
      tpu.vector_store %arg8[%swap3A, %swap3A_20], %add3A {strides = array<i32>} : memref<512x128xf32, #tpu.memory_space<vmem>>, vector<512x128xf32>,
    } else {
    }
    %eq3A_12 = arith.constant 4 : i32
    %eq3A_13 = arith.cmpi eq, %arg1, %eq3A_12 : i32
    %convert_element_type3A_14 = arith.extui %eq3A_13 : i1 to i32
    %cond3A_15 = arith.constant 0 : i32
    %cond3A_16 = arith.cmpi ne, %convert_element_type3A_14, %cond3A_15 : i32
    scf.if %cond3A_16 {
      %get3A_17 = arith.constant 0 : index
      %get3A_18 = arith.constant 0 : index
      %get3A_19 = vector.load %arg8[%get3A_17, %get3A_18] : memref<512x128xf32, #tpu.memory_space<vmem>>, vector<512x128xf32>
      %get3A_20 = arith.constant 0 : index
      %get3A_21 = arith.constant 0 : index
      %get3A_22 = vector.load %arg7[%get3A_20, %get3A_21] : memref<512x128xf32, #tpu.memory_space<vmem>>, vector<512x128xf32>
      %mul3A = arith.constant 2.000000e+00 : f32
      %mul3A_23 = vector.broadcast %mul3A : f32 to vector<512x128xf32>
      %mul3A_24 = arith.mulf %mul3A_23, %get3A_22 : vector<512x128xf32>
      %add3A = arith.addf %get3A_19, %mul3A_24 : vector<512x128xf32>
      %get3A_25 = arith.constant 0 : index
      %get3A_26 = arith.constant 0 : index
      %get3A_27 = vector.load %arg4[%get3A_25, %get3A_26] : memref<512x128xf32, #tpu.memory_space<vmem>>, vector<512x128xf32>
      %mul3A_28 = arith.mulf %get3A_27, %add3A : vector<512x128xf32>
      %get3A_29 = arith.constant 0 : index
      %get3A_30 = arith.constant 0 : index
      %get3A_31 = vector.load %arg5[%get3A_29, %get3A_30] : memref<1x128xf32, #tpu.memory_space<vmem>>, vector<1x128xf32>
      %add3A_32 = vector.broadcast %get3A_31 : vector<1x128xf32> to vector<512x128xf32>
      %add3A_33 = arith.addf %mul3A_28, %add3A_32 : vector<512x128xf32>
      %max3A = arith.constant 0.000000e+00 : f32
      %max3A_34 = vector.broadcast %max3A : f32 to vector<512x128xf32>
      %max3A_35 = arith.maximumf %add3A_33, %max3A_34 : vector<512x128xf32>
      %swap3A = arith.constant 0 : index
      %swap3A_36 = arith.constant 0 : index
      %swap3A_37 = vector.load %arg8[%swap3A, %swap3A_36] : memref<512x128xf32, #tpu.memory_space<vmem>>, vector<512x128xf32>
      tpu.vector_store %arg8[%swap3A, %swap3A_36], %max3A_35 {strides = array<i32>} : memref<512x128xf32, #tpu.memory_space<vmem>>, vector<512x128xf32>,
      %get3A_38 = arith.constant 0 : index
      %get3A_39 = arith.constant 0 : index
      %get3A_40 = vector.load %arg6[%get3A_38, %get3A_39] : memref<128x128xf32, #tpu.memory_space<vmem>>, vector<128x128xf32>
      %dot_general3A_41 = arith.constant dense<0.000000e+00> : vector<512x128xf32>
      %dot_general3A_42 = tpu.matmul %max3A_35, %get3A_40, %dot_general3A_41 {dimension_numbers = #tpu.dot_dimension_numbers<[1], [0], [0], [1], [0, 0, 1, 1], [], []>, transpose_lhs_hint = false} : vector<512x128xf32>, vector<128x128xf32>, vector<512x128xf32> -> vector<512x128xf32>
      %tanh3A = math.tanh %dot_general3A_42 : vector<512x128xf32>
      %swap3A_43 = arith.constant 0 : index
      %swap3A_44 = arith.constant 0 : index
      %swap3A_45 = vector.load %arg9[%swap3A_43, %swap3A_44] : memref<512x128xf32, #tpu.memory_space<vmem>>, vector<512x128xf32>
      tpu.vector_store %arg9[%swap3A_43, %swap3A_44], %tanh3A {strides = array<i32>} : memref<512x128xf32, #tpu.memory_space<vmem>>, vector<512x128xf32>,
    } else {
    }
    return
  }
  func.func @transform_0(%arg0: i32, %arg1: i32) -> (i32, i32) {
    %c0_i32 = arith.constant 0 : i32
    return %arg1, %arg0 : i32, i32
  }
  func.func @transform_1(%arg0: i32, %arg1: i32) -> (i32, i32) {
    %c0_i32 = arith.constant 0 : i32
    %c0_i32_0 = arith.constant 0 : i32
    return %arg1, %c0_i32 : i32, i32
  }
  func.func @transform_2(%arg0: i32, %arg1: i32) -> (i32, i32) {
    %c0_i32 = arith.constant 0 : i32
    %c0_i32_0 = arith.constant 0 : i32
    return %arg0, %c0_i32 : i32, i32
  }
  func.func @transform_3(%arg0: i32, %arg1: i32) -> (i32, i32) {
    %c0_i32 = arith.constant 0 : i32
    %c0_i32_0 = arith.constant 0 : i32
    %c0_i32_1 = arith.constant 0 : i32
    return %c0_i32, %c0_i32_0 : i32, i32
  }
  func.func @transform_4(%arg0: i32, %arg1: i32) -> (i32, i32) {
    %c0_i32 = arith.constant 0 : i32
    %c0_i32_0 = arith.constant 0 : i32
    %c0_i32_1 = arith.constant 0 : i32
    return %c0_i32, %c0_i32_0 : i32, i32
  }
  func.func @transform_5(%arg0: i32, %arg1: i32) -> (i32, i32) {
    %c0_i32 = arith.constant 0 : i32
    %c0_i32_0 = arith.constant 0 : i32
    return %arg0, %c0_i32 : i32, i32
  }
  func.func @transform_6(%arg0: i32, %arg1: i32) -> (i32, i32) {
    %c0_i32 = arith.constant 0 : i32
    %c0_i32_0 = arith.constant 0 : i32
    return %arg0, %c0_i32 : i32, i32
  }
  func.func @transform_7(%arg0: i32, %arg1: i32) -> (i32, i32) {
    %c0_i32 = arith.constant 0 : i32
    %c0_i32_0 = arith.constant 0 : i32
    return %arg0, %c0_i32 : i32, i32
  }
}

module attributes {stable_mosaic.version = 14 : i64} {
  func.func @kern(%arg0: i32, %arg1: memref<2560xi32, #tpu.memory_space<smem>>, %arg2: memref<2560xi32, #tpu.memory_space<smem>>, %arg3: memref<1x1x5120xf32, #tpu.memory_space<vmem>>, %arg4: memref<1x1x5120xf32, #tpu.memory_space<vmem>>, %arg5: memref<1x1x128xf32, #tpu.memory_space<vmem>>, %arg6: memref<1x1x5120xf32, #tpu.memory_space<vmem>>, %arg7: memref<1x1x5120xf32, #tpu.memory_space<vmem>>, %arg8: memref<1x1x128xf32, #tpu.memory_space<vmem>>) attributes {dimension_semantics = [#tpu.dimension_semantics<arbitrary>], iteration_bounds = array<i64: 2560>, scalar_prefetch = 2 : i64, scratch_operands = 0 : i64, tpu.core_type = #tpu.core_type<tc>, window_params = [{transform_indices = @transform_0, window_bounds = array<i64: 1, 1, 5120>}, {transform_indices = @transform_1, window_bounds = array<i64: 1, 1, 5120>}, {transform_indices = @transform_2, window_bounds = array<i64: 1, 1, 128>}, {transform_indices = @transform_3, window_bounds = array<i64: 1, 1, 5120>}, {transform_indices = @transform_4, window_bounds = array<i64: 1, 1, 5120>}, {transform_indices = @transform_5, window_bounds = array<i64: 1, 1, 128>}]} {
    %get3A = arith.index_cast %arg0 : i32 to index
    %get3A_0 = memref.load %arg2[%get3A] : memref<2560xi32, #tpu.memory_space<smem>>
    %iota3A = tpu.iota {dimensions = array<i32: 2>} : vector<1x1x5120xi32>
    %eq3A = vector.broadcast %get3A_0 : i32 to vector<1x1x5120xi32>
    %eq3A_1 = arith.cmpi eq, %iota3A, %eq3A : vector<1x1x5120xi32>
    %get3A_2 = arith.constant 0 : index
    %get3A_3 = arith.constant 0 : index
    %get3A_4 = arith.constant 0 : index
    %get3A_5 = vector.load %arg3[%get3A_2, %get3A_3, %get3A_4] : memref<1x1x5120xf32, #tpu.memory_space<vmem>>, vector<1x1x5120xf32>
    %jit3A = arith.constant 1.000000e+00 : f32
    %broadcast_in_dim3A = vector.broadcast %jit3A : f32 to vector<1x1x5120xf32>
    %select_n3A = arith.select %eq3A_1, %broadcast_in_dim3A, %get3A_5 : vector<1x1x5120xi1>, vector<1x1x5120xf32>
    %swap3A = arith.constant 0 : index
    %swap3A_6 = arith.constant 0 : index
    %swap3A_7 = arith.constant 0 : index
    %swap3A_8 = vector.load %arg6[%swap3A, %swap3A_6, %swap3A_7] : memref<1x1x5120xf32, #tpu.memory_space<vmem>>, vector<1x1x5120xf32>
    tpu.vector_store %arg6[%swap3A, %swap3A_6, %swap3A_7], %select_n3A {strides = array<i32>} : memref<1x1x5120xf32, #tpu.memory_space<vmem>>, vector<1x1x5120xf32>,
    %iota3A_9 = tpu.iota {dimensions = array<i32: 2>} : vector<1x1x5120xi32>
    %eq3A_10 = vector.broadcast %get3A_0 : i32 to vector<1x1x5120xi32>
    %eq3A_11 = arith.cmpi eq, %iota3A_9, %eq3A_10 : vector<1x1x5120xi32>
    %get3A_12 = arith.constant 0 : index
    %get3A_13 = arith.constant 0 : index
    %get3A_14 = arith.constant 0 : index
    %get3A_15 = vector.load %arg4[%get3A_12, %get3A_13, %get3A_14] : memref<1x1x5120xf32, #tpu.memory_space<vmem>>, vector<1x1x5120xf32>
    %jit3A_16 = arith.constant 1.000000e+00 : f32
    %broadcast_in_dim3A_17 = vector.broadcast %jit3A_16 : f32 to vector<1x1x5120xf32>
    %select_n3A_18 = arith.select %eq3A_11, %broadcast_in_dim3A_17, %get3A_15 : vector<1x1x5120xi1>, vector<1x1x5120xf32>
    %swap3A_19 = arith.constant 0 : index
    %swap3A_20 = arith.constant 0 : index
    %swap3A_21 = arith.constant 0 : index
    %swap3A_22 = vector.load %arg7[%swap3A_19, %swap3A_20, %swap3A_21] : memref<1x1x5120xf32, #tpu.memory_space<vmem>>, vector<1x1x5120xf32>
    tpu.vector_store %arg7[%swap3A_19, %swap3A_20, %swap3A_21], %select_n3A_18 {strides = array<i32>} : memref<1x1x5120xf32, #tpu.memory_space<vmem>>, vector<1x1x5120xf32>,
    %get3A_23 = arith.constant 0 : index
    %get3A_24 = arith.constant 0 : index
    %get3A_25 = arith.constant 0 : index
    %get3A_26 = vector.load %arg5[%get3A_23, %get3A_24, %get3A_25] : memref<1x1x128xf32, #tpu.memory_space<vmem>>, vector<1x1x128xf32>
    %swap3A_27 = arith.constant 0 : index
    %swap3A_28 = arith.constant 0 : index
    %swap3A_29 = arith.constant 0 : index
    %swap3A_30 = vector.load %arg8[%swap3A_27, %swap3A_28, %swap3A_29] : memref<1x1x128xf32, #tpu.memory_space<vmem>>, vector<1x1x128xf32>
    tpu.vector_store %arg8[%swap3A_27, %swap3A_28, %swap3A_29], %get3A_26 {strides = array<i32>} : memref<1x1x128xf32, #tpu.memory_space<vmem>>, vector<1x1x128xf32>,
    return
  }
  func.func @transform_0(%arg0: i32, %arg1: memref<2560xi32, #tpu.memory_space<smem>>, %arg2: memref<2560xi32, #tpu.memory_space<smem>>) -> (i32, i32, i32) {
    %get3A = arith.index_cast %arg0 : i32 to index
    %get3A_0 = memref.load %arg1[%get3A] : memref<2560xi32, #tpu.memory_space<smem>>
    %c0_i32 = arith.constant 0 : i32
    %c0_i32_1 = arith.constant 0 : i32
    %c0_i32_2 = arith.constant 0 : i32
    return %get3A_0, %c0_i32, %c0_i32_1 : i32, i32, i32
  }
  func.func @transform_1(%arg0: i32, %arg1: memref<2560xi32, #tpu.memory_space<smem>>, %arg2: memref<2560xi32, #tpu.memory_space<smem>>) -> (i32, i32, i32) {
    %get3A = arith.index_cast %arg0 : i32 to index
    %get3A_0 = memref.load %arg1[%get3A] : memref<2560xi32, #tpu.memory_space<smem>>
    %c0_i32 = arith.constant 0 : i32
    %c0_i32_1 = arith.constant 0 : i32
    %c0_i32_2 = arith.constant 0 : i32
    return %get3A_0, %c0_i32, %c0_i32_1 : i32, i32, i32
  }
  func.func @transform_2(%arg0: i32, %arg1: memref<2560xi32, #tpu.memory_space<smem>>, %arg2: memref<2560xi32, #tpu.memory_space<smem>>) -> (i32, i32, i32) {
    %get3A = arith.index_cast %arg0 : i32 to index
    %get3A_0 = memref.load %arg1[%get3A] : memref<2560xi32, #tpu.memory_space<smem>>
    %c0_i32 = arith.constant 0 : i32
    %c0_i32_1 = arith.constant 0 : i32
    %c0_i32_2 = arith.constant 0 : i32
    return %get3A_0, %c0_i32, %c0_i32_1 : i32, i32, i32
  }
  func.func @transform_3(%arg0: i32, %arg1: memref<2560xi32, #tpu.memory_space<smem>>, %arg2: memref<2560xi32, #tpu.memory_space<smem>>) -> (i32, i32, i32) {
    %c0_i32 = arith.constant 0 : i32
    %c0_i32_0 = arith.constant 0 : i32
    %c0_i32_1 = arith.constant 0 : i32
    return %arg0, %c0_i32, %c0_i32_0 : i32, i32, i32
  }
  func.func @transform_4(%arg0: i32, %arg1: memref<2560xi32, #tpu.memory_space<smem>>, %arg2: memref<2560xi32, #tpu.memory_space<smem>>) -> (i32, i32, i32) {
    %c0_i32 = arith.constant 0 : i32
    %c0_i32_0 = arith.constant 0 : i32
    %c0_i32_1 = arith.constant 0 : i32
    return %arg0, %c0_i32, %c0_i32_0 : i32, i32, i32
  }
  func.func @transform_5(%arg0: i32, %arg1: memref<2560xi32, #tpu.memory_space<smem>>, %arg2: memref<2560xi32, #tpu.memory_space<smem>>) -> (i32, i32, i32) {
    %c0_i32 = arith.constant 0 : i32
    %c0_i32_0 = arith.constant 0 : i32
    %c0_i32_1 = arith.constant 0 : i32
    return %arg0, %c0_i32, %c0_i32_0 : i32, i32, i32
  }
}

module attributes {stable_mosaic.version = 14 : i64} {
  func.func @kern(%arg0: i32, %arg1: i32, %arg2: i32, %arg3: memref<512x512xbf16, #tpu.memory_space<vmem>>, %arg4: memref<512x512xbf16, #tpu.memory_space<vmem>>, %arg5: memref<512x512xf32, #tpu.memory_space<vmem>>) attributes {dimension_semantics = [#tpu.dimension_semantics<arbitrary>, #tpu.dimension_semantics<arbitrary>, #tpu.dimension_semantics<arbitrary>], iteration_bounds = array<i64: 5, 5, 10>, scalar_prefetch = 0 : i64, scratch_operands = 0 : i64, tpu.core_type = #tpu.core_type<tc>, window_params = [{transform_indices = @transform_0, window_bounds = array<i64: 512, 512>}, {transform_indices = @transform_1, window_bounds = array<i64: 512, 512>}, {transform_indices = @transform_2, window_bounds = array<i64: 512, 512>}]} {
    %get3A = arith.constant 0 : index
    %get3A_0 = arith.constant 0 : index
    %get3A_1 = vector.load %arg3[%get3A, %get3A_0] : memref<512x512xbf16, #tpu.memory_space<vmem>>, vector<512x512xbf16>
    %get3A_2 = arith.constant 0 : index
    %get3A_3 = arith.constant 0 : index
    %get3A_4 = vector.load %arg4[%get3A_2, %get3A_3] : memref<512x512xbf16, #tpu.memory_space<vmem>>, vector<512x512xbf16>
    %dot_general3A = arith.constant dense<0.000000e+00> : vector<512x512xf32>
    %dot_general3A_5 = tpu.matmul %get3A_1, %get3A_4, %dot_general3A {dimension_numbers = #tpu.dot_dimension_numbers<[1], [1], [0], [0], [0, 0, 1, 0], [], []>, transpose_lhs_hint = false} : vector<512x512xbf16>, vector<512x512xbf16>, vector<512x512xf32> -> vector<512x512xf32>
    %eq3A = arith.constant 0 : i32
    %eq3A_6 = arith.cmpi eq, %arg2, %eq3A : i32
    %convert_element_type3A = arith.extui %eq3A_6 : i1 to i32
    %cond3A = arith.constant 0 : i32
    %cond3A_7 = arith.cmpi ne, %convert_element_type3A, %cond3A : i32
    scf.if %cond3A_7 {
      %swap3A = arith.constant 0 : index
      %swap3A_17 = arith.constant 0 : index
      %swap3A_18 = vector.load %arg5[%swap3A, %swap3A_17] : memref<512x512xf32, #tpu.memory_space<vmem>>, vector<512x512xf32>
      tpu.vector_store %arg5[%swap3A, %swap3A_17], %dot_general3A_5 {strides = array<i32>} : memref<512x512xf32, #tpu.memory_space<vmem>>, vector<512x512xf32>,
    } else {
    }
    %gt3A = arith.constant 0 : i32
    %gt3A_8 = arith.cmpi sgt, %arg2, %gt3A : i32
    %convert_element_type3A_9 = arith.extui %gt3A_8 : i1 to i32
    %cond3A_10 = arith.constant 0 : i32
    %cond3A_11 = arith.cmpi ne, %convert_element_type3A_9, %cond3A_10 : i32
    scf.if %cond3A_11 {
      %get3A_17 = arith.constant 0 : index
      %get3A_18 = arith.constant 0 : index
      %get3A_19 = vector.load %arg5[%get3A_17, %get3A_18] : memref<512x512xf32, #tpu.memory_space<vmem>>, vector<512x512xf32>
      %add3A = arith.addf %get3A_19, %dot_general3A_5 : vector<512x512xf32>
      %swap3A = arith.constant 0 : index
      %swap3A_20 = arith.constant 0 : index
      %swap3A_21 = vector.load %arg5[%swap3A, %swap3A_20] : memref<512x512xf32, #tpu.memory_space<vmem>>, vector<512x512xf32>
      tpu.vector_store %arg5[%swap3A, %swap3A_20], %add3A {strides = array<i32>} : memref<512x512xf32, #tpu.memory_space<vmem>>, vector<512x512xf32>,
    } else {
    }
    %eq3A_12 = arith.constant 9 : i32
    %eq3A_13 = arith.cmpi eq, %arg2, %eq3A_12 : i32
    %convert_element_type3A_14 = arith.extui %eq3A_13 : i1 to i32
    %cond3A_15 = arith.constant 0 : i32
    %cond3A_16 = arith.cmpi ne, %convert_element_type3A_14, %cond3A_15 : i32
    scf.if %cond3A_16 {
      %mul3A = arith.constant 512 : i32
      %mul3A_17 = arith.muli %arg0, %mul3A : i32
      %iota3A = tpu.iota {dimensions = array<i32: 0>} : vector<512x512xi32>
      %add3A = vector.broadcast %mul3A_17 : i32 to vector<512x512xi32>
      %add3A_18 = arith.addi %add3A, %iota3A : vector<512x512xi32>
      %mul3A_19 = arith.constant 512 : i32
      %mul3A_20 = arith.muli %arg1, %mul3A_19 : i32
      %iota3A_21 = tpu.iota {dimensions = array<i32: 1>} : vector<512x512xi32>
      %add3A_22 = vector.broadcast %mul3A_20 : i32 to vector<512x512xi32>
      %add3A_23 = arith.addi %add3A_22, %iota3A_21 : vector<512x512xi32>
      %eq3A_24 = arith.cmpi eq, %add3A_18, %add3A_23 : vector<512x512xi32>
      %get3A_25 = arith.constant 0 : index
      %get3A_26 = arith.constant 0 : index
      %get3A_27 = vector.load %arg5[%get3A_25, %get3A_26] : memref<512x512xf32, #tpu.memory_space<vmem>>, vector<512x512xf32>
      %jit3A = arith.constant 0.000000e+00 : f32
      %broadcast_in_dim3A = vector.broadcast %jit3A : f32 to vector<512x512xf32>
      %select_n3A = arith.select %eq3A_24, %broadcast_in_dim3A, %get3A_27 : vector<512x512xi1>, vector<512x512xf32>
      %swap3A = arith.constant 0 : index
      %swap3A_28 = arith.constant 0 : index
      %swap3A_29 = vector.load %arg5[%swap3A, %swap3A_28] : memref<512x512xf32, #tpu.memory_space<vmem>>, vector<512x512xf32>
      tpu.vector_store %arg5[%swap3A, %swap3A_28], %select_n3A {strides = array<i32>} : memref<512x512xf32, #tpu.memory_space<vmem>>, vector<512x512xf32>,
    } else {
    }
    return
  }
  func.func @transform_0(%arg0: i32, %arg1: i32, %arg2: i32) -> (i32, i32) {
    %c0_i32 = arith.constant 0 : i32
    return %arg0, %arg2 : i32, i32
  }
  func.func @transform_1(%arg0: i32, %arg1: i32, %arg2: i32) -> (i32, i32) {
    %c0_i32 = arith.constant 0 : i32
    return %arg1, %arg2 : i32, i32
  }
  func.func @transform_2(%arg0: i32, %arg1: i32, %arg2: i32) -> (i32, i32) {
    %c0_i32 = arith.constant 0 : i32
    return %arg0, %arg1 : i32, i32
  }
}

module attributes {stable_mosaic.version = 14 : i64} {
  func.func @kern(%arg0: i32, %arg1: i32, %arg2: memref<1024x512xf32, #tpu.memory_space<vmem>>, %arg3: memref<8x512xf32, #tpu.memory_space<vmem>>) attributes {dimension_semantics = [#tpu.dimension_semantics<arbitrary>, #tpu.dimension_semantics<arbitrary>], iteration_bounds = array<i64: 5, 2>, scalar_prefetch = 0 : i64, scratch_operands = 0 : i64, tpu.core_type = #tpu.core_type<tc>, window_params = [{transform_indices = @transform_0, window_bounds = array<i64: 1024, 512>}, {transform_indices = @transform_1, window_bounds = array<i64: 8, 512>}]} {
    %get3A = arith.constant 0 : index
    %get3A_0 = arith.constant 0 : index
    %get3A_1 = vector.load %arg2[%get3A, %get3A_0] : memref<1024x512xf32, #tpu.memory_space<vmem>>, vector<1024x512xf32>
    %reduce_sum3A = arith.constant dense<0.000000e+00> : vector<512xf32>
    %reduce_sum3A_2 = vector.multi_reduction <add>, %get3A_1, %reduce_sum3A [0] : vector<1024x512xf32> to vector<512xf32>
    %broadcast_in_dim3A = vector.shape_cast %reduce_sum3A_2 : vector<512xf32> to vector<1x512xf32>
    %eq3A = arith.constant 0 : i32
    %eq3A_3 = arith.cmpi eq, %arg1, %eq3A : i32
    %convert_element_type3A = arith.extui %eq3A_3 : i1 to i32
    %cond3A = arith.constant 0 : i32
    %cond3A_4 = arith.cmpi ne, %convert_element_type3A, %cond3A : i32
    scf.if %cond3A_4 {
      %broadcast_in_dim3A_9 = vector.shape_cast %broadcast_in_dim3A : vector<1x512xf32> to vector<1x512xf32>
      %broadcast_in_dim3A_10 = vector.broadcast %broadcast_in_dim3A_9 : vector<1x512xf32> to vector<8x512xf32>
      %swap3A = arith.constant 0 : index
      %swap3A_11 = arith.constant 0 : index
      %swap3A_12 = vector.load %arg3[%swap3A, %swap3A_11] : memref<8x512xf32, #tpu.memory_space<vmem>>, vector<8x512xf32>
      tpu.vector_store %arg3[%swap3A, %swap3A_11], %broadcast_in_dim3A_10 {strides = array<i32>} : memref<8x512xf32, #tpu.memory_space<vmem>>, vector<8x512xf32>,
    } else {
    }
    %gt3A = arith.constant 0 : i32
    %gt3A_5 = arith.cmpi sgt, %arg1, %gt3A : i32
    %convert_element_type3A_6 = arith.extui %gt3A_5 : i1 to i32
    %cond3A_7 = arith.constant 0 : i32
    %cond3A_8 = arith.cmpi ne, %convert_element_type3A_6, %cond3A_7 : i32
    scf.if %cond3A_8 {
      %get3A_9 = arith.constant 0 : index
      %get3A_10 = arith.constant 0 : index
      %get3A_11 = vector.load %arg3[%get3A_9, %get3A_10] : memref<8x512xf32, #tpu.memory_space<vmem>>, vector<8x512xf32>
      %broadcast_in_dim3A_12 = vector.shape_cast %broadcast_in_dim3A : vector<1x512xf32> to vector<1x512xf32>
      %broadcast_in_dim3A_13 = vector.broadcast %broadcast_in_dim3A_12 : vector<1x512xf32> to vector<8x512xf32>
      %add3A = arith.addf %get3A_11, %broadcast_in_dim3A_13 : vector<8x512xf32>
      %swap3A = arith.constant 0 : index
      %swap3A_14 = arith.constant 0 : index
      %swap3A_15 = vector.load %arg3[%swap3A, %swap3A_14] : memref<8x512xf32, #tpu.memory_space<vmem>>, vector<8x512xf32>
      tpu.vector_store %arg3[%swap3A, %swap3A_14], %add3A {strides = array<i32>} : memref<8x512xf32, #tpu.memory_space<vmem>>, vector<8x512xf32>,
    } else {
    }
    return
  }
  func.func @transform_0(%arg0: i32, %arg1: i32) -> (i32, i32) {
    %c0_i32 = arith.constant 0 : i32
    return %arg1, %arg0 : i32, i32
  }
  func.func @transform_1(%arg0: i32, %arg1: i32) -> (i32, i32) {
    %c0_i32 = arith.constant 0 : i32
    %c0_i32_0 = arith.constant 0 : i32
    return %c0_i32, %arg0 : i32, i32
  }
}

module attributes {stable_mosaic.version = 14 : i64} {
  func.func @kern(%arg0: i32, %arg1: memref<512x128xf32, #tpu.memory_space<vmem>>, %arg2: memref<128x128xf32, #tpu.memory_space<vmem>>, %arg3: memref<512x128xf32, #tpu.memory_space<vmem>>, %arg4: memref<512x128xf32, #tpu.memory_space<vmem>>) attributes {dimension_semantics = [#tpu.dimension_semantics<arbitrary>], iteration_bounds = array<i64: 5>, scalar_prefetch = 0 : i64, scratch_operands = 0 : i64, tpu.core_type = #tpu.core_type<tc>, window_params = [{transform_indices = @transform_0, window_bounds = array<i64: 512, 128>}, {pipeline_mode = #tpu.pipeline_mode<synchronous>, transform_indices = @transform_1, window_bounds = array<i64: 128, 128>}, {transform_indices = @transform_2, window_bounds = array<i64: 512, 128>}, {transform_indices = @transform_3, window_bounds = array<i64: 512, 128>}]} {
    %get3A = arith.constant 0 : index
    %get3A_0 = arith.constant 0 : index
    %get3A_1 = vector.load %arg3[%get3A, %get3A_0] : memref<512x128xf32, #tpu.memory_space<vmem>>, vector<512x128xf32>
    %get3A_2 = arith.constant 0 : index
    %get3A_3 = arith.constant 0 : index
    %get3A_4 = vector.load %arg1[%get3A_2, %get3A_3] : memref<512x128xf32, #tpu.memory_space<vmem>>, vector<512x128xf32>
    %get3A_5 = arith.constant 0 : index
    %get3A_6 = arith.constant 0 : index
    %get3A_7 = vector.load %arg2[%get3A_5, %get3A_6] : memref<128x128xf32, #tpu.memory_space<vmem>>, vector<128x128xf32>
    %dot_general3A = arith.constant dense<0.000000e+00> : vector<512x128xf32>
    %dot_general3A_8 = tpu.matmul %get3A_4, %get3A_7, %dot_general3A {dimension_numbers = #tpu.dot_dimension_numbers<[1], [0], [0], [1], [0, 0, 1, 1], [], []>, transpose_lhs_hint = false} : vector<512x128xf32>, vector<128x128xf32>, vector<512x128xf32> -> vector<512x128xf32>
    %mul3A = arith.mulf %get3A_1, %dot_general3A_8 : vector<512x128xf32>
    %swap3A = arith.constant 0 : index
    %swap3A_9 = arith.constant 0 : index
    %swap3A_10 = vector.load %arg4[%swap3A, %swap3A_9] : memref<512x128xf32, #tpu.memory_space<vmem>>, vector<512x128xf32>
    tpu.vector_store %arg4[%swap3A, %swap3A_9], %mul3A {strides = array<i32>} : memref<512x128xf32, #tpu.memory_space<vmem>>, vector<512x128xf32>,
    return
  }
  func.func @transform_0(%arg0: i32) -> (i32, i32) {
    %c0_i32 = arith.constant 0 : i32
    %c0_i32_0 = arith.constant 0 : i32
    return %arg0, %c0_i32 : i32, i32
  }
  func.func @transform_1(%arg0: i32) -> (i32, i32) {
    %c0_i32 = arith.constant 0 : i32
    %c0_i32_0 = arith.constant 0 : i32
    %c0_i32_1 = arith.constant 0 : i32
    return %c0_i32, %c0_i32_0 : i32, i32
  }
  func.func @transform_2(%arg0: i32) -> (i32, i32) {
    %c0_i32 = arith.constant 0 : i32
    %c0_i32_0 = arith.constant 0 : i32
    return %arg0, %c0_i32 : i32, i32
  }
  func.func @transform_3(%arg0: i32) -> (i32, i32) {
    %c0_i32 = arith.constant 0 : i32
    %c0_i32_0 = arith.constant 0 : i32
    return %arg0, %c0_i32 : i32, i32
  }
}

module attributes {stable_mosaic.version = 14 : i64} {
  func.func @kern(%arg0: i32, %arg1: i32, %arg2: memref<1024x512xf32, #tpu.memory_space<vmem>>, %arg3: memref<1024x128xf32, #tpu.memory_space<vmem>>, %arg4: memref<512x128xf32, #tpu.memory_space<vmem>>, %arg5: memref<1x128xf32, #tpu.memory_space<vmem>>, %arg6: memref<128x128xf32, #tpu.memory_space<vmem>>, %arg7: memref<512x128xf32, #tpu.memory_space<vmem>>, %arg8: memref<512x128xf32, #tpu.memory_space<vmem>>, %arg9: memref<512x128xf32, #tpu.memory_space<vmem>>) attributes {dimension_semantics = [#tpu.dimension_semantics<arbitrary>, #tpu.dimension_semantics<arbitrary>], iteration_bounds = array<i64: 5, 2>, scalar_prefetch = 0 : i64, scratch_operands = 0 : i64, tpu.core_type = #tpu.core_type<tc>, window_params = [{transform_indices = @transform_0, window_bounds = array<i64: 1024, 512>}, {transform_indices = @transform_1, window_bounds = array<i64: 1024, 128>}, {transform_indices = @transform_2, window_bounds = array<i64: 512, 128>}, {pipeline_mode = #tpu.pipeline_mode<synchronous>, transform_indices = @transform_3, window_bounds = array<i64: 1, 128>}, {pipeline_mode = #tpu.pipeline_mode<synchronous>, transform_indices = @transform_4, window_bounds = array<i64: 128, 128>}, {transform_indices = @transform_5, window_bounds = array<i64: 512, 128>}, {transform_indices = @transform_6, window_bounds = array<i64: 512, 128>}, {transform_indices = @transform_7, window_bounds = array<i64: 512, 128>}]} {
    %get3A = arith.constant 0 : index
    %get3A_0 = arith.constant 0 : index
    %get3A_1 = vector.load %arg2[%get3A, %get3A_0] : memref<1024x512xf32, #tpu.memory_space<vmem>>, vector<1024x512xf32>
    %get3A_2 = arith.constant 0 : index
    %get3A_3 = arith.constant 0 : index
    %get3A_4 = vector.load %arg3[%get3A_2, %get3A_3] : memref<1024x128xf32, #tpu.memory_space<vmem>>, vector<1024x128xf32>
    %dot_general3A = arith.constant dense<0.000000e+00> : vector<512x128xf32>
    %dot_general3A_5 = tpu.matmul %get3A_1, %get3A_4, %dot_general3A {dimension_numbers = #tpu.dot_dimension_numbers<[0], [0], [1], [1], [0, 1, 1, 1], [], []>, transpose_lhs_hint = false} : vector<1024x512xf32>, vector<1024x128xf32>, vector<512x128xf32> -> vector<512x128xf32>
    %eq3A = arith.constant 0 : i32
    %eq3A_6 = arith.cmpi eq, %arg1, %eq3A : i32
    %convert_element_type3A = arith.extui %eq3A_6 : i1 to i32
    %cond3A = arith.constant 0 : i32
    %cond3A_7 = arith.cmpi ne, %convert_element_type3A, %cond3A : i32
    scf.if %cond3A_7 {
      %swap3A = arith.constant 0 : index
      %swap3A_17 = arith.constant 0 : index
      %swap3A_18 = vector.load %arg8[%swap3A, %swap3A_17] : memref<512x128xf32, #tpu.memory_space<vmem>>, vector<512x128xf32>
      tpu.vector_store %arg8[%swap3A, %swap3A_17], %dot_general3A_5 {strides = array<i32>} : memref<512x128xf32, #tpu.memory_space<vmem>>, vector<512x128xf32>,
    } else {
    }
    %gt3A = arith.constant 0 : i32
    %gt3A_8 = arith.cmpi sgt, %arg1, %gt3A : i32
    %convert_element_type3A_9 = arith.extui %gt3A_8 : i1 to i32
    %cond3A_10 = arith.constant 0 : i32
    %cond3A_11 = arith.cmpi ne, %convert_element_type3A_9, %cond3A_10 : i32
    scf.if %cond3A_11 {
      %get3A_17 = arith.constant 0 : index
      %get3A_18 = arith.constant 0 : index
      %get3A_19 = vector.load %arg8[%get3A_17, %get3A_18] : memref<512x128xf32, #tpu.memory_space<vmem>>, vector<512x128xf32>
      %add3A = arith.addf %get3A_19, %dot_general3A_5 : vector<512x128xf32>
      %swap3A = arith.constant 0 : index
      %swap3A_20 = arith.constant 0 : index
      %swap3A_21 = vector.load %arg8[%swap3A, %swap3A_20] : memref<512x128xf32, #tpu.memory_space<vmem>>, vector<512x128xf32>
      tpu.vector_store %arg8[%swap3A, %swap3A_20], %add3A {strides = array<i32>} : memref<512x128xf32, #tpu.memory_space<vmem>>, vector<512x128xf32>,
    } else {
    }
    %eq3A_12 = arith.constant 1 : i32
    %eq3A_13 = arith.cmpi eq, %arg1, %eq3A_12 : i32
    %convert_element_type3A_14 = arith.extui %eq3A_13 : i1 to i32
    %cond3A_15 = arith.constant 0 : i32
    %cond3A_16 = arith.cmpi ne, %convert_element_type3A_14, %cond3A_15 : i32
    scf.if %cond3A_16 {
      %get3A_17 = arith.constant 0 : index
      %get3A_18 = arith.constant 0 : index
      %get3A_19 = vector.load %arg8[%get3A_17, %get3A_18] : memref<512x128xf32, #tpu.memory_space<vmem>>, vector<512x128xf32>
      %get3A_20 = arith.constant 0 : index
      %get3A_21 = arith.constant 0 : index
      %get3A_22 = vector.load %arg7[%get3A_20, %get3A_21] : memref<512x128xf32, #tpu.memory_space<vmem>>, vector<512x128xf32>
      %mul3A = arith.constant 2.000000e+00 : f32
      %mul3A_23 = vector.broadcast %mul3A : f32 to vector<512x128xf32>
      %mul3A_24 = arith.mulf %mul3A_23, %get3A_22 : vector<512x128xf32>
      %add3A = arith.addf %get3A_19, %mul3A_24 : vector<512x128xf32>
      %get3A_25 = arith.constant 0 : index
      %get3A_26 = arith.constant 0 : index
      %get3A_27 = vector.load %arg4[%get3A_25, %get3A_26] : memref<512x128xf32, #tpu.memory_space<vmem>>, vector<512x128xf32>
      %mul3A_28 = arith.mulf %get3A_27, %add3A : vector<512x128xf32>
      %get3A_29 = arith.constant 0 : index
      %get3A_30 = arith.constant 0 : index
      %get3A_31 = vector.load %arg5[%get3A_29, %get3A_30] : memref<1x128xf32, #tpu.memory_space<vmem>>, vector<1x128xf32>
      %add3A_32 = vector.broadcast %get3A_31 : vector<1x128xf32> to vector<512x128xf32>
      %add3A_33 = arith.addf %mul3A_28, %add3A_32 : vector<512x128xf32>
      %max3A = arith.constant 0.000000e+00 : f32
      %max3A_34 = vector.broadcast %max3A : f32 to vector<512x128xf32>
      %max3A_35 = arith.maximumf %add3A_33, %max3A_34 : vector<512x128xf32>
      %swap3A = arith.constant 0 : index
      %swap3A_36 = arith.constant 0 : index
      %swap3A_37 = vector.load %arg8[%swap3A, %swap3A_36] : memref<512x128xf32, #tpu.memory_space<vmem>>, vector<512x128xf32>
      tpu.vector_store %arg8[%swap3A, %swap3A_36], %max3A_35 {strides = array<i32>} : memref<512x128xf32, #tpu.memory_space<vmem>>, vector<512x128xf32>,
      %get3A_38 = arith.constant 0 : index
      %get3A_39 = arith.constant 0 : index
      %get3A_40 = vector.load %arg6[%get3A_38, %get3A_39] : memref<128x128xf32, #tpu.memory_space<vmem>>, vector<128x128xf32>
      %dot_general3A_41 = arith.constant dense<0.000000e+00> : vector<512x128xf32>
      %dot_general3A_42 = tpu.matmul %max3A_35, %get3A_40, %dot_general3A_41 {dimension_numbers = #tpu.dot_dimension_numbers<[1], [0], [0], [1], [0, 0, 1, 1], [], []>, transpose_lhs_hint = false} : vector<512x128xf32>, vector<128x128xf32>, vector<512x128xf32> -> vector<512x128xf32>
      %tanh3A = math.tanh %dot_general3A_42 : vector<512x128xf32>
      %swap3A_43 = arith.constant 0 : index
      %swap3A_44 = arith.constant 0 : index
      %swap3A_45 = vector.load %arg9[%swap3A_43, %swap3A_44] : memref<512x128xf32, #tpu.memory_space<vmem>>, vector<512x128xf32>
      tpu.vector_store %arg9[%swap3A_43, %swap3A_44], %tanh3A {strides = array<i32>} : memref<512x128xf32, #tpu.memory_space<vmem>>, vector<512x128xf32>,
    } else {
    }
    return
  }
  func.func @transform_0(%arg0: i32, %arg1: i32) -> (i32, i32) {
    %c0_i32 = arith.constant 0 : i32
    return %arg1, %arg0 : i32, i32
  }
  func.func @transform_1(%arg0: i32, %arg1: i32) -> (i32, i32) {
    %c0_i32 = arith.constant 0 : i32
    %c0_i32_0 = arith.constant 0 : i32
    return %arg1, %c0_i32 : i32, i32
  }
  func.func @transform_2(%arg0: i32, %arg1: i32) -> (i32, i32) {
    %c0_i32 = arith.constant 0 : i32
    %c0_i32_0 = arith.constant 0 : i32
    return %arg0, %c0_i32 : i32, i32
  }
  func.func @transform_3(%arg0: i32, %arg1: i32) -> (i32, i32) {
    %c0_i32 = arith.constant 0 : i32
    %c0_i32_0 = arith.constant 0 : i32
    %c0_i32_1 = arith.constant 0 : i32
    return %c0_i32, %c0_i32_0 : i32, i32
  }
  func.func @transform_4(%arg0: i32, %arg1: i32) -> (i32, i32) {
    %c0_i32 = arith.constant 0 : i32
    %c0_i32_0 = arith.constant 0 : i32
    %c0_i32_1 = arith.constant 0 : i32
    return %c0_i32, %c0_i32_0 : i32, i32
  }
  func.func @transform_5(%arg0: i32, %arg1: i32) -> (i32, i32) {
    %c0_i32 = arith.constant 0 : i32
    %c0_i32_0 = arith.constant 0 : i32
    return %arg0, %c0_i32 : i32, i32
  }
  func.func @transform_6(%arg0: i32, %arg1: i32) -> (i32, i32) {
    %c0_i32 = arith.constant 0 : i32
    %c0_i32_0 = arith.constant 0 : i32
    return %arg0, %c0_i32 : i32, i32
  }
  func.func @transform_7(%arg0: i32, %arg1: i32) -> (i32, i32) {
    %c0_i32 = arith.constant 0 : i32
    %c0_i32_0 = arith.constant 0 : i32
    return %arg0, %c0_i32 : i32, i32
  }
}

module attributes {stable_mosaic.version = 14 : i64} {
  func.func @kern(%arg0: i32, %arg1: memref<2560x128xf32, #tpu.memory_space<vmem>>, %arg2: memref<128x128xf32, #tpu.memory_space<vmem>>, %arg3: memref<1x128xf32, #tpu.memory_space<vmem>>, %arg4: memref<8x128xf32, #tpu.memory_space<vmem>>, %arg5: memref<8x128xf32, #tpu.memory_space<vmem>>) attributes {dimension_semantics = [#tpu.dimension_semantics<arbitrary>], iteration_bounds = array<i64: 1>, scalar_prefetch = 0 : i64, scratch_operands = 0 : i64, tpu.core_type = #tpu.core_type<tc>, window_params = [{pipeline_mode = #tpu.pipeline_mode<synchronous>, transform_indices = @transform_0, window_bounds = array<i64: 2560, 128>}, {pipeline_mode = #tpu.pipeline_mode<synchronous>, transform_indices = @transform_1, window_bounds = array<i64: 128, 128>}, {pipeline_mode = #tpu.pipeline_mode<synchronous>, transform_indices = @transform_2, window_bounds = array<i64: 1, 128>}, {pipeline_mode = #tpu.pipeline_mode<synchronous>, transform_indices = @transform_3, window_bounds = array<i64: 8, 128>}, {pipeline_mode = #tpu.pipeline_mode<synchronous>, transform_indices = @transform_4, window_bounds = array<i64: 8, 128>}]} {
    %iota3A = tpu.iota {dimensions = array<i32: 0>} : vector<2560x1xi32>
    %lt3A = arith.constant 2500 : i32
    %lt3A_0 = vector.broadcast %lt3A : i32 to vector<2560x1xi32>
    %lt3A_1 = arith.cmpi slt, %iota3A, %lt3A_0 : vector<2560x1xi32>
    %get3A = arith.constant 0 : index
    %get3A_2 = arith.constant 0 : index
    %get3A_3 = vector.load %arg1[%get3A, %get3A_2] : memref<2560x128xf32, #tpu.memory_space<vmem>>, vector<2560x128xf32>
    %jit3A = arith.constant 0.000000e+00 : f32
    %broadcast_in_dim3A = vector.shape_cast %lt3A_1 : vector<2560x1xi1> to vector<2560x1xi1>
    %broadcast_in_dim3A_4 = vector.broadcast %broadcast_in_dim3A : vector<2560x1xi1> to vector<2560x128xi1>
    %broadcast_in_dim3A_5 = vector.broadcast %jit3A : f32 to vector<2560x128xf32>
    %select_n3A = arith.select %broadcast_in_dim3A_4, %get3A_3, %broadcast_in_dim3A_5 : vector<2560x128xi1>, vector<2560x128xf32>
    %reduce_sum3A = arith.constant dense<0.000000e+00> : vector<128xf32>
    %reduce_sum3A_6 = vector.multi_reduction <add>, %select_n3A, %reduce_sum3A [0] : vector<2560x128xf32> to vector<128xf32>
    %broadcast_in_dim3A_7 = vector.shape_cast %reduce_sum3A_6 : vector<128xf32> to vector<1x128xf32>
    %div3A = arith.constant 2.500000e+03 : f32
    %div3A_8 = vector.broadcast %div3A : f32 to vector<1x128xf32>
    %div3A_9 = arith.divf %broadcast_in_dim3A_7, %div3A_8 : vector<1x128xf32>
    %mul3A = arith.mulf %div3A_9, %div3A_9 : vector<1x128xf32>
    %reduce_sum3A_10 = vector.shape_cast %mul3A : vector<1x128xf32> to vector<1x1x128xf32>
    %reduce_sum3A_11 = arith.constant dense<0.000000e+00> : vector<1xf32>
    %reduce_sum3A_12 = vector.multi_reduction <add>, %reduce_sum3A_10, %reduce_sum3A_11 [1, 2] : vector<1x1x128xf32> to vector<1xf32>
    %reduce_sum3A_13 = vector.shape_cast %reduce_sum3A_12 : vector<1xf32> to vector<1x1x1xf32>
    %reduce_sum3A_14 = vector.extract %reduce_sum3A_13[0, 0, 0] : f32 from vector<1x1x1xf32>
    %sqrt3A = math.sqrt %reduce_sum3A_14 : f32
    %max3A = arith.constant 9.99999996E-13 : f32
    %max3A_15 = arith.maximumf %sqrt3A, %max3A : f32
    %div3A_16 = vector.broadcast %max3A_15 : f32 to vector<1x128xf32>
    %div3A_17 = arith.divf %div3A_9, %div3A_16 : vector<1x128xf32>
    %get3A_18 = arith.constant 0 : index
    %get3A_19 = arith.constant 0 : index
    %get3A_20 = vector.load %arg2[%get3A_18, %get3A_19] : memref<128x128xf32, #tpu.memory_space<vmem>>, vector<128x128xf32>
    %dot_general3A = arith.constant dense<0.000000e+00> : vector<1x128xf32>
    %dot_general3A_21 = tpu.matmul %div3A_17, %get3A_20, %dot_general3A {dimension_numbers = #tpu.dot_dimension_numbers<[1], [0], [0], [1], [0, 0, 1, 1], [], []>, transpose_lhs_hint = false} : vector<1x128xf32>, vector<128x128xf32>, vector<1x128xf32> -> vector<1x128xf32>
    %get3A_22 = arith.constant 0 : index
    %get3A_23 = arith.constant 0 : index
    %get3A_24 = vector.load %arg3[%get3A_22, %get3A_23] : memref<1x128xf32, #tpu.memory_space<vmem>>, vector<1x128xf32>
    %add3A = arith.addf %dot_general3A_21, %get3A_24 : vector<1x128xf32>
    %iota3A_25 = tpu.iota {dimensions = array<i32: 1>} : vector<1x128xi32>
    %lt3A_26 = arith.constant 16 : i32
    %lt3A_27 = vector.broadcast %lt3A_26 : i32 to vector<1x128xi32>
    %lt3A_28 = arith.cmpi slt, %iota3A_25, %lt3A_27 : vector<1x128xi32>
    %jit3A_29 = arith.constant 0xFF800000 : f32
    %broadcast_in_dim3A_30 = vector.broadcast %jit3A_29 : f32 to vector<1x128xf32>
    %select_n3A_31 = arith.select %lt3A_28, %add3A, %broadcast_in_dim3A_30 : vector<1x128xi1>, vector<1x128xf32>
    %reduce_max3A = vector.shape_cast %select_n3A_31 : vector<1x128xf32> to vector<1x1x128xf32>
    %reduce_max3A_32 = arith.constant dense<0xFF800000> : vector<1xf32>
    %reduce_max3A_33 = vector.multi_reduction <maximumf>, %reduce_max3A, %reduce_max3A_32 [1, 2] : vector<1x1x128xf32> to vector<1xf32>
    %reduce_max3A_34 = vector.shape_cast %reduce_max3A_33 : vector<1xf32> to vector<1x1x1xf32>
    %reduce_max3A_35 = vector.extract %reduce_max3A_34[0, 0, 0] : f32 from vector<1x1x1xf32>
    %sub3A = vector.broadcast %reduce_max3A_35 : f32 to vector<1x128xf32>
    %sub3A_36 = arith.subf %select_n3A_31, %sub3A : vector<1x128xf32>
    %exp3A = math.exp %sub3A_36 : vector<1x128xf32>
    %jit3A_37 = arith.constant 0.000000e+00 : f32
    %broadcast_in_dim3A_38 = vector.broadcast %jit3A_37 : f32 to vector<1x128xf32>
    %select_n3A_39 = arith.select %lt3A_28, %exp3A, %broadcast_in_dim3A_38 : vector<1x128xi1>, vector<1x128xf32>
    %reduce_sum3A_40 = vector.shape_cast %select_n3A_39 : vector<1x128xf32> to vector<1x1x128xf32>
    %reduce_sum3A_41 = arith.constant dense<0.000000e+00> : vector<1xf32>
    %reduce_sum3A_42 = vector.multi_reduction <add>, %reduce_sum3A_40, %reduce_sum3A_41 [1, 2] : vector<1x1x128xf32> to vector<1xf32>
    %reduce_sum3A_43 = vector.shape_cast %reduce_sum3A_42 : vector<1xf32> to vector<1x1x1xf32>
    %reduce_sum3A_44 = vector.extract %reduce_sum3A_43[0, 0, 0] : f32 from vector<1x1x1xf32>
    %log3A = math.log %reduce_sum3A_44 : f32
    %add3A_45 = arith.addf %reduce_max3A_35, %log3A : f32
    %broadcast_in_dim3A_46 = vector.shape_cast %div3A_17 : vector<1x128xf32> to vector<1x128xf32>
    %broadcast_in_dim3A_47 = vector.broadcast %broadcast_in_dim3A_46 : vector<1x128xf32> to vector<8x128xf32>
    %swap3A = arith.constant 0 : index
    %swap3A_48 = arith.constant 0 : index
    %swap3A_49 = vector.load %arg4[%swap3A, %swap3A_48] : memref<8x128xf32, #tpu.memory_space<vmem>>, vector<8x128xf32>
    tpu.vector_store %arg4[%swap3A, %swap3A_48], %broadcast_in_dim3A_47 {strides = array<i32>} : memref<8x128xf32, #tpu.memory_space<vmem>>, vector<8x128xf32>,
    %sub3A_50 = vector.broadcast %add3A_45 : f32 to vector<1x128xf32>
    %sub3A_51 = arith.subf %add3A, %sub3A_50 : vector<1x128xf32>
    %broadcast_in_dim3A_52 = vector.shape_cast %sub3A_51 : vector<1x128xf32> to vector<1x128xf32>
    %broadcast_in_dim3A_53 = vector.broadcast %broadcast_in_dim3A_52 : vector<1x128xf32> to vector<8x128xf32>
    %swap3A_54 = arith.constant 0 : index
    %swap3A_55 = arith.constant 0 : index
    %swap3A_56 = vector.load %arg5[%swap3A_54, %swap3A_55] : memref<8x128xf32, #tpu.memory_space<vmem>>, vector<8x128xf32>
    tpu.vector_store %arg5[%swap3A_54, %swap3A_55], %broadcast_in_dim3A_53 {strides = array<i32>} : memref<8x128xf32, #tpu.memory_space<vmem>>, vector<8x128xf32>,
    return
  }
  func.func @transform_0(%arg0: i32) -> (i32, i32) {
    %c0_i32 = arith.constant 0 : i32
    %c0_i32_0 = arith.constant 0 : i32
    %c0_i32_1 = arith.constant 0 : i32
    return %c0_i32, %c0_i32_0 : i32, i32
  }
  func.func @transform_1(%arg0: i32) -> (i32, i32) {
    %c0_i32 = arith.constant 0 : i32
    %c0_i32_0 = arith.constant 0 : i32
    %c0_i32_1 = arith.constant 0 : i32
    return %c0_i32, %c0_i32_0 : i32, i32
  }
  func.func @transform_2(%arg0: i32) -> (i32, i32) {
    %c0_i32 = arith.constant 0 : i32
    %c0_i32_0 = arith.constant 0 : i32
    %c0_i32_1 = arith.constant 0 : i32
    return %c0_i32, %c0_i32_0 : i32, i32
  }
  func.func @transform_3(%arg0: i32) -> (i32, i32) {
    %c0_i32 = arith.constant 0 : i32
    %c0_i32_0 = arith.constant 0 : i32
    %c0_i32_1 = arith.constant 0 : i32
    return %c0_i32, %c0_i32_0 : i32, i32
  }
  func.func @transform_4(%arg0: i32) -> (i32, i32) {
    %c0_i32 = arith.constant 0 : i32
    %c0_i32_0 = arith.constant 0 : i32
    %c0_i32_1 = arith.constant 0 : i32
    return %c0_i32, %c0_i32_0 : i32, i32
  }
}

</mosaic_0001>

<sc_bundles>
// kernel: gather_offload_async_start.1
scs
__scs_entry_jumppad:
0x0: {  	(pc) =	sbr.rel $0x88, $3  }
0x1: {  	(tag) =	ssettag $0x0;
	lr =	simm.s32 $0x1  }
0x2: {  	[smem:$0x3F95] =	sst lr;
	_ =	strace $0xD0000000  }
0x3: {  	_ = 	snop  }
0x4: {  	_ = 	snop  }
0x5: {  	_ = 	snop  }
0x6: {  	_ = 	snop  }
0x7: {  	_ = 	snop  }
__scs_overlays_trampoline_lowered:
0x8: {  	[smem:$0x3FA4] =	sst s0  }
0x9: {  	[smem:$0x3FA5] =	sst s1  }
0xa: {  	[smem:$0x3FA6] =	sst s2  }
0xb: {  	[smem:$0x3FA7] =	sst s3  }
0xc: {  	[smem:$0x3FA8] =	sst s4  }
0xd: {  	[smem:$0x3FA9] =	sst s5  }
0xe: {  	[smem:$0x3FAA] =	sst s6  }
0xf: {  	[smem:$0x3FAB] =	sst s7  }
0x10: {  	[smem:$0x3FAC] =	sst s8  }
0x11: {  	[smem:$0x3FAD] =	sst s9;
	s0 =	simm.s32 @!p0 $0x0  }
0x12: {  	s1 =	sld [smem:$0x3F93];
	s0 =	simm.s32 @p0 $0x1  }
0x13: {  	[smem:$0x3FAE] =	sst s0;
	s0 =	simm.s32 @!p1 $0x0  }
0x14: {  	s2 =	sld [smem:$0x3F92];
	s0 =	simm.s32 @p1 $0x1  }
0x15: {  	[smem:$0x3FAF] =	sst s0;
	s0 =	simm.s32 @!p2 $0x0  }
0x16: {  	s3 =	sld [smem:$0x3FDB];
	s0 =	simm.s32 @p2 $0x1  }
0x17: {  	s4 =	simm.s32 $0x1BF5;
	[smem:$0x3FB1] =	sst s0  }
0x18: {  	s0 =	sld [smem:$0x3F94];
	_ =	swait.ge [sflag:s4], $0x0  }
0x19: {  	s7 =	sld [smem:$0x3F95]  }
0x1a: {  	s8 =	sadd.s32 $0xFFFFE003, lr  }
0x1b: {  	s9 =	sadd.s32 $0xFFFFFEF7, lr;
	s5 =	simm.s32 $0xFFFFFFFF;
	p2 =	slt.u32 s8, $0xFFFFF086  }
0x1c: {  	p1 =	slt.u32 s9, $0xF7A;
	s5 =	simm.s32 @!p2 $0x0  }
0x1d: {  	s5 =	simm.s32 @p1 $0x1;
	p0 =	seq.s32 s7, s2  }
0x1e: {  	s7 =	smul.u32 @!p0 $0xF7A, s2;
	p2 =	seq.s32 @!p0 s5, $0x0  }
0x1f: {  	s9 =	smul.u32 $0xF7A, s1;
	s8 =	simm.s32 @!p0 $0x1BF5;
	p2 =	por !p2, p0  }
0x20: {  	[sflag:s8] =	ssyncset.s32 @!p0 $0xFFFFF086;
	s6 =	sadd.s32 @!p0 s3, s7;
	s7 =	simm.s32 @!p0 $0x108  }
0x21: {  	s3 =	sadd.s32 s3, s9;
	s6 =	sadd.s32 @!p0 $0x88, s6;
	s7 =	simm.s32 @p2 $0x1082  }
0x22: {  	[simem:s7], [sflag:s8] =	dma.local @!p0 [hbm:s6], $0xF7A  }
0x23: {  	s9 =	sor.u32 $0xD0000000, s2;
	s6 =	simm.s32 $0x108;
	_ =	swait.ge @!p0 [sflag:s8], $0x0  }
0x24: {  	s3 =	sadd.s32 $0x88, s3;
	s6 =	simm.s32 @!p1 $0x1082;
	[sflag:s4] =	ssyncset.s32 $0xFFFFF086  }
0x25: {  	[simem:s6], [sflag:s4] =	dma.local [hbm:s3], $0xF7A  }
0x26: {  	[smem:$0x3F95] =	sst s1;
	(tag) =	ssettag s2;
	_ =	strace s9  }
0x27: {  	s1 =	sld [smem:$0x3FA5]  }
0x28: {  	s2 =	sld [smem:$0x3FA6]  }
0x29: {  	s4 =	sld [smem:$0x3FA8]  }
0x2a: {  	p0 =	seq.s32 s5, $0x0;
	s5 =	sld [smem:$0x3FA9]  }
0x2b: {  	s6 =	sld [smem:$0x3FAA]  }
0x2c: {  	s7 =	sld [smem:$0x3FAB]  }
0x2d: {  	s3 =	simm.s32 $0x108;
	s8 =	sld [smem:$0x3FAC]  }
0x2e: {  	s3 =	simm.s32 @!p0 $0x1082;
	s9 =	sld [smem:$0x3FAD]  }
0x2f: {  	lr =	sadd.s32 s0, s3;
	s0 =	sld [smem:$0x3FA4]  }
0x30: {  	s3 =	sld [smem:$0x3FA7]  }
0x31: {  	[smem:$0x3FB0] =	sst s10  }
0x32: {  	s10 =	sld [smem:$0x3FAE];
	_ =	sdelay $0x3  }
0x33: {  	p0 =	seq.s32 s10, $0x1;
	s10 =	sld [smem:$0x3FB0];
	_ =	sdelay $0x3  }
0x34: {  	[smem:$0x3FB0] =	sst s10  }
0x35: {  	s10 =	sld [smem:$0x3FAF];
	_ =	sdelay $0x3  }
0x36: {  	p1 =	seq.s32 s10, $0x1;
	s10 =	sld [smem:$0x3FB0];
	_ =	sdelay $0x3  }
0x37: {  	[smem:$0x3FB0] =	sst s10  }
0x38: {  	s10 =	sld [smem:$0x3FB1]  }
0x39: {  	_ = 	snop;
	(pc) =	sbr.ind lr, $3  }
0x3a: {  	_ = 	snop  }
0x3b: {  	_ = 	snop  }
0x3c: {  	p2 =	seq.s32 s10, $0x1;
	s10 =	sld [smem:$0x3FB0]  }
0x3d: {  	_ =	shalt  }
0x3e: {  	_ =	shalt  }
0x3f: {  	_ =	shalt  }
0x40: {  	_ =	shalt  }
0x41: {  	_ =	shalt  }
0x42: {  	_ =	shalt  }
0x43: {  	_ =	shalt  }
0x44: {  	_ =	shalt  }
0x45: {  	_ =	shalt  }
0x46: {  	_ =	shalt  }
0x47: {  	_ =	shalt  }
0x48: {  	_ =	shalt  }
0x49: {  	_ =	shalt  }
0x4a: {  	_ =	shalt  }
0x4b: {  	_ =	shalt  }
0x4c: {  	_ =	shalt  }
0x4d: {  	_ =	shalt  }
0x4e: {  	_ =	shalt  }
0x4f: {  	_ =	shalt  }
0x50: {  	_ =	shalt  }
0x51: {  	_ =	shalt  }
0x52: {  	_ =	shalt  }
0x53: {  	_ =	shalt  }
0x54: {  	_ =	shalt  }
0x55: {  	_ =	shalt  }
0x56: {  	_ =	shalt  }
0x57: {  	_ =	shalt  }
0x58: {  	_ =	shalt  }
0x59: {  	_ =	shalt  }
0x5a: {  	_ =	shalt  }
0x5b: {  	_ =	shalt  }
0x5c: {  	_ =	shalt  }
0x5d: {  	_ =	shalt  }
0x5e: {  	_ =	shalt  }
0x5f: {  	_ =	shalt  }
0x60: {  	_ =	shalt  }
0x61: {  	_ =	shalt  }
0x62: {  	_ =	shalt  }
0x63: {  	_ =	shalt  }
0x64: {  	_ =	shalt  }
0x65: {  	_ =	shalt  }
0x66: {  	_ =	shalt  }
0x67: {  	_ =	shalt  }
0x68: {  	_ =	shalt  }
0x69: {  	_ =	shalt  }
0x6a: {  	_ =	shalt  }
0x6b: {  	_ =	shalt  }
0x6c: {  	_ =	shalt  }
0x6d: {  	_ =	shalt  }
0x6e: {  	_ =	shalt  }
0x6f: {  	_ =	shalt  }
0x70: {  	_ =	shalt  }
0x71: {  	_ =	shalt  }
0x72: {  	_ =	shalt  }
0x73: {  	_ =	shalt  }
0x74: {  	_ =	shalt  }
0x75: {  	_ =	shalt  }
0x76: {  	_ =	shalt  }
0x77: {  	_ =	shalt  }
0x78: {  	_ =	shalt  }
0x79: {  	_ =	shalt  }
0x7a: {  	_ =	shalt  }
0x7b: {  	_ =	shalt  }
0x7c: {  	_ =	shalt  }
0x7d: {  	_ =	shalt  }
0x7e: {  	_ =	shalt  }
0x7f: {  	_ =	shalt  }
0x80: {  	_ =	shalt  }
0x81: {  	_ =	shalt  }
0x82: {  	_ =	shalt  }
0x83: {  	_ =	shalt  }
0x84: {  	_ =	shalt  }
0x85: {  	_ =	shalt  }
0x86: {  	_ =	shalt  }
0x87: {  	_ =	shalt  }
.Lfunc_end0:
.L_simem_size_0:
called_computation.8_lowered:
.L_overlay_start_0:
0x88: {  	s0 =	sld [smem:$0x3FD9]  }
0x89: {  	s1 =	sld [smem:$0x3FFE];
	_ =	sdelay $0x3  }
0x8a: {  	s0 =	sadd.s32 s1, s0  }
0x8b: {  	[smem:$0x3FBC] =	sst s0  }
0x8c: {  	_ = 	snop  }
0x8d: {  	(tm) =	ssettm $0x1  }
0x8e: {  	s15 =	sld [smem:$0x3FFB];
	_ =	sdelay $0x3  }
0x8f: {  	_ =	strace s15  }
0x90: {  	s0 =	sld [smem:$0x3FFC];
	_ =	sdelay $0x3  }
0x91: {  	_ =	strace s0  }
0x92: {  	s0 =	sld [smem:$0x3FFD];
	_ =	sdelay $0x3  }
0x93: {  	_ =	strace s0  }
0x94: {  	_ =	strace $0x8FFFFFFF  }
0x95: {  	s16 =	sld [smem:$0x3FDB];
	_ =	sdelay $0x1  }
0x96: {  	s17 =	simm.s32 $_scs_section_size  }
0x97: {  	s2 =	simm.s32 $_size__tile_overlayer_lowered;
	s3 =	simm.s32 $_tile_overlayer_lowered  }
0x98: {  	s20 =	simm.s32 $0x1BFF;
	s19 =	sshll.u32 s3, $0x1;
	s0 =	sadd.s32 s17, s16  }
0x99: {  	s4 =	simm.s32 $0x0;
	s18 =	sshll.u32 s2, $0x1;
	s2 =	sadd.s32 s19, s0  }
0x9a: {  	[timem:s4], [sflag:s20] =	dma.local [hbm:s2], s18  }
0x9b: {  	_ =	swait.ge [sflag:s20], s18  }
0x9c: {  	s1 =	ssub.s32 $0x0, s18;
	[sflag:s20] =	ssyncset.done $0x0  }
0x9d: {  	[sflag:s20] =	ssyncadd.s32 s1;
	_ =	sdelay $0x1  }
0x9e: {  	s21 =	simm.s32 $0x1B8B  }
0x9f: {  	_ =	swait.ge [sflag:s21], $0x1  }
0xa0: {  	[sflag:s21] =	ssyncset.done $0x0  }
0xa1: {  	s23 =	simm.s32 $0x1B8E;
	s22 =	sld [smem:$0x3FFE];
	[sflag:s21] =	ssyncadd.s32 $0xFFFFFFFF  }
0xa2: {  	s24 =	simm.s32 $execute0_lowered;
	[smem:$0x3FD2] =	sst s23  }
0xa3: {  	s2 =	sshll.u32 s24, $0x1;
	_ =	strace $0x80000064;
	[dreg:$0x1] =	wrdreg $0xFFFFFFFF  }
0xa4: {  	s25 =	simm.s32 $_size_execute0_lowered;
	s0 =	sadd.s32 s0, s2;
	[dreg:$0x0] =	wrdreg $0x0  }
0xa5: {  	s2 =	sshll.u32 s25, $0x1;
	[dreg:$0x2] =	wrdreg s0  }
0xa6: {  	[dreg:$0x3] =	wrdreg s2  }
0xa7: {  	[dreg:$0x4] =	wrdreg $0xC0  }
0xa8: {  	_ =	task [dreg:s4], $0x5FFFF  }
0xa9: {  	[dreg:$0x1] =	wrdreg $0xFFFFFFFF  }
0xaa: {  	[dreg:$0x0] =	wrdreg $0x60  }
0xab: {  	[dreg:$0x2] =	wrdreg s22  }
0xac: {  	[dreg:$0x3] =	wrdreg $0x9  }
0xad: {  	_ =	task.clear_ibuf [dreg:s4], $0x4FFFF;
	_ =	strace $0x90000064  }
0xae: {  	s26 =	simm.s32 $0x9;
	_ =	strace $0x80000066  }
0xaf: {  	_ =	swait.ge [sflag:s26], $0x1  }
0xb0: {  	[sflag:s26] =	ssyncadd.s32 $0xFFFFFFFF  }
0xb1: {  	_ =	strace $0x90000066  }
0xb2: {  	_ =	sfence  }
0xb3: {  	s28 =	sld [smem:$0x0];
	_ =	sdelay $0x1  }
0xb4: {  	s29 =	srdreg.scid  }
0xb5: {  	s30 =	sshll.u32 s29, $0xD;
	s31 =	sshrl.u32 s29, $0x2  }
0xb6: {  	s1 =	sand.u32 $0x1, s29;
	s2 =	sand.u32 $0x4000, s30;
	s0 =	sadd.s32 s31, s28  }
0xb7: {  	s1 =	sor.u32 s2, s1;
	s0 =	sshll.u32 s0, $0x11  }
0xb8: {  	s0 =	sor.u32 s0, s1  }
0xb9: {  	s0 =	sadd.s32 $0x8F2B, s0  }
0xba: {  	[sflag:s0] =	ssyncadd.remote.s32 $0x1  }
0xbb: {  	_ =	sfence.sel $0xFFFF  }
0xbc: {  	[dreg:$0x0] =	wrdreg $0xFFFFFFFF;
	(pc) =	sbr.abs _section_cstart, $3  }
0xbd: {  	[dreg:$0x1] =	wrdreg $0xFFFFFFFF  }
0xbe: {  	_ =	task.clear_ibuf [dreg:s4], $0x2FFFF;
	_ =	strace $0x9FFFFFFF  }
0xbf: {  	(tm) =	ssettm $0x7FFFFFFF  }
tec
execute0_lowered:
.L_overlay_start_1:
0x0: {  	(tag) =	ssettag $0x1  }
0x1: {  	s5 =	rddreg [dreg:$0x0]  }
0x2: {  	s0 =	rddreg [dreg:$0x1]  }
0x3: {  	_ =	strace $0x80000065;
	s1 =	stileid.u32;
	s6 =	simm.s32 $0x1  }
0x4: {  	s8 =	simm.s32 $0x2;
	s30 =	simm.s32 $0x3;
	s12 =	simm.s32 $0x0  }
0x5: {  	s9 =	simm.s32 $0x0;
	s10 =	simm.s32 $0x0;
	s4 =	sshll.u32 s1, $0x4  }
0x6: {  	s2 =	sadd.s32 $0x800, s5;
	s3 =	sadd.s32 $0xAA00, s5;
	s7 =	ssub.s32 $0x1380, s4  }
0x7: {  	s5 =	sadd.s32 $0xC00, s5;
	[sflag:s6] =	ssyncpa.u1 $0x0;
	s6 =	sshrl.u32 s7, $0x8  }
0x8: {  	[sflag:s8] =	ssyncpa.u1 $0x0;
	s11 =	smov.u32 s4;
	s31 =	sshll.u32 s6, $0x4  }
0x9: {  	[sflag:s30] =	ssyncpa.u1 $0x0;
	s7 =	sadd.s32 $0x2, s6;
	s8 =	sadd.s32 $0x30, s31  }
.LBB2_1:
0xa: {  	p0 =	sgt.u32 s10, s6  }
0xb: {  	s13 =	sxor.u32 @!p0 $0xFFFFFFFF, s9;
	s14 =	sshrl.u32 @!p0 s11, $0x3  }
0xc: {  	s15 =	sand.u32 @!p0 $0x7, s11;
	s13 =	sand.u32 @!p0 $0x10, s13;
	s14 =	sadd.s32 @!p0 s3, s14  }
0xd: {  	[tilespmem:s13], [sflag:$0x2] =	stream.linear.gather @!p0 [hbm4b:s14+s15], $0x10, $0x38;
	[tilespmem:$0x40] =	vst v63  }
0xe: {  	p0 =	seq.s32 s9, $0x0  }
0xf: {  	p1 =	sge.u32 @!p0 s10, s7  }
0x10: {  	p0 =	por p1, p0  }
0x11: {  	s13 =	simm.s32 @!p0 $0x2  }
0x12: {  	_ =	swait.ge @!p0 [sflag:s13], $0x10  }
0x13: {  	[sflag:s13] =	ssyncset.done @!p0 $0x0  }
0x14: {  	[sflag:s13] =	ssyncadd.s32 @!p0 $0xFFFFFFF0;
	s13 =	sand.u32 @!p0 $0x10, s9  }
0x15: {  	(ifvalue) =	ssetifvalue @!p0 $0x7FFFFFFF;
	v0 =	vld.msk @!p0 [tilespmem:s13+$0x0 ss:$0x1], $0xffff;
	_ =	sdelay $0x4  }
0x16: {  	vm0 =	vgt.s32 @!p0 v0, $0x0  }
0x17: {  	v0 =	vnsel @!p0 vm0, $0x0, v0  }
0x18: {  	v0 =	vmin.u32 @!p0 v0, $0x1387;
	_ =	sdelay $0x3  }
0x19: {  	s14 =	simm.s32 @!p0 $0x0;
	s13 =	sor.u32 @!p0 $0x20, s13;
	(ifvalue) =	ssetifvalue @!p0 $0x7FFFFFFF;
	vm0 =	vmmov @!p0 $0xffff  }
0x1a: {  	[tilespmem:s13], [sflag:$0x1] =	stream.indirect_vreg.gather @!p0 [hbm4b:s2+s14], $0x1, v0, vm0, $0x4038;
	[tilespmem:$0x40] =	vst v63  }
0x1b: {  	s14 =	simm.s32 @!p0 $0x1  }
0x1c: {  	_ =	swait.ge @!p0 [sflag:s14], $0x10  }
0x1d: {  	s15 =	sshrl.u32 @!p0 s12, $0x3;
	[sflag:s14] =	ssyncset.done @!p0 $0x0  }
0x1e: {  	s12 =	sand.u32 @!p0 $0x7, s12;
	[sflag:s14] =	ssyncadd.s32 @!p0 $0xFFFFFFF0;
	s14 =	sadd.s32 @!p0 s5, s15  }
0x1f: {  	[hbm4b:s14+s12] =	stream.linear.scatter @!p0 [tilespmem:s13], [sflag:$0x3], $0x10, $0x38;
	[tilespmem:$0x40] =	vst v63  }
0x20: {  	s14 =	sadd.s32 $0x100, s11  }
0x21: {  	s9 =	sadd.s32 $0x10, s9;
	p1 =	sgt.s32 s14, $0x1387  }
0x22: {  	s14 =	smov.u32 @p1 s4;
	p1 =	sne.s32 s8, s9  }
.Ltmp0:
0x23: {  	p0 =	slt.u32 s10, $0x2;
	(pc) =	sbr.rel @p1 .LBB2_1-.Ltmp0, $4  }
0x24: {  	s13 =	simm.s32 @!p0 $0x3  }
0x25: {  	_ =	swait.ge @!p0 [sflag:s13], $0x10  }
0x26: {  	s12 =	smov.u32 s11;
	[sflag:s13] =	ssyncset.done @!p0 $0x0  }
0x27: {  	s10 =	sadd.s32 $0x1, s10;
	s11 =	smov.u32 s14;
	[sflag:s13] =	ssyncadd.s32 @!p0 $0xFFFFFFF0  }
0x28: {  	_ =	sfence.sel $0x180000  }
0x29: {  	s2 =	simm.s32 $0x2;
	[bflag:$0x0] =	sbarrier.arrive $0xFFFF  }
0x2a: {  	s30 =	simm.s32 $0x3;
	[sflag:s2] =	ssyncpa.u1 $0x1  }
0x2b: {  	s31 =	simm.s32 $0x1;
	[sflag:s30] =	ssyncpa.u1 $0x1  }
0x2c: {  	[sflag:s31] =	ssyncpa.u1 $0x1  }
0x2d: {  	p0 =	sne.s32 s1, $0x0;
	_ =	strace $0x90000065  }
0x2e: {  	s0 =	sadd.s32 @!p0 $0x100000, s0;
	[bflag:$0x2] =	sbarrier.arrive $0xFFFF  }
0x2f: {  	[sflag:s0] =	ssyncadd.tile.s32 @!p0 $0x1;
	_ =	shalt  }
.Lfunc_end2:
_tile_overlayer_lowered:
.L_overlay_start_2:
0x30: {  	(tag) =	ssettag $0x2  }
0x31: {  	s0 =	rddreg [dreg:$0x0];
	s2 =	stileid.u32  }
0x32: {  	s1 =	rddreg [dreg:$0x1];
	p0 =	sne.s32 s2, $0x0  }
0x33: {  	s3 =	rddreg [dreg:$0x2];
	[bflag:$0x3] =	sbarrier.arrive $0xFFFF;
	s2 =	simm.s32 @!p0 $0x1C01  }
0x34: {  	[timem:s3], [sflag:s2] =	dma.local @!p0 [hbm:s0], s1  }
0x35: {  	s0 =	simm.s32 @!p0 $0x1  }
0x36: {  	_ =	swait.ge @!p0 [sflag:s0], s1  }
0x37: {  	s1 =	ssub.s32 @!p0 $0x0, s1;
	[sflag:s0] =	ssyncset.done @!p0 $0x0  }
0x38: {  	[sflag:s0] =	ssyncadd.s32 @!p0 s1  }
0x39: {  	[bflag:$0x3] =	sbarrier.arrive $0xFFFF  }
0x3a: {  	_ =	shalt  }

// kernel: gather_offload_async_start
scs
__scs_entry_jumppad:
0x0: {  	(pc) =	sbr.rel $0x88, $3  }
0x1: {  	(tag) =	ssettag $0x0;
	lr =	simm.s32 $0x1  }
0x2: {  	[smem:$0x3F95] =	sst lr;
	_ =	strace $0xD0000000  }
0x3: {  	_ = 	snop  }
0x4: {  	_ = 	snop  }
0x5: {  	_ = 	snop  }
0x6: {  	_ = 	snop  }
0x7: {  	_ = 	snop  }
__scs_overlays_trampoline_lowered:
0x8: {  	[smem:$0x3FA4] =	sst s0  }
0x9: {  	[smem:$0x3FA5] =	sst s1  }
0xa: {  	[smem:$0x3FA6] =	sst s2  }
0xb: {  	[smem:$0x3FA7] =	sst s3  }
0xc: {  	[smem:$0x3FA8] =	sst s4  }
0xd: {  	[smem:$0x3FA9] =	sst s5  }
0xe: {  	[smem:$0x3FAA] =	sst s6  }
0xf: {  	[smem:$0x3FAB] =	sst s7  }
0x10: {  	[smem:$0x3FAC] =	sst s8  }
0x11: {  	[smem:$0x3FAD] =	sst s9;
	s0 =	simm.s32 @!p0 $0x0  }
0x12: {  	s1 =	sld [smem:$0x3F93];
	s0 =	simm.s32 @p0 $0x1  }
0x13: {  	[smem:$0x3FAE] =	sst s0;
	s0 =	simm.s32 @!p1 $0x0  }
0x14: {  	s2 =	sld [smem:$0x3F92];
	s0 =	simm.s32 @p1 $0x1  }
0x15: {  	[smem:$0x3FAF] =	sst s0;
	s0 =	simm.s32 @!p2 $0x0  }
0x16: {  	s3 =	sld [smem:$0x3FDB];
	s0 =	simm.s32 @p2 $0x1  }
0x17: {  	s4 =	simm.s32 $0x1BF5;
	[smem:$0x3FB1] =	sst s0  }
0x18: {  	s0 =	sld [smem:$0x3F94];
	_ =	swait.ge [sflag:s4], $0x0  }
0x19: {  	s7 =	sld [smem:$0x3F95]  }
0x1a: {  	s8 =	sadd.s32 $0xFFFFE003, lr  }
0x1b: {  	s9 =	sadd.s32 $0xFFFFFEF7, lr;
	s5 =	simm.s32 $0xFFFFFFFF;
	p2 =	slt.u32 s8, $0xFFFFF086  }
0x1c: {  	p1 =	slt.u32 s9, $0xF7A;
	s5 =	simm.s32 @!p2 $0x0  }
0x1d: {  	s5 =	simm.s32 @p1 $0x1;
	p0 =	seq.s32 s7, s2  }
0x1e: {  	s7 =	smul.u32 @!p0 $0xF7A, s2;
	p2 =	seq.s32 @!p0 s5, $0x0  }
0x1f: {  	s9 =	smul.u32 $0xF7A, s1;
	s8 =	simm.s32 @!p0 $0x1BF5;
	p2 =	por !p2, p0  }
0x20: {  	[sflag:s8] =	ssyncset.s32 @!p0 $0xFFFFF086;
	s6 =	sadd.s32 @!p0 s3, s7;
	s7 =	simm.s32 @!p0 $0x108  }
0x21: {  	s3 =	sadd.s32 s3, s9;
	s6 =	sadd.s32 @!p0 $0x88, s6;
	s7 =	simm.s32 @p2 $0x1082  }
0x22: {  	[simem:s7], [sflag:s8] =	dma.local @!p0 [hbm:s6], $0xF7A  }
0x23: {  	s9 =	sor.u32 $0xD0000000, s2;
	s6 =	simm.s32 $0x108;
	_ =	swait.ge @!p0 [sflag:s8], $0x0  }
0x24: {  	s3 =	sadd.s32 $0x88, s3;
	s6 =	simm.s32 @!p1 $0x1082;
	[sflag:s4] =	ssyncset.s32 $0xFFFFF086  }
0x25: {  	[simem:s6], [sflag:s4] =	dma.local [hbm:s3], $0xF7A  }
0x26: {  	[smem:$0x3F95] =	sst s1;
	(tag) =	ssettag s2;
	_ =	strace s9  }
0x27: {  	s1 =	sld [smem:$0x3FA5]  }
0x28: {  	s2 =	sld [smem:$0x3FA6]  }
0x29: {  	s4 =	sld [smem:$0x3FA8]  }
0x2a: {  	p0 =	seq.s32 s5, $0x0;
	s5 =	sld [smem:$0x3FA9]  }
0x2b: {  	s6 =	sld [smem:$0x3FAA]  }
0x2c: {  	s7 =	sld [smem:$0x3FAB]  }
0x2d: {  	s3 =	simm.s32 $0x108;
	s8 =	sld [smem:$0x3FAC]  }
0x2e: {  	s3 =	simm.s32 @!p0 $0x1082;
	s9 =	sld [smem:$0x3FAD]  }
0x2f: {  	lr =	sadd.s32 s0, s3;
	s0 =	sld [smem:$0x3FA4]  }
0x30: {  	s3 =	sld [smem:$0x3FA7]  }
0x31: {  	[smem:$0x3FB0] =	sst s10  }
0x32: {  	s10 =	sld [smem:$0x3FAE];
	_ =	sdelay $0x3  }
0x33: {  	p0 =	seq.s32 s10, $0x1;
	s10 =	sld [smem:$0x3FB0];
	_ =	sdelay $0x3  }
0x34: {  	[smem:$0x3FB0] =	sst s10  }
0x35: {  	s10 =	sld [smem:$0x3FAF];
	_ =	sdelay $0x3  }
0x36: {  	p1 =	seq.s32 s10, $0x1;
	s10 =	sld [smem:$0x3FB0];
	_ =	sdelay $0x3  }
0x37: {  	[smem:$0x3FB0] =	sst s10  }
0x38: {  	s10 =	sld [smem:$0x3FB1]  }
0x39: {  	_ = 	snop;
	(pc) =	sbr.ind lr, $3  }
0x3a: {  	_ = 	snop  }
0x3b: {  	_ = 	snop  }
0x3c: {  	p2 =	seq.s32 s10, $0x1;
	s10 =	sld [smem:$0x3FB0]  }
0x3d: {  	_ =	shalt  }
0x3e: {  	_ =	shalt  }
0x3f: {  	_ =	shalt  }
0x40: {  	_ =	shalt  }
0x41: {  	_ =	shalt  }
0x42: {  	_ =	shalt  }
0x43: {  	_ =	shalt  }
0x44: {  	_ =	shalt  }
0x45: {  	_ =	shalt  }
0x46: {  	_ =	shalt  }
0x47: {  	_ =	shalt  }
0x48: {  	_ =	shalt  }
0x49: {  	_ =	shalt  }
0x4a: {  	_ =	shalt  }
0x4b: {  	_ =	shalt  }
0x4c: {  	_ =	shalt  }
0x4d: {  	_ =	shalt  }
0x4e: {  	_ =	shalt  }
0x4f: {  	_ =	shalt  }
0x50: {  	_ =	shalt  }
0x51: {  	_ =	shalt  }
0x52: {  	_ =	shalt  }
0x53: {  	_ =	shalt  }
0x54: {  	_ =	shalt  }
0x55: {  	_ =	shalt  }
0x56: {  	_ =	shalt  }
0x57: {  	_ =	shalt  }
0x58: {  	_ =	shalt  }
0x59: {  	_ =	shalt  }
0x5a: {  	_ =	shalt  }
0x5b: {  	_ =	shalt  }
0x5c: {  	_ =	shalt  }
0x5d: {  	_ =	shalt  }
0x5e: {  	_ =	shalt  }
0x5f: {  	_ =	shalt  }
0x60: {  	_ =	shalt  }
0x61: {  	_ =	shalt  }
0x62: {  	_ =	shalt  }
0x63: {  	_ =	shalt  }
0x64: {  	_ =	shalt  }
0x65: {  	_ =	shalt  }
0x66: {  	_ =	shalt  }
0x67: {  	_ =	shalt  }
0x68: {  	_ =	shalt  }
0x69: {  	_ =	shalt  }
0x6a: {  	_ =	shalt  }
0x6b: {  	_ =	shalt  }
0x6c: {  	_ =	shalt  }
0x6d: {  	_ =	shalt  }
0x6e: {  	_ =	shalt  }
0x6f: {  	_ =	shalt  }
0x70: {  	_ =	shalt  }
0x71: {  	_ =	shalt  }
0x72: {  	_ =	shalt  }
0x73: {  	_ =	shalt  }
0x74: {  	_ =	shalt  }
0x75: {  	_ =	shalt  }
0x76: {  	_ =	shalt  }
0x77: {  	_ =	shalt  }
0x78: {  	_ =	shalt  }
0x79: {  	_ =	shalt  }
0x7a: {  	_ =	shalt  }
0x7b: {  	_ =	shalt  }
0x7c: {  	_ =	shalt  }
0x7d: {  	_ =	shalt  }
0x7e: {  	_ =	shalt  }
0x7f: {  	_ =	shalt  }
0x80: {  	_ =	shalt  }
0x81: {  	_ =	shalt  }
0x82: {  	_ =	shalt  }
0x83: {  	_ =	shalt  }
0x84: {  	_ =	shalt  }
0x85: {  	_ =	shalt  }
0x86: {  	_ =	shalt  }
0x87: {  	_ =	shalt  }
.Lfunc_end0:
.L_simem_size_0:
called_computation.7_lowered:
.L_overlay_start_0:
0x88: {  	s0 =	sld [smem:$0x3FD9]  }
0x89: {  	s1 =	sld [smem:$0x3FFE];
	_ =	sdelay $0x3  }
0x8a: {  	s0 =	sadd.s32 s1, s0  }
0x8b: {  	[smem:$0x3FBC] =	sst s0  }
0x8c: {  	_ = 	snop  }
0x8d: {  	(tm) =	ssettm $0x1  }
0x8e: {  	s15 =	sld [smem:$0x3FFB];
	_ =	sdelay $0x3  }
0x8f: {  	_ =	strace s15  }
0x90: {  	s0 =	sld [smem:$0x3FFC];
	_ =	sdelay $0x3  }
0x91: {  	_ =	strace s0  }
0x92: {  	s0 =	sld [smem:$0x3FFD];
	_ =	sdelay $0x3  }
0x93: {  	_ =	strace s0  }
0x94: {  	_ =	strace $0x8FFFFFFF  }
0x95: {  	s16 =	sld [smem:$0x3FDB];
	_ =	sdelay $0x1  }
0x96: {  	s17 =	simm.s32 $_scs_section_size  }
0x97: {  	s2 =	simm.s32 $_size__tile_overlayer_lowered;
	s3 =	simm.s32 $_tile_overlayer_lowered  }
0x98: {  	s20 =	simm.s32 $0x1BFF;
	s19 =	sshll.u32 s3, $0x1;
	s0 =	sadd.s32 s17, s16  }
0x99: {  	s4 =	simm.s32 $0x0;
	s18 =	sshll.u32 s2, $0x1;
	s2 =	sadd.s32 s19, s0  }
0x9a: {  	[timem:s4], [sflag:s20] =	dma.local [hbm:s2], s18  }
0x9b: {  	_ =	swait.ge [sflag:s20], s18  }
0x9c: {  	s1 =	ssub.s32 $0x0, s18;
	[sflag:s20] =	ssyncset.done $0x0  }
0x9d: {  	[sflag:s20] =	ssyncadd.s32 s1;
	_ =	sdelay $0x1  }
0x9e: {  	s21 =	simm.s32 $0x1B8B  }
0x9f: {  	_ =	swait.ge [sflag:s21], $0x1  }
0xa0: {  	[sflag:s21] =	ssyncset.done $0x0  }
0xa1: {  	s23 =	simm.s32 $0x1B8E;
	s22 =	sld [smem:$0x3FFE];
	[sflag:s21] =	ssyncadd.s32 $0xFFFFFFFF  }
0xa2: {  	s24 =	simm.s32 $execute0_lowered;
	[smem:$0x3FD2] =	sst s23  }
0xa3: {  	s2 =	sshll.u32 s24, $0x1;
	_ =	strace $0x8000004F;
	[dreg:$0x1] =	wrdreg $0xFFFFFFFF  }
0xa4: {  	s25 =	simm.s32 $_size_execute0_lowered;
	s0 =	sadd.s32 s0, s2;
	[dreg:$0x0] =	wrdreg $0x0  }
0xa5: {  	s2 =	sshll.u32 s25, $0x1;
	[dreg:$0x2] =	wrdreg s0  }
0xa6: {  	[dreg:$0x3] =	wrdreg s2  }
0xa7: {  	[dreg:$0x4] =	wrdreg $0xC0  }
0xa8: {  	_ =	task [dreg:s4], $0x5FFFF  }
0xa9: {  	[dreg:$0x1] =	wrdreg $0xFFFFFFFF  }
0xaa: {  	[dreg:$0x0] =	wrdreg $0x60  }
0xab: {  	[dreg:$0x2] =	wrdreg s22  }
0xac: {  	[dreg:$0x3] =	wrdreg $0x9  }
0xad: {  	_ =	task.clear_ibuf [dreg:s4], $0x4FFFF;
	_ =	strace $0x9000004F  }
0xae: {  	s26 =	simm.s32 $0x9;
	_ =	strace $0x80000051  }
0xaf: {  	_ =	swait.ge [sflag:s26], $0x1  }
0xb0: {  	[sflag:s26] =	ssyncadd.s32 $0xFFFFFFFF  }
0xb1: {  	_ =	strace $0x90000051  }
0xb2: {  	_ =	sfence  }
0xb3: {  	s28 =	sld [smem:$0x0];
	_ =	sdelay $0x1  }
0xb4: {  	s29 =	srdreg.scid  }
0xb5: {  	s30 =	sshll.u32 s29, $0xD;
	s31 =	sshrl.u32 s29, $0x2  }
0xb6: {  	s1 =	sand.u32 $0x1, s29;
	s2 =	sand.u32 $0x4000, s30;
	s0 =	sadd.s32 s31, s28  }
0xb7: {  	s1 =	sor.u32 s2, s1;
	s0 =	sshll.u32 s0, $0x11  }
0xb8: {  	s0 =	sor.u32 s0, s1  }
0xb9: {  	s0 =	sadd.s32 $0x8F2B, s0  }
0xba: {  	[sflag:s0] =	ssyncadd.remote.s32 $0x1  }
0xbb: {  	_ =	sfence.sel $0xFFFF  }
0xbc: {  	[dreg:$0x0] =	wrdreg $0xFFFFFFFF;
	(pc) =	sbr.abs _section_cstart, $3  }
0xbd: {  	[dreg:$0x1] =	wrdreg $0xFFFFFFFF  }
0xbe: {  	_ =	task.clear_ibuf [dreg:s4], $0x2FFFF;
	_ =	strace $0x9FFFFFFF  }
0xbf: {  	(tm) =	ssettm $0x7FFFFFFF  }
tec
execute0_lowered:
.L_overlay_start_1:
0x0: {  	(tag) =	ssettag $0x1  }
0x1: {  	s5 =	rddreg [dreg:$0x0]  }
0x2: {  	s0 =	rddreg [dreg:$0x1]  }
0x3: {  	_ =	strace $0x80000050;
	s1 =	stileid.u32;
	s6 =	simm.s32 $0x1  }
0x4: {  	s8 =	simm.s32 $0x2;
	s30 =	simm.s32 $0x3;
	s12 =	simm.s32 $0x0  }
0x5: {  	s9 =	simm.s32 $0x0;
	s10 =	simm.s32 $0x0;
	s4 =	sshll.u32 s1, $0x4  }
0x6: {  	s2 =	sadd.s32 $0xA600, s5;
	s3 =	sadd.s32 $0xAA00, s5;
	s7 =	ssub.s32 $0x1380, s4  }
0x7: {  	s5 =	sadd.s32 $0xAE00, s5;
	[sflag:s6] =	ssyncpa.u1 $0x0;
	s6 =	sshrl.u32 s7, $0x8  }
0x8: {  	[sflag:s8] =	ssyncpa.u1 $0x0;
	s11 =	smov.u32 s4;
	s31 =	sshll.u32 s6, $0x4  }
0x9: {  	[sflag:s30] =	ssyncpa.u1 $0x0;
	s7 =	sadd.s32 $0x2, s6;
	s8 =	sadd.s32 $0x30, s31  }
.LBB2_1:
0xa: {  	p0 =	sgt.u32 s10, s6  }
0xb: {  	s13 =	sxor.u32 @!p0 $0xFFFFFFFF, s9;
	s14 =	sshrl.u32 @!p0 s11, $0x3  }
0xc: {  	s15 =	sand.u32 @!p0 $0x7, s11;
	s13 =	sand.u32 @!p0 $0x10, s13;
	s14 =	sadd.s32 @!p0 s3, s14  }
0xd: {  	[tilespmem:s13], [sflag:$0x2] =	stream.linear.gather @!p0 [hbm4b:s14+s15], $0x10, $0x38;
	[tilespmem:$0x40] =	vst v63  }
0xe: {  	p0 =	seq.s32 s9, $0x0  }
0xf: {  	p1 =	sge.u32 @!p0 s10, s7  }
0x10: {  	p0 =	por p1, p0  }
0x11: {  	s13 =	simm.s32 @!p0 $0x2  }
0x12: {  	_ =	swait.ge @!p0 [sflag:s13], $0x10  }
0x13: {  	[sflag:s13] =	ssyncset.done @!p0 $0x0  }
0x14: {  	[sflag:s13] =	ssyncadd.s32 @!p0 $0xFFFFFFF0;
	s13 =	sand.u32 @!p0 $0x10, s9  }
0x15: {  	(ifvalue) =	ssetifvalue @!p0 $0x7FFFFFFF;
	v0 =	vld.msk @!p0 [tilespmem:s13+$0x0 ss:$0x1], $0xffff;
	_ =	sdelay $0x4  }
0x16: {  	vm0 =	vgt.s32 @!p0 v0, $0x0  }
0x17: {  	v0 =	vnsel @!p0 vm0, $0x0, v0  }
0x18: {  	v0 =	vmin.u32 @!p0 v0, $0x1387;
	_ =	sdelay $0x3  }
0x19: {  	s14 =	simm.s32 @!p0 $0x0;
	s13 =	sor.u32 @!p0 $0x20, s13;
	(ifvalue) =	ssetifvalue @!p0 $0x7FFFFFFF;
	vm0 =	vmmov @!p0 $0xffff  }
0x1a: {  	[tilespmem:s13], [sflag:$0x1] =	stream.indirect_vreg.gather @!p0 [hbm4b:s2+s14], $0x1, v0, vm0, $0x4038;
	[tilespmem:$0x40] =	vst v63  }
0x1b: {  	s14 =	simm.s32 @!p0 $0x1  }
0x1c: {  	_ =	swait.ge @!p0 [sflag:s14], $0x10  }
0x1d: {  	s15 =	sshrl.u32 @!p0 s12, $0x3;
	[sflag:s14] =	ssyncset.done @!p0 $0x0  }
0x1e: {  	s12 =	sand.u32 @!p0 $0x7, s12;
	[sflag:s14] =	ssyncadd.s32 @!p0 $0xFFFFFFF0;
	s14 =	sadd.s32 @!p0 s5, s15  }
0x1f: {  	[hbm4b:s14+s12] =	stream.linear.scatter @!p0 [tilespmem:s13], [sflag:$0x3], $0x10, $0x38;
	[tilespmem:$0x40] =	vst v63  }
0x20: {  	s14 =	sadd.s32 $0x100, s11  }
0x21: {  	s9 =	sadd.s32 $0x10, s9;
	p1 =	sgt.s32 s14, $0x1387  }
0x22: {  	s14 =	smov.u32 @p1 s4;
	p1 =	sne.s32 s8, s9  }
.Ltmp0:
0x23: {  	p0 =	slt.u32 s10, $0x2;
	(pc) =	sbr.rel @p1 .LBB2_1-.Ltmp0, $4  }
0x24: {  	s13 =	simm.s32 @!p0 $0x3  }
0x25: {  	_ =	swait.ge @!p0 [sflag:s13], $0x10  }
0x26: {  	s12 =	smov.u32 s11;
	[sflag:s13] =	ssyncset.done @!p0 $0x0  }
0x27: {  	s10 =	sadd.s32 $0x1, s10;
	s11 =	smov.u32 s14;
	[sflag:s13] =	ssyncadd.s32 @!p0 $0xFFFFFFF0  }
0x28: {  	_ =	sfence.sel $0x180000  }
0x29: {  	s2 =	simm.s32 $0x2;
	[bflag:$0x0] =	sbarrier.arrive $0xFFFF  }
0x2a: {  	s30 =	simm.s32 $0x3;
	[sflag:s2] =	ssyncpa.u1 $0x1  }
0x2b: {  	s31 =	simm.s32 $0x1;
	[sflag:s30] =	ssyncpa.u1 $0x1  }
0x2c: {  	[sflag:s31] =	ssyncpa.u1 $0x1  }
0x2d: {  	p0 =	sne.s32 s1, $0x0;
	_ =	strace $0x90000050  }
0x2e: {  	s0 =	sadd.s32 @!p0 $0x100000, s0;
	[bflag:$0x2] =	sbarrier.arrive $0xFFFF  }
0x2f: {  	[sflag:s0] =	ssyncadd.tile.s32 @!p0 $0x1;
	_ =	shalt  }
.Lfunc_end2:
_tile_overlayer_lowered:
.L_overlay_start_2:
0x30: {  	(tag) =	ssettag $0x2  }
0x31: {  	s0 =	rddreg [dreg:$0x0];
	s2 =	stileid.u32  }
0x32: {  	s1 =	rddreg [dreg:$0x1];
	p0 =	sne.s32 s2, $0x0  }
0x33: {  	s3 =	rddreg [dreg:$0x2];
	[bflag:$0x3] =	sbarrier.arrive $0xFFFF;
	s2 =	simm.s32 @!p0 $0x1C01  }
0x34: {  	[timem:s3], [sflag:s2] =	dma.local @!p0 [hbm:s0], s1  }
0x35: {  	s0 =	simm.s32 @!p0 $0x1  }
0x36: {  	_ =	swait.ge @!p0 [sflag:s0], s1  }
0x37: {  	s1 =	ssub.s32 @!p0 $0x0, s1;
	[sflag:s0] =	ssyncset.done @!p0 $0x0  }
0x38: {  	[sflag:s0] =	ssyncadd.s32 @!p0 s1  }
0x39: {  	[bflag:$0x3] =	sbarrier.arrive $0xFFFF  }
0x3a: {  	_ =	shalt  }

// kernel: scatter_offload_async_start.1
scs
__scs_entry_jumppad:
0x0: {  	(pc) =	sbr.rel $0x88, $3  }
0x1: {  	(tag) =	ssettag $0x0;
	lr =	simm.s32 $0x1  }
0x2: {  	[smem:$0x3F95] =	sst lr;
	_ =	strace $0xD0000000  }
0x3: {  	_ = 	snop  }
0x4: {  	_ = 	snop  }
0x5: {  	_ = 	snop  }
0x6: {  	_ = 	snop  }
0x7: {  	_ = 	snop  }
__scs_overlays_trampoline_lowered:
0x8: {  	[smem:$0x3FA4] =	sst s0  }
0x9: {  	[smem:$0x3FA5] =	sst s1  }
0xa: {  	[smem:$0x3FA6] =	sst s2  }
0xb: {  	[smem:$0x3FA7] =	sst s3  }
0xc: {  	[smem:$0x3FA8] =	sst s4  }
0xd: {  	[smem:$0x3FA9] =	sst s5  }
0xe: {  	[smem:$0x3FAA] =	sst s6  }
0xf: {  	[smem:$0x3FAB] =	sst s7  }
0x10: {  	[smem:$0x3FAC] =	sst s8  }
0x11: {  	[smem:$0x3FAD] =	sst s9;
	s0 =	simm.s32 @!p0 $0x0  }
0x12: {  	s1 =	sld [smem:$0x3F93];
	s0 =	simm.s32 @p0 $0x1  }
0x13: {  	[smem:$0x3FAE] =	sst s0;
	s0 =	simm.s32 @!p1 $0x0  }
0x14: {  	s2 =	sld [smem:$0x3F92];
	s0 =	simm.s32 @p1 $0x1  }
0x15: {  	[smem:$0x3FAF] =	sst s0;
	s0 =	simm.s32 @!p2 $0x0  }
0x16: {  	s3 =	sld [smem:$0x3FDB];
	s0 =	simm.s32 @p2 $0x1  }
0x17: {  	s4 =	simm.s32 $0x1BF5;
	[smem:$0x3FB1] =	sst s0  }
0x18: {  	s0 =	sld [smem:$0x3F94];
	_ =	swait.ge [sflag:s4], $0x0  }
0x19: {  	s7 =	sld [smem:$0x3F95]  }
0x1a: {  	s8 =	sadd.s32 $0xFFFFE003, lr  }
0x1b: {  	s9 =	sadd.s32 $0xFFFFFEF7, lr;
	s5 =	simm.s32 $0xFFFFFFFF;
	p2 =	slt.u32 s8, $0xFFFFF086  }
0x1c: {  	p1 =	slt.u32 s9, $0xF7A;
	s5 =	simm.s32 @!p2 $0x0  }
0x1d: {  	s5 =	simm.s32 @p1 $0x1;
	p0 =	seq.s32 s7, s2  }
0x1e: {  	s7 =	smul.u32 @!p0 $0xF7A, s2;
	p2 =	seq.s32 @!p0 s5, $0x0  }
0x1f: {  	s9 =	smul.u32 $0xF7A, s1;
	s8 =	simm.s32 @!p0 $0x1BF5;
	p2 =	por !p2, p0  }
0x20: {  	[sflag:s8] =	ssyncset.s32 @!p0 $0xFFFFF086;
	s6 =	sadd.s32 @!p0 s3, s7;
	s7 =	simm.s32 @!p0 $0x108  }
0x21: {  	s3 =	sadd.s32 s3, s9;
	s6 =	sadd.s32 @!p0 $0x88, s6;
	s7 =	simm.s32 @p2 $0x1082  }
0x22: {  	[simem:s7], [sflag:s8] =	dma.local @!p0 [hbm:s6], $0xF7A  }
0x23: {  	s9 =	sor.u32 $0xD0000000, s2;
	s6 =	simm.s32 $0x108;
	_ =	swait.ge @!p0 [sflag:s8], $0x0  }
0x24: {  	s3 =	sadd.s32 $0x88, s3;
	s6 =	simm.s32 @!p1 $0x1082;
	[sflag:s4] =	ssyncset.s32 $0xFFFFF086  }
0x25: {  	[simem:s6], [sflag:s4] =	dma.local [hbm:s3], $0xF7A  }
0x26: {  	[smem:$0x3F95] =	sst s1;
	(tag) =	ssettag s2;
	_ =	strace s9  }
0x27: {  	s1 =	sld [smem:$0x3FA5]  }
0x28: {  	s2 =	sld [smem:$0x3FA6]  }
0x29: {  	s4 =	sld [smem:$0x3FA8]  }
0x2a: {  	p0 =	seq.s32 s5, $0x0;
	s5 =	sld [smem:$0x3FA9]  }
0x2b: {  	s6 =	sld [smem:$0x3FAA]  }
0x2c: {  	s7 =	sld [smem:$0x3FAB]  }
0x2d: {  	s3 =	simm.s32 $0x108;
	s8 =	sld [smem:$0x3FAC]  }
0x2e: {  	s3 =	simm.s32 @!p0 $0x1082;
	s9 =	sld [smem:$0x3FAD]  }
0x2f: {  	lr =	sadd.s32 s0, s3;
	s0 =	sld [smem:$0x3FA4]  }
0x30: {  	s3 =	sld [smem:$0x3FA7]  }
0x31: {  	[smem:$0x3FB0] =	sst s10  }
0x32: {  	s10 =	sld [smem:$0x3FAE];
	_ =	sdelay $0x3  }
0x33: {  	p0 =	seq.s32 s10, $0x1;
	s10 =	sld [smem:$0x3FB0];
	_ =	sdelay $0x3  }
0x34: {  	[smem:$0x3FB0] =	sst s10  }
0x35: {  	s10 =	sld [smem:$0x3FAF];
	_ =	sdelay $0x3  }
0x36: {  	p1 =	seq.s32 s10, $0x1;
	s10 =	sld [smem:$0x3FB0];
	_ =	sdelay $0x3  }
0x37: {  	[smem:$0x3FB0] =	sst s10  }
0x38: {  	s10 =	sld [smem:$0x3FB1]  }
0x39: {  	_ = 	snop;
	(pc) =	sbr.ind lr, $3  }
0x3a: {  	_ = 	snop  }
0x3b: {  	_ = 	snop  }
0x3c: {  	p2 =	seq.s32 s10, $0x1;
	s10 =	sld [smem:$0x3FB0]  }
0x3d: {  	_ =	shalt  }
0x3e: {  	_ =	shalt  }
0x3f: {  	_ =	shalt  }
0x40: {  	_ =	shalt  }
0x41: {  	_ =	shalt  }
0x42: {  	_ =	shalt  }
0x43: {  	_ =	shalt  }
0x44: {  	_ =	shalt  }
0x45: {  	_ =	shalt  }
0x46: {  	_ =	shalt  }
0x47: {  	_ =	shalt  }
0x48: {  	_ =	shalt  }
0x49: {  	_ =	shalt  }
0x4a: {  	_ =	shalt  }
0x4b: {  	_ =	shalt  }
0x4c: {  	_ =	shalt  }
0x4d: {  	_ =	shalt  }
0x4e: {  	_ =	shalt  }
0x4f: {  	_ =	shalt  }
0x50: {  	_ =	shalt  }
0x51: {  	_ =	shalt  }
0x52: {  	_ =	shalt  }
0x53: {  	_ =	shalt  }
0x54: {  	_ =	shalt  }
0x55: {  	_ =	shalt  }
0x56: {  	_ =	shalt  }
0x57: {  	_ =	shalt  }
0x58: {  	_ =	shalt  }
0x59: {  	_ =	shalt  }
0x5a: {  	_ =	shalt  }
0x5b: {  	_ =	shalt  }
0x5c: {  	_ =	shalt  }
0x5d: {  	_ =	shalt  }
0x5e: {  	_ =	shalt  }
0x5f: {  	_ =	shalt  }
0x60: {  	_ =	shalt  }
0x61: {  	_ =	shalt  }
0x62: {  	_ =	shalt  }
0x63: {  	_ =	shalt  }
0x64: {  	_ =	shalt  }
0x65: {  	_ =	shalt  }
0x66: {  	_ =	shalt  }
0x67: {  	_ =	shalt  }
0x68: {  	_ =	shalt  }
0x69: {  	_ =	shalt  }
0x6a: {  	_ =	shalt  }
0x6b: {  	_ =	shalt  }
0x6c: {  	_ =	shalt  }
0x6d: {  	_ =	shalt  }
0x6e: {  	_ =	shalt  }
0x6f: {  	_ =	shalt  }
0x70: {  	_ =	shalt  }
0x71: {  	_ =	shalt  }
0x72: {  	_ =	shalt  }
0x73: {  	_ =	shalt  }
0x74: {  	_ =	shalt  }
0x75: {  	_ =	shalt  }
0x76: {  	_ =	shalt  }
0x77: {  	_ =	shalt  }
0x78: {  	_ =	shalt  }
0x79: {  	_ =	shalt  }
0x7a: {  	_ =	shalt  }
0x7b: {  	_ =	shalt  }
0x7c: {  	_ =	shalt  }
0x7d: {  	_ =	shalt  }
0x7e: {  	_ =	shalt  }
0x7f: {  	_ =	shalt  }
0x80: {  	_ =	shalt  }
0x81: {  	_ =	shalt  }
0x82: {  	_ =	shalt  }
0x83: {  	_ =	shalt  }
0x84: {  	_ =	shalt  }
0x85: {  	_ =	shalt  }
0x86: {  	_ =	shalt  }
0x87: {  	_ =	shalt  }
.Lfunc_end0:
.L_simem_size_0:
called_computation.1_lowered:
.L_overlay_start_0:
0x88: {  	s0 =	sld [smem:$0x3FD9]  }
0x89: {  	s1 =	sld [smem:$0x3FFE];
	_ =	sdelay $0x3  }
0x8a: {  	s0 =	sadd.s32 s1, s0  }
0x8b: {  	[smem:$0x3FBC] =	sst s0  }
0x8c: {  	_ = 	snop  }
0x8d: {  	(tm) =	ssettm $0x1  }
0x8e: {  	s15 =	sld [smem:$0x3FFB];
	_ =	sdelay $0x3  }
0x8f: {  	_ =	strace s15  }
0x90: {  	s0 =	sld [smem:$0x3FFC];
	_ =	sdelay $0x3  }
0x91: {  	_ =	strace s0  }
0x92: {  	s0 =	sld [smem:$0x3FFD];
	_ =	sdelay $0x3  }
0x93: {  	_ =	strace s0  }
0x94: {  	_ =	strace $0x8FFFFFFF  }
0x95: {  	s16 =	sld [smem:$0x3FDB];
	_ =	sdelay $0x1  }
0x96: {  	s17 =	simm.s32 $_scs_section_size  }
0x97: {  	s2 =	simm.s32 $_size__tile_overlayer_lowered;
	s3 =	simm.s32 $_tile_overlayer_lowered  }
0x98: {  	s20 =	simm.s32 $0x1BFF;
	s19 =	sshll.u32 s3, $0x1;
	s0 =	sadd.s32 s17, s16  }
0x99: {  	s4 =	simm.s32 $0x0;
	s18 =	sshll.u32 s2, $0x1;
	s2 =	sadd.s32 s19, s0  }
0x9a: {  	[timem:s4], [sflag:s20] =	dma.local [hbm:s2], s18  }
0x9b: {  	_ =	swait.ge [sflag:s20], s18  }
0x9c: {  	s1 =	ssub.s32 $0x0, s18;
	[sflag:s20] =	ssyncset.done $0x0  }
0x9d: {  	[sflag:s20] =	ssyncadd.s32 s1;
	_ =	sdelay $0x1  }
0x9e: {  	s21 =	simm.s32 $0x1B8B  }
0x9f: {  	_ =	swait.ge [sflag:s21], $0x1  }
0xa0: {  	[sflag:s21] =	ssyncset.done $0x0  }
0xa1: {  	s23 =	simm.s32 $0x1B8E;
	s22 =	sld [smem:$0x3FFE];
	[sflag:s21] =	ssyncadd.s32 $0xFFFFFFFF  }
0xa2: {  	s24 =	simm.s32 $execute0_lowered;
	[smem:$0x3FD2] =	sst s23  }
0xa3: {  	s2 =	sshll.u32 s24, $0x1;
	_ =	strace $0x80000049;
	[dreg:$0x1] =	wrdreg $0xFFFFFFFF  }
0xa4: {  	s25 =	simm.s32 $_size_execute0_lowered;
	s0 =	sadd.s32 s0, s2;
	[dreg:$0x0] =	wrdreg $0x0  }
0xa5: {  	s2 =	sshll.u32 s25, $0x1;
	[dreg:$0x2] =	wrdreg s0  }
0xa6: {  	[dreg:$0x3] =	wrdreg s2  }
0xa7: {  	[dreg:$0x4] =	wrdreg $0xC0  }
0xa8: {  	_ =	task [dreg:s4], $0x5FFFF  }
0xa9: {  	[dreg:$0x1] =	wrdreg $0xFFFFFFFF  }
0xaa: {  	[dreg:$0x0] =	wrdreg $0x60  }
0xab: {  	[dreg:$0x2] =	wrdreg s22  }
0xac: {  	[dreg:$0x3] =	wrdreg $0x9  }
0xad: {  	_ =	task.clear_ibuf [dreg:s4], $0x4FFFF;
	_ =	strace $0x90000049  }
0xae: {  	s26 =	simm.s32 $0x9;
	_ =	strace $0x8000004B  }
0xaf: {  	_ =	swait.ge [sflag:s26], $0x1  }
0xb0: {  	[sflag:s26] =	ssyncadd.s32 $0xFFFFFFFF  }
0xb1: {  	_ =	strace $0x9000004B  }
0xb2: {  	_ =	sfence  }
0xb3: {  	s28 =	sld [smem:$0x0];
	_ =	sdelay $0x1  }
0xb4: {  	s29 =	srdreg.scid  }
0xb5: {  	s30 =	sshll.u32 s29, $0xD;
	s31 =	sshrl.u32 s29, $0x2  }
0xb6: {  	s1 =	sand.u32 $0x1, s29;
	s2 =	sand.u32 $0x4000, s30;
	s0 =	sadd.s32 s31, s28  }
0xb7: {  	s1 =	sor.u32 s2, s1;
	s0 =	sshll.u32 s0, $0x11  }
0xb8: {  	s0 =	sor.u32 s0, s1  }
0xb9: {  	s0 =	sadd.s32 $0x8F2B, s0  }
0xba: {  	[sflag:s0] =	ssyncadd.remote.s32 $0x1  }
0xbb: {  	_ =	sfence.sel $0xFFFF  }
0xbc: {  	[dreg:$0x0] =	wrdreg $0xFFFFFFFF;
	(pc) =	sbr.abs _section_cstart, $3  }
0xbd: {  	[dreg:$0x1] =	wrdreg $0xFFFFFFFF  }
0xbe: {  	_ =	task.clear_ibuf [dreg:s4], $0x2FFFF;
	_ =	strace $0x9FFFFFFF  }
0xbf: {  	(tm) =	ssettm $0x7FFFFFFF  }
tec
execute0_lowered:
.L_overlay_start_1:
0x0: {  	(tag) =	ssettag $0x1  }
0x1: {  	s0 =	rddreg [dreg:$0x0]  }
0x2: {  	s14 =	stileid.u32;
	_ =	strace $0x8000004A;
	s2 =	simm.s32 $0x1  }
0x3: {  	v1 =	vimm.s32 $0xFFFFFFFF;
	s1 =	smin.u32 s14, $0x4;
	[sflag:s2] =	ssyncpa.u1 $0x0  }
0x4: {  	s1 =	sadd.s32 s14, s1;
	[tilespmem:$0x10] =	vst v1  }
0x5: {  	v0 =	vimm.f32 $0.0e+00;
	p0 =	slt.u32 s14, $0x4;
	[tilespmem:$0x20] =	vst v1;
	s3 =	smul.u32 $0x1F40, s1;
	s1 =	simm.s32 $0x3E80  }
0x6: {  	[tilespmem:$0x30] =	vst v0;
	s1 =	simm.s32 @!p0 $0x1F40  }
0x7: {  	[tilespmem:$0x40] =	vst v0;
	s1 =	sadd.s32 s1, s3  }
0x8: {  	[tilespmem:$0x50] =	vst v0;
	s4 =	smin.u32 s1, $0x27100  }
0x9: {  	[tilespmem:$0x60] =	vst v1;
	s9 =	ssub.s32 s4, s3  }
0xa: {  	s7 =	simm.s32 $0x2;
	s8 =	simm.s32 $0x8;
	[tilespmem:$0x70] =	vst v1;
	p0 =	sgt.s32 s9, $0x0  }
0xb: {  	s31 =	simm.s32 $0x9;
	s16 =	simm.s32 $0x0;
	[tilespmem:$0x80] =	vst v1;
	s9 =	simm.s32 @!p0 $0x0  }
0xc: {  	s17 =	simm.s32 $0xF0;
	s18 =	simm.s32 $0xFFFFFFFF;
	v1 =	vimm.s32 $0x0;
	[tilespmem:$0xB0] =	vst v0;
	s5 =	smulhi.u32 $0x10624DD3, s9  }
0xd: {  	s19 =	simm.s32 $0xFFFFC280;
	s20 =	simm.s32 $0xFFFFFFFE;
	s21 =	simm.s32 $0xF;
	[tilespmem:$0x90] =	vst v1  }
0xe: {  	[tilespmem:$0xA0] =	vst v1;
	[sflag:s7] =	ssyncpa.u1 $0x0;
	s7 =	simm.s32 $0x7;
	s10 =	sshrl.u32 s5, $0x9  }
0xf: {  	s25 =	simm.s32 $0x0;
	[sflag:s7] =	ssyncpa.u1 $0x0;
	s11 =	smul.u32 $0x1F40, s10  }
0x10: {  	s24 =	simm.s32 $0x0;
	s6 =	sadd.s32 $0x29A00, s0;
	[sflag:s8] =	ssyncpa.u1 $0x0  }
.Ltmp0:
0x11: {  	s23 =	smov.u32 s3;
	p0 =	sne.s32 s9, s11;
	(pc) =	sbr.rel .LBB2_1-.Ltmp0, $4  }
0x12: {  	s1 =	sadd.s32 $0xA000, s0;
	[sflag:s31] =	ssyncpa.u1 $0x0;
	s2 =	simm.s32 @!p0 $0x0  }
0x13: {  	s5 =	sadd.s32 $0x24A00, s0;
	p0 =	por $0x0, $0x0;
	s9 =	sadd.s32 s2, s10  }
0x14: {  	vm0 =	vmmov $0xffff;
	v2 =	vlaneseq.u32;
	s10 =	sshll.u32 s14, $0x1;
	s14 =	sshllo.u32 s14, $0x1;
	s11 =	sadd.s32 $0x1, s9  }
0x15: {  	vm1 =	vmxor vm1, vm1;
	vm2 =	vmmov $0x1;
	vm3 =	vcmask $0x3F3C;
	s12 =	sadd.s32 $0x2, s9;
	s13 =	sor.u32 $0x81, s10;
	s15 =	sor.u32 $0x80, s10  }
.LBB2_9:
0x16: {  	p1 =	slt.u32 s24, $0x3  }
0x17: {  	s0 =	simm.s32 @!p1 $0x2  }
0x18: {  	_ =	swait.ge @!p1 [sflag:s0], $0x1F40  }
0x19: {  	[sflag:s0] =	ssyncset.done @!p1 $0x0  }
0x1a: {  	[sflag:s0] =	ssyncadd.s32 @!p1 $0xFFFFE0C0;
	s0 =	simm.s32 @!p1 $0x9  }
0x1b: {  	_ =	swait.ge @!p1 [sflag:s0], $0x10  }
0x1c: {  	[sflag:s0] =	ssyncset.done @!p1 $0x0  }
0x1d: {  	[sflag:s0] =	ssyncadd.s32 @!p1 $0xFFFFFFF0;
	p1 =	sne.s32 s24, s12  }
.Ltmp1:
0x1e: {  	s2 =	sadd.s32 $0x1F40, s23;
	(pc) =	sbr.rel @!p1 .LBB2_10-.Ltmp1, $4  }
0x1f: {  	s22 =	smov.u32 s3;
	s31 =	sadd.s32 $0x1, s24;
	s17 =	sadd.s32 $0x1F40, s17  }
0x20: {  	s18 =	sadd.s32 $0x1, s18;
	s25 =	smov.u32 s23;
	p2 =	slt.s32 s2, s4  }
0x21: {  	p0 =	por !p0, !p0;
	s19 =	sadd.s32 $0x1F40, s19;
	s22 =	smov.u32 @p2 s2  }
0x22: {  	s20 =	sadd.s32 $0x1, s20;
	s23 =	smov.u32 s22;
	s24 =	smov.u32 s31  }
.LBB2_1:
0x23: {  	p1 =	sge.u32 s24, s9  }
0x24: {  	s0 =	smulhi.u32 @!p1 $0xAAAAAAAB, s24;
	_ =	sdelay $0x1  }
0x25: {  	s0 =	sshrl.u32 @!p1 s0, $0x1  }
0x26: {  	s0 =	smul.u32 @!p1 $0x3, s0;
	_ =	sdelay $0x1  }
0x27: {  	s0 =	ssub.s32 @!p1 s24, s0  }
0x28: {  	s0 =	smul.u32 @!p1 $0x7D00, s0;
	_ =	sdelay $0x1  }
0x29: {  	s2 =	sshrl.u32 @!p1 s23, $0x3;
	s0 =	sshrl.u32 @!p1 s0, $0x2  }
0x2a: {  	s22 =	sand.u32 @!p1 $0x7, s23;
	s2 =	sadd.s32 @!p1 s5, s2;
	s0 =	sadd.s32 @!p1 $0x100, s0  }
0x2b: {  	[tilespmem:s0], [sflag:$0x7] =	stream.linear.gather @!p1 [hbm4b:s2+s22], $0x1F40, $0x38;
	[tilespmem:$0x11A60] =	vst v63  }
0x2c: {  	s0 =	sadd.s32 $0xFFFFFFFF, s24  }
0x2d: {  	p1 =	sge.u32 s0, s9  }
.Ltmp2:
0x2e: {  	_ = 	snop;
	(pc) =	sbr.rel @p1 .LBB2_5-.Ltmp2, $1  }
0x2f: {  	_ =	sdelay $0x3  }
0x30: {  	s2 =	smulhi.u32 $0xAAAAAAAB, s0;
	_ =	sdelay $0x1  }
0x31: {  	s2 =	sshrl.u32 s2, $0x1  }
0x32: {  	s2 =	smul.u32 $0x3, s2;
	_ =	sdelay $0x1  }
0x33: {  	s2 =	ssub.s32 s0, s2  }
0x34: {  	s2 =	smul.u32 $0x7D00, s2  }
0x35: {  	_ =	swait.ge [sflag:s7], $0x1F40  }
0x36: {  	[sflag:s7] =	ssyncset.done $0x0;
	s2 =	sshrl.u32 s2, $0x2  }
0x37: {  	[sflag:s7] =	ssyncadd.s32 $0xFFFFE0C0;
	(ifvalue) =	ssetifvalue $0xFFFFFFFF;
	v3 =	vld.msk [tilespmem:s2+$0x100 ss:$0x1], $0xffff;
	_ =	sdelay $0x2  }
0x38: {  	s30 =	smulhi.u32 $0xAAAAAAAB, s18;
	p1 =	sne.s32 s24, $0x1  }
0x39: {  	v4 =	vimm.s32 @!p1 $0x0  }
0x3a: {  	s2 =	sshrl.u32 s30, $0x1;
	v4 =	vperm.xlane @!p1 v3, v4  }
0x3b: {  	s22 =	sshll.u32 s24, $0x4;
	s2 =	smul.u32 $0xFFFE8900, s2;
	vm4 =	vlt.u32 v3, $0x2800  }
0x3c: {  	s22 =	sand.u32 $0x10, s22;
	v3 =	vnsel vm4, $0xFFFFFFFE, v3;
	vm4 =	vlt.u32 @!p1 v4, $0x2800  }
0x3d: {  	s2 =	sshra.s32 s2, $0x2;
	[tilespmem:s22+$0x60] =	vst v3;
	v3 =	vnsel @!p1 vm4, $0xFFFFFFFE, v4  }
0x3e: {  	s28 =	sadd.s32 s2, s17;
	[tilespmem:$0x80] =	vst @!p1 v3  }
0x3f: {  	v3 =	vld.msk [tilespmem:s28+$0x0 ss:$0x1], $0xffff;
	_ =	sdelay $0x4  }
0x40: {  	(xrf1) =	vunique.msk.u32 $0xffff, v3;
	_ =	sdelay $0xd  }
0x41: {  	v4 =	vimm.s32 $0xFFFFFFFF;
	v5, _, _ =	vpop (xrf1)  }
0x42: {  	vm5 =	vne.s32 v3, v4;
	vm4 =	veq.s32 v5, v2  }
0x43: {  	vm6 =	vlt.u32 v3, $0x2800;
	vm4 =	vmand vm5, vm4  }
0x44: {  	vm4 =	vmand vm6, vm4  }
0x45: {  	v4 =	vnsel vm4, $0xFFFFFFFF, v3  }
0x46: {  	s31 =	sand.u32 $0x1, s0  }
0x47: {  	s0 =	simm.s32 $0x1F40;
	p1 =	seq.s32 s31, $0x1  }
0x48: {  	s0 =	simm.s32 @!p1 $0x0  }
0x49: {  	s26 =	sadd.s32 $0x7DF0, s0;
	(ifvalue) =	ssetifvalue $0xFFFFFFFF  }
0x4a: {  	v3 =	vperm.xlane v3, v1;
	[tilespmem:s26], [sflag:$0x8] =	stream.indirect_vreg.gather [hbm4b:s1+s16], $0x1, v4, vm0, $0x4038;
	v4 =	vnsel vm6, $0xFFFFFFFE, v4;
	[tilespmem:$0x11A60] =	vst v63  }
0x4b: {  	s2 =	simm.s32 $0x0;
	s22 =	sadd.s32 $0xFFFFFFF0, s28;
	[tilespmem:s28+$0x0] =	vst v4  }
.LBB2_3:
0x4c: {  	v4 =	vld.msk [tilespmem:s22+$0x0 ss:$0x1], $0xffff;
	s2 =	sadd.s32 $0x10, s2;
	v5 =	vmov v3;
	s28 =	smov.u32 s22  }
0x4d: {  	p1 =	slt.u32 s2, $0x1F30;
	_ =	sdelay $0x4  }
0x4e: {  	v3 =	vperm.xlane v4, v1;
	(xrf1) =	vunique.msk.u32 $0xffff, v4;
	_ =	sdelay $0xd  }
0x4f: {  	v6, _, _ =	vpop (xrf1)  }
0x50: {  	vm5 =	vne.s32 v4, v5;
	vm4 =	veq.s32 v6, v2  }
0x51: {  	vm6 =	vlt.u32 v4, $0x2800;
	vm4 =	vmand vm5, vm4  }
0x52: {  	vm4 =	vmand vm6, vm4  }
0x53: {  	v4 =	vnsel vm4, $0xFFFFFFFF, v4  }
.Ltmp3:
0x54: {  	v5 =	vnsel vm6, $0xFFFFFFFE, v4;
	(pc) =	sbr.rel @p1 .LBB2_3-.Ltmp3, $3  }
0x55: {  	_ =	sdelay $0x1  }
0x56: {  	s22 =	sadd.s32 $0xFFFFFFF0, s22;
	s26 =	sadd.s32 $0xFFFFFFF0, s26;
	(ifvalue) =	ssetifvalue $0xFFFFFFFF  }
0x57: {  	[tilespmem:s26], [sflag:$0x8] =	stream.indirect_vreg.gather [hbm4b:s1+s16], $0x1, v4, vm0, $0x4038;
	[tilespmem:s28+$0x0] =	vst v5  }
0x58: {  	s2 =	sshrl.u32 s25, $0x3  }
0x59: {  	s0 =	sadd.s32 $0x9D40, s0;
	s2 =	sadd.s32 s6, s2  }
0x5a: {  	[tilespmem:s0], [sflag:$0x8] =	stream.linear.gather [hbm:s2], $0x1F40, $0x38;
	[tilespmem:$0x11A60] =	vst v63  }
.LBB2_5:
0x5b: {  	p1 =	slt.u32 s24, $0x2  }
0x5c: {  	p2 =	sge.u32 @!p1 s24, s12  }
0x5d: {  	p1 =	por p1, p2  }
.Ltmp4:
0x5e: {  	_ = 	snop;
	(pc) =	sbr.rel @p1 .LBB2_9-.Ltmp4, $1  }
0x5f: {  	_ =	sdelay $0x3  }
0x60: {  	s0 =	sadd.s32 $0xFFFFFFFE, s24  }
0x61: {  	s2 =	smulhi.u32 $0xAAAAAAAB, s0;
	_ =	sdelay $0x1  }
0x62: {  	s2 =	sshrl.u32 s2, $0x1  }
0x63: {  	s2 =	smul.u32 $0x3, s2;
	_ =	sdelay $0x1  }
0x64: {  	s0 =	ssub.s32 s0, s2  }
0x65: {  	_ =	swait.ge [sflag:s8], $0x3E80;
	s0 =	smul.u32 $0x1F40, s0  }
0x66: {  	p1 =	sne.s32 s24, s11;
	[sflag:s8] =	ssyncset.done $0x0  }
0x67: {  	[sflag:s8] =	ssyncadd.s32 $0xFFFFC180;
	s2 =	sadd.s32 @!p1 $0x203F, s0  }
0x68: {  	[spmem:s13] =	stream.linear.scatter @!p1 [tilespmem:s2], [sflag:$0x1], $0x1, $0x38;
	[tilespmem:$0x11A60] =	vst v63  }
0x69: {  	s2 =	simm.s32 @!p1 $0x1  }
0x6a: {  	_ =	swait.ge @!p1 [sflag:s2], $0x1  }
0x6b: {  	s22 =	sshll.u32 s24, $0x4;
	[sflag:s2] =	ssyncset.done @!p1 $0x0  }
0x6c: {  	s25 =	sand.u32 $0x10, s22;
	[sflag:s2] =	ssyncadd.s32 @!p1 $0xFFFFFFFF  }
0x6d: {  	s2 =	sxor.u32 $0x10, s25;
	v4 =	vld [tilespmem:s25+$0x10]  }
0x6e: {  	v5 =	vld [tilespmem:s2+$0x60]  }
0x6f: {  	v3 =	vld [tilespmem:$0x80];
	_ =	sdelay $0x2  }
0x70: {  	(v2sf) =	vpush v4, $0x0  }
0x71: {  	(v2sf) =	vpush v5, $0x0  }
0x72: {  	(v2sf) =	vpush v3, $0x0;
	_ =	sdelay $0xc  }
0x73: {  	s22 =	spop (v2sf)  }
0x74: {  	s26 =	spop (v2sf)  }
0x75: {  	s28 =	spop (v2sf)  }
0x76: {  	p2 =	seq.s32 s22, s26;
	p3 =	seq.s32 s28, s22  }
0x77: {  	p3 =	por p2, p3  }
0x78: {  	s26 =	sand.u32 $0x1, s24;
	v4 =	vpsel p3, $0xFFFFFFFF, v4  }
0x79: {  	s29 =	smul.u32 $0x1F40, s26;
	[tilespmem:s25+$0x10] =	vst.msk $0x1, v4  }
0x7a: {  	v4 =	vld [tilespmem:$0x30]  }
0x7b: {  	v5 =	vld [tilespmem:s29+$0x9D40]  }
0x7c: {  	v6 =	vld [tilespmem:s25+$0x40];
	_ =	sdelay $0x3  }
0x7d: {  	vm4 =	vmmov vm1;
	v5 =	vadd.f32 v5, v4  }
0x7e: {  	vm5 =	vmmov vm2;
	vm4 =	vmmov @p2 vm2;
	s22 =	sshll.u32 s26, $0x4;
	v4 =	vadd.f32 v6, v4  }
0x7f: {  	s26 =	sor.u32 $0x11A40, s22;
	vm5 =	vmmov @p3 vm1;
	[tilespmem:s29+$0x9D40] =	vst.msk vm4, v5  }
0x80: {  	[tilespmem:s26+$0x0] =	vst.msk vm5, v4  }
0x81: {  	v4 =	vld [tilespmem:s29+$0x7DF0];
	_ =	sdelay $0x3  }
0x82: {  	v5 =	vimm.f32 $0.0e+00  }
0x83: {  	v4 =	vshift.insert v4, v5, s21  }
0x84: {  	s22 =	sor.u32 $0x40, s2  }
0x85: {  	[tilespmem:s22+$0x0] =	vst.msk $0x1, v4  }
0x86: {  	[tilespmem:s29+$0x7DFF] =	vst.msk $0x1, v5  }
0x87: {  	v4 =	vld [tilespmem:s0+$0x2030];
	_ =	sdelay $0x1  }
0x88: {  	s22 =	smulhi.u32 $0xAAAAAAAB, s20;
	s0 =	simm.s32 $0x1  }
0x89: {  	s0 =	simm.s32 @!p0 $0x0  }
0x8a: {  	s22 =	sshrl.u32 s22, $0x1;
	s0 =	smul.u32 $0x7D00, s0  }
0x8b: {  	s22 =	smul.u32 $0xFFFE8900, s22;
	v4 =	vshift.insert v4, v1, s21  }
0x8c: {  	s0 =	sshrl.u32 s0, $0x2  }
0x8d: {  	s22 =	sshra.s32 s22, $0x2;
	s30 =	sadd.s32 $0x9D40, s0;
	[tilespmem:s2+$0x10] =	vst.msk $0x1, v4  }
0x8e: {  	s22 =	sadd.s32 s22, s19;
	v6 =	vld [tilespmem:s30+$0x0]  }
0x8f: {  	v7 =	vld [tilespmem:s22+$0x0];
	_ =	sdelay $0x3  }
0x90: {  	v5 =	vadd.f32 v6, v5  }
0x91: {  	vm4 =	vne.s32 v7, $0xFFFFFFFF  }
0x92: {  	(xrf2) =	vadd.seg.scan.f32 vm4, v5;
	_ =	sdelay $0x3  }
0x93: {  	s31 =	sadd.s32 $0x5EC0, s0;
	v5 =	vperm.xlane v4, v1  }
0x94: {  	v6 =	vld [tilespmem:s31+$0x0]  }
0x95: {  	vm5 =	veq.s32 v7, v3;
	vm6 =	veq.s32 v7, v5  }
0x96: {  	vm7 =	vgt.u32 v7, $0xFFFFFFFD;
	vm6 =	vmor vm6, vm5  }
0x97: {  	vm6 =	vmor vm6, vm7  }
0x98: {  	v9 =	vld [tilespmem:$0xA0];
	v7 =	vsel vm6, $0xFFFFFFFF, v7  }
0x99: {  	v10 =	vld [tilespmem:$0x90];
	v6 =	vsel vm5, $0x0, v6;
	v8, _, _ =	vpop (xrf2)  }
0x9a: {  	v6 =	vadd.f32 v8, v6  }
0x9b: {  	s0 =	sadd.s32 $0xDBC0, s0  }
0x9c: {  	vm4 =	vmand vm4, vm3;
	[tilespmem:s0+$0x0] =	vst v6;
	(ifvalue) =	ssetifvalue $0xFFFFFFFF  }
0x9d: {  	vm6 =	veq.s32 v9, $0x1;
	[hbm4b:s1+s16] =	stream.indirect_vreg.scatter [tilespmem:s0], [sflag:$0x2], $0x1, v7, vm0, $0x4038;
	v7 =	vsel vm4, $0x0, v8;
	[tilespmem:$0x11A60] =	vst v63  }
0x9e: {  	s2 =	simm.s32 $0x0;
	s22 =	sadd.s32 $0x10, s22;
	vm4 =	vmor vm6, vm5;
	v6 =	vsel vm5, v8, v10;
	v7 =	vshift.insert v7, v0, s21  }
.LBB2_7:
0x9f: {  	v8 =	vld [tilespmem:s22+$0x0];
	s30 =	sadd.s32 $0x10, s30  }
0xa0: {  	s31 =	sadd.s32 $0x10, s31;
	v9 =	vld [tilespmem:s30+$0x0]  }
0xa1: {  	s2 =	sadd.s32 $0x10, s2;
	v10 =	vld [tilespmem:s31+$0x0]  }
0xa2: {  	p2 =	slt.u32 s2, $0x1F30;
	_ =	sdelay $0x2  }
0xa3: {  	v7 =	vadd.f32 v9, v7  }
0xa4: {  	vm5 =	vne.s32 v8, $0xFFFFFFFF  }
0xa5: {  	vm6 =	vmand vm5, vm3;
	(xrf2) =	vadd.seg.scan.f32 vm5, v7;
	_ =	sdelay $0x5  }
0xa6: {  	vm7 =	veq.s32 v8, v5;
	vm5 =	veq.s32 v8, v3  }
0xa7: {  	vm8 =	vgt.u32 v8, $0xFFFFFFFD;
	vm4 =	vmor vm4, vm5;
	vm7 =	vmor vm7, vm5  }
0xa8: {  	vm7 =	vmor vm7, vm8  }
0xa9: {  	v8 =	vsel vm7, $0xFFFFFFFF, v8  }
.Ltmp5:
0xaa: {  	v7 =	vsel vm5, $0x0, v10;
	v9, _, _ =	vpop (xrf2);
	(pc) =	sbr.rel @p2 .LBB2_7-.Ltmp5, $4  }
0xab: {  	v6 =	vsel vm5, v9, v6;
	v10 =	vadd.f32 v9, v7;
	v7 =	vsel vm6, $0x0, v9  }
0xac: {  	s0 =	sadd.s32 $0x10, s0;
	v7 =	vshift.insert v7, v0, s21  }
0xad: {  	s22 =	sadd.s32 $0x10, s22;
	[tilespmem:s0+$0x0] =	vst v10;
	(ifvalue) =	ssetifvalue $0xFFFFFFFF  }
0xae: {  	[hbm4b:s1+s16] =	stream.indirect_vreg.scatter [tilespmem:s0], [sflag:$0x2], $0x1, v8, vm0, $0x4038;
	[tilespmem:$0x11A60] =	vst v63  }
0xaf: {  	v3 =	vld [tilespmem:s29+$0xFAF0];
	_ =	sdelay $0x4  }
0xb0: {  	v3 =	vshift.insert v3, v0, s21  }
0xb1: {  	s0 =	simm.s32 $0x30  }
0xb2: {  	[tilespmem:s0+$0x0] =	vst.msk $0x1, v3  }
0xb3: {  	v3 =	vsel vm4, $0x1, v1;
	[tilespmem:$0x90] =	vst v6  }
0xb4: {  	s0 =	sadd.s32 @!p1 $0xFAFF, s29;
	[tilespmem:$0xA0] =	vst v3  }
0xb5: {  	[spmem:s14] =	stream.linear.scatter @!p1 [tilespmem:s0], [sflag:$0x1], $0x1, $0x38;
	[tilespmem:$0x11A60] =	vst v63  }
0xb6: {  	s0 =	simm.s32 @!p1 $0x1  }
0xb7: {  	v3 =	vmctz.xlane @!p1 vm4;
	_ =	swait.ge @!p1 [sflag:s0], $0x1  }
0xb8: {  	(v2sf) =	vpush @!p1 v4, $0x0  }
0xb9: {  	(v2sf) =	vpush @!p1 v3, $0x0;
	_ =	sdelay $0xd  }
0xba: {  	s2 =	spop @!p1 (v2sf)  }
0xbb: {  	s22 =	spop @!p1 (v2sf)  }
0xbc: {  	p2 =	sne.s32 @!p1 s28, s2;
	p3 =	slt.s32 @!p1 s22, $0xF  }
0xbd: {  	[sflag:s0] =	ssyncset.done @!p1 $0x0;
	p2 =	por p2, p1;
	p3 =	por !p3, p1  }
0xbe: {  	[sflag:s0] =	ssyncadd.s32 @!p1 $0xFFFFFFFF;
	v3 =	vimm.s32 @!p2 $0xFFFFFFFF;
	s22 =	simm.s32 @p3 $0xF  }
0xbf: {  	[tilespmem:$0x80] =	vst @!p2 v3;
	s2 =	sadd.s32 @!p1 $0x90, s22  }
0xc0: {  	[spmem:s10] =	stream.linear.scatter @!p1 [tilespmem:s2], [sflag:$0x1], $0x1, $0x38;
	[tilespmem:$0x11A60] =	vst v63  }
0xc1: {  	_ =	swait.ge @!p1 [sflag:s0], $0x1  }
0xc2: {  	[sflag:s0] =	ssyncset.done @!p1 $0x0  }
0xc3: {  	s2 =	simm.s32 @!p1 $0x80;
	[sflag:s0] =	ssyncadd.s32 @!p1 $0xFFFFFFFF  }
0xc4: {  	[spmem:s15] =	stream.linear.scatter @!p1 [tilespmem:s2], [sflag:$0x1], $0x1, $0x38;
	[tilespmem:$0x11A60] =	vst v63  }
0xc5: {  	_ =	swait.ge @!p1 [sflag:s0], $0x1  }
0xc6: {  	[sflag:s0] =	ssyncset.done @!p1 $0x0  }
0xc7: {  	[sflag:s0] =	ssyncadd.s32 @!p1 $0xFFFFFFFF;
	(ifvalue) =	ssetifvalue $0xFFFFFFFF;
	v3 =	vld [tilespmem:s25+$0x10];
	_ =	sdelay $0x3  }
.Ltmp6:
0xc8: {  	_ = 	snop;
	(pc) =	sbr.rel .LBB2_9-.Ltmp6, $3  }
0xc9: {  	_ =	sdelay $0x1  }
0xca: {  	(ifvalue) =	ssetifvalue $0xFFFFFFFF  }
0xcb: {  	[hbm4b:s1+s16] =	stream.indirect_vreg.scatter [tilespmem:s26], [sflag:$0x9], $0x1, v3, vm0, $0x4038;
	[tilespmem:$0x11A60] =	vst v63  }
.LBB2_10:
0xcc: {  	_ =	sfence.sel $0x180000  }
0xcd: {  	s0 =	simm.s32 $0x7;
	[bflag:$0x0] =	sbarrier.arrive $0xFFFF  }
0xce: {  	s26 =	simm.s32 $0x8;
	[sflag:s0] =	ssyncpa.u1 $0x1  }
0xcf: {  	s28 =	simm.s32 $0x9;
	[sflag:s26] =	ssyncpa.u1 $0x1  }
0xd0: {  	[sflag:s28] =	ssyncpa.u1 $0x1  }
0xd1: {  	_ =	sfence.stream.spmem  }
0xd2: {  	s29 =	simm.s32 $0x3;
	[bflag:$0x0] =	sbarrier.arrive $0xFFFF  }
0xd3: {  	s30 =	simm.s32 $0x4;
	[sflag:s29] =	ssyncpa.u1 $0x1  }
0xd4: {  	s31 =	simm.s32 $0x3C;
	s2 =	stileid.u32;
	[sflag:s30] =	ssyncpa.u1 $0x1  }
0xd5: {  	p0 =	sne.s32 s2, $0x0;
	[sflag:s31] =	ssyncpa.u1 $0x1  }
0xd6: {  	s0 =	simm.s32 @p0 $0x1;
	_ =	sfence @p0  }
0xd7: {  	[sflag:s0] =	ssyncpa.u1 @p0 $0x1;
	s0 =	simm.s32 @p0 $0x2  }
0xd8: {  	[sflag:s0] =	ssyncpa.u1 @p0 $0x1  }
0xd9: {  	_ =	strace @p0 $0x9000004A  }
0xda: {  	[bflag:$0x2] =	sbarrier.arrive @p0 $0xFFFF  }
0xdb: {  	_ =	shalt @p0  }
.LBB2_11:
0xdc: {  	_ =	sfence.stream.spmem;
	s0 =	simm.s32 $0x5  }
0xdd: {  	s2 =	simm.s32 $0x80;
	s3 =	simm.s32 $0xC0;
	[sflag:s0] =	ssyncpa.u1 $0x0  }
0xde: {  	[tilespmem:s3], [sflag:$0x5] =	stream.linear.gather [spmem:s2], $0x20, $0x38;
	[tilespmem:$0x11A60] =	vst v63  }
0xdf: {  	s2 =	simm.s32 $0x0;
	s3 =	simm.s32 $0xE0  }
0xe0: {  	[tilespmem:s3], [sflag:$0x5] =	stream.linear.gather [spmem:s2], $0x20, $0x38;
	[tilespmem:$0x11A60] =	vst v63  }
.Ltmp7:
0xe1: {  	_ = 	snop;
	(pc) =	sbr.rel .LBB2_12-.Ltmp7, $4  }
0xe2: {  	_ =	swait.ge [sflag:s0], $0x40  }
0xe3: {  	[sflag:s0] =	ssyncset.done $0x0  }
0xe4: {  	s31 =	simm.s32 $0x6;
	[sflag:s0] =	ssyncadd.s32 $0xFFFFFFC0  }
0xe5: {  	s4 =	simm.s32 $0x0;
	[sflag:s31] =	ssyncpa.u1 $0x0  }
.LBB2_17:
0xe6: {  	p0 =	sgt.u32 s5, $0x27FF  }
0xe7: {  	s0 =	sshrl.u32 @!p0 s5, $0x3  }
0xe8: {  	s5 =	sand.u32 @!p0 $0x7, s5;
	s6 =	simm.s32 @!p0 $0xB0;
	s0 =	sadd.s32 @!p0 s1, s0  }
0xe9: {  	[tilespmem:s6], [sflag:$0x6] =	stream.linear.gather @!p0 [hbm4b:s0+s5], $0x1, $0x38;
	[tilespmem:$0x11A60] =	vst v63  }
0xea: {  	s0 =	simm.s32 @!p0 $0x6  }
0xeb: {  	_ =	swait.ge @!p0 [sflag:s0], $0x1  }
0xec: {  	[sflag:s0] =	ssyncset.done @!p0 $0x0  }
0xed: {  	[sflag:s0] =	ssyncadd.s32 @!p0 $0xFFFFFFFF  }
0xee: {  	v2 =	vmov @!p0 s4;
	v1 =	vld.msk @!p0 [tilespmem:$0xB0], $0x1;
	_ =	sdelay $0x3  }
0xef: {  	s0 =	simm.s32 @!p0 $0xE0  }
0xf0: {  	[tilespmem:v2+s0+$0x0], v1 =	vst.idx.ret.add.f32.msk @!p0 $0x1, v1  }
0xf1: {  	[tilespmem:s2+$0xC0] =	vst.msk $0x1, v0  }
0xf2: {  	v0 =	vld.msk [tilespmem:s4+$0xE0], $0x1;
	_ =	sdelay $0x4  }
0xf3: {  	[tilespmem:s2+$0xE0] =	vst.msk $0x1, v0;
	s2 =	sadd.s32 $0x1, s2  }
.LBB2_19:
0xf4: {  	s4 =	sadd.s32 $0x1, s4  }
0xf5: {  	p0 =	sne.s32 s4, $0x20  }
.Ltmp8:
0xf6: {  	_ = 	snop;
	(pc) =	sbr.rel @!p0 .LBB2_20-.Ltmp8, $1  }
0xf7: {  	_ =	sdelay $0x3  }
.LBB2_12:
0xf8: {  	v0 =	vld.msk [tilespmem:s4+$0xC0], $0x1;
	_ =	sdelay $0x4  }
0xf9: {  	(v2sf) =	vpush v0, $0x0;
	_ =	sdelay $0xe  }
0xfa: {  	s5 =	spop (v2sf)  }
0xfb: {  	p0 =	seq.s32 s5, $0xFFFFFFFF  }
.Ltmp9:
0xfc: {  	_ = 	snop;
	(pc) =	sbr.rel @p0 .LBB2_19-.Ltmp9, $1  }
0xfd: {  	_ =	sdelay $0x3  }
0xfe: {  	p0 =	slt.s32 s2, $0x1  }
.Ltmp10:
0xff: {  	_ = 	snop;
	(pc) =	sbr.rel @p0 .LBB2_17-.Ltmp10, $1  }
0x100: {  	_ =	sdelay $0x3  }
0x101: {  	s0 =	simm.s32 $0xC0;
	p0 =	por $0x0, $0x0  }
0x102: {  	v1 =	vld.msk @!p0 [tilespmem:s0+$0x0], $0x1;
	_ =	sdelay $0x4  }
0x103: {  	(v2sf) =	vpush @!p0 v1, $0x0;
	_ =	sdelay $0xd  }
0x104: {  	p2 =	sne.s32 s2, $0x1  }
.Ltmp11:
0x105: {  	s6 =	spop @!p0 (v2sf);
	(pc) =	sbr.rel @!p2 .LBB2_16-.Ltmp11, $4  }
0x106: {  	p1 =	seq.s32 @!p0 s5, s6  }
0x107: {  	s6 =	simm.s32 $0x0;
	p1 =	por !p1, p0  }
0x108: {  	s8 =	simm.s32 $0xFFFFFFFF;
	s6 =	simm.s32 @p1 $0xFFFFFFFF  }
0x109: {  	s7 =	simm.s32 $0x1;
	s6 =	smov.u32 @p0 s8  }
.LBB2_15:
0x10a: {  	s8 =	smov.u32 s6;
	p0 =	sne.s32 s6, $0xFFFFFFFF  }
0x10b: {  	s0 =	sadd.s32 $0x1, s0;
	s6 =	smov.u32 s7;
	s7 =	sadd.s32 $0x1, s7  }
0x10c: {  	p1 =	sne.s32 s2, s7;
	v1 =	vld.msk @!p0 [tilespmem:s0+$0x0], $0x1;
	_ =	sdelay $0x4  }
0x10d: {  	(v2sf) =	vpush @!p0 v1, $0x0;
	_ =	sdelay $0xe  }
.Ltmp12:
0x10e: {  	s9 =	spop @!p0 (v2sf);
	(pc) =	sbr.rel @p1 .LBB2_15-.Ltmp12, $4  }
0x10f: {  	p2 =	seq.s32 @!p0 s5, s9  }
0x110: {  	p2 =	por !p2, p0  }
0x111: {  	s6 =	simm.s32 @p2 $0xFFFFFFFF  }
0x112: {  	s6 =	smov.u32 @p0 s8  }
.LBB2_16:
0x113: {  	p0 =	sne.s32 s6, $0xFFFFFFFF  }
.Ltmp13:
0x114: {  	_ = 	snop;
	(pc) =	sbr.rel @!p0 .LBB2_17-.Ltmp13, $1  }
0x115: {  	_ =	sdelay $0x3  }
0x116: {  	v0 =	vld.msk [tilespmem:s4+$0xE0], $0x1;
	v1 =	vmov s6  }
.Ltmp14:
0x117: {  	_ = 	snop;
	(pc) =	sbr.rel .LBB2_19-.Ltmp14, $2  }
0x118: {  	_ =	sdelay $0x2  }
0x119: {  	[tilespmem:v1+s3+$0x0], v0 =	vst.idx.ret.add.f32.msk $0x1, v0  }
.LBB2_20:
0x11a: {  	p0 =	slt.s32 s2, $0x1  }
.Ltmp15:
0x11b: {  	_ = 	snop;
	(pc) =	sbr.rel @p0 .LBB2_24-.Ltmp15, $3  }
0x11c: {  	_ =	sdelay $0x1  }
0x11d: {  	s0 =	simm.s32 $0x6  }
0x11e: {  	s3 =	simm.s32 $0x0;
	[sflag:s0] =	ssyncpa.u1 $0x1  }
0x11f: {  	s0 =	simm.s32 $0xC0  }
0x120: {  	v0 =	vld.msk [tilespmem:s0+$0x0], $0x1;
	_ =	sdelay $0x4  }
0x121: {  	(v2sf) =	vpush v0, $0x0;
	_ =	sdelay $0xe  }
0x122: {  	s2 =	sadd.s32 $0xFFFFFFFF, s2;
	s4 =	spop (v2sf)  }
0x123: {  	p1 =	sne.s32 s2, $0x0;
	p0 =	sgt.u32 s4, $0x27FF  }
.Ltmp16:
0x124: {  	s5 =	sshrl.u32 @!p0 s4, $0x3;
	(pc) =	sbr.rel @!p1 .LBB2_23-.Ltmp16, $4  }
0x125: {  	s0 =	simm.s32 $0xE0;
	s4 =	sand.u32 @!p0 $0x7, s4;
	s5 =	sadd.s32 @!p0 s1, s5  }
0x126: {  	[hbm4b:s5+s4] =	stream.linear.scatter @!p0 [tilespmem:s0], [sflag:$0x5], $0x1, $0x38;
	[tilespmem:$0x11A60] =	vst v63  }
0x127: {  	s5 =	simm.s32 $0x0  }
0x128: {  	s4 =	simm.s32 $0xC1;
	s5 =	simm.s32 @!p0 $0x4  }
.LBB2_22:
0x129: {  	v0 =	vld.msk [tilespmem:s4+$0x0], $0x1;
	s2 =	sadd.s32 $0xFFFFFFFF, s2;
	s3 =	sadd.s32 s3, s5  }
0x12a: {  	p0 =	sne.s32 s2, $0x0;
	_ =	sdelay $0x3  }
0x12b: {  	(v2sf) =	vpush v0, $0x0;
	_ =	sdelay $0xe  }
.Ltmp17:
0x12c: {  	s6 =	spop (v2sf);
	(pc) =	sbr.rel @p0 .LBB2_22-.Ltmp17, $4  }
0x12d: {  	s5 =	simm.s32 $0x0;
	p1 =	sgt.u32 s6, $0x27FF  }
0x12e: {  	s0 =	sadd.s32 $0x1, s0;
	s5 =	simm.s32 @!p1 $0x4;
	s7 =	sshrl.u32 @!p1 s6, $0x3  }
0x12f: {  	s4 =	sadd.s32 $0x1, s4;
	s6 =	sand.u32 @!p1 $0x7, s6;
	s7 =	sadd.s32 @!p1 s1, s7  }
0x130: {  	[hbm4b:s7+s6] =	stream.linear.scatter @!p1 [tilespmem:s0], [sflag:$0x5], $0x1, $0x38;
	[tilespmem:$0x11A60] =	vst v63  }
.LBB2_23:
0x131: {  	s0 =	sadd.s32 s3, s5  }
0x132: {  	s3 =	sshrl.u32 s0, $0x2  }
.LBB2_24:
0x133: {  	s0 =	simm.s32 $0x5  }
0x134: {  	_ =	swait.ge [sflag:s0], s3  }
0x135: {  	s1 =	ssub.s32 $0x0, s3;
	[sflag:s0] =	ssyncset.done $0x0  }
0x136: {  	[sflag:s0] =	ssyncadd.s32 s1  }
0x137: {  	[sflag:s0] =	ssyncpa.u1 $0x1  }
0x138: {  	s29 =	simm.s32 $0x1;
	_ =	sfence  }
0x139: {  	s30 =	simm.s32 $0x2;
	[sflag:s29] =	ssyncpa.u1 $0x1  }
0x13a: {  	[sflag:s30] =	ssyncpa.u1 $0x1  }
0x13b: {  	_ =	strace $0x9000004A  }
0x13c: {  	[bflag:$0x2] =	sbarrier.arrive $0xFFFF  }
0x13d: {  	s31 =	rddreg [dreg:$0x1]  }
0x13e: {  	s0 =	sadd.s32 $0x100000, s31  }
0x13f: {  	[sflag:s0] =	ssyncadd.tile.s32 $0x1;
	_ =	shalt  }
.Lfunc_end2:
_tile_overlayer_lowered:
.L_overlay_start_2:
0x140: {  	(tag) =	ssettag $0x2  }
0x141: {  	s0 =	rddreg [dreg:$0x0];
	s2 =	stileid.u32  }
0x142: {  	s1 =	rddreg [dreg:$0x1];
	p0 =	sne.s32 s2, $0x0  }
0x143: {  	s3 =	rddreg [dreg:$0x2];
	[bflag:$0x3] =	sbarrier.arrive $0xFFFF;
	s2 =	simm.s32 @!p0 $0x1C01  }
0x144: {  	[timem:s3], [sflag:s2] =	dma.local @!p0 [hbm:s0], s1  }
0x145: {  	s0 =	simm.s32 @!p0 $0x1  }
0x146: {  	_ =	swait.ge @!p0 [sflag:s0], s1  }
0x147: {  	s1 =	ssub.s32 @!p0 $0x0, s1;
	[sflag:s0] =	ssyncset.done @!p0 $0x0  }
0x148: {  	[sflag:s0] =	ssyncadd.s32 @!p0 s1  }
0x149: {  	[bflag:$0x3] =	sbarrier.arrive $0xFFFF  }
0x14a: {  	_ =	shalt  }

// kernel: scatter_offload_async_start.2
scs
__scs_entry_jumppad:
0x0: {  	(pc) =	sbr.rel $0x88, $3  }
0x1: {  	(tag) =	ssettag $0x0;
	lr =	simm.s32 $0x1  }
0x2: {  	[smem:$0x3F95] =	sst lr;
	_ =	strace $0xD0000000  }
0x3: {  	_ = 	snop  }
0x4: {  	_ = 	snop  }
0x5: {  	_ = 	snop  }
0x6: {  	_ = 	snop  }
0x7: {  	_ = 	snop  }
__scs_overlays_trampoline_lowered:
0x8: {  	[smem:$0x3FA4] =	sst s0  }
0x9: {  	[smem:$0x3FA5] =	sst s1  }
0xa: {  	[smem:$0x3FA6] =	sst s2  }
0xb: {  	[smem:$0x3FA7] =	sst s3  }
0xc: {  	[smem:$0x3FA8] =	sst s4  }
0xd: {  	[smem:$0x3FA9] =	sst s5  }
0xe: {  	[smem:$0x3FAA] =	sst s6  }
0xf: {  	[smem:$0x3FAB] =	sst s7  }
0x10: {  	[smem:$0x3FAC] =	sst s8  }
0x11: {  	[smem:$0x3FAD] =	sst s9;
	s0 =	simm.s32 @!p0 $0x0  }
0x12: {  	s1 =	sld [smem:$0x3F93];
	s0 =	simm.s32 @p0 $0x1  }
0x13: {  	[smem:$0x3FAE] =	sst s0;
	s0 =	simm.s32 @!p1 $0x0  }
0x14: {  	s2 =	sld [smem:$0x3F92];
	s0 =	simm.s32 @p1 $0x1  }
0x15: {  	[smem:$0x3FAF] =	sst s0;
	s0 =	simm.s32 @!p2 $0x0  }
0x16: {  	s3 =	sld [smem:$0x3FDB];
	s0 =	simm.s32 @p2 $0x1  }
0x17: {  	s4 =	simm.s32 $0x1BF5;
	[smem:$0x3FB1] =	sst s0  }
0x18: {  	s0 =	sld [smem:$0x3F94];
	_ =	swait.ge [sflag:s4], $0x0  }
0x19: {  	s7 =	sld [smem:$0x3F95]  }
0x1a: {  	s8 =	sadd.s32 $0xFFFFE003, lr  }
0x1b: {  	s9 =	sadd.s32 $0xFFFFFEF7, lr;
	s5 =	simm.s32 $0xFFFFFFFF;
	p2 =	slt.u32 s8, $0xFFFFF086  }
0x1c: {  	p1 =	slt.u32 s9, $0xF7A;
	s5 =	simm.s32 @!p2 $0x0  }
0x1d: {  	s5 =	simm.s32 @p1 $0x1;
	p0 =	seq.s32 s7, s2  }
0x1e: {  	s7 =	smul.u32 @!p0 $0xF7A, s2;
	p2 =	seq.s32 @!p0 s5, $0x0  }
0x1f: {  	s9 =	smul.u32 $0xF7A, s1;
	s8 =	simm.s32 @!p0 $0x1BF5;
	p2 =	por !p2, p0  }
0x20: {  	[sflag:s8] =	ssyncset.s32 @!p0 $0xFFFFF086;
	s6 =	sadd.s32 @!p0 s3, s7;
	s7 =	simm.s32 @!p0 $0x108  }
0x21: {  	s3 =	sadd.s32 s3, s9;
	s6 =	sadd.s32 @!p0 $0x88, s6;
	s7 =	simm.s32 @p2 $0x1082  }
0x22: {  	[simem:s7], [sflag:s8] =	dma.local @!p0 [hbm:s6], $0xF7A  }
0x23: {  	s9 =	sor.u32 $0xD0000000, s2;
	s6 =	simm.s32 $0x108;
	_ =	swait.ge @!p0 [sflag:s8], $0x0  }
0x24: {  	s3 =	sadd.s32 $0x88, s3;
	s6 =	simm.s32 @!p1 $0x1082;
	[sflag:s4] =	ssyncset.s32 $0xFFFFF086  }
0x25: {  	[simem:s6], [sflag:s4] =	dma.local [hbm:s3], $0xF7A  }
0x26: {  	[smem:$0x3F95] =	sst s1;
	(tag) =	ssettag s2;
	_ =	strace s9  }
0x27: {  	s1 =	sld [smem:$0x3FA5]  }
0x28: {  	s2 =	sld [smem:$0x3FA6]  }
0x29: {  	s4 =	sld [smem:$0x3FA8]  }
0x2a: {  	p0 =	seq.s32 s5, $0x0;
	s5 =	sld [smem:$0x3FA9]  }
0x2b: {  	s6 =	sld [smem:$0x3FAA]  }
0x2c: {  	s7 =	sld [smem:$0x3FAB]  }
0x2d: {  	s3 =	simm.s32 $0x108;
	s8 =	sld [smem:$0x3FAC]  }
0x2e: {  	s3 =	simm.s32 @!p0 $0x1082;
	s9 =	sld [smem:$0x3FAD]  }
0x2f: {  	lr =	sadd.s32 s0, s3;
	s0 =	sld [smem:$0x3FA4]  }
0x30: {  	s3 =	sld [smem:$0x3FA7]  }
0x31: {  	[smem:$0x3FB0] =	sst s10  }
0x32: {  	s10 =	sld [smem:$0x3FAE];
	_ =	sdelay $0x3  }
0x33: {  	p0 =	seq.s32 s10, $0x1;
	s10 =	sld [smem:$0x3FB0];
	_ =	sdelay $0x3  }
0x34: {  	[smem:$0x3FB0] =	sst s10  }
0x35: {  	s10 =	sld [smem:$0x3FAF];
	_ =	sdelay $0x3  }
0x36: {  	p1 =	seq.s32 s10, $0x1;
	s10 =	sld [smem:$0x3FB0];
	_ =	sdelay $0x3  }
0x37: {  	[smem:$0x3FB0] =	sst s10  }
0x38: {  	s10 =	sld [smem:$0x3FB1]  }
0x39: {  	_ = 	snop;
	(pc) =	sbr.ind lr, $3  }
0x3a: {  	_ = 	snop  }
0x3b: {  	_ = 	snop  }
0x3c: {  	p2 =	seq.s32 s10, $0x1;
	s10 =	sld [smem:$0x3FB0]  }
0x3d: {  	_ =	shalt  }
0x3e: {  	_ =	shalt  }
0x3f: {  	_ =	shalt  }
0x40: {  	_ =	shalt  }
0x41: {  	_ =	shalt  }
0x42: {  	_ =	shalt  }
0x43: {  	_ =	shalt  }
0x44: {  	_ =	shalt  }
0x45: {  	_ =	shalt  }
0x46: {  	_ =	shalt  }
0x47: {  	_ =	shalt  }
0x48: {  	_ =	shalt  }
0x49: {  	_ =	shalt  }
0x4a: {  	_ =	shalt  }
0x4b: {  	_ =	shalt  }
0x4c: {  	_ =	shalt  }
0x4d: {  	_ =	shalt  }
0x4e: {  	_ =	shalt  }
0x4f: {  	_ =	shalt  }
0x50: {  	_ =	shalt  }
0x51: {  	_ =	shalt  }
0x52: {  	_ =	shalt  }
0x53: {  	_ =	shalt  }
0x54: {  	_ =	shalt  }
0x55: {  	_ =	shalt  }
0x56: {  	_ =	shalt  }
0x57: {  	_ =	shalt  }
0x58: {  	_ =	shalt  }
0x59: {  	_ =	shalt  }
0x5a: {  	_ =	shalt  }
0x5b: {  	_ =	shalt  }
0x5c: {  	_ =	shalt  }
0x5d: {  	_ =	shalt  }
0x5e: {  	_ =	shalt  }
0x5f: {  	_ =	shalt  }
0x60: {  	_ =	shalt  }
0x61: {  	_ =	shalt  }
0x62: {  	_ =	shalt  }
0x63: {  	_ =	shalt  }
0x64: {  	_ =	shalt  }
0x65: {  	_ =	shalt  }
0x66: {  	_ =	shalt  }
0x67: {  	_ =	shalt  }
0x68: {  	_ =	shalt  }
0x69: {  	_ =	shalt  }
0x6a: {  	_ =	shalt  }
0x6b: {  	_ =	shalt  }
0x6c: {  	_ =	shalt  }
0x6d: {  	_ =	shalt  }
0x6e: {  	_ =	shalt  }
0x6f: {  	_ =	shalt  }
0x70: {  	_ =	shalt  }
0x71: {  	_ =	shalt  }
0x72: {  	_ =	shalt  }
0x73: {  	_ =	shalt  }
0x74: {  	_ =	shalt  }
0x75: {  	_ =	shalt  }
0x76: {  	_ =	shalt  }
0x77: {  	_ =	shalt  }
0x78: {  	_ =	shalt  }
0x79: {  	_ =	shalt  }
0x7a: {  	_ =	shalt  }
0x7b: {  	_ =	shalt  }
0x7c: {  	_ =	shalt  }
0x7d: {  	_ =	shalt  }
0x7e: {  	_ =	shalt  }
0x7f: {  	_ =	shalt  }
0x80: {  	_ =	shalt  }
0x81: {  	_ =	shalt  }
0x82: {  	_ =	shalt  }
0x83: {  	_ =	shalt  }
0x84: {  	_ =	shalt  }
0x85: {  	_ =	shalt  }
0x86: {  	_ =	shalt  }
0x87: {  	_ =	shalt  }
.Lfunc_end0:
.L_simem_size_0:
called_computation.2_lowered:
.L_overlay_start_0:
0x88: {  	s0 =	sld [smem:$0x3FD9]  }
0x89: {  	s1 =	sld [smem:$0x3FFE];
	_ =	sdelay $0x3  }
0x8a: {  	s0 =	sadd.s32 s1, s0  }
0x8b: {  	[smem:$0x3FBC] =	sst s0  }
0x8c: {  	_ = 	snop  }
0x8d: {  	(tm) =	ssettm $0x1  }
0x8e: {  	s15 =	sld [smem:$0x3FFB];
	_ =	sdelay $0x3  }
0x8f: {  	_ =	strace s15  }
0x90: {  	s0 =	sld [smem:$0x3FFC];
	_ =	sdelay $0x3  }
0x91: {  	_ =	strace s0  }
0x92: {  	s0 =	sld [smem:$0x3FFD];
	_ =	sdelay $0x3  }
0x93: {  	_ =	strace s0  }
0x94: {  	_ =	strace $0x8FFFFFFF  }
0x95: {  	s16 =	sld [smem:$0x3FDB];
	_ =	sdelay $0x1  }
0x96: {  	s17 =	simm.s32 $_scs_section_size  }
0x97: {  	s2 =	simm.s32 $_size__tile_overlayer_lowered;
	s3 =	simm.s32 $_tile_overlayer_lowered  }
0x98: {  	s20 =	simm.s32 $0x1BFF;
	s19 =	sshll.u32 s3, $0x1;
	s0 =	sadd.s32 s17, s16  }
0x99: {  	s4 =	simm.s32 $0x0;
	s18 =	sshll.u32 s2, $0x1;
	s2 =	sadd.s32 s19, s0  }
0x9a: {  	[timem:s4], [sflag:s20] =	dma.local [hbm:s2], s18  }
0x9b: {  	_ =	swait.ge [sflag:s20], s18  }
0x9c: {  	s1 =	ssub.s32 $0x0, s18;
	[sflag:s20] =	ssyncset.done $0x0  }
0x9d: {  	[sflag:s20] =	ssyncadd.s32 s1;
	_ =	sdelay $0x1  }
0x9e: {  	s21 =	simm.s32 $0x1B8B  }
0x9f: {  	_ =	swait.ge [sflag:s21], $0x1  }
0xa0: {  	[sflag:s21] =	ssyncset.done $0x0  }
0xa1: {  	s23 =	simm.s32 $0x1B8E;
	s22 =	sld [smem:$0x3FFE];
	[sflag:s21] =	ssyncadd.s32 $0xFFFFFFFF  }
0xa2: {  	s24 =	simm.s32 $execute0_lowered;
	[smem:$0x3FD2] =	sst s23  }
0xa3: {  	s2 =	sshll.u32 s24, $0x1;
	_ =	strace $0x8000004C;
	[dreg:$0x1] =	wrdreg $0xFFFFFFFF  }
0xa4: {  	s25 =	simm.s32 $_size_execute0_lowered;
	s0 =	sadd.s32 s0, s2;
	[dreg:$0x0] =	wrdreg $0x0  }
0xa5: {  	s2 =	sshll.u32 s25, $0x1;
	[dreg:$0x2] =	wrdreg s0  }
0xa6: {  	[dreg:$0x3] =	wrdreg s2  }
0xa7: {  	[dreg:$0x4] =	wrdreg $0xC0  }
0xa8: {  	_ =	task [dreg:s4], $0x5FFFF  }
0xa9: {  	[dreg:$0x1] =	wrdreg $0xFFFFFFFF  }
0xaa: {  	[dreg:$0x0] =	wrdreg $0x60  }
0xab: {  	[dreg:$0x2] =	wrdreg s22  }
0xac: {  	[dreg:$0x3] =	wrdreg $0x9  }
0xad: {  	_ =	task.clear_ibuf [dreg:s4], $0x4FFFF;
	_ =	strace $0x9000004C  }
0xae: {  	s26 =	simm.s32 $0x9;
	_ =	strace $0x8000004E  }
0xaf: {  	_ =	swait.ge [sflag:s26], $0x1  }
0xb0: {  	[sflag:s26] =	ssyncadd.s32 $0xFFFFFFFF  }
0xb1: {  	_ =	strace $0x9000004E  }
0xb2: {  	_ =	sfence  }
0xb3: {  	s28 =	sld [smem:$0x0];
	_ =	sdelay $0x1  }
0xb4: {  	s29 =	srdreg.scid  }
0xb5: {  	s30 =	sshll.u32 s29, $0xD;
	s31 =	sshrl.u32 s29, $0x2  }
0xb6: {  	s1 =	sand.u32 $0x1, s29;
	s2 =	sand.u32 $0x4000, s30;
	s0 =	sadd.s32 s31, s28  }
0xb7: {  	s1 =	sor.u32 s2, s1;
	s0 =	sshll.u32 s0, $0x11  }
0xb8: {  	s0 =	sor.u32 s0, s1  }
0xb9: {  	s0 =	sadd.s32 $0x8F2B, s0  }
0xba: {  	[sflag:s0] =	ssyncadd.remote.s32 $0x1  }
0xbb: {  	_ =	sfence.sel $0xFFFF  }
0xbc: {  	[dreg:$0x0] =	wrdreg $0xFFFFFFFF;
	(pc) =	sbr.abs _section_cstart, $3  }
0xbd: {  	[dreg:$0x1] =	wrdreg $0xFFFFFFFF  }
0xbe: {  	_ =	task.clear_ibuf [dreg:s4], $0x2FFFF;
	_ =	strace $0x9FFFFFFF  }
0xbf: {  	(tm) =	ssettm $0x7FFFFFFF  }
tec
execute0_lowered:
.L_overlay_start_1:
0x0: {  	(tag) =	ssettag $0x1  }
0x1: {  	s0 =	rddreg [dreg:$0x0]  }
0x2: {  	s6 =	stileid.u32;
	_ =	strace $0x8000004D;
	s2 =	simm.s32 $0x1  }
0x3: {  	v1 =	vimm.s32 $0xFFFFFFFF;
	s1 =	smin.u32 s6, $0x9;
	[sflag:s2] =	ssyncpa.u1 $0x0  }
0x4: {  	s1 =	sadd.s32 s6, s1;
	[tilespmem:$0x10] =	vst v1  }
0x5: {  	v0 =	vimm.f32 $0.0e+00;
	p0 =	slt.u32 s6, $0x9;
	[tilespmem:$0x20] =	vst v1;
	s3 =	smul.u32 $0x1A90, s1;
	s1 =	simm.s32 $0x3520  }
0x6: {  	[tilespmem:$0x30] =	vst v0;
	s1 =	simm.s32 @!p0 $0x1A90  }
0x7: {  	[tilespmem:$0x40] =	vst v0;
	s1 =	sadd.s32 s1, s3  }
0x8: {  	[tilespmem:$0x50] =	vst v0;
	s4 =	smin.u32 s1, $0x29810  }
0x9: {  	s7 =	simm.s32 $0x2;
	[tilespmem:$0x60] =	vst v1;
	s9 =	ssub.s32 s4, s3  }
0xa: {  	s8 =	simm.s32 $0x8;
	s31 =	simm.s32 $0x9;
	[tilespmem:$0x70] =	vst v1;
	p0 =	sgt.s32 s9, $0x0  }
0xb: {  	s16 =	simm.s32 $0x0;
	s17 =	simm.s32 $0xF0;
	[tilespmem:$0x80] =	vst v1;
	s9 =	simm.s32 @!p0 $0x0  }
0xc: {  	s18 =	simm.s32 $0xFFFFFFFF;
	s19 =	simm.s32 $0xFFFFCBE0;
	v1 =	vimm.s32 $0x0;
	[tilespmem:$0xB0] =	vst v0;
	s5 =	smulhi.u32 $0x134679AD, s9  }
0xd: {  	s20 =	simm.s32 $0xFFFFFFFE;
	s21 =	simm.s32 $0xF;
	s25 =	simm.s32 $0x0;
	[tilespmem:$0x90] =	vst v1  }
0xe: {  	[tilespmem:$0xA0] =	vst v1;
	[sflag:s7] =	ssyncpa.u1 $0x0;
	s7 =	simm.s32 $0x7;
	s10 =	sshrl.u32 s5, $0x9  }
0xf: {  	s24 =	simm.s32 $0x0;
	[sflag:s7] =	ssyncpa.u1 $0x0;
	s11 =	smul.u32 $0x1A90, s10  }
0x10: {  	s14 =	sshllo.u32 s6, $0x1;
	[sflag:s8] =	ssyncpa.u1 $0x0;
	s23 =	smov.u32 s3  }
.Ltmp0:
0x11: {  	s1 =	sadd.s32 $0x56A00, s0;
	p0 =	sne.s32 s9, s11;
	(pc) =	sbr.rel .LBB2_1-.Ltmp0, $4  }
0x12: {  	s5 =	sadd.s32 $0xA600, s0;
	s0 =	sadd.s32 $0xFA00, s0;
	s2 =	simm.s32 @!p0 $0x0  }
0x13: {  	[sflag:s31] =	ssyncpa.u1 $0x0;
	[dreg:$0x2] =	wrdreg s0;
	s9 =	sadd.s32 s2, s10  }
0x14: {  	vm0 =	vmmov $0xffff;
	v2 =	vlaneseq.u32;
	p0 =	por $0x0, $0x0;
	s10 =	sshll.u32 s6, $0x1;
	s11 =	sadd.s32 $0x1, s9  }
0x15: {  	vm1 =	vmxor vm1, vm1;
	vm2 =	vmmov $0x1;
	vm3 =	vcmask $0x3F3C;
	s12 =	sadd.s32 $0x2, s9;
	s13 =	sor.u32 $0x81, s10;
	s15 =	sor.u32 $0x80, s10  }
.LBB2_9:
0x16: {  	p1 =	slt.u32 s24, $0x3  }
0x17: {  	s0 =	simm.s32 @!p1 $0x2  }
0x18: {  	_ =	swait.ge @!p1 [sflag:s0], $0x1A90  }
0x19: {  	[sflag:s0] =	ssyncset.done @!p1 $0x0  }
0x1a: {  	[sflag:s0] =	ssyncadd.s32 @!p1 $0xFFFFE570;
	s0 =	simm.s32 @!p1 $0x9  }
0x1b: {  	_ =	swait.ge @!p1 [sflag:s0], $0x10  }
0x1c: {  	[sflag:s0] =	ssyncset.done @!p1 $0x0  }
0x1d: {  	[sflag:s0] =	ssyncadd.s32 @!p1 $0xFFFFFFF0;
	p1 =	sne.s32 s24, s12  }
.Ltmp1:
0x1e: {  	s2 =	sadd.s32 $0x1A90, s23;
	(pc) =	sbr.rel @!p1 .LBB2_10-.Ltmp1, $4  }
0x1f: {  	s6 =	smov.u32 s3;
	s31 =	sadd.s32 $0x1, s24;
	s17 =	sadd.s32 $0x1A90, s17  }
0x20: {  	s18 =	sadd.s32 $0x1, s18;
	s25 =	smov.u32 s23;
	p2 =	slt.s32 s2, s4  }
0x21: {  	p0 =	por !p0, !p0;
	s19 =	sadd.s32 $0x1A90, s19;
	s6 =	smov.u32 @p2 s2  }
0x22: {  	s20 =	sadd.s32 $0x1, s20;
	s23 =	smov.u32 s6;
	s24 =	smov.u32 s31  }
.LBB2_1:
0x23: {  	p1 =	sge.u32 s24, s9  }
0x24: {  	s0 =	smulhi.u32 @!p1 $0xAAAAAAAB, s24;
	_ =	sdelay $0x1  }
0x25: {  	s0 =	sshrl.u32 @!p1 s0, $0x1  }
0x26: {  	s0 =	smul.u32 @!p1 $0x3, s0;
	_ =	sdelay $0x1  }
0x27: {  	s0 =	ssub.s32 @!p1 s24, s0  }
0x28: {  	s0 =	smul.u32 @!p1 $0x6A40, s0;
	_ =	sdelay $0x1  }
0x29: {  	s2 =	sshrl.u32 @!p1 s23, $0x3;
	s0 =	sshrl.u32 @!p1 s0, $0x2  }
0x2a: {  	s22 =	sand.u32 @!p1 $0x7, s23;
	s2 =	sadd.s32 @!p1 s5, s2;
	s0 =	sadd.s32 @!p1 $0x100, s0  }
0x2b: {  	[tilespmem:s0], [sflag:$0x7] =	stream.linear.gather @!p1 [hbm4b:s2+s22], $0x1A90, $0x38;
	[tilespmem:$0xF030] =	vst v63  }
0x2c: {  	s0 =	sadd.s32 $0xFFFFFFFF, s24  }
0x2d: {  	p1 =	sge.u32 s0, s9  }
.Ltmp2:
0x2e: {  	_ = 	snop;
	(pc) =	sbr.rel @p1 .LBB2_5-.Ltmp2, $1  }
0x2f: {  	_ =	sdelay $0x3  }
0x30: {  	s2 =	smulhi.u32 $0xAAAAAAAB, s0;
	_ =	sdelay $0x1  }
0x31: {  	s2 =	sshrl.u32 s2, $0x1  }
0x32: {  	s2 =	smul.u32 $0x3, s2;
	_ =	sdelay $0x1  }
0x33: {  	s2 =	ssub.s32 s0, s2  }
0x34: {  	s2 =	smul.u32 $0x6A40, s2  }
0x35: {  	_ =	swait.ge [sflag:s7], $0x1A90  }
0x36: {  	[sflag:s7] =	ssyncset.done $0x0;
	s2 =	sshrl.u32 s2, $0x2  }
0x37: {  	[sflag:s7] =	ssyncadd.s32 $0xFFFFE570;
	(ifvalue) =	ssetifvalue $0xFFFFFFFF;
	v3 =	vld.msk [tilespmem:s2+$0x100 ss:$0x1], $0xffff;
	_ =	sdelay $0x2  }
0x38: {  	s30 =	smulhi.u32 $0xAAAAAAAB, s18;
	p1 =	sne.s32 s24, $0x1  }
0x39: {  	v4 =	vimm.s32 @!p1 $0x0  }
0x3a: {  	s2 =	sshrl.u32 s30, $0x1;
	v4 =	vperm.xlane @!p1 v3, v4  }
0x3b: {  	s22 =	sshll.u32 s24, $0x4;
	s2 =	smul.u32 $0xFFFEC140, s2;
	vm4 =	vlt.u32 v3, $0x6400000  }
0x3c: {  	s22 =	sand.u32 $0x10, s22;
	v3 =	vnsel vm4, $0xFFFFFFFE, v3;
	vm4 =	vlt.u32 @!p1 v4, $0x6400000  }
0x3d: {  	s2 =	sshra.s32 s2, $0x2;
	[tilespmem:s22+$0x60] =	vst v3;
	v3 =	vnsel @!p1 vm4, $0xFFFFFFFE, v4  }
0x3e: {  	s28 =	sadd.s32 s2, s17;
	[tilespmem:$0x80] =	vst @!p1 v3  }
0x3f: {  	v3 =	vld.msk [tilespmem:s28+$0x0 ss:$0x1], $0xffff;
	_ =	sdelay $0x4  }
0x40: {  	(xrf1) =	vunique.msk.u32 $0xffff, v3;
	_ =	sdelay $0xd  }
0x41: {  	v4 =	vimm.s32 $0xFFFFFFFF;
	v5, _, _ =	vpop (xrf1)  }
0x42: {  	vm5 =	vne.s32 v3, v4;
	vm4 =	veq.s32 v5, v2  }
0x43: {  	vm6 =	vlt.u32 v3, $0x6400000;
	vm4 =	vmand vm5, vm4  }
0x44: {  	vm4 =	vmand vm6, vm4  }
0x45: {  	v4 =	vnsel vm4, $0xFFFFFFFF, v3  }
0x46: {  	s31 =	sand.u32 $0x1, s0  }
0x47: {  	s0 =	simm.s32 $0x1A90;
	p1 =	seq.s32 s31, $0x1  }
0x48: {  	s0 =	simm.s32 @!p1 $0x0  }
0x49: {  	s26 =	sadd.s32 $0x6B30, s0;
	(ifvalue) =	ssetifvalue $0xFFFFFFFF  }
0x4a: {  	v3 =	vperm.xlane v3, v1;
	[tilespmem:s26], [sflag:$0x8] =	stream.indirect_vreg.gather [hbm4b:s1+s16], $0x1, v4, vm0, $0x4038;
	v4 =	vnsel vm6, $0xFFFFFFFE, v4;
	[tilespmem:$0xF030] =	vst v63  }
0x4b: {  	s2 =	simm.s32 $0x0;
	s22 =	sadd.s32 $0xFFFFFFF0, s28;
	[tilespmem:s28+$0x0] =	vst v4  }
.LBB2_3:
0x4c: {  	v4 =	vld.msk [tilespmem:s22+$0x0 ss:$0x1], $0xffff;
	s2 =	sadd.s32 $0x10, s2;
	v5 =	vmov v3;
	s28 =	smov.u32 s22  }
0x4d: {  	p1 =	slt.u32 s2, $0x1A80;
	_ =	sdelay $0x4  }
0x4e: {  	v3 =	vperm.xlane v4, v1;
	(xrf1) =	vunique.msk.u32 $0xffff, v4;
	_ =	sdelay $0xd  }
0x4f: {  	v6, _, _ =	vpop (xrf1)  }
0x50: {  	vm5 =	vne.s32 v4, v5;
	vm4 =	veq.s32 v6, v2  }
0x51: {  	vm6 =	vlt.u32 v4, $0x6400000;
	vm4 =	vmand vm5, vm4  }
0x52: {  	vm4 =	vmand vm6, vm4  }
0x53: {  	v4 =	vnsel vm4, $0xFFFFFFFF, v4  }
.Ltmp3:
0x54: {  	v5 =	vnsel vm6, $0xFFFFFFFE, v4;
	(pc) =	sbr.rel @p1 .LBB2_3-.Ltmp3, $3  }
0x55: {  	_ =	sdelay $0x1  }
0x56: {  	s22 =	sadd.s32 $0xFFFFFFF0, s22;
	s26 =	sadd.s32 $0xFFFFFFF0, s26;
	(ifvalue) =	ssetifvalue $0xFFFFFFFF  }
0x57: {  	[tilespmem:s26], [sflag:$0x8] =	stream.indirect_vreg.gather [hbm4b:s1+s16], $0x1, v4, vm0, $0x4038;
	[tilespmem:s28+$0x0] =	vst v5  }
0x58: {  	s2 =	sshrl.u32 s25, $0x3;
	s6 =	rddreg [dreg:$0x2]  }
0x59: {  	s0 =	sadd.s32 $0x85D0, s0;
	s2 =	sadd.s32 s6, s2  }
0x5a: {  	[tilespmem:s0], [sflag:$0x8] =	stream.linear.gather [hbm:s2], $0x1A90, $0x38;
	[tilespmem:$0xF030] =	vst v63  }
.LBB2_5:
0x5b: {  	p1 =	slt.u32 s24, $0x2  }
0x5c: {  	p2 =	sge.u32 @!p1 s24, s12  }
0x5d: {  	p1 =	por p1, p2  }
.Ltmp4:
0x5e: {  	_ = 	snop;
	(pc) =	sbr.rel @p1 .LBB2_9-.Ltmp4, $1  }
0x5f: {  	_ =	sdelay $0x3  }
0x60: {  	s0 =	sadd.s32 $0xFFFFFFFE, s24  }
0x61: {  	s2 =	smulhi.u32 $0xAAAAAAAB, s0;
	_ =	sdelay $0x1  }
0x62: {  	s2 =	sshrl.u32 s2, $0x1  }
0x63: {  	s2 =	smul.u32 $0x3, s2;
	_ =	sdelay $0x1  }
0x64: {  	s0 =	ssub.s32 s0, s2  }
0x65: {  	_ =	swait.ge [sflag:s8], $0x3520;
	s0 =	smul.u32 $0x1A90, s0  }
0x66: {  	p1 =	sne.s32 s24, s11;
	[sflag:s8] =	ssyncset.done $0x0  }
0x67: {  	[sflag:s8] =	ssyncadd.s32 $0xFFFFCAE0;
	s2 =	sadd.s32 @!p1 $0x1B8F, s0  }
0x68: {  	[spmem:s13] =	stream.linear.scatter @!p1 [tilespmem:s2], [sflag:$0x1], $0x1, $0x38;
	[tilespmem:$0xF030] =	vst v63  }
0x69: {  	s2 =	simm.s32 @!p1 $0x1  }
0x6a: {  	_ =	swait.ge @!p1 [sflag:s2], $0x1  }
0x6b: {  	s22 =	sshll.u32 s24, $0x4;
	[sflag:s2] =	ssyncset.done @!p1 $0x0  }
0x6c: {  	s25 =	sand.u32 $0x10, s22;
	[sflag:s2] =	ssyncadd.s32 @!p1 $0xFFFFFFFF  }
0x6d: {  	s2 =	sxor.u32 $0x10, s25;
	v4 =	vld [tilespmem:s25+$0x10]  }
0x6e: {  	v5 =	vld [tilespmem:s2+$0x60]  }
0x6f: {  	v3 =	vld [tilespmem:$0x80];
	_ =	sdelay $0x2  }
0x70: {  	(v2sf) =	vpush v4, $0x0  }
0x71: {  	(v2sf) =	vpush v5, $0x0  }
0x72: {  	(v2sf) =	vpush v3, $0x0;
	_ =	sdelay $0xc  }
0x73: {  	s6 =	spop (v2sf)  }
0x74: {  	s28 =	spop (v2sf)  }
0x75: {  	s26 =	spop (v2sf)  }
0x76: {  	p2 =	seq.s32 s6, s28;
	p3 =	seq.s32 s26, s6  }
0x77: {  	p3 =	por p2, p3  }
0x78: {  	s6 =	sand.u32 $0x1, s24;
	v4 =	vpsel p3, $0xFFFFFFFF, v4  }
0x79: {  	s28 =	smul.u32 $0x1A90, s6;
	[tilespmem:s25+$0x10] =	vst.msk $0x1, v4  }
0x7a: {  	v4 =	vld [tilespmem:$0x30]  }
0x7b: {  	v5 =	vld [tilespmem:s28+$0x85D0]  }
0x7c: {  	v6 =	vld [tilespmem:s25+$0x40];
	_ =	sdelay $0x3  }
0x7d: {  	vm4 =	vmmov vm1;
	v5 =	vadd.f32 v5, v4  }
0x7e: {  	vm5 =	vmmov vm2;
	vm4 =	vmmov @p2 vm2;
	v4 =	vadd.f32 v6, v4  }
0x7f: {  	s22 =	sshll.u32 s6, $0x4;
	vm5 =	vmmov @p3 vm1;
	[tilespmem:s28+$0x85D0] =	vst.msk vm4, v5  }
0x80: {  	[tilespmem:s22+$0xF010] =	vst.msk vm5, v4  }
0x81: {  	v4 =	vld [tilespmem:s28+$0x6B30];
	_ =	sdelay $0x3  }
0x82: {  	v5 =	vimm.f32 $0.0e+00  }
0x83: {  	v4 =	vshift.insert v4, v5, s21  }
0x84: {  	s29 =	sor.u32 $0x40, s2  }
0x85: {  	[tilespmem:s29+$0x0] =	vst.msk $0x1, v4  }
0x86: {  	[tilespmem:s28+$0x6B3F] =	vst.msk $0x1, v5  }
0x87: {  	v4 =	vld [tilespmem:s0+$0x1B80];
	_ =	sdelay $0x1  }
0x88: {  	s29 =	smulhi.u32 $0xAAAAAAAB, s20;
	s0 =	simm.s32 $0x1  }
0x89: {  	s0 =	simm.s32 @!p0 $0x0  }
0x8a: {  	s29 =	sshrl.u32 s29, $0x1;
	s0 =	smul.u32 $0x6A40, s0  }
0x8b: {  	s29 =	smul.u32 $0xFFFEC140, s29;
	v4 =	vshift.insert v4, v1, s21  }
0x8c: {  	s0 =	sshrl.u32 s0, $0x2  }
0x8d: {  	s29 =	sshra.s32 s29, $0x2;
	s30 =	sadd.s32 $0x85D0, s0;
	[tilespmem:s2+$0x10] =	vst.msk $0x1, v4  }
0x8e: {  	s6 =	sadd.s32 s29, s19;
	v6 =	vld [tilespmem:s30+$0x0]  }
0x8f: {  	v7 =	vld [tilespmem:s6+$0x0];
	_ =	sdelay $0x3  }
0x90: {  	v5 =	vadd.f32 v6, v5  }
0x91: {  	vm4 =	vne.s32 v7, $0xFFFFFFFF  }
0x92: {  	(xrf2) =	vadd.seg.scan.f32 vm4, v5;
	_ =	sdelay $0x3  }
0x93: {  	s31 =	sadd.s32 $0x50B0, s0;
	v5 =	vperm.xlane v4, v1  }
0x94: {  	v6 =	vld [tilespmem:s31+$0x0]  }
0x95: {  	vm5 =	veq.s32 v7, v3;
	vm6 =	veq.s32 v7, v5  }
0x96: {  	vm7 =	vgt.u32 v7, $0xFFFFFFFD;
	vm6 =	vmor vm6, vm5  }
0x97: {  	vm6 =	vmor vm6, vm7  }
0x98: {  	v9 =	vld [tilespmem:$0xA0];
	v7 =	vsel vm6, $0xFFFFFFFF, v7  }
0x99: {  	v10 =	vld [tilespmem:$0x90];
	v6 =	vsel vm5, $0x0, v6;
	v8, _, _ =	vpop (xrf2)  }
0x9a: {  	v6 =	vadd.f32 v8, v6  }
0x9b: {  	s0 =	sadd.s32 $0xBAF0, s0  }
0x9c: {  	vm4 =	vmand vm4, vm3;
	[tilespmem:s0+$0x0] =	vst v6;
	(ifvalue) =	ssetifvalue $0xFFFFFFFF  }
0x9d: {  	vm6 =	veq.s32 v9, $0x1;
	[hbm4b:s1+s16] =	stream.indirect_vreg.scatter [tilespmem:s0], [sflag:$0x2], $0x1, v7, vm0, $0x4038;
	v7 =	vsel vm4, $0x0, v8;
	[tilespmem:$0xF030] =	vst v63  }
0x9e: {  	s29 =	sadd.s32 $0xF010, s22;
	s22 =	sadd.s32 $0x10, s6;
	s2 =	simm.s32 $0x0;
	vm4 =	vmor vm6, vm5;
	v6 =	vsel vm5, v8, v10;
	v7 =	vshift.insert v7, v0, s21  }
.LBB2_7:
0x9f: {  	v8 =	vld [tilespmem:s22+$0x0];
	s30 =	sadd.s32 $0x10, s30  }
0xa0: {  	s31 =	sadd.s32 $0x10, s31;
	v9 =	vld [tilespmem:s30+$0x0]  }
0xa1: {  	s2 =	sadd.s32 $0x10, s2;
	v10 =	vld [tilespmem:s31+$0x0]  }
0xa2: {  	p2 =	slt.u32 s2, $0x1A80;
	_ =	sdelay $0x2  }
0xa3: {  	v7 =	vadd.f32 v9, v7  }
0xa4: {  	vm5 =	vne.s32 v8, $0xFFFFFFFF  }
0xa5: {  	vm6 =	vmand vm5, vm3;
	(xrf2) =	vadd.seg.scan.f32 vm5, v7;
	_ =	sdelay $0x5  }
0xa6: {  	vm7 =	veq.s32 v8, v5;
	vm5 =	veq.s32 v8, v3  }
0xa7: {  	vm8 =	vgt.u32 v8, $0xFFFFFFFD;
	vm4 =	vmor vm4, vm5;
	vm7 =	vmor vm7, vm5  }
0xa8: {  	vm7 =	vmor vm7, vm8  }
0xa9: {  	v8 =	vsel vm7, $0xFFFFFFFF, v8  }
.Ltmp5:
0xaa: {  	v7 =	vsel vm5, $0x0, v10;
	v9, _, _ =	vpop (xrf2);
	(pc) =	sbr.rel @p2 .LBB2_7-.Ltmp5, $4  }
0xab: {  	v6 =	vsel vm5, v9, v6;
	v10 =	vadd.f32 v9, v7;
	v7 =	vsel vm6, $0x0, v9  }
0xac: {  	s0 =	sadd.s32 $0x10, s0;
	v7 =	vshift.insert v7, v0, s21  }
0xad: {  	s22 =	sadd.s32 $0x10, s22;
	[tilespmem:s0+$0x0] =	vst v10;
	(ifvalue) =	ssetifvalue $0xFFFFFFFF  }
0xae: {  	[hbm4b:s1+s16] =	stream.indirect_vreg.scatter [tilespmem:s0], [sflag:$0x2], $0x1, v8, vm0, $0x4038;
	[tilespmem:$0xF030] =	vst v63  }
0xaf: {  	v3 =	vld [tilespmem:s28+$0xD570];
	_ =	sdelay $0x4  }
0xb0: {  	v3 =	vshift.insert v3, v0, s21  }
0xb1: {  	s0 =	simm.s32 $0x30  }
0xb2: {  	[tilespmem:s0+$0x0] =	vst.msk $0x1, v3  }
0xb3: {  	v3 =	vsel vm4, $0x1, v1;
	[tilespmem:$0x90] =	vst v6  }
0xb4: {  	s0 =	sadd.s32 @!p1 $0xD57F, s28;
	[tilespmem:$0xA0] =	vst v3  }
0xb5: {  	[spmem:s14] =	stream.linear.scatter @!p1 [tilespmem:s0], [sflag:$0x1], $0x1, $0x38;
	[tilespmem:$0xF030] =	vst v63  }
0xb6: {  	s0 =	simm.s32 @!p1 $0x1  }
0xb7: {  	v3 =	vmctz.xlane @!p1 vm4;
	_ =	swait.ge @!p1 [sflag:s0], $0x1  }
0xb8: {  	(v2sf) =	vpush @!p1 v4, $0x0  }
0xb9: {  	(v2sf) =	vpush @!p1 v3, $0x0;
	_ =	sdelay $0xd  }
0xba: {  	s2 =	spop @!p1 (v2sf)  }
0xbb: {  	s6 =	spop @!p1 (v2sf)  }
0xbc: {  	p2 =	sne.s32 @!p1 s26, s2;
	p3 =	slt.s32 @!p1 s6, $0xF  }
0xbd: {  	[sflag:s0] =	ssyncset.done @!p1 $0x0;
	p2 =	por p2, p1;
	p3 =	por !p3, p1  }
0xbe: {  	[sflag:s0] =	ssyncadd.s32 @!p1 $0xFFFFFFFF;
	v3 =	vimm.s32 @!p2 $0xFFFFFFFF;
	s6 =	simm.s32 @p3 $0xF  }
0xbf: {  	[tilespmem:$0x80] =	vst @!p2 v3;
	s2 =	sadd.s32 @!p1 $0x90, s6  }
0xc0: {  	[spmem:s10] =	stream.linear.scatter @!p1 [tilespmem:s2], [sflag:$0x1], $0x1, $0x38;
	[tilespmem:$0xF030] =	vst v63  }
0xc1: {  	_ =	swait.ge @!p1 [sflag:s0], $0x1  }
0xc2: {  	[sflag:s0] =	ssyncset.done @!p1 $0x0  }
0xc3: {  	s2 =	simm.s32 @!p1 $0x80;
	[sflag:s0] =	ssyncadd.s32 @!p1 $0xFFFFFFFF  }
0xc4: {  	[spmem:s15] =	stream.linear.scatter @!p1 [tilespmem:s2], [sflag:$0x1], $0x1, $0x38;
	[tilespmem:$0xF030] =	vst v63  }
0xc5: {  	_ =	swait.ge @!p1 [sflag:s0], $0x1  }
0xc6: {  	[sflag:s0] =	ssyncset.done @!p1 $0x0  }
0xc7: {  	[sflag:s0] =	ssyncadd.s32 @!p1 $0xFFFFFFFF;
	(ifvalue) =	ssetifvalue $0xFFFFFFFF;
	v3 =	vld [tilespmem:s25+$0x10];
	_ =	sdelay $0x3  }
.Ltmp6:
0xc8: {  	_ = 	snop;
	(pc) =	sbr.rel .LBB2_9-.Ltmp6, $3  }
0xc9: {  	_ =	sdelay $0x1  }
0xca: {  	(ifvalue) =	ssetifvalue $0xFFFFFFFF  }
0xcb: {  	[hbm4b:s1+s16] =	stream.indirect_vreg.scatter [tilespmem:s29], [sflag:$0x9], $0x1, v3, vm0, $0x4038;
	[tilespmem:$0xF030] =	vst v63  }
.LBB2_10:
0xcc: {  	_ =	sfence.sel $0x180000  }
0xcd: {  	s0 =	simm.s32 $0x7;
	[bflag:$0x0] =	sbarrier.arrive $0xFFFF  }
0xce: {  	s26 =	simm.s32 $0x8;
	[sflag:s0] =	ssyncpa.u1 $0x1  }
0xcf: {  	s28 =	simm.s32 $0x9;
	[sflag:s26] =	ssyncpa.u1 $0x1  }
0xd0: {  	[sflag:s28] =	ssyncpa.u1 $0x1  }
0xd1: {  	_ =	sfence.stream.spmem  }
0xd2: {  	s29 =	simm.s32 $0x3;
	[bflag:$0x0] =	sbarrier.arrive $0xFFFF  }
0xd3: {  	s30 =	simm.s32 $0x4;
	[sflag:s29] =	ssyncpa.u1 $0x1  }
0xd4: {  	s31 =	simm.s32 $0x3C;
	s2 =	stileid.u32;
	[sflag:s30] =	ssyncpa.u1 $0x1  }
0xd5: {  	p0 =	sne.s32 s2, $0x0;
	[sflag:s31] =	ssyncpa.u1 $0x1  }
0xd6: {  	s0 =	simm.s32 @p0 $0x1;
	_ =	sfence @p0  }
0xd7: {  	[sflag:s0] =	ssyncpa.u1 @p0 $0x1;
	s0 =	simm.s32 @p0 $0x2  }
0xd8: {  	[sflag:s0] =	ssyncpa.u1 @p0 $0x1  }
0xd9: {  	_ =	strace @p0 $0x9000004D  }
0xda: {  	[bflag:$0x2] =	sbarrier.arrive @p0 $0xFFFF  }
0xdb: {  	_ =	shalt @p0  }
.LBB2_11:
0xdc: {  	_ =	sfence.stream.spmem;
	s0 =	simm.s32 $0x5  }
0xdd: {  	s2 =	simm.s32 $0x80;
	s3 =	simm.s32 $0xC0;
	[sflag:s0] =	ssyncpa.u1 $0x0  }
0xde: {  	[tilespmem:s3], [sflag:$0x5] =	stream.linear.gather [spmem:s2], $0x20, $0x38;
	[tilespmem:$0xF030] =	vst v63  }
0xdf: {  	s2 =	simm.s32 $0x0;
	s3 =	simm.s32 $0xE0  }
0xe0: {  	[tilespmem:s3], [sflag:$0x5] =	stream.linear.gather [spmem:s2], $0x20, $0x38;
	[tilespmem:$0xF030] =	vst v63  }
.Ltmp7:
0xe1: {  	_ = 	snop;
	(pc) =	sbr.rel .LBB2_12-.Ltmp7, $4  }
0xe2: {  	_ =	swait.ge [sflag:s0], $0x40  }
0xe3: {  	[sflag:s0] =	ssyncset.done $0x0  }
0xe4: {  	s31 =	simm.s32 $0x6;
	[sflag:s0] =	ssyncadd.s32 $0xFFFFFFC0  }
0xe5: {  	s4 =	simm.s32 $0x0;
	[sflag:s31] =	ssyncpa.u1 $0x0  }
.LBB2_17:
0xe6: {  	p0 =	sgt.u32 s5, $0x63FFFFF  }
0xe7: {  	s0 =	sshrl.u32 @!p0 s5, $0x3  }
0xe8: {  	s5 =	sand.u32 @!p0 $0x7, s5;
	s6 =	simm.s32 @!p0 $0xB0;
	s0 =	sadd.s32 @!p0 s1, s0  }
0xe9: {  	[tilespmem:s6], [sflag:$0x6] =	stream.linear.gather @!p0 [hbm4b:s0+s5], $0x1, $0x38;
	[tilespmem:$0xF030] =	vst v63  }
0xea: {  	s0 =	simm.s32 @!p0 $0x6  }
0xeb: {  	_ =	swait.ge @!p0 [sflag:s0], $0x1  }
0xec: {  	[sflag:s0] =	ssyncset.done @!p0 $0x0  }
0xed: {  	[sflag:s0] =	ssyncadd.s32 @!p0 $0xFFFFFFFF  }
0xee: {  	v2 =	vmov @!p0 s4;
	v1 =	vld.msk @!p0 [tilespmem:$0xB0], $0x1;
	_ =	sdelay $0x3  }
0xef: {  	s0 =	simm.s32 @!p0 $0xE0  }
0xf0: {  	[tilespmem:v2+s0+$0x0], v1 =	vst.idx.ret.add.f32.msk @!p0 $0x1, v1  }
0xf1: {  	[tilespmem:s2+$0xC0] =	vst.msk $0x1, v0  }
0xf2: {  	v0 =	vld.msk [tilespmem:s4+$0xE0], $0x1;
	_ =	sdelay $0x4  }
0xf3: {  	[tilespmem:s2+$0xE0] =	vst.msk $0x1, v0;
	s2 =	sadd.s32 $0x1, s2  }
.LBB2_19:
0xf4: {  	s4 =	sadd.s32 $0x1, s4  }
0xf5: {  	p0 =	sne.s32 s4, $0x20  }
.Ltmp8:
0xf6: {  	_ = 	snop;
	(pc) =	sbr.rel @!p0 .LBB2_20-.Ltmp8, $1  }
0xf7: {  	_ =	sdelay $0x3  }
.LBB2_12:
0xf8: {  	v0 =	vld.msk [tilespmem:s4+$0xC0], $0x1;
	_ =	sdelay $0x4  }
0xf9: {  	(v2sf) =	vpush v0, $0x0;
	_ =	sdelay $0xe  }
0xfa: {  	s5 =	spop (v2sf)  }
0xfb: {  	p0 =	seq.s32 s5, $0xFFFFFFFF  }
.Ltmp9:
0xfc: {  	_ = 	snop;
	(pc) =	sbr.rel @p0 .LBB2_19-.Ltmp9, $1  }
0xfd: {  	_ =	sdelay $0x3  }
0xfe: {  	p0 =	slt.s32 s2, $0x1  }
.Ltmp10:
0xff: {  	_ = 	snop;
	(pc) =	sbr.rel @p0 .LBB2_17-.Ltmp10, $1  }
0x100: {  	_ =	sdelay $0x3  }
0x101: {  	s0 =	simm.s32 $0xC0;
	p0 =	por $0x0, $0x0  }
0x102: {  	v1 =	vld.msk @!p0 [tilespmem:s0+$0x0], $0x1;
	_ =	sdelay $0x4  }
0x103: {  	(v2sf) =	vpush @!p0 v1, $0x0;
	_ =	sdelay $0xd  }
0x104: {  	p2 =	sne.s32 s2, $0x1  }
.Ltmp11:
0x105: {  	s6 =	spop @!p0 (v2sf);
	(pc) =	sbr.rel @!p2 .LBB2_16-.Ltmp11, $4  }
0x106: {  	p1 =	seq.s32 @!p0 s5, s6  }
0x107: {  	s6 =	simm.s32 $0x0;
	p1 =	por !p1, p0  }
0x108: {  	s8 =	simm.s32 $0xFFFFFFFF;
	s6 =	simm.s32 @p1 $0xFFFFFFFF  }
0x109: {  	s7 =	simm.s32 $0x1;
	s6 =	smov.u32 @p0 s8  }
.LBB2_15:
0x10a: {  	s8 =	smov.u32 s6;
	p0 =	sne.s32 s6, $0xFFFFFFFF  }
0x10b: {  	s0 =	sadd.s32 $0x1, s0;
	s6 =	smov.u32 s7;
	s7 =	sadd.s32 $0x1, s7  }
0x10c: {  	p1 =	sne.s32 s2, s7;
	v1 =	vld.msk @!p0 [tilespmem:s0+$0x0], $0x1;
	_ =	sdelay $0x4  }
0x10d: {  	(v2sf) =	vpush @!p0 v1, $0x0;
	_ =	sdelay $0xe  }
.Ltmp12:
0x10e: {  	s9 =	spop @!p0 (v2sf);
	(pc) =	sbr.rel @p1 .LBB2_15-.Ltmp12, $4  }
0x10f: {  	p2 =	seq.s32 @!p0 s5, s9  }
0x110: {  	p2 =	por !p2, p0  }
0x111: {  	s6 =	simm.s32 @p2 $0xFFFFFFFF  }
0x112: {  	s6 =	smov.u32 @p0 s8  }
.LBB2_16:
0x113: {  	p0 =	sne.s32 s6, $0xFFFFFFFF  }
.Ltmp13:
0x114: {  	_ = 	snop;
	(pc) =	sbr.rel @!p0 .LBB2_17-.Ltmp13, $1  }
0x115: {  	_ =	sdelay $0x3  }
0x116: {  	v0 =	vld.msk [tilespmem:s4+$0xE0], $0x1;
	v1 =	vmov s6  }
.Ltmp14:
0x117: {  	_ = 	snop;
	(pc) =	sbr.rel .LBB2_19-.Ltmp14, $2  }
0x118: {  	_ =	sdelay $0x2  }
0x119: {  	[tilespmem:v1+s3+$0x0], v0 =	vst.idx.ret.add.f32.msk $0x1, v0  }
.LBB2_20:
0x11a: {  	p0 =	slt.s32 s2, $0x1  }
.Ltmp15:
0x11b: {  	_ = 	snop;
	(pc) =	sbr.rel @p0 .LBB2_24-.Ltmp15, $3  }
0x11c: {  	_ =	sdelay $0x1  }
0x11d: {  	s0 =	simm.s32 $0x6  }
0x11e: {  	s3 =	simm.s32 $0x0;
	[sflag:s0] =	ssyncpa.u1 $0x1  }
0x11f: {  	s0 =	simm.s32 $0xC0  }
0x120: {  	v0 =	vld.msk [tilespmem:s0+$0x0], $0x1;
	_ =	sdelay $0x4  }
0x121: {  	(v2sf) =	vpush v0, $0x0;
	_ =	sdelay $0xe  }
0x122: {  	s2 =	sadd.s32 $0xFFFFFFFF, s2;
	s4 =	spop (v2sf)  }
0x123: {  	p1 =	sne.s32 s2, $0x0;
	p0 =	sgt.u32 s4, $0x63FFFFF  }
.Ltmp16:
0x124: {  	s5 =	sshrl.u32 @!p0 s4, $0x3;
	(pc) =	sbr.rel @!p1 .LBB2_23-.Ltmp16, $4  }
0x125: {  	s0 =	simm.s32 $0xE0;
	s4 =	sand.u32 @!p0 $0x7, s4;
	s5 =	sadd.s32 @!p0 s1, s5  }
0x126: {  	[hbm4b:s5+s4] =	stream.linear.scatter @!p0 [tilespmem:s0], [sflag:$0x5], $0x1, $0x38;
	[tilespmem:$0xF030] =	vst v63  }
0x127: {  	s5 =	simm.s32 $0x0  }
0x128: {  	s4 =	simm.s32 $0xC1;
	s5 =	simm.s32 @!p0 $0x4  }
.LBB2_22:
0x129: {  	v0 =	vld.msk [tilespmem:s4+$0x0], $0x1;
	s2 =	sadd.s32 $0xFFFFFFFF, s2;
	s3 =	sadd.s32 s3, s5  }
0x12a: {  	p0 =	sne.s32 s2, $0x0;
	_ =	sdelay $0x3  }
0x12b: {  	(v2sf) =	vpush v0, $0x0;
	_ =	sdelay $0xe  }
.Ltmp17:
0x12c: {  	s6 =	spop (v2sf);
	(pc) =	sbr.rel @p0 .LBB2_22-.Ltmp17, $4  }
0x12d: {  	s5 =	simm.s32 $0x0;
	p1 =	sgt.u32 s6, $0x63FFFFF  }
0x12e: {  	s0 =	sadd.s32 $0x1, s0;
	s5 =	simm.s32 @!p1 $0x4;
	s7 =	sshrl.u32 @!p1 s6, $0x3  }
0x12f: {  	s4 =	sadd.s32 $0x1, s4;
	s6 =	sand.u32 @!p1 $0x7, s6;
	s7 =	sadd.s32 @!p1 s1, s7  }
0x130: {  	[hbm4b:s7+s6] =	stream.linear.scatter @!p1 [tilespmem:s0], [sflag:$0x5], $0x1, $0x38;
	[tilespmem:$0xF030] =	vst v63  }
.LBB2_23:
0x131: {  	s0 =	sadd.s32 s3, s5  }
0x132: {  	s3 =	sshrl.u32 s0, $0x2  }
.LBB2_24:
0x133: {  	s0 =	simm.s32 $0x5  }
0x134: {  	_ =	swait.ge [sflag:s0], s3  }
0x135: {  	s1 =	ssub.s32 $0x0, s3;
	[sflag:s0] =	ssyncset.done $0x0  }
0x136: {  	[sflag:s0] =	ssyncadd.s32 s1  }
0x137: {  	[sflag:s0] =	ssyncpa.u1 $0x1  }
0x138: {  	s29 =	simm.s32 $0x1;
	_ =	sfence  }
0x139: {  	s30 =	simm.s32 $0x2;
	[sflag:s29] =	ssyncpa.u1 $0x1  }
0x13a: {  	[sflag:s30] =	ssyncpa.u1 $0x1  }
0x13b: {  	_ =	strace $0x9000004D  }
0x13c: {  	[bflag:$0x2] =	sbarrier.arrive $0xFFFF  }
0x13d: {  	s31 =	rddreg [dreg:$0x1]  }
0x13e: {  	s0 =	sadd.s32 $0x100000, s31  }
0x13f: {  	[sflag:s0] =	ssyncadd.tile.s32 $0x1;
	_ =	shalt  }
.Lfunc_end2:
_tile_overlayer_lowered:
.L_overlay_start_2:
0x140: {  	(tag) =	ssettag $0x2  }
0x141: {  	s0 =	rddreg [dreg:$0x0];
	s2 =	stileid.u32  }
0x142: {  	s1 =	rddreg [dreg:$0x1];
	p0 =	sne.s32 s2, $0x0  }
0x143: {  	s3 =	rddreg [dreg:$0x2];
	[bflag:$0x3] =	sbarrier.arrive $0xFFFF;
	s2 =	simm.s32 @!p0 $0x1C01  }
0x144: {  	[timem:s3], [sflag:s2] =	dma.local @!p0 [hbm:s0], s1  }
0x145: {  	s0 =	simm.s32 @!p0 $0x1  }
0x146: {  	_ =	swait.ge @!p0 [sflag:s0], s1  }
0x147: {  	s1 =	ssub.s32 @!p0 $0x0, s1;
	[sflag:s0] =	ssyncset.done @!p0 $0x0  }
0x148: {  	[sflag:s0] =	ssyncadd.s32 @!p0 s1  }
0x149: {  	[bflag:$0x3] =	sbarrier.arrive $0xFFFF  }
0x14a: {  	_ =	shalt  }

// kernel: scatter_offload_async_start.3
scs
__scs_entry_jumppad:
0x0: {  	(pc) =	sbr.rel $0x88, $3  }
0x1: {  	(tag) =	ssettag $0x0;
	lr =	simm.s32 $0x1  }
0x2: {  	[smem:$0x3F95] =	sst lr;
	_ =	strace $0xD0000000  }
0x3: {  	_ = 	snop  }
0x4: {  	_ = 	snop  }
0x5: {  	_ = 	snop  }
0x6: {  	_ = 	snop  }
0x7: {  	_ = 	snop  }
__scs_overlays_trampoline_lowered:
0x8: {  	[smem:$0x3FA4] =	sst s0  }
0x9: {  	[smem:$0x3FA5] =	sst s1  }
0xa: {  	[smem:$0x3FA6] =	sst s2  }
0xb: {  	[smem:$0x3FA7] =	sst s3  }
0xc: {  	[smem:$0x3FA8] =	sst s4  }
0xd: {  	[smem:$0x3FA9] =	sst s5  }
0xe: {  	[smem:$0x3FAA] =	sst s6  }
0xf: {  	[smem:$0x3FAB] =	sst s7  }
0x10: {  	[smem:$0x3FAC] =	sst s8  }
0x11: {  	[smem:$0x3FAD] =	sst s9;
	s0 =	simm.s32 @!p0 $0x0  }
0x12: {  	s1 =	sld [smem:$0x3F93];
	s0 =	simm.s32 @p0 $0x1  }
0x13: {  	[smem:$0x3FAE] =	sst s0;
	s0 =	simm.s32 @!p1 $0x0  }
0x14: {  	s2 =	sld [smem:$0x3F92];
	s0 =	simm.s32 @p1 $0x1  }
0x15: {  	[smem:$0x3FAF] =	sst s0;
	s0 =	simm.s32 @!p2 $0x0  }
0x16: {  	s3 =	sld [smem:$0x3FDB];
	s0 =	simm.s32 @p2 $0x1  }
0x17: {  	s4 =	simm.s32 $0x1BF5;
	[smem:$0x3FB1] =	sst s0  }
0x18: {  	s0 =	sld [smem:$0x3F94];
	_ =	swait.ge [sflag:s4], $0x0  }
0x19: {  	s7 =	sld [smem:$0x3F95]  }
0x1a: {  	s8 =	sadd.s32 $0xFFFFE003, lr  }
0x1b: {  	s9 =	sadd.s32 $0xFFFFFEF7, lr;
	s5 =	simm.s32 $0xFFFFFFFF;
	p2 =	slt.u32 s8, $0xFFFFF086  }
0x1c: {  	p1 =	slt.u32 s9, $0xF7A;
	s5 =	simm.s32 @!p2 $0x0  }
0x1d: {  	s5 =	simm.s32 @p1 $0x1;
	p0 =	seq.s32 s7, s2  }
0x1e: {  	s7 =	smul.u32 @!p0 $0xF7A, s2;
	p2 =	seq.s32 @!p0 s5, $0x0  }
0x1f: {  	s9 =	smul.u32 $0xF7A, s1;
	s8 =	simm.s32 @!p0 $0x1BF5;
	p2 =	por !p2, p0  }
0x20: {  	[sflag:s8] =	ssyncset.s32 @!p0 $0xFFFFF086;
	s6 =	sadd.s32 @!p0 s3, s7;
	s7 =	simm.s32 @!p0 $0x108  }
0x21: {  	s3 =	sadd.s32 s3, s9;
	s6 =	sadd.s32 @!p0 $0x88, s6;
	s7 =	simm.s32 @p2 $0x1082  }
0x22: {  	[simem:s7], [sflag:s8] =	dma.local @!p0 [hbm:s6], $0xF7A  }
0x23: {  	s9 =	sor.u32 $0xD0000000, s2;
	s6 =	simm.s32 $0x108;
	_ =	swait.ge @!p0 [sflag:s8], $0x0  }
0x24: {  	s3 =	sadd.s32 $0x88, s3;
	s6 =	simm.s32 @!p1 $0x1082;
	[sflag:s4] =	ssyncset.s32 $0xFFFFF086  }
0x25: {  	[simem:s6], [sflag:s4] =	dma.local [hbm:s3], $0xF7A  }
0x26: {  	[smem:$0x3F95] =	sst s1;
	(tag) =	ssettag s2;
	_ =	strace s9  }
0x27: {  	s1 =	sld [smem:$0x3FA5]  }
0x28: {  	s2 =	sld [smem:$0x3FA6]  }
0x29: {  	s4 =	sld [smem:$0x3FA8]  }
0x2a: {  	p0 =	seq.s32 s5, $0x0;
	s5 =	sld [smem:$0x3FA9]  }
0x2b: {  	s6 =	sld [smem:$0x3FAA]  }
0x2c: {  	s7 =	sld [smem:$0x3FAB]  }
0x2d: {  	s3 =	simm.s32 $0x108;
	s8 =	sld [smem:$0x3FAC]  }
0x2e: {  	s3 =	simm.s32 @!p0 $0x1082;
	s9 =	sld [smem:$0x3FAD]  }
0x2f: {  	lr =	sadd.s32 s0, s3;
	s0 =	sld [smem:$0x3FA4]  }
0x30: {  	s3 =	sld [smem:$0x3FA7]  }
0x31: {  	[smem:$0x3FB0] =	sst s10  }
0x32: {  	s10 =	sld [smem:$0x3FAE];
	_ =	sdelay $0x3  }
0x33: {  	p0 =	seq.s32 s10, $0x1;
	s10 =	sld [smem:$0x3FB0];
	_ =	sdelay $0x3  }
0x34: {  	[smem:$0x3FB0] =	sst s10  }
0x35: {  	s10 =	sld [smem:$0x3FAF];
	_ =	sdelay $0x3  }
0x36: {  	p1 =	seq.s32 s10, $0x1;
	s10 =	sld [smem:$0x3FB0];
	_ =	sdelay $0x3  }
0x37: {  	[smem:$0x3FB0] =	sst s10  }
0x38: {  	s10 =	sld [smem:$0x3FB1]  }
0x39: {  	_ = 	snop;
	(pc) =	sbr.ind lr, $3  }
0x3a: {  	_ = 	snop  }
0x3b: {  	_ = 	snop  }
0x3c: {  	p2 =	seq.s32 s10, $0x1;
	s10 =	sld [smem:$0x3FB0]  }
0x3d: {  	_ =	shalt  }
0x3e: {  	_ =	shalt  }
0x3f: {  	_ =	shalt  }
0x40: {  	_ =	shalt  }
0x41: {  	_ =	shalt  }
0x42: {  	_ =	shalt  }
0x43: {  	_ =	shalt  }
0x44: {  	_ =	shalt  }
0x45: {  	_ =	shalt  }
0x46: {  	_ =	shalt  }
0x47: {  	_ =	shalt  }
0x48: {  	_ =	shalt  }
0x49: {  	_ =	shalt  }
0x4a: {  	_ =	shalt  }
0x4b: {  	_ =	shalt  }
0x4c: {  	_ =	shalt  }
0x4d: {  	_ =	shalt  }
0x4e: {  	_ =	shalt  }
0x4f: {  	_ =	shalt  }
0x50: {  	_ =	shalt  }
0x51: {  	_ =	shalt  }
0x52: {  	_ =	shalt  }
0x53: {  	_ =	shalt  }
0x54: {  	_ =	shalt  }
0x55: {  	_ =	shalt  }
0x56: {  	_ =	shalt  }
0x57: {  	_ =	shalt  }
0x58: {  	_ =	shalt  }
0x59: {  	_ =	shalt  }
0x5a: {  	_ =	shalt  }
0x5b: {  	_ =	shalt  }
0x5c: {  	_ =	shalt  }
0x5d: {  	_ =	shalt  }
0x5e: {  	_ =	shalt  }
0x5f: {  	_ =	shalt  }
0x60: {  	_ =	shalt  }
0x61: {  	_ =	shalt  }
0x62: {  	_ =	shalt  }
0x63: {  	_ =	shalt  }
0x64: {  	_ =	shalt  }
0x65: {  	_ =	shalt  }
0x66: {  	_ =	shalt  }
0x67: {  	_ =	shalt  }
0x68: {  	_ =	shalt  }
0x69: {  	_ =	shalt  }
0x6a: {  	_ =	shalt  }
0x6b: {  	_ =	shalt  }
0x6c: {  	_ =	shalt  }
0x6d: {  	_ =	shalt  }
0x6e: {  	_ =	shalt  }
0x6f: {  	_ =	shalt  }
0x70: {  	_ =	shalt  }
0x71: {  	_ =	shalt  }
0x72: {  	_ =	shalt  }
0x73: {  	_ =	shalt  }
0x74: {  	_ =	shalt  }
0x75: {  	_ =	shalt  }
0x76: {  	_ =	shalt  }
0x77: {  	_ =	shalt  }
0x78: {  	_ =	shalt  }
0x79: {  	_ =	shalt  }
0x7a: {  	_ =	shalt  }
0x7b: {  	_ =	shalt  }
0x7c: {  	_ =	shalt  }
0x7d: {  	_ =	shalt  }
0x7e: {  	_ =	shalt  }
0x7f: {  	_ =	shalt  }
0x80: {  	_ =	shalt  }
0x81: {  	_ =	shalt  }
0x82: {  	_ =	shalt  }
0x83: {  	_ =	shalt  }
0x84: {  	_ =	shalt  }
0x85: {  	_ =	shalt  }
0x86: {  	_ =	shalt  }
0x87: {  	_ =	shalt  }
.Lfunc_end0:
.L_simem_size_0:
called_computation.3_lowered:
.L_overlay_start_0:
0x88: {  	s0 =	sld [smem:$0x3FD9]  }
0x89: {  	s1 =	sld [smem:$0x3FFE];
	_ =	sdelay $0x3  }
0x8a: {  	s0 =	sadd.s32 s1, s0  }
0x8b: {  	[smem:$0x3FBC] =	sst s0  }
0x8c: {  	_ = 	snop  }
0x8d: {  	(tm) =	ssettm $0x1  }
0x8e: {  	s14 =	sld [smem:$0x3FFB];
	_ =	sdelay $0x3  }
0x8f: {  	_ =	strace s14  }
0x90: {  	s0 =	sld [smem:$0x3FFC];
	_ =	sdelay $0x3  }
0x91: {  	_ =	strace s0  }
0x92: {  	s0 =	sld [smem:$0x3FFD];
	_ =	sdelay $0x3  }
0x93: {  	_ =	strace s0  }
0x94: {  	_ =	strace $0x8FFFFFFF  }
0x95: {  	s15 =	sld [smem:$0x3FDB];
	_ =	sdelay $0x1  }
0x96: {  	s16 =	simm.s32 $_scs_section_size  }
0x97: {  	s2 =	simm.s32 $_size__tile_overlayer_lowered;
	s3 =	simm.s32 $_tile_overlayer_lowered  }
0x98: {  	s4 =	simm.s32 $0x1BFF;
	s17 =	sshll.u32 s3, $0x1;
	s1 =	sadd.s32 s16, s15  }
0x99: {  	s18 =	simm.s32 $0x0;
	s2 =	sshll.u32 s2, $0x1;
	s3 =	sadd.s32 s17, s1  }
0x9a: {  	[timem:s18], [sflag:s4] =	dma.local [hbm:s3], s2  }
0x9b: {  	_ =	swait.ge [sflag:s4], s2  }
0x9c: {  	s2 =	ssub.s32 $0x0, s2;
	[sflag:s4] =	ssyncset.done $0x0  }
0x9d: {  	[sflag:s4] =	ssyncadd.s32 s2;
	_ =	sdelay $0x1  }
0x9e: {  	s19 =	simm.s32 $0x1B8B  }
0x9f: {  	_ =	swait.ge [sflag:s19], $0x1  }
0xa0: {  	[sflag:s19] =	ssyncset.done $0x0  }
0xa1: {  	s21 =	simm.s32 $0x1B8E;
	s20 =	sld [smem:$0x3FFE];
	[sflag:s19] =	ssyncadd.s32 $0xFFFFFFFF  }
0xa2: {  	s22 =	simm.s32 $execute0_lowered;
	[smem:$0x3FD2] =	sst s21  }
0xa3: {  	s3 =	sshll.u32 s22, $0x1;
	_ =	strace $0x80000058;
	[dreg:$0x1] =	wrdreg $0xFFFFFFFF  }
0xa4: {  	s23 =	simm.s32 $_size_execute0_lowered;
	s3 =	sadd.s32 s1, s3;
	[dreg:$0x0] =	wrdreg $0x0  }
0xa5: {  	s4 =	sshll.u32 s23, $0x1;
	[dreg:$0x2] =	wrdreg s3  }
0xa6: {  	[dreg:$0x3] =	wrdreg s4  }
0xa7: {  	[dreg:$0x4] =	wrdreg $0xC0  }
0xa8: {  	s24 =	simm.s32 $execute1_lowered;
	_ =	task [dreg:s18], $0x5FFFF  }
0xa9: {  	s3 =	sshll.u32 s24, $0x1;
	[dreg:$0x1] =	wrdreg $0xFFFFFFFF  }
0xaa: {  	s1 =	sadd.s32 s1, s3;
	[dreg:$0x0] =	wrdreg $0x60  }
0xab: {  	[dreg:$0x2] =	wrdreg s1  }
0xac: {  	[dreg:$0x3] =	wrdreg s20  }
0xad: {  	[dreg:$0x4] =	wrdreg $0x9  }
0xae: {  	_ =	task.clear_ibuf [dreg:s18], $0x5FFFF;
	_ =	strace $0x90000058  }
0xaf: {  	s25 =	simm.s32 $0x9;
	_ =	strace $0x8000005A  }
0xb0: {  	_ =	swait.ge [sflag:s25], $0x1  }
0xb1: {  	[sflag:s25] =	ssyncadd.s32 $0xFFFFFFFF  }
0xb2: {  	_ =	strace $0x9000005A  }
0xb3: {  	_ =	strace $0x8000005B;
	[dreg:$0x1] =	wrdreg $0xFFFFFFFF  }
0xb4: {  	[dreg:$0x0] =	wrdreg $0x2030  }
0xb5: {  	[dreg:$0x2] =	wrdreg s20  }
0xb6: {  	[dreg:$0x3] =	wrdreg $0xA  }
0xb7: {  	_ =	task.clear_ibuf [dreg:s18], $0x4FFFF;
	_ =	strace $0x9000005B  }
0xb8: {  	s26 =	simm.s32 $0xA;
	_ =	strace $0x8000005D  }
0xb9: {  	_ =	swait.ge [sflag:s26], $0x1  }
0xba: {  	[sflag:s26] =	ssyncadd.s32 $0xFFFFFFFF  }
0xbb: {  	_ =	strace $0x9000005D  }
0xbc: {  	_ =	sfence  }
0xbd: {  	s28 =	sld [smem:$0x0];
	_ =	sdelay $0x1  }
0xbe: {  	s29 =	srdreg.scid  }
0xbf: {  	s30 =	sshll.u32 s29, $0xD;
	s31 =	sshrl.u32 s29, $0x2  }
0xc0: {  	s2 =	sand.u32 $0x1, s29;
	s3 =	sand.u32 $0x4000, s30;
	s1 =	sadd.s32 s31, s28  }
0xc1: {  	s2 =	sor.u32 s3, s2;
	s1 =	sshll.u32 s1, $0x11  }
0xc2: {  	s1 =	sor.u32 s1, s2  }
0xc3: {  	s1 =	sadd.s32 $0x8F2B, s1  }
0xc4: {  	[sflag:s1] =	ssyncadd.remote.s32 $0x1  }
0xc5: {  	_ =	sfence.sel $0xFFFF  }
0xc6: {  	[dreg:$0x0] =	wrdreg $0xFFFFFFFF;
	(pc) =	sbr.abs _section_cstart, $3  }
0xc7: {  	[dreg:$0x1] =	wrdreg $0xFFFFFFFF  }
0xc8: {  	_ =	task.clear_ibuf [dreg:s18], $0x2FFFF;
	_ =	strace $0x9FFFFFFF  }
0xc9: {  	(tm) =	ssettm $0x7FFFFFFF  }
tec
execute0_lowered:
.L_overlay_start_1:
0x0: {  	(tag) =	ssettag $0x1  }
0x1: {  	s2 =	rddreg [dreg:$0x0]  }
0x2: {  	s6 =	rddreg [dreg:$0x1]  }
0x3: {  	s0 =	rddreg [dreg:$0x2];
	s3 =	stileid.u32  }
0x4: {  	[bflag:$0x3] =	sbarrier.arrive $0xFFFF;
	s1 =	simm.s32 $_size_execute1_lowered;
	p0 =	sne.s32 s3, $0x0  }
0x5: {  	s1 =	sshll.u32 s1, $0x1;
	s4 =	simm.s32 @!p0 $0x1C3F;
	s5 =	simm.s32 @!p0 $0x4060  }
0x6: {  	[timem:s5], [sflag:s4] =	dma.local @!p0 [hbm:s2], s1  }
0x7: {  	s7 =	simm.s32 $0x1;
	s8 =	simm.s32 $0x2;
	s2 =	sshll.u32 s3, $0xE  }
0x8: {  	s10 =	simm.s32 $0x0;
	s9 =	simm.s32 $0x0;
	s30 =	ssub.s32 $0x3200000, s2  }
.Ltmp0:
0x9: {  	s3 =	sadd.s32 $0x4CA00, s6;
	s31 =	sand.u32 $0x3C000, s30;
	(pc) =	sbr.rel .LBB2_1-.Ltmp0, $4  }
0xa: {  	s4 =	simm.s32 $0x1;
	_ =	strace $0x80000059;
	p1 =	sne.s32 s31, $0x0  }
0xb: {  	s5 =	sshrl.u32 s30, $0x12;
	[sflag:s4] =	ssyncpa.u1 $0x0;
	s7 =	simm.s32 @!p1 $0x0  }
0xc: {  	s6 =	sadd.s32 $0xCCCA00, s6;
	[sflag:s8] =	ssyncpa.u1 $0x0;
	s5 =	sadd.s32 s7, s5  }
0xd: {  	s8 =	smov.u32 s2;
	p1 =	por $0x0, $0x0;
	s7 =	sadd.s32 $0x1, s5  }
.LBB2_4:
0xe: {  	[tilespmem:s11+$0xB0] =	vst v0  }
0xf: {  	[tilespmem:s11+$0xC0] =	vst v1  }
0x10: {  	[tilespmem:s11+$0xD0] =	vst v2  }
0x11: {  	[tilespmem:s11+$0xE0] =	vst v3;
	s13 =	sshrl.u32 s10, $0x3  }
0x12: {  	[tilespmem:s11+$0xFFFFFF00] =	vst v4;
	s31 =	sand.u32 $0x7, s10;
	s30 =	sadd.s32 s6, s13  }
0x13: {  	[hbm4b:s30+s31] =	stream.linear.scatter [tilespmem:s12], [sflag:$0x2], $0x4000, $0x38;
	[tilespmem:$0x10000] =	vst v63  }
.LBB2_5:
0x14: {  	s12 =	sadd.s32 $0x40000, s8  }
0x15: {  	p3 =	sgt.s32 s12, $0x31FFFFF  }
0x16: {  	s12 =	smov.u32 @p3 s2;
	p3 =	sne.s32 s9, s7  }
.Ltmp1:
0x17: {  	p2 =	slt.u32 s9, $0x2;
	(pc) =	sbr.rel @!p3 .LBB2_6-.Ltmp1, $4  }
0x18: {  	s11 =	simm.s32 @!p2 $0x2  }
0x19: {  	s13 =	sadd.s32 $0x1, s9;
	_ =	swait.ge @!p2 [sflag:s11], $0x4000  }
0x1a: {  	s10 =	smov.u32 s8;
	p1 =	por !p1, !p1;
	[sflag:s11] =	ssyncset.done @!p2 $0x0  }
0x1b: {  	s9 =	smov.u32 s13;
	s8 =	smov.u32 s12;
	[sflag:s11] =	ssyncadd.s32 @!p2 $0xFFFFC000  }
.LBB2_1:
0x1c: {  	p2 =	sge.u32 s9, s5  }
0x1d: {  	s11 =	sxor.u32 @!p2 $0xFFFFFFFF, s9  }
0x1e: {  	s31 =	sadd.s32 $0xFFFFFFFF, s9;
	s12 =	sshrl.u32 @!p2 s8, $0x3;
	s11 =	sshll.u32 @!p2 s11, $0xE  }
0x1f: {  	s13 =	sand.u32 @!p2 $0x7, s8;
	s12 =	sadd.s32 @!p2 s3, s12;
	s11 =	sand.u32 @!p2 $0x4000, s11  }
0x20: {  	[tilespmem:s11], [sflag:$0x1] =	stream.linear.gather @!p2 [hbm4b:s12+s13], $0x4000, $0x38;
	[tilespmem:$0x10000] =	vst v63  }
0x21: {  	p2 =	sge.u32 s31, s5  }
.Ltmp2:
0x22: {  	_ = 	snop;
	(pc) =	sbr.rel @p2 .LBB2_5-.Ltmp2, $1  }
0x23: {  	_ =	sdelay $0x3  }
0x24: {  	s11 =	simm.s32 $0x1  }
0x25: {  	_ =	swait.ge [sflag:s4], $0x4000;
	s11 =	simm.s32 @!p1 $0x0  }
0x26: {  	[sflag:s4] =	ssyncset.done $0x0;
	s11 =	sshll.u32 s11, $0xE  }
0x27: {  	[sflag:s4] =	ssyncadd.s32 $0xFFFFC000;
	s14 =	sor.u32 $0x100, s11  }
0x28: {  	v0 =	vld [tilespmem:s14+$0xF0]  }
0x29: {  	v1 =	vld [tilespmem:s14+$0xFFFFFF10]  }
0x2a: {  	v2 =	vld [tilespmem:s14+$0xFFFFFF20]  }
0x2b: {  	v3 =	vld [tilespmem:s14+$0xFFFFFF30]  }
0x2c: {  	s11 =	sor.u32 $0x8100, s11;
	v4 =	vld [tilespmem:s14+$0xFFFFFF40]  }
0x2d: {  	v5 =	vld [tilespmem:s14+$0xFFFFFF50];
	[tilespmem:s11+$0xF0] =	vst v0  }
0x2e: {  	[tilespmem:s11+$0xFFFFFF10] =	vst v1;
	v0 =	vld [tilespmem:s14+$0xFFFFFF60]  }
0x2f: {  	[tilespmem:s11+$0xFFFFFF20] =	vst v2;
	v1 =	vld [tilespmem:s14+$0xFFFFFF70]  }
0x30: {  	[tilespmem:s11+$0xFFFFFF30] =	vst v3;
	v2 =	vld [tilespmem:s14+$0xFFFFFF80]  }
0x31: {  	[tilespmem:s11+$0xFFFFFF40] =	vst v4;
	v3 =	vld [tilespmem:s14+$0xFFFFFF90]  }
0x32: {  	[tilespmem:s11+$0xFFFFFF50] =	vst v5;
	v4 =	vld [tilespmem:s14+$0xFFFFFFA0]  }
0x33: {  	v5 =	vld [tilespmem:s14+$0xA0];
	[tilespmem:s11+$0xFFFFFF60] =	vst v0  }
0x34: {  	v0 =	vld [tilespmem:s14+$0xFFFFFFB0];
	[tilespmem:s11+$0xFFFFFF70] =	vst v1  }
0x35: {  	v1 =	vld [tilespmem:s14+$0xFFFFFFC0];
	[tilespmem:s11+$0xFFFFFF80] =	vst v2  }
0x36: {  	v2 =	vld [tilespmem:s14+$0xFFFFFFD0];
	[tilespmem:s11+$0xFFFFFF90] =	vst v3  }
0x37: {  	v3 =	vld [tilespmem:s14+$0xFFFFFFE0];
	[tilespmem:s11+$0xFFFFFFA0] =	vst v4  }
0x38: {  	v4 =	vld [tilespmem:s14+$0xFFFFFFF0];
	[tilespmem:s11+$0xA0] =	vst v5  }
0x39: {  	[tilespmem:s11+$0xFFFFFFB0] =	vst v0;
	v0 =	vld [tilespmem:s14+$0x0]  }
0x3a: {  	[tilespmem:s11+$0xFFFFFFC0] =	vst v1;
	v1 =	vld [tilespmem:s14+$0x10]  }
0x3b: {  	[tilespmem:s11+$0xFFFFFFD0] =	vst v2;
	v2 =	vld [tilespmem:s14+$0x20]  }
0x3c: {  	[tilespmem:s11+$0xFFFFFFE0] =	vst v3;
	v3 =	vld [tilespmem:s14+$0x30]  }
0x3d: {  	[tilespmem:s11+$0xFFFFFFF0] =	vst v4;
	v4 =	vld [tilespmem:s14+$0x40]  }
0x3e: {  	[tilespmem:s11+$0x0] =	vst v0;
	v0 =	vld [tilespmem:s14+$0x50]  }
0x3f: {  	[tilespmem:s11+$0x10] =	vst v1;
	v1 =	vld [tilespmem:s14+$0x60]  }
0x40: {  	[tilespmem:s11+$0x20] =	vst v2;
	v2 =	vld [tilespmem:s14+$0x70]  }
0x41: {  	[tilespmem:s11+$0x30] =	vst v3;
	v3 =	vld [tilespmem:s14+$0x80]  }
0x42: {  	[tilespmem:s11+$0x40] =	vst v4;
	v4 =	vld [tilespmem:s14+$0x90]  }
0x43: {  	[tilespmem:s11+$0x50] =	vst v0;
	v0 =	vld [tilespmem:s14+$0xB0]  }
0x44: {  	[tilespmem:s11+$0x60] =	vst v1;
	v1 =	vld [tilespmem:s14+$0xC0]  }
0x45: {  	s12 =	sshll.u32 s9, $0xE;
	[tilespmem:s11+$0x70] =	vst v2;
	v2 =	vld [tilespmem:s14+$0xD0]  }
0x46: {  	s12 =	sand.u32 $0x4000, s12;
	[tilespmem:s11+$0x80] =	vst v3;
	v3 =	vld [tilespmem:s14+$0xE0]  }
0x47: {  	s13 =	simm.s32 $0x0;
	s12 =	sor.u32 $0x8000, s12;
	[tilespmem:s11+$0x90] =	vst v4;
	v4 =	vld [tilespmem:s14+$0xFFFFFF00];
	s14 =	sadd.s32 $0x200, s14  }
.LBB2_3:
0x48: {  	v5 =	vld [tilespmem:s14+$0xF0];
	s13 =	sadd.s32 $0x200, s13;
	[tilespmem:s11+$0xB0] =	vst v0  }
0x49: {  	v0 =	vld [tilespmem:s14+$0xFFFFFF10];
	p2 =	slt.u32 s13, $0x3E00;
	[tilespmem:s11+$0xC0] =	vst v1  }
0x4a: {  	v1 =	vld [tilespmem:s14+$0xFFFFFF20];
	[tilespmem:s11+$0xD0] =	vst v2  }
0x4b: {  	v2 =	vld [tilespmem:s14+$0xFFFFFF30];
	[tilespmem:s11+$0xE0] =	vst v3  }
0x4c: {  	v3 =	vld [tilespmem:s14+$0xFFFFFF40];
	[tilespmem:s11+$0xFFFFFF00] =	vst v4;
	s11 =	sadd.s32 $0x200, s11  }
0x4d: {  	v4 =	vld [tilespmem:s14+$0xFFFFFF50];
	[tilespmem:s11+$0xF0] =	vst v5  }
0x4e: {  	[tilespmem:s11+$0xFFFFFF10] =	vst v0;
	v0 =	vld [tilespmem:s14+$0xFFFFFF60]  }
0x4f: {  	[tilespmem:s11+$0xFFFFFF20] =	vst v1;
	v1 =	vld [tilespmem:s14+$0xFFFFFF70]  }
0x50: {  	[tilespmem:s11+$0xFFFFFF30] =	vst v2;
	v2 =	vld [tilespmem:s14+$0xFFFFFF80]  }
0x51: {  	[tilespmem:s11+$0xFFFFFF40] =	vst v3;
	v3 =	vld [tilespmem:s14+$0xFFFFFF90]  }
0x52: {  	[tilespmem:s11+$0xFFFFFF50] =	vst v4;
	v4 =	vld [tilespmem:s14+$0xFFFFFFA0]  }
0x53: {  	[tilespmem:s11+$0xFFFFFF60] =	vst v0;
	v0 =	vld [tilespmem:s14+$0xFFFFFFB0]  }
0x54: {  	[tilespmem:s11+$0xFFFFFF70] =	vst v1;
	v1 =	vld [tilespmem:s14+$0xFFFFFFC0]  }
0x55: {  	[tilespmem:s11+$0xFFFFFF80] =	vst v2;
	v2 =	vld [tilespmem:s14+$0xFFFFFFD0]  }
0x56: {  	[tilespmem:s11+$0xFFFFFF90] =	vst v3;
	v3 =	vld [tilespmem:s14+$0xFFFFFFE0]  }
0x57: {  	[tilespmem:s11+$0xFFFFFFA0] =	vst v4;
	v4 =	vld [tilespmem:s14+$0xFFFFFFF0]  }
0x58: {  	[tilespmem:s11+$0xFFFFFFB0] =	vst v0;
	v0 =	vld [tilespmem:s14+$0x0]  }
0x59: {  	[tilespmem:s11+$0xFFFFFFC0] =	vst v1;
	v1 =	vld [tilespmem:s14+$0x10]  }
0x5a: {  	[tilespmem:s11+$0xFFFFFFD0] =	vst v2;
	v2 =	vld [tilespmem:s14+$0x20]  }
0x5b: {  	[tilespmem:s11+$0xFFFFFFE0] =	vst v3;
	v3 =	vld [tilespmem:s14+$0x30]  }
0x5c: {  	[tilespmem:s11+$0xFFFFFFF0] =	vst v4;
	v4 =	vld [tilespmem:s14+$0x40]  }
0x5d: {  	[tilespmem:s11+$0x0] =	vst v0;
	v0 =	vld [tilespmem:s14+$0x50]  }
0x5e: {  	[tilespmem:s11+$0x10] =	vst v1;
	v1 =	vld [tilespmem:s14+$0x60]  }
0x5f: {  	[tilespmem:s11+$0x20] =	vst v2;
	v2 =	vld [tilespmem:s14+$0x70]  }
0x60: {  	[tilespmem:s11+$0x30] =	vst v3;
	v3 =	vld [tilespmem:s14+$0x80]  }
0x61: {  	[tilespmem:s11+$0x40] =	vst v4;
	v4 =	vld [tilespmem:s14+$0x90]  }
0x62: {  	[tilespmem:s11+$0x50] =	vst v0;
	v5 =	vld [tilespmem:s14+$0xA0]  }
.Ltmp3:
0x63: {  	[tilespmem:s11+$0x60] =	vst v1;
	v0 =	vld [tilespmem:s14+$0xB0];
	(pc) =	sbr.rel @p2 .LBB2_3-.Ltmp3, $4  }
0x64: {  	[tilespmem:s11+$0x70] =	vst v2;
	v1 =	vld [tilespmem:s14+$0xC0]  }
0x65: {  	[tilespmem:s11+$0x80] =	vst v3;
	v2 =	vld [tilespmem:s14+$0xD0]  }
0x66: {  	[tilespmem:s11+$0x90] =	vst v4;
	v3 =	vld [tilespmem:s14+$0xE0]  }
0x67: {  	v4 =	vld [tilespmem:s14+$0xFFFFFF00];
	[tilespmem:s11+$0xA0] =	vst v5;
	s14 =	sadd.s32 $0x200, s14  }
.Ltmp4:
0x68: {  	_ = 	snop;
	(pc) =	sbr.rel .LBB2_4-.Ltmp4, $1  }
0x69: {  	_ =	sdelay $0x3  }
.LBB2_6:
0x6a: {  	_ =	sfence.sel $0x180000  }
0x6b: {  	s2 =	simm.s32 $0x1;
	[bflag:$0x0] =	sbarrier.arrive $0xFFFF  }
0x6c: {  	s31 =	simm.s32 $0x2;
	[sflag:s2] =	ssyncpa.u1 $0x1  }
0x6d: {  	[sflag:s31] =	ssyncpa.u1 $0x1  }
0x6e: {  	_ =	strace $0x90000059  }
0x6f: {  	s0 =	sadd.s32 @!p0 $0x100000, s0;
	[bflag:$0x2] =	sbarrier.arrive $0xFFFF  }
0x70: {  	[sflag:s0] =	ssyncadd.tile.s32 @!p0 $0x1;
	s0 =	simm.s32 @!p0 $0x3F  }
0x71: {  	_ =	swait.ge @!p0 [sflag:s0], s1  }
0x72: {  	s1 =	ssub.s32 @!p0 $0x0, s1;
	[sflag:s0] =	ssyncset.done @!p0 $0x0  }
0x73: {  	[sflag:s0] =	ssyncadd.s32 @!p0 s1  }
0x74: {  	[bflag:$0x3] =	sbarrier.arrive $0xFFFF  }
0x75: {  	_ =	shalt  }
.Lfunc_end2:
execute1_lowered:
.L_overlay_start_2:
0x76: {  	(tag) =	ssettag $0x2  }
0x77: {  	s6 =	rddreg [dreg:$0x0];
	s14 =	stileid.u32  }
0x78: {  	_ =	strace $0x8000005C;
	s0 =	simm.s32 $0x1;
	s1 =	smin.u32 s14, $0x4  }
0x79: {  	v1 =	vimm.s32 $0xFFFFFFFF;
	[sflag:s0] =	ssyncpa.u1 $0x0;
	s1 =	sadd.s32 s14, s1  }
0x7a: {  	p0 =	slt.u32 s14, $0x4;
	[tilespmem:$0x10] =	vst v1;
	s4 =	smul.u32 $0x1F40, s1;
	s1 =	simm.s32 $0x3E80  }
0x7b: {  	v0 =	vimm.f32 $0.0e+00;
	[tilespmem:$0x20] =	vst v1;
	s1 =	simm.s32 @!p0 $0x1F40  }
0x7c: {  	[tilespmem:$0x30] =	vst v0;
	s1 =	sadd.s32 s1, s4  }
0x7d: {  	s7 =	simm.s32 $0x2;
	[tilespmem:$0x40] =	vst v0;
	s5 =	smin.u32 s1, $0x27100  }
0x7e: {  	s8 =	simm.s32 $0x8;
	s31 =	simm.s32 $0x9;
	[tilespmem:$0x50] =	vst v0;
	s2 =	ssub.s32 s5, s4  }
0x7f: {  	s16 =	simm.s32 $0x0;
	s17 =	simm.s32 $0xF0;
	[tilespmem:$0x60] =	vst v1;
	p0 =	sgt.s32 s2, $0x0  }
0x80: {  	s18 =	simm.s32 $0xFFFFFFFF;
	s19 =	simm.s32 $0xFFFFC280;
	[tilespmem:$0x70] =	vst v1;
	s2 =	simm.s32 @!p0 $0x0  }
0x81: {  	s20 =	simm.s32 $0xFFFFFFFE;
	s21 =	simm.s32 $0xF;
	[tilespmem:$0x80] =	vst v1;
	s30 =	smulhi.u32 $0x10624DD3, s2  }
0x82: {  	s22 =	simm.s32 $0x30;
	s25 =	simm.s32 $0x0;
	s10 =	sshll.u32 s14, $0x1;
	v1 =	vimm.s32 $0x0;
	[tilespmem:$0xB0] =	vst v0  }
0x83: {  	s24 =	simm.s32 $0x0;
	s13 =	sor.u32 $0x81, s10;
	[tilespmem:$0x90] =	vst v1;
	s3 =	sshrl.u32 s30, $0x9  }
0x84: {  	[tilespmem:$0xA0] =	vst v1;
	[sflag:s7] =	ssyncpa.u1 $0x0;
	s7 =	simm.s32 $0x7;
	s9 =	smul.u32 $0x1F40, s3  }
.Ltmp5:
0x85: {  	s14 =	sshllo.u32 s14, $0x1;
	[sflag:s7] =	ssyncpa.u1 $0x0;
	(pc) =	sbr.rel .LBB3_1-.Ltmp5, $4  }
0x86: {  	s15 =	sor.u32 $0x80, s10;
	[sflag:s8] =	ssyncpa.u1 $0x0;
	p0 =	sne.s32 s2, s9  }
0x87: {  	s23 =	smov.u32 s4;
	s1 =	sadd.s32 $0xCCCA00, s6;
	s0 =	simm.s32 @!p0 $0x0  }
0x88: {  	vm0 =	vmmov $0xffff;
	v2 =	vlaneseq.u32;
	s6 =	sadd.s32 $0xB200, s6;
	[sflag:s31] =	ssyncpa.u1 $0x0;
	s9 =	sadd.s32 s0, s3  }
0x89: {  	vm1 =	vmxor vm1, vm1;
	vm2 =	vmmov $0x1;
	vm3 =	vcmask $0x3F3C;
	p0 =	por $0x0, $0x0;
	s11 =	sadd.s32 $0x1, s9;
	s12 =	sadd.s32 $0x2, s9  }
.LBB3_9:
0x8a: {  	p1 =	slt.u32 s24, $0x3  }
0x8b: {  	s0 =	simm.s32 @!p1 $0x2  }
0x8c: {  	_ =	swait.ge @!p1 [sflag:s0], $0x1F40  }
0x8d: {  	[sflag:s0] =	ssyncset.done @!p1 $0x0  }
0x8e: {  	[sflag:s0] =	ssyncadd.s32 @!p1 $0xFFFFE0C0;
	s0 =	simm.s32 @!p1 $0x9  }
0x8f: {  	_ =	swait.ge @!p1 [sflag:s0], $0x10  }
0x90: {  	[sflag:s0] =	ssyncset.done @!p1 $0x0  }
0x91: {  	[sflag:s0] =	ssyncadd.s32 @!p1 $0xFFFFFFF0;
	p1 =	sne.s32 s24, s12  }
.Ltmp6:
0x92: {  	s2 =	sadd.s32 $0x1F40, s23;
	(pc) =	sbr.rel @!p1 .LBB3_10-.Ltmp6, $4  }
0x93: {  	s3 =	smov.u32 s4;
	s31 =	sadd.s32 $0x1, s24;
	s17 =	sadd.s32 $0x1F40, s17  }
0x94: {  	s18 =	sadd.s32 $0x1, s18;
	s25 =	smov.u32 s23;
	p2 =	slt.s32 s2, s5  }
0x95: {  	p0 =	por !p0, !p0;
	s19 =	sadd.s32 $0x1F40, s19;
	s3 =	smov.u32 @p2 s2  }
0x96: {  	s20 =	sadd.s32 $0x1, s20;
	s23 =	smov.u32 s3;
	s24 =	smov.u32 s31  }
.LBB3_1:
0x97: {  	p1 =	sge.u32 s24, s9  }
0x98: {  	s0 =	smulhi.u32 @!p1 $0xAAAAAAAB, s24;
	_ =	sdelay $0x1  }
0x99: {  	s0 =	sshrl.u32 @!p1 s0, $0x1  }
0x9a: {  	s0 =	smul.u32 @!p1 $0x3, s0;
	_ =	sdelay $0x1  }
0x9b: {  	s0 =	ssub.s32 @!p1 s24, s0  }
0x9c: {  	s0 =	smul.u32 @!p1 $0x7D00, s0;
	_ =	sdelay $0x1  }
0x9d: {  	s2 =	sshrl.u32 @!p1 s23, $0x3;
	s0 =	sshrl.u32 @!p1 s0, $0x2  }
0x9e: {  	s3 =	sand.u32 @!p1 $0x7, s23;
	s2 =	sadd.s32 @!p1 s6, s2;
	s0 =	sadd.s32 @!p1 $0x100, s0  }
0x9f: {  	[tilespmem:s0], [sflag:$0x7] =	stream.linear.gather @!p1 [hbm4b:s2+s3], $0x1F40, $0x38;
	[tilespmem:$0x11A60] =	vst v63  }
0xa0: {  	s0 =	sadd.s32 $0xFFFFFFFF, s24  }
0xa1: {  	p1 =	sge.u32 s0, s9  }
.Ltmp7:
0xa2: {  	_ = 	snop;
	(pc) =	sbr.rel @p1 .LBB3_5-.Ltmp7, $1  }
0xa3: {  	_ =	sdelay $0x3  }
0xa4: {  	s2 =	smulhi.u32 $0xAAAAAAAB, s0;
	_ =	sdelay $0x1  }
0xa5: {  	s2 =	sshrl.u32 s2, $0x1  }
0xa6: {  	s2 =	smul.u32 $0x3, s2;
	_ =	sdelay $0x1  }
0xa7: {  	s2 =	ssub.s32 s0, s2  }
0xa8: {  	s2 =	smul.u32 $0x7D00, s2  }
0xa9: {  	_ =	swait.ge [sflag:s7], $0x1F40  }
0xaa: {  	[sflag:s7] =	ssyncset.done $0x0;
	s2 =	sshrl.u32 s2, $0x2  }
0xab: {  	[sflag:s7] =	ssyncadd.s32 $0xFFFFE0C0;
	(ifvalue) =	ssetifvalue $0xFFFFFFFF;
	v3 =	vld.msk [tilespmem:s2+$0x100 ss:$0x1], $0xffff;
	_ =	sdelay $0x2  }
0xac: {  	s30 =	smulhi.u32 $0xAAAAAAAB, s18;
	p1 =	sne.s32 s24, $0x1  }
0xad: {  	v4 =	vimm.s32 @!p1 $0x0  }
0xae: {  	s2 =	sshrl.u32 s30, $0x1;
	v4 =	vperm.xlane @!p1 v3, v4  }
0xaf: {  	s3 =	sshll.u32 s24, $0x4;
	s2 =	smul.u32 $0xFFFE8900, s2;
	vm4 =	vlt.u32 v3, $0x3200000  }
0xb0: {  	s3 =	sand.u32 $0x10, s3;
	v3 =	vnsel vm4, $0xFFFFFFFE, v3;
	vm4 =	vlt.u32 @!p1 v4, $0x3200000  }
0xb1: {  	s2 =	sshra.s32 s2, $0x2;
	[tilespmem:s3+$0x60] =	vst v3;
	v3 =	vnsel @!p1 vm4, $0xFFFFFFFE, v4  }
0xb2: {  	s28 =	sadd.s32 s2, s17;
	[tilespmem:$0x80] =	vst @!p1 v3  }
0xb3: {  	v3 =	vld.msk [tilespmem:s28+$0x0 ss:$0x1], $0xffff;
	_ =	sdelay $0x4  }
0xb4: {  	(xrf1) =	vunique.msk.u32 $0xffff, v3;
	_ =	sdelay $0xd  }
0xb5: {  	v4 =	vimm.s32 $0xFFFFFFFF;
	v5, _, _ =	vpop (xrf1)  }
0xb6: {  	vm5 =	vne.s32 v3, v4;
	vm4 =	veq.s32 v5, v2  }
0xb7: {  	vm6 =	vlt.u32 v3, $0x3200000;
	vm4 =	vmand vm5, vm4  }
0xb8: {  	vm4 =	vmand vm6, vm4  }
0xb9: {  	v4 =	vnsel vm4, $0xFFFFFFFF, v3  }
0xba: {  	s31 =	sand.u32 $0x1, s0  }
0xbb: {  	s0 =	simm.s32 $0x1F40;
	p1 =	seq.s32 s31, $0x1  }
0xbc: {  	s0 =	simm.s32 @!p1 $0x0  }
0xbd: {  	s26 =	sadd.s32 $0x7DF0, s0;
	(ifvalue) =	ssetifvalue $0xFFFFFFFF  }
0xbe: {  	v3 =	vperm.xlane v3, v1;
	[tilespmem:s26], [sflag:$0x8] =	stream.indirect_vreg.gather [hbm4b:s1+s16], $0x1, v4, vm0, $0x4038;
	v4 =	vnsel vm6, $0xFFFFFFFE, v4;
	[tilespmem:$0x11A60] =	vst v63  }
0xbf: {  	s2 =	simm.s32 $0x0;
	s3 =	sadd.s32 $0xFFFFFFF0, s28;
	[tilespmem:s28+$0x0] =	vst v4  }
.LBB3_3:
0xc0: {  	v4 =	vld.msk [tilespmem:s3+$0x0 ss:$0x1], $0xffff;
	s2 =	sadd.s32 $0x10, s2;
	v5 =	vmov v3;
	s28 =	smov.u32 s3  }
0xc1: {  	p1 =	slt.u32 s2, $0x1F30;
	_ =	sdelay $0x4  }
0xc2: {  	v3 =	vperm.xlane v4, v1;
	(xrf1) =	vunique.msk.u32 $0xffff, v4;
	_ =	sdelay $0xd  }
0xc3: {  	v6, _, _ =	vpop (xrf1)  }
0xc4: {  	vm5 =	vne.s32 v4, v5;
	vm4 =	veq.s32 v6, v2  }
0xc5: {  	vm6 =	vlt.u32 v4, $0x3200000;
	vm4 =	vmand vm5, vm4  }
0xc6: {  	vm4 =	vmand vm6, vm4  }
0xc7: {  	v4 =	vnsel vm4, $0xFFFFFFFF, v4  }
.Ltmp8:
0xc8: {  	v5 =	vnsel vm6, $0xFFFFFFFE, v4;
	(pc) =	sbr.rel @p1 .LBB3_3-.Ltmp8, $3  }
0xc9: {  	_ =	sdelay $0x1  }
0xca: {  	s3 =	sadd.s32 $0xFFFFFFF0, s3;
	s26 =	sadd.s32 $0xFFFFFFF0, s26;
	(ifvalue) =	ssetifvalue $0xFFFFFFFF  }
0xcb: {  	[tilespmem:s26], [sflag:$0x8] =	stream.indirect_vreg.gather [hbm4b:s1+s16], $0x1, v4, vm0, $0x4038;
	[tilespmem:s28+$0x0] =	vst v5  }
0xcc: {  	s2 =	sshrl.u32 s25, $0x3;
	s3 =	rddreg [dreg:$0x0]  }
0xcd: {  	s0 =	sadd.s32 $0x9D40, s0;
	s2 =	sadd.s32 s3, s2  }
0xce: {  	[tilespmem:s0], [sflag:$0x8] =	stream.linear.gather [hbm:s2], $0x1F40, $0x38;
	[tilespmem:$0x11A60] =	vst v63  }
.LBB3_5:
0xcf: {  	p1 =	slt.u32 s24, $0x2  }
0xd0: {  	p2 =	sge.u32 @!p1 s24, s12  }
0xd1: {  	p1 =	por p1, p2  }
.Ltmp9:
0xd2: {  	_ = 	snop;
	(pc) =	sbr.rel @p1 .LBB3_9-.Ltmp9, $1  }
0xd3: {  	_ =	sdelay $0x3  }
0xd4: {  	s0 =	sadd.s32 $0xFFFFFFFE, s24  }
0xd5: {  	s2 =	smulhi.u32 $0xAAAAAAAB, s0;
	_ =	sdelay $0x1  }
0xd6: {  	s2 =	sshrl.u32 s2, $0x1  }
0xd7: {  	s2 =	smul.u32 $0x3, s2;
	_ =	sdelay $0x1  }
0xd8: {  	s0 =	ssub.s32 s0, s2  }
0xd9: {  	_ =	swait.ge [sflag:s8], $0x3E80;
	s0 =	smul.u32 $0x1F40, s0  }
0xda: {  	p1 =	sne.s32 s24, s11;
	[sflag:s8] =	ssyncset.done $0x0  }
0xdb: {  	[sflag:s8] =	ssyncadd.s32 $0xFFFFC180;
	s2 =	sadd.s32 @!p1 $0x203F, s0  }
0xdc: {  	[spmem:s13] =	stream.linear.scatter @!p1 [tilespmem:s2], [sflag:$0x1], $0x1, $0x38;
	[tilespmem:$0x11A60] =	vst v63  }
0xdd: {  	s2 =	simm.s32 @!p1 $0x1  }
0xde: {  	_ =	swait.ge @!p1 [sflag:s2], $0x1  }
0xdf: {  	s3 =	sshll.u32 s24, $0x4;
	[sflag:s2] =	ssyncset.done @!p1 $0x0  }
0xe0: {  	s25 =	sand.u32 $0x10, s3;
	[sflag:s2] =	ssyncadd.s32 @!p1 $0xFFFFFFFF  }
0xe1: {  	s2 =	sxor.u32 $0x10, s25;
	v4 =	vld [tilespmem:s25+$0x10]  }
0xe2: {  	v5 =	vld [tilespmem:s2+$0x60]  }
0xe3: {  	v3 =	vld [tilespmem:$0x80];
	_ =	sdelay $0x2  }
0xe4: {  	(v2sf) =	vpush v4, $0x0  }
0xe5: {  	(v2sf) =	vpush v5, $0x0  }
0xe6: {  	(v2sf) =	vpush v3, $0x0;
	_ =	sdelay $0xc  }
0xe7: {  	s3 =	spop (v2sf)  }
0xe8: {  	s26 =	spop (v2sf)  }
0xe9: {  	s28 =	spop (v2sf)  }
0xea: {  	p2 =	seq.s32 s3, s26;
	p3 =	seq.s32 s28, s3  }
0xeb: {  	p3 =	por p2, p3  }
0xec: {  	s26 =	sand.u32 $0x1, s24;
	v4 =	vpsel p3, $0xFFFFFFFF, v4  }
0xed: {  	s29 =	smul.u32 $0x1F40, s26;
	[tilespmem:s25+$0x10] =	vst.msk $0x1, v4  }
0xee: {  	v4 =	vld [tilespmem:$0x30]  }
0xef: {  	v5 =	vld [tilespmem:s29+$0x9D40]  }
0xf0: {  	v6 =	vld [tilespmem:s25+$0x40];
	_ =	sdelay $0x3  }
0xf1: {  	vm4 =	vmmov vm1;
	v5 =	vadd.f32 v5, v4  }
0xf2: {  	vm5 =	vmmov vm2;
	vm4 =	vmmov @p2 vm2;
	s3 =	sshll.u32 s26, $0x4;
	v4 =	vadd.f32 v6, v4  }
0xf3: {  	s26 =	sor.u32 $0x11A40, s3;
	vm5 =	vmmov @p3 vm1;
	[tilespmem:s29+$0x9D40] =	vst.msk vm4, v5  }
0xf4: {  	[tilespmem:s26+$0x0] =	vst.msk vm5, v4  }
0xf5: {  	v4 =	vld [tilespmem:s29+$0x7DF0];
	_ =	sdelay $0x3  }
0xf6: {  	v5 =	vimm.f32 $0.0e+00  }
0xf7: {  	v4 =	vshift.insert v4, v5, s21  }
0xf8: {  	s3 =	sor.u32 $0x40, s2  }
0xf9: {  	[tilespmem:s3+$0x0] =	vst.msk $0x1, v4  }
0xfa: {  	[tilespmem:s29+$0x7DFF] =	vst.msk $0x1, v5  }
0xfb: {  	v4 =	vld [tilespmem:s0+$0x2030];
	_ =	sdelay $0x1  }
0xfc: {  	s3 =	smulhi.u32 $0xAAAAAAAB, s20;
	s0 =	simm.s32 $0x1  }
0xfd: {  	s0 =	simm.s32 @!p0 $0x0  }
0xfe: {  	s3 =	sshrl.u32 s3, $0x1;
	s0 =	smul.u32 $0x7D00, s0  }
0xff: {  	s3 =	smul.u32 $0xFFFE8900, s3;
	v4 =	vshift.insert v4, v1, s21  }
0x100: {  	s0 =	sshrl.u32 s0, $0x2  }
0x101: {  	s3 =	sshra.s32 s3, $0x2;
	s30 =	sadd.s32 $0x9D40, s0;
	[tilespmem:s2+$0x10] =	vst.msk $0x1, v4  }
0x102: {  	s3 =	sadd.s32 s3, s19;
	v6 =	vld [tilespmem:s30+$0x0]  }
0x103: {  	v7 =	vld [tilespmem:s3+$0x0];
	_ =	sdelay $0x3  }
0x104: {  	v5 =	vadd.f32 v6, v5  }
0x105: {  	vm4 =	vne.s32 v7, $0xFFFFFFFF  }
0x106: {  	(xrf2) =	vadd.seg.scan.f32 vm4, v5;
	_ =	sdelay $0x3  }
0x107: {  	s31 =	sadd.s32 $0x5EC0, s0;
	v5 =	vperm.xlane v4, v1  }
0x108: {  	v6 =	vld [tilespmem:s31+$0x0]  }
0x109: {  	vm5 =	veq.s32 v7, v3;
	vm6 =	veq.s32 v7, v5  }
0x10a: {  	vm7 =	vgt.u32 v7, $0xFFFFFFFD;
	vm6 =	vmor vm6, vm5  }
0x10b: {  	vm6 =	vmor vm6, vm7  }
0x10c: {  	v9 =	vld [tilespmem:$0xA0];
	v7 =	vsel vm6, $0xFFFFFFFF, v7  }
0x10d: {  	v10 =	vld [tilespmem:$0x90];
	v6 =	vsel vm5, $0x0, v6;
	v8, _, _ =	vpop (xrf2)  }
0x10e: {  	v6 =	vadd.f32 v8, v6  }
0x10f: {  	s0 =	sadd.s32 $0xDBC0, s0  }
0x110: {  	vm4 =	vmand vm4, vm3;
	[tilespmem:s0+$0x0] =	vst v6;
	(ifvalue) =	ssetifvalue $0xFFFFFFFF  }
0x111: {  	vm6 =	veq.s32 v9, $0x1;
	[hbm4b:s1+s16] =	stream.indirect_vreg.scatter [tilespmem:s0], [sflag:$0x2], $0x1, v7, vm0, $0x4038;
	v7 =	vsel vm4, $0x0, v8;
	[tilespmem:$0x11A60] =	vst v63  }
0x112: {  	s2 =	simm.s32 $0x0;
	s3 =	sadd.s32 $0x10, s3;
	vm4 =	vmor vm6, vm5;
	v6 =	vsel vm5, v8, v10;
	v7 =	vshift.insert v7, v0, s21  }
.LBB3_7:
0x113: {  	v8 =	vld [tilespmem:s3+$0x0];
	s30 =	sadd.s32 $0x10, s30  }
0x114: {  	s31 =	sadd.s32 $0x10, s31;
	v9 =	vld [tilespmem:s30+$0x0]  }
0x115: {  	s2 =	sadd.s32 $0x10, s2;
	v10 =	vld [tilespmem:s31+$0x0]  }
0x116: {  	p2 =	slt.u32 s2, $0x1F30;
	_ =	sdelay $0x2  }
0x117: {  	v7 =	vadd.f32 v9, v7  }
0x118: {  	vm5 =	vne.s32 v8, $0xFFFFFFFF  }
0x119: {  	vm6 =	vmand vm5, vm3;
	(xrf2) =	vadd.seg.scan.f32 vm5, v7;
	_ =	sdelay $0x5  }
0x11a: {  	vm7 =	veq.s32 v8, v5;
	vm5 =	veq.s32 v8, v3  }
0x11b: {  	vm8 =	vgt.u32 v8, $0xFFFFFFFD;
	vm4 =	vmor vm4, vm5;
	vm7 =	vmor vm7, vm5  }
0x11c: {  	vm7 =	vmor vm7, vm8  }
0x11d: {  	v8 =	vsel vm7, $0xFFFFFFFF, v8  }
.Ltmp10:
0x11e: {  	v7 =	vsel vm5, $0x0, v10;
	v9, _, _ =	vpop (xrf2);
	(pc) =	sbr.rel @p2 .LBB3_7-.Ltmp10, $4  }
0x11f: {  	v6 =	vsel vm5, v9, v6;
	v10 =	vadd.f32 v9, v7;
	v7 =	vsel vm6, $0x0, v9  }
0x120: {  	s0 =	sadd.s32 $0x10, s0;
	v7 =	vshift.insert v7, v0, s21  }
0x121: {  	s3 =	sadd.s32 $0x10, s3;
	[tilespmem:s0+$0x0] =	vst v10;
	(ifvalue) =	ssetifvalue $0xFFFFFFFF  }
0x122: {  	[hbm4b:s1+s16] =	stream.indirect_vreg.scatter [tilespmem:s0], [sflag:$0x2], $0x1, v8, vm0, $0x4038;
	[tilespmem:$0x11A60] =	vst v63  }
0x123: {  	v3 =	vld [tilespmem:s29+$0xFAF0];
	_ =	sdelay $0x4  }
0x124: {  	v3 =	vshift.insert v3, v0, s21;
	_ =	sdelay $0x1  }
0x125: {  	[tilespmem:s22+$0x0] =	vst.msk $0x1, v3  }
0x126: {  	v3 =	vsel vm4, $0x1, v1;
	[tilespmem:$0x90] =	vst v6  }
0x127: {  	s0 =	sadd.s32 @!p1 $0xFAFF, s29;
	[tilespmem:$0xA0] =	vst v3  }
0x128: {  	[spmem:s14] =	stream.linear.scatter @!p1 [tilespmem:s0], [sflag:$0x1], $0x1, $0x38;
	[tilespmem:$0x11A60] =	vst v63  }
0x129: {  	s0 =	simm.s32 @!p1 $0x1  }
0x12a: {  	v3 =	vmctz.xlane @!p1 vm4;
	_ =	swait.ge @!p1 [sflag:s0], $0x1  }
0x12b: {  	(v2sf) =	vpush @!p1 v4, $0x0  }
0x12c: {  	(v2sf) =	vpush @!p1 v3, $0x0;
	_ =	sdelay $0xd  }
0x12d: {  	s2 =	spop @!p1 (v2sf)  }
0x12e: {  	s3 =	spop @!p1 (v2sf)  }
0x12f: {  	p2 =	sne.s32 @!p1 s28, s2;
	p3 =	slt.s32 @!p1 s3, $0xF  }
0x130: {  	[sflag:s0] =	ssyncset.done @!p1 $0x0;
	p2 =	por p2, p1;
	p3 =	por !p3, p1  }
0x131: {  	[sflag:s0] =	ssyncadd.s32 @!p1 $0xFFFFFFFF;
	v3 =	vimm.s32 @!p2 $0xFFFFFFFF;
	s3 =	simm.s32 @p3 $0xF  }
0x132: {  	[tilespmem:$0x80] =	vst @!p2 v3;
	s2 =	sadd.s32 @!p1 $0x90, s3  }
0x133: {  	[spmem:s10] =	stream.linear.scatter @!p1 [tilespmem:s2], [sflag:$0x1], $0x1, $0x38;
	[tilespmem:$0x11A60] =	vst v63  }
0x134: {  	_ =	swait.ge @!p1 [sflag:s0], $0x1  }
0x135: {  	[sflag:s0] =	ssyncset.done @!p1 $0x0  }
0x136: {  	s2 =	simm.s32 @!p1 $0x80;
	[sflag:s0] =	ssyncadd.s32 @!p1 $0xFFFFFFFF  }
0x137: {  	[spmem:s15] =	stream.linear.scatter @!p1 [tilespmem:s2], [sflag:$0x1], $0x1, $0x38;
	[tilespmem:$0x11A60] =	vst v63  }
0x138: {  	_ =	swait.ge @!p1 [sflag:s0], $0x1  }
0x139: {  	[sflag:s0] =	ssyncset.done @!p1 $0x0  }
0x13a: {  	[sflag:s0] =	ssyncadd.s32 @!p1 $0xFFFFFFFF;
	(ifvalue) =	ssetifvalue $0xFFFFFFFF;
	v3 =	vld [tilespmem:s25+$0x10];
	_ =	sdelay $0x3  }
.Ltmp11:
0x13b: {  	_ = 	snop;
	(pc) =	sbr.rel .LBB3_9-.Ltmp11, $3  }
0x13c: {  	_ =	sdelay $0x1  }
0x13d: {  	(ifvalue) =	ssetifvalue $0xFFFFFFFF  }
0x13e: {  	[hbm4b:s1+s16] =	stream.indirect_vreg.scatter [tilespmem:s26], [sflag:$0x9], $0x1, v3, vm0, $0x4038;
	[tilespmem:$0x11A60] =	vst v63  }
.LBB3_10:
0x13f: {  	_ =	sfence.sel $0x180000  }
0x140: {  	s0 =	simm.s32 $0x7;
	[bflag:$0x0] =	sbarrier.arrive $0xFFFF  }
0x141: {  	s26 =	simm.s32 $0x8;
	[sflag:s0] =	ssyncpa.u1 $0x1  }
0x142: {  	s28 =	simm.s32 $0x9;
	[sflag:s26] =	ssyncpa.u1 $0x1  }
0x143: {  	[sflag:s28] =	ssyncpa.u1 $0x1  }
0x144: {  	_ =	sfence.stream.spmem  }
0x145: {  	s29 =	simm.s32 $0x3;
	[bflag:$0x0] =	sbarrier.arrive $0xFFFF  }
0x146: {  	s30 =	simm.s32 $0x4;
	[sflag:s29] =	ssyncpa.u1 $0x1  }
0x147: {  	s31 =	simm.s32 $0x3C;
	s2 =	stileid.u32;
	[sflag:s30] =	ssyncpa.u1 $0x1  }
0x148: {  	p0 =	sne.s32 s2, $0x0;
	[sflag:s31] =	ssyncpa.u1 $0x1  }
0x149: {  	s0 =	simm.s32 @p0 $0x1;
	_ =	sfence @p0  }
0x14a: {  	[sflag:s0] =	ssyncpa.u1 @p0 $0x1;
	s0 =	simm.s32 @p0 $0x2  }
0x14b: {  	[sflag:s0] =	ssyncpa.u1 @p0 $0x1  }
0x14c: {  	_ =	strace @p0 $0x9000005C  }
0x14d: {  	[bflag:$0x2] =	sbarrier.arrive @p0 $0xFFFF  }
0x14e: {  	_ =	shalt @p0  }
.LBB3_11:
0x14f: {  	_ =	sfence.stream.spmem;
	s0 =	simm.s32 $0x5  }
0x150: {  	s2 =	simm.s32 $0x80;
	s3 =	simm.s32 $0xC0;
	[sflag:s0] =	ssyncpa.u1 $0x0  }
0x151: {  	[tilespmem:s3], [sflag:$0x5] =	stream.linear.gather [spmem:s2], $0x20, $0x38;
	[tilespmem:$0x11A60] =	vst v63  }
0x152: {  	s2 =	simm.s32 $0x0;
	s3 =	simm.s32 $0xE0  }
0x153: {  	[tilespmem:s3], [sflag:$0x5] =	stream.linear.gather [spmem:s2], $0x20, $0x38;
	[tilespmem:$0x11A60] =	vst v63  }
.Ltmp12:
0x154: {  	_ = 	snop;
	(pc) =	sbr.rel .LBB3_12-.Ltmp12, $4  }
0x155: {  	_ =	swait.ge [sflag:s0], $0x40  }
0x156: {  	[sflag:s0] =	ssyncset.done $0x0  }
0x157: {  	s31 =	simm.s32 $0x6;
	[sflag:s0] =	ssyncadd.s32 $0xFFFFFFC0  }
0x158: {  	s4 =	simm.s32 $0x0;
	[sflag:s31] =	ssyncpa.u1 $0x0  }
.LBB3_17:
0x159: {  	p0 =	sgt.u32 s5, $0x31FFFFF  }
0x15a: {  	s0 =	sshrl.u32 @!p0 s5, $0x3  }
0x15b: {  	s5 =	sand.u32 @!p0 $0x7, s5;
	s6 =	simm.s32 @!p0 $0xB0;
	s0 =	sadd.s32 @!p0 s1, s0  }
0x15c: {  	[tilespmem:s6], [sflag:$0x6] =	stream.linear.gather @!p0 [hbm4b:s0+s5], $0x1, $0x38;
	[tilespmem:$0x11A60] =	vst v63  }
0x15d: {  	s0 =	simm.s32 @!p0 $0x6  }
0x15e: {  	_ =	swait.ge @!p0 [sflag:s0], $0x1  }
0x15f: {  	[sflag:s0] =	ssyncset.done @!p0 $0x0  }
0x160: {  	[sflag:s0] =	ssyncadd.s32 @!p0 $0xFFFFFFFF  }
0x161: {  	v2 =	vmov @!p0 s4;
	v1 =	vld.msk @!p0 [tilespmem:$0xB0], $0x1;
	_ =	sdelay $0x3  }
0x162: {  	s0 =	simm.s32 @!p0 $0xE0  }
0x163: {  	[tilespmem:v2+s0+$0x0], v1 =	vst.idx.ret.add.f32.msk @!p0 $0x1, v1  }
0x164: {  	[tilespmem:s2+$0xC0] =	vst.msk $0x1, v0  }
0x165: {  	v0 =	vld.msk [tilespmem:s4+$0xE0], $0x1;
	_ =	sdelay $0x4  }
0x166: {  	[tilespmem:s2+$0xE0] =	vst.msk $0x1, v0;
	s2 =	sadd.s32 $0x1, s2  }
.LBB3_19:
0x167: {  	s4 =	sadd.s32 $0x1, s4  }
0x168: {  	p0 =	sne.s32 s4, $0x20  }
.Ltmp13:
0x169: {  	_ = 	snop;
	(pc) =	sbr.rel @!p0 .LBB3_20-.Ltmp13, $1  }
0x16a: {  	_ =	sdelay $0x3  }
.LBB3_12:
0x16b: {  	v0 =	vld.msk [tilespmem:s4+$0xC0], $0x1;
	_ =	sdelay $0x4  }
0x16c: {  	(v2sf) =	vpush v0, $0x0;
	_ =	sdelay $0xe  }
0x16d: {  	s5 =	spop (v2sf)  }
0x16e: {  	p0 =	seq.s32 s5, $0xFFFFFFFF  }
.Ltmp14:
0x16f: {  	_ = 	snop;
	(pc) =	sbr.rel @p0 .LBB3_19-.Ltmp14, $1  }
0x170: {  	_ =	sdelay $0x3  }
0x171: {  	p0 =	slt.s32 s2, $0x1  }
.Ltmp15:
0x172: {  	_ = 	snop;
	(pc) =	sbr.rel @p0 .LBB3_17-.Ltmp15, $1  }
0x173: {  	_ =	sdelay $0x3  }
0x174: {  	s0 =	simm.s32 $0xC0;
	p0 =	por $0x0, $0x0  }
0x175: {  	v1 =	vld.msk @!p0 [tilespmem:s0+$0x0], $0x1;
	_ =	sdelay $0x4  }
0x176: {  	(v2sf) =	vpush @!p0 v1, $0x0;
	_ =	sdelay $0xd  }
0x177: {  	p2 =	sne.s32 s2, $0x1  }
.Ltmp16:
0x178: {  	s6 =	spop @!p0 (v2sf);
	(pc) =	sbr.rel @!p2 .LBB3_16-.Ltmp16, $4  }
0x179: {  	p1 =	seq.s32 @!p0 s5, s6  }
0x17a: {  	s6 =	simm.s32 $0x0;
	p1 =	por !p1, p0  }
0x17b: {  	s8 =	simm.s32 $0xFFFFFFFF;
	s6 =	simm.s32 @p1 $0xFFFFFFFF  }
0x17c: {  	s7 =	simm.s32 $0x1;
	s6 =	smov.u32 @p0 s8  }
.LBB3_15:
0x17d: {  	s8 =	smov.u32 s6;
	p0 =	sne.s32 s6, $0xFFFFFFFF  }
0x17e: {  	s0 =	sadd.s32 $0x1, s0;
	s6 =	smov.u32 s7;
	s7 =	sadd.s32 $0x1, s7  }
0x17f: {  	p1 =	sne.s32 s2, s7;
	v1 =	vld.msk @!p0 [tilespmem:s0+$0x0], $0x1;
	_ =	sdelay $0x4  }
0x180: {  	(v2sf) =	vpush @!p0 v1, $0x0;
	_ =	sdelay $0xe  }
.Ltmp17:
0x181: {  	s9 =	spop @!p0 (v2sf);
	(pc) =	sbr.rel @p1 .LBB3_15-.Ltmp17, $4  }
0x182: {  	p2 =	seq.s32 @!p0 s5, s9  }
0x183: {  	p2 =	por !p2, p0  }
0x184: {  	s6 =	simm.s32 @p2 $0xFFFFFFFF  }
0x185: {  	s6 =	smov.u32 @p0 s8  }
.LBB3_16:
0x186: {  	p0 =	sne.s32 s6, $0xFFFFFFFF  }
.Ltmp18:
0x187: {  	_ = 	snop;
	(pc) =	sbr.rel @!p0 .LBB3_17-.Ltmp18, $1  }
0x188: {  	_ =	sdelay $0x3  }
0x189: {  	v0 =	vld.msk [tilespmem:s4+$0xE0], $0x1;
	v1 =	vmov s6  }
.Ltmp19:
0x18a: {  	_ = 	snop;
	(pc) =	sbr.rel .LBB3_19-.Ltmp19, $2  }
0x18b: {  	_ =	sdelay $0x2  }
0x18c: {  	[tilespmem:v1+s3+$0x0], v0 =	vst.idx.ret.add.f32.msk $0x1, v0  }
.LBB3_20:
0x18d: {  	p0 =	slt.s32 s2, $0x1  }
.Ltmp20:
0x18e: {  	_ = 	snop;
	(pc) =	sbr.rel @p0 .LBB3_24-.Ltmp20, $3  }
0x18f: {  	_ =	sdelay $0x1  }
0x190: {  	s0 =	simm.s32 $0x6  }
0x191: {  	s3 =	simm.s32 $0x0;
	[sflag:s0] =	ssyncpa.u1 $0x1  }
0x192: {  	s0 =	simm.s32 $0xC0  }
0x193: {  	v0 =	vld.msk [tilespmem:s0+$0x0], $0x1;
	_ =	sdelay $0x4  }
0x194: {  	(v2sf) =	vpush v0, $0x0;
	_ =	sdelay $0xe  }
0x195: {  	s2 =	sadd.s32 $0xFFFFFFFF, s2;
	s4 =	spop (v2sf)  }
0x196: {  	p1 =	sne.s32 s2, $0x0;
	p0 =	sgt.u32 s4, $0x31FFFFF  }
.Ltmp21:
0x197: {  	s5 =	sshrl.u32 @!p0 s4, $0x3;
	(pc) =	sbr.rel @!p1 .LBB3_23-.Ltmp21, $4  }
0x198: {  	s0 =	simm.s32 $0xE0;
	s4 =	sand.u32 @!p0 $0x7, s4;
	s5 =	sadd.s32 @!p0 s1, s5  }
0x199: {  	[hbm4b:s5+s4] =	stream.linear.scatter @!p0 [tilespmem:s0], [sflag:$0x5], $0x1, $0x38;
	[tilespmem:$0x11A60] =	vst v63  }
0x19a: {  	s5 =	simm.s32 $0x0  }
0x19b: {  	s4 =	simm.s32 $0xC1;
	s5 =	simm.s32 @!p0 $0x4  }
.LBB3_22:
0x19c: {  	v0 =	vld.msk [tilespmem:s4+$0x0], $0x1;
	s2 =	sadd.s32 $0xFFFFFFFF, s2;
	s3 =	sadd.s32 s3, s5  }
0x19d: {  	p0 =	sne.s32 s2, $0x0;
	_ =	sdelay $0x3  }
0x19e: {  	(v2sf) =	vpush v0, $0x0;
	_ =	sdelay $0xe  }
.Ltmp22:
0x19f: {  	s6 =	spop (v2sf);
	(pc) =	sbr.rel @p0 .LBB3_22-.Ltmp22, $4  }
0x1a0: {  	s5 =	simm.s32 $0x0;
	p1 =	sgt.u32 s6, $0x31FFFFF  }
0x1a1: {  	s0 =	sadd.s32 $0x1, s0;
	s5 =	simm.s32 @!p1 $0x4;
	s7 =	sshrl.u32 @!p1 s6, $0x3  }
0x1a2: {  	s4 =	sadd.s32 $0x1, s4;
	s6 =	sand.u32 @!p1 $0x7, s6;
	s7 =	sadd.s32 @!p1 s1, s7  }
0x1a3: {  	[hbm4b:s7+s6] =	stream.linear.scatter @!p1 [tilespmem:s0], [sflag:$0x5], $0x1, $0x38;
	[tilespmem:$0x11A60] =	vst v63  }
.LBB3_23:
0x1a4: {  	s0 =	sadd.s32 s3, s5  }
0x1a5: {  	s3 =	sshrl.u32 s0, $0x2  }
.LBB3_24:
0x1a6: {  	s0 =	simm.s32 $0x5  }
0x1a7: {  	_ =	swait.ge [sflag:s0], s3  }
0x1a8: {  	s1 =	ssub.s32 $0x0, s3;
	[sflag:s0] =	ssyncset.done $0x0  }
0x1a9: {  	[sflag:s0] =	ssyncadd.s32 s1  }
0x1aa: {  	[sflag:s0] =	ssyncpa.u1 $0x1  }
0x1ab: {  	s29 =	simm.s32 $0x1;
	_ =	sfence  }
0x1ac: {  	s30 =	simm.s32 $0x2;
	[sflag:s29] =	ssyncpa.u1 $0x1  }
0x1ad: {  	[sflag:s30] =	ssyncpa.u1 $0x1  }
0x1ae: {  	_ =	strace $0x9000005C  }
0x1af: {  	[bflag:$0x2] =	sbarrier.arrive $0xFFFF  }
0x1b0: {  	s31 =	rddreg [dreg:$0x1]  }
0x1b1: {  	s0 =	sadd.s32 $0x100000, s31  }
0x1b2: {  	[sflag:s0] =	ssyncadd.tile.s32 $0x1;
	_ =	shalt  }
.Lfunc_end3:
_tile_overlayer_lowered:
.L_overlay_start_3:
0x1b3: {  	(tag) =	ssettag $0x3  }
0x1b4: {  	s0 =	rddreg [dreg:$0x0];
	s2 =	stileid.u32  }
0x1b5: {  	s1 =	rddreg [dreg:$0x1];
	p0 =	sne.s32 s2, $0x0  }
0x1b6: {  	s3 =	rddreg [dreg:$0x2];
	[bflag:$0x3] =	sbarrier.arrive $0xFFFF;
	s2 =	simm.s32 @!p0 $0x1C01  }
0x1b7: {  	[timem:s3], [sflag:s2] =	dma.local @!p0 [hbm:s0], s1  }
0x1b8: {  	s0 =	simm.s32 @!p0 $0x1  }
0x1b9: {  	_ =	swait.ge @!p0 [sflag:s0], s1  }
0x1ba: {  	s1 =	ssub.s32 @!p0 $0x0, s1;
	[sflag:s0] =	ssyncset.done @!p0 $0x0  }
0x1bb: {  	[sflag:s0] =	ssyncadd.s32 @!p0 s1  }
0x1bc: {  	[bflag:$0x3] =	sbarrier.arrive $0xFFFF  }
0x1bd: {  	_ =	shalt  }

// kernel: scatter_offload_async_start.4
scs
__scs_entry_jumppad:
0x0: {  	(pc) =	sbr.rel $0x88, $3  }
0x1: {  	(tag) =	ssettag $0x0;
	lr =	simm.s32 $0x1  }
0x2: {  	[smem:$0x3F95] =	sst lr;
	_ =	strace $0xD0000000  }
0x3: {  	_ = 	snop  }
0x4: {  	_ = 	snop  }
0x5: {  	_ = 	snop  }
0x6: {  	_ = 	snop  }
0x7: {  	_ = 	snop  }
__scs_overlays_trampoline_lowered:
0x8: {  	[smem:$0x3FA4] =	sst s0  }
0x9: {  	[smem:$0x3FA5] =	sst s1  }
0xa: {  	[smem:$0x3FA6] =	sst s2  }
0xb: {  	[smem:$0x3FA7] =	sst s3  }
0xc: {  	[smem:$0x3FA8] =	sst s4  }
0xd: {  	[smem:$0x3FA9] =	sst s5  }
0xe: {  	[smem:$0x3FAA] =	sst s6  }
0xf: {  	[smem:$0x3FAB] =	sst s7  }
0x10: {  	[smem:$0x3FAC] =	sst s8  }
0x11: {  	[smem:$0x3FAD] =	sst s9;
	s0 =	simm.s32 @!p0 $0x0  }
0x12: {  	s1 =	sld [smem:$0x3F93];
	s0 =	simm.s32 @p0 $0x1  }
0x13: {  	[smem:$0x3FAE] =	sst s0;
	s0 =	simm.s32 @!p1 $0x0  }
0x14: {  	s2 =	sld [smem:$0x3F92];
	s0 =	simm.s32 @p1 $0x1  }
0x15: {  	[smem:$0x3FAF] =	sst s0;
	s0 =	simm.s32 @!p2 $0x0  }
0x16: {  	s3 =	sld [smem:$0x3FDB];
	s0 =	simm.s32 @p2 $0x1  }
0x17: {  	s4 =	simm.s32 $0x1BF5;
	[smem:$0x3FB1] =	sst s0  }
0x18: {  	s0 =	sld [smem:$0x3F94];
	_ =	swait.ge [sflag:s4], $0x0  }
0x19: {  	s7 =	sld [smem:$0x3F95]  }
0x1a: {  	s8 =	sadd.s32 $0xFFFFE003, lr  }
0x1b: {  	s9 =	sadd.s32 $0xFFFFFEF7, lr;
	s5 =	simm.s32 $0xFFFFFFFF;
	p2 =	slt.u32 s8, $0xFFFFF086  }
0x1c: {  	p1 =	slt.u32 s9, $0xF7A;
	s5 =	simm.s32 @!p2 $0x0  }
0x1d: {  	s5 =	simm.s32 @p1 $0x1;
	p0 =	seq.s32 s7, s2  }
0x1e: {  	s7 =	smul.u32 @!p0 $0xF7A, s2;
	p2 =	seq.s32 @!p0 s5, $0x0  }
0x1f: {  	s9 =	smul.u32 $0xF7A, s1;
	s8 =	simm.s32 @!p0 $0x1BF5;
	p2 =	por !p2, p0  }
0x20: {  	[sflag:s8] =	ssyncset.s32 @!p0 $0xFFFFF086;
	s6 =	sadd.s32 @!p0 s3, s7;
	s7 =	simm.s32 @!p0 $0x108  }
0x21: {  	s3 =	sadd.s32 s3, s9;
	s6 =	sadd.s32 @!p0 $0x88, s6;
	s7 =	simm.s32 @p2 $0x1082  }
0x22: {  	[simem:s7], [sflag:s8] =	dma.local @!p0 [hbm:s6], $0xF7A  }
0x23: {  	s9 =	sor.u32 $0xD0000000, s2;
	s6 =	simm.s32 $0x108;
	_ =	swait.ge @!p0 [sflag:s8], $0x0  }
0x24: {  	s3 =	sadd.s32 $0x88, s3;
	s6 =	simm.s32 @!p1 $0x1082;
	[sflag:s4] =	ssyncset.s32 $0xFFFFF086  }
0x25: {  	[simem:s6], [sflag:s4] =	dma.local [hbm:s3], $0xF7A  }
0x26: {  	[smem:$0x3F95] =	sst s1;
	(tag) =	ssettag s2;
	_ =	strace s9  }
0x27: {  	s1 =	sld [smem:$0x3FA5]  }
0x28: {  	s2 =	sld [smem:$0x3FA6]  }
0x29: {  	s4 =	sld [smem:$0x3FA8]  }
0x2a: {  	p0 =	seq.s32 s5, $0x0;
	s5 =	sld [smem:$0x3FA9]  }
0x2b: {  	s6 =	sld [smem:$0x3FAA]  }
0x2c: {  	s7 =	sld [smem:$0x3FAB]  }
0x2d: {  	s3 =	simm.s32 $0x108;
	s8 =	sld [smem:$0x3FAC]  }
0x2e: {  	s3 =	simm.s32 @!p0 $0x1082;
	s9 =	sld [smem:$0x3FAD]  }
0x2f: {  	lr =	sadd.s32 s0, s3;
	s0 =	sld [smem:$0x3FA4]  }
0x30: {  	s3 =	sld [smem:$0x3FA7]  }
0x31: {  	[smem:$0x3FB0] =	sst s10  }
0x32: {  	s10 =	sld [smem:$0x3FAE];
	_ =	sdelay $0x3  }
0x33: {  	p0 =	seq.s32 s10, $0x1;
	s10 =	sld [smem:$0x3FB0];
	_ =	sdelay $0x3  }
0x34: {  	[smem:$0x3FB0] =	sst s10  }
0x35: {  	s10 =	sld [smem:$0x3FAF];
	_ =	sdelay $0x3  }
0x36: {  	p1 =	seq.s32 s10, $0x1;
	s10 =	sld [smem:$0x3FB0];
	_ =	sdelay $0x3  }
0x37: {  	[smem:$0x3FB0] =	sst s10  }
0x38: {  	s10 =	sld [smem:$0x3FB1]  }
0x39: {  	_ = 	snop;
	(pc) =	sbr.ind lr, $3  }
0x3a: {  	_ = 	snop  }
0x3b: {  	_ = 	snop  }
0x3c: {  	p2 =	seq.s32 s10, $0x1;
	s10 =	sld [smem:$0x3FB0]  }
0x3d: {  	_ =	shalt  }
0x3e: {  	_ =	shalt  }
0x3f: {  	_ =	shalt  }
0x40: {  	_ =	shalt  }
0x41: {  	_ =	shalt  }
0x42: {  	_ =	shalt  }
0x43: {  	_ =	shalt  }
0x44: {  	_ =	shalt  }
0x45: {  	_ =	shalt  }
0x46: {  	_ =	shalt  }
0x47: {  	_ =	shalt  }
0x48: {  	_ =	shalt  }
0x49: {  	_ =	shalt  }
0x4a: {  	_ =	shalt  }
0x4b: {  	_ =	shalt  }
0x4c: {  	_ =	shalt  }
0x4d: {  	_ =	shalt  }
0x4e: {  	_ =	shalt  }
0x4f: {  	_ =	shalt  }
0x50: {  	_ =	shalt  }
0x51: {  	_ =	shalt  }
0x52: {  	_ =	shalt  }
0x53: {  	_ =	shalt  }
0x54: {  	_ =	shalt  }
0x55: {  	_ =	shalt  }
0x56: {  	_ =	shalt  }
0x57: {  	_ =	shalt  }
0x58: {  	_ =	shalt  }
0x59: {  	_ =	shalt  }
0x5a: {  	_ =	shalt  }
0x5b: {  	_ =	shalt  }
0x5c: {  	_ =	shalt  }
0x5d: {  	_ =	shalt  }
0x5e: {  	_ =	shalt  }
0x5f: {  	_ =	shalt  }
0x60: {  	_ =	shalt  }
0x61: {  	_ =	shalt  }
0x62: {  	_ =	shalt  }
0x63: {  	_ =	shalt  }
0x64: {  	_ =	shalt  }
0x65: {  	_ =	shalt  }
0x66: {  	_ =	shalt  }
0x67: {  	_ =	shalt  }
0x68: {  	_ =	shalt  }
0x69: {  	_ =	shalt  }
0x6a: {  	_ =	shalt  }
0x6b: {  	_ =	shalt  }
0x6c: {  	_ =	shalt  }
0x6d: {  	_ =	shalt  }
0x6e: {  	_ =	shalt  }
0x6f: {  	_ =	shalt  }
0x70: {  	_ =	shalt  }
0x71: {  	_ =	shalt  }
0x72: {  	_ =	shalt  }
0x73: {  	_ =	shalt  }
0x74: {  	_ =	shalt  }
0x75: {  	_ =	shalt  }
0x76: {  	_ =	shalt  }
0x77: {  	_ =	shalt  }
0x78: {  	_ =	shalt  }
0x79: {  	_ =	shalt  }
0x7a: {  	_ =	shalt  }
0x7b: {  	_ =	shalt  }
0x7c: {  	_ =	shalt  }
0x7d: {  	_ =	shalt  }
0x7e: {  	_ =	shalt  }
0x7f: {  	_ =	shalt  }
0x80: {  	_ =	shalt  }
0x81: {  	_ =	shalt  }
0x82: {  	_ =	shalt  }
0x83: {  	_ =	shalt  }
0x84: {  	_ =	shalt  }
0x85: {  	_ =	shalt  }
0x86: {  	_ =	shalt  }
0x87: {  	_ =	shalt  }
.Lfunc_end0:
.L_simem_size_0:
called_computation.4_lowered:
.L_overlay_start_0:
0x88: {  	s0 =	sld [smem:$0x3FD9]  }
0x89: {  	s1 =	sld [smem:$0x3FFE];
	_ =	sdelay $0x3  }
0x8a: {  	s0 =	sadd.s32 s1, s0  }
0x8b: {  	[smem:$0x3FBC] =	sst s0  }
0x8c: {  	_ = 	snop  }
0x8d: {  	(tm) =	ssettm $0x1  }
0x8e: {  	s14 =	sld [smem:$0x3FFB];
	_ =	sdelay $0x3  }
0x8f: {  	_ =	strace s14  }
0x90: {  	s0 =	sld [smem:$0x3FFC];
	_ =	sdelay $0x3  }
0x91: {  	_ =	strace s0  }
0x92: {  	s0 =	sld [smem:$0x3FFD];
	_ =	sdelay $0x3  }
0x93: {  	_ =	strace s0  }
0x94: {  	_ =	strace $0x8FFFFFFF  }
0x95: {  	s15 =	sld [smem:$0x3FDB];
	_ =	sdelay $0x1  }
0x96: {  	s16 =	simm.s32 $_scs_section_size  }
0x97: {  	s2 =	simm.s32 $_size__tile_overlayer_lowered;
	s3 =	simm.s32 $_tile_overlayer_lowered  }
0x98: {  	s4 =	simm.s32 $0x1BFF;
	s17 =	sshll.u32 s3, $0x1;
	s1 =	sadd.s32 s16, s15  }
0x99: {  	s18 =	simm.s32 $0x0;
	s2 =	sshll.u32 s2, $0x1;
	s3 =	sadd.s32 s17, s1  }
0x9a: {  	[timem:s18], [sflag:s4] =	dma.local [hbm:s3], s2  }
0x9b: {  	_ =	swait.ge [sflag:s4], s2  }
0x9c: {  	s2 =	ssub.s32 $0x0, s2;
	[sflag:s4] =	ssyncset.done $0x0  }
0x9d: {  	[sflag:s4] =	ssyncadd.s32 s2;
	_ =	sdelay $0x1  }
0x9e: {  	s19 =	simm.s32 $0x1B8B  }
0x9f: {  	_ =	swait.ge [sflag:s19], $0x1  }
0xa0: {  	[sflag:s19] =	ssyncset.done $0x0  }
0xa1: {  	s21 =	simm.s32 $0x1B8E;
	s20 =	sld [smem:$0x3FFE];
	[sflag:s19] =	ssyncadd.s32 $0xFFFFFFFF  }
0xa2: {  	s22 =	simm.s32 $execute0_lowered;
	[smem:$0x3FD2] =	sst s21  }
0xa3: {  	s3 =	sshll.u32 s22, $0x1;
	_ =	strace $0x80000052;
	[dreg:$0x1] =	wrdreg $0xFFFFFFFF  }
0xa4: {  	s23 =	simm.s32 $_size_execute0_lowered;
	s3 =	sadd.s32 s1, s3;
	[dreg:$0x0] =	wrdreg $0x0  }
0xa5: {  	s4 =	sshll.u32 s23, $0x1;
	[dreg:$0x2] =	wrdreg s3  }
0xa6: {  	[dreg:$0x3] =	wrdreg s4  }
0xa7: {  	[dreg:$0x4] =	wrdreg $0xC0  }
0xa8: {  	s24 =	simm.s32 $execute1_lowered;
	_ =	task [dreg:s18], $0x5FFFF  }
0xa9: {  	s3 =	sshll.u32 s24, $0x1;
	[dreg:$0x1] =	wrdreg $0xFFFFFFFF  }
0xaa: {  	s1 =	sadd.s32 s1, s3;
	[dreg:$0x0] =	wrdreg $0x60  }
0xab: {  	[dreg:$0x2] =	wrdreg s1  }
0xac: {  	[dreg:$0x3] =	wrdreg s20  }
0xad: {  	[dreg:$0x4] =	wrdreg $0xB  }
0xae: {  	_ =	task.clear_ibuf [dreg:s18], $0x5FFFF;
	_ =	strace $0x90000052  }
0xaf: {  	s25 =	simm.s32 $0xB;
	_ =	strace $0x80000054  }
0xb0: {  	_ =	swait.ge [sflag:s25], $0x1  }
0xb1: {  	[sflag:s25] =	ssyncadd.s32 $0xFFFFFFFF  }
0xb2: {  	_ =	strace $0x90000054  }
0xb3: {  	_ =	strace $0x80000055;
	[dreg:$0x1] =	wrdreg $0xFFFFFFFF  }
0xb4: {  	[dreg:$0x0] =	wrdreg $0x2030  }
0xb5: {  	[dreg:$0x2] =	wrdreg s20  }
0xb6: {  	[dreg:$0x3] =	wrdreg $0xC  }
0xb7: {  	_ =	task.clear_ibuf [dreg:s18], $0x4FFFF;
	_ =	strace $0x90000055  }
0xb8: {  	s26 =	simm.s32 $0xC;
	_ =	strace $0x80000057  }
0xb9: {  	_ =	swait.ge [sflag:s26], $0x1  }
0xba: {  	[sflag:s26] =	ssyncadd.s32 $0xFFFFFFFF  }
0xbb: {  	_ =	strace $0x90000057  }
0xbc: {  	_ =	sfence  }
0xbd: {  	s28 =	sld [smem:$0x0];
	_ =	sdelay $0x1  }
0xbe: {  	s29 =	srdreg.scid  }
0xbf: {  	s30 =	sshll.u32 s29, $0xD;
	s31 =	sshrl.u32 s29, $0x2  }
0xc0: {  	s2 =	sand.u32 $0x1, s29;
	s3 =	sand.u32 $0x4000, s30;
	s1 =	sadd.s32 s31, s28  }
0xc1: {  	s2 =	sor.u32 s3, s2;
	s1 =	sshll.u32 s1, $0x11  }
0xc2: {  	s1 =	sor.u32 s1, s2  }
0xc3: {  	s1 =	sadd.s32 $0x8F2B, s1  }
0xc4: {  	[sflag:s1] =	ssyncadd.remote.s32 $0x1  }
0xc5: {  	_ =	sfence.sel $0xFFFF  }
0xc6: {  	[dreg:$0x0] =	wrdreg $0xFFFFFFFF;
	(pc) =	sbr.abs _section_cstart, $3  }
0xc7: {  	[dreg:$0x1] =	wrdreg $0xFFFFFFFF  }
0xc8: {  	_ =	task.clear_ibuf [dreg:s18], $0x2FFFF;
	_ =	strace $0x9FFFFFFF  }
0xc9: {  	(tm) =	ssettm $0x7FFFFFFF  }
tec
execute0_lowered:
.L_overlay_start_1:
0x0: {  	(tag) =	ssettag $0x1  }
0x1: {  	s2 =	rddreg [dreg:$0x0]  }
0x2: {  	s6 =	rddreg [dreg:$0x1]  }
0x3: {  	s0 =	rddreg [dreg:$0x2];
	s3 =	stileid.u32  }
0x4: {  	[bflag:$0x3] =	sbarrier.arrive $0xFFFF;
	s1 =	simm.s32 $_size_execute1_lowered;
	p0 =	sne.s32 s3, $0x0  }
0x5: {  	s1 =	sshll.u32 s1, $0x1;
	s4 =	simm.s32 @!p0 $0x1C3F;
	s5 =	simm.s32 @!p0 $0x4060  }
0x6: {  	[timem:s5], [sflag:s4] =	dma.local @!p0 [hbm:s2], s1  }
0x7: {  	s7 =	simm.s32 $0x1;
	s8 =	simm.s32 $0x2;
	s2 =	sshll.u32 s3, $0xE  }
0x8: {  	s10 =	simm.s32 $0x0;
	s9 =	simm.s32 $0x0;
	s30 =	ssub.s32 $0x3200000, s2  }
.Ltmp0:
0x9: {  	s3 =	sadd.s32 $0x4CA00, s6;
	s31 =	sand.u32 $0x3C000, s30;
	(pc) =	sbr.rel .LBB2_1-.Ltmp0, $4  }
0xa: {  	s4 =	simm.s32 $0x1;
	_ =	strace $0x80000053;
	p1 =	sne.s32 s31, $0x0  }
0xb: {  	s5 =	sshrl.u32 s30, $0x12;
	[sflag:s4] =	ssyncpa.u1 $0x0;
	s7 =	simm.s32 @!p1 $0x0  }
0xc: {  	s6 =	sadd.s32 $0x68CA00, s6;
	[sflag:s8] =	ssyncpa.u1 $0x0;
	s5 =	sadd.s32 s7, s5  }
0xd: {  	s8 =	smov.u32 s2;
	p1 =	por $0x0, $0x0;
	s7 =	sadd.s32 $0x1, s5  }
.LBB2_4:
0xe: {  	[tilespmem:s11+$0xB0] =	vst v0  }
0xf: {  	[tilespmem:s11+$0xC0] =	vst v1  }
0x10: {  	[tilespmem:s11+$0xD0] =	vst v2  }
0x11: {  	[tilespmem:s11+$0xE0] =	vst v3;
	s13 =	sshrl.u32 s10, $0x3  }
0x12: {  	[tilespmem:s11+$0xFFFFFF00] =	vst v4;
	s31 =	sand.u32 $0x7, s10;
	s30 =	sadd.s32 s6, s13  }
0x13: {  	[hbm4b:s30+s31] =	stream.linear.scatter [tilespmem:s12], [sflag:$0x2], $0x4000, $0x38;
	[tilespmem:$0x10000] =	vst v63  }
.LBB2_5:
0x14: {  	s12 =	sadd.s32 $0x40000, s8  }
0x15: {  	p3 =	sgt.s32 s12, $0x31FFFFF  }
0x16: {  	s12 =	smov.u32 @p3 s2;
	p3 =	sne.s32 s9, s7  }
.Ltmp1:
0x17: {  	p2 =	slt.u32 s9, $0x2;
	(pc) =	sbr.rel @!p3 .LBB2_6-.Ltmp1, $4  }
0x18: {  	s11 =	simm.s32 @!p2 $0x2  }
0x19: {  	s13 =	sadd.s32 $0x1, s9;
	_ =	swait.ge @!p2 [sflag:s11], $0x4000  }
0x1a: {  	s10 =	smov.u32 s8;
	p1 =	por !p1, !p1;
	[sflag:s11] =	ssyncset.done @!p2 $0x0  }
0x1b: {  	s9 =	smov.u32 s13;
	s8 =	smov.u32 s12;
	[sflag:s11] =	ssyncadd.s32 @!p2 $0xFFFFC000  }
.LBB2_1:
0x1c: {  	p2 =	sge.u32 s9, s5  }
0x1d: {  	s11 =	sxor.u32 @!p2 $0xFFFFFFFF, s9  }
0x1e: {  	s31 =	sadd.s32 $0xFFFFFFFF, s9;
	s12 =	sshrl.u32 @!p2 s8, $0x3;
	s11 =	sshll.u32 @!p2 s11, $0xE  }
0x1f: {  	s13 =	sand.u32 @!p2 $0x7, s8;
	s12 =	sadd.s32 @!p2 s3, s12;
	s11 =	sand.u32 @!p2 $0x4000, s11  }
0x20: {  	[tilespmem:s11], [sflag:$0x1] =	stream.linear.gather @!p2 [hbm4b:s12+s13], $0x4000, $0x38;
	[tilespmem:$0x10000] =	vst v63  }
0x21: {  	p2 =	sge.u32 s31, s5  }
.Ltmp2:
0x22: {  	_ = 	snop;
	(pc) =	sbr.rel @p2 .LBB2_5-.Ltmp2, $1  }
0x23: {  	_ =	sdelay $0x3  }
0x24: {  	s11 =	simm.s32 $0x1  }
0x25: {  	_ =	swait.ge [sflag:s4], $0x4000;
	s11 =	simm.s32 @!p1 $0x0  }
0x26: {  	[sflag:s4] =	ssyncset.done $0x0;
	s11 =	sshll.u32 s11, $0xE  }
0x27: {  	[sflag:s4] =	ssyncadd.s32 $0xFFFFC000;
	s14 =	sor.u32 $0x100, s11  }
0x28: {  	v0 =	vld [tilespmem:s14+$0xF0]  }
0x29: {  	v1 =	vld [tilespmem:s14+$0xFFFFFF10]  }
0x2a: {  	v2 =	vld [tilespmem:s14+$0xFFFFFF20]  }
0x2b: {  	v3 =	vld [tilespmem:s14+$0xFFFFFF30]  }
0x2c: {  	s11 =	sor.u32 $0x8100, s11;
	v4 =	vld [tilespmem:s14+$0xFFFFFF40]  }
0x2d: {  	v5 =	vld [tilespmem:s14+$0xFFFFFF50];
	[tilespmem:s11+$0xF0] =	vst v0  }
0x2e: {  	[tilespmem:s11+$0xFFFFFF10] =	vst v1;
	v0 =	vld [tilespmem:s14+$0xFFFFFF60]  }
0x2f: {  	[tilespmem:s11+$0xFFFFFF20] =	vst v2;
	v1 =	vld [tilespmem:s14+$0xFFFFFF70]  }
0x30: {  	[tilespmem:s11+$0xFFFFFF30] =	vst v3;
	v2 =	vld [tilespmem:s14+$0xFFFFFF80]  }
0x31: {  	[tilespmem:s11+$0xFFFFFF40] =	vst v4;
	v3 =	vld [tilespmem:s14+$0xFFFFFF90]  }
0x32: {  	[tilespmem:s11+$0xFFFFFF50] =	vst v5;
	v4 =	vld [tilespmem:s14+$0xFFFFFFA0]  }
0x33: {  	v5 =	vld [tilespmem:s14+$0xA0];
	[tilespmem:s11+$0xFFFFFF60] =	vst v0  }
0x34: {  	v0 =	vld [tilespmem:s14+$0xFFFFFFB0];
	[tilespmem:s11+$0xFFFFFF70] =	vst v1  }
0x35: {  	v1 =	vld [tilespmem:s14+$0xFFFFFFC0];
	[tilespmem:s11+$0xFFFFFF80] =	vst v2  }
0x36: {  	v2 =	vld [tilespmem:s14+$0xFFFFFFD0];
	[tilespmem:s11+$0xFFFFFF90] =	vst v3  }
0x37: {  	v3 =	vld [tilespmem:s14+$0xFFFFFFE0];
	[tilespmem:s11+$0xFFFFFFA0] =	vst v4  }
0x38: {  	v4 =	vld [tilespmem:s14+$0xFFFFFFF0];
	[tilespmem:s11+$0xA0] =	vst v5  }
0x39: {  	[tilespmem:s11+$0xFFFFFFB0] =	vst v0;
	v0 =	vld [tilespmem:s14+$0x0]  }
0x3a: {  	[tilespmem:s11+$0xFFFFFFC0] =	vst v1;
	v1 =	vld [tilespmem:s14+$0x10]  }
0x3b: {  	[tilespmem:s11+$0xFFFFFFD0] =	vst v2;
	v2 =	vld [tilespmem:s14+$0x20]  }
0x3c: {  	[tilespmem:s11+$0xFFFFFFE0] =	vst v3;
	v3 =	vld [tilespmem:s14+$0x30]  }
0x3d: {  	[tilespmem:s11+$0xFFFFFFF0] =	vst v4;
	v4 =	vld [tilespmem:s14+$0x40]  }
0x3e: {  	[tilespmem:s11+$0x0] =	vst v0;
	v0 =	vld [tilespmem:s14+$0x50]  }
0x3f: {  	[tilespmem:s11+$0x10] =	vst v1;
	v1 =	vld [tilespmem:s14+$0x60]  }
0x40: {  	[tilespmem:s11+$0x20] =	vst v2;
	v2 =	vld [tilespmem:s14+$0x70]  }
0x41: {  	[tilespmem:s11+$0x30] =	vst v3;
	v3 =	vld [tilespmem:s14+$0x80]  }
0x42: {  	[tilespmem:s11+$0x40] =	vst v4;
	v4 =	vld [tilespmem:s14+$0x90]  }
0x43: {  	[tilespmem:s11+$0x50] =	vst v0;
	v0 =	vld [tilespmem:s14+$0xB0]  }
0x44: {  	[tilespmem:s11+$0x60] =	vst v1;
	v1 =	vld [tilespmem:s14+$0xC0]  }
0x45: {  	s12 =	sshll.u32 s9, $0xE;
	[tilespmem:s11+$0x70] =	vst v2;
	v2 =	vld [tilespmem:s14+$0xD0]  }
0x46: {  	s12 =	sand.u32 $0x4000, s12;
	[tilespmem:s11+$0x80] =	vst v3;
	v3 =	vld [tilespmem:s14+$0xE0]  }
0x47: {  	s13 =	simm.s32 $0x0;
	s12 =	sor.u32 $0x8000, s12;
	[tilespmem:s11+$0x90] =	vst v4;
	v4 =	vld [tilespmem:s14+$0xFFFFFF00];
	s14 =	sadd.s32 $0x200, s14  }
.LBB2_3:
0x48: {  	v5 =	vld [tilespmem:s14+$0xF0];
	s13 =	sadd.s32 $0x200, s13;
	[tilespmem:s11+$0xB0] =	vst v0  }
0x49: {  	v0 =	vld [tilespmem:s14+$0xFFFFFF10];
	p2 =	slt.u32 s13, $0x3E00;
	[tilespmem:s11+$0xC0] =	vst v1  }
0x4a: {  	v1 =	vld [tilespmem:s14+$0xFFFFFF20];
	[tilespmem:s11+$0xD0] =	vst v2  }
0x4b: {  	v2 =	vld [tilespmem:s14+$0xFFFFFF30];
	[tilespmem:s11+$0xE0] =	vst v3  }
0x4c: {  	v3 =	vld [tilespmem:s14+$0xFFFFFF40];
	[tilespmem:s11+$0xFFFFFF00] =	vst v4;
	s11 =	sadd.s32 $0x200, s11  }
0x4d: {  	v4 =	vld [tilespmem:s14+$0xFFFFFF50];
	[tilespmem:s11+$0xF0] =	vst v5  }
0x4e: {  	[tilespmem:s11+$0xFFFFFF10] =	vst v0;
	v0 =	vld [tilespmem:s14+$0xFFFFFF60]  }
0x4f: {  	[tilespmem:s11+$0xFFFFFF20] =	vst v1;
	v1 =	vld [tilespmem:s14+$0xFFFFFF70]  }
0x50: {  	[tilespmem:s11+$0xFFFFFF30] =	vst v2;
	v2 =	vld [tilespmem:s14+$0xFFFFFF80]  }
0x51: {  	[tilespmem:s11+$0xFFFFFF40] =	vst v3;
	v3 =	vld [tilespmem:s14+$0xFFFFFF90]  }
0x52: {  	[tilespmem:s11+$0xFFFFFF50] =	vst v4;
	v4 =	vld [tilespmem:s14+$0xFFFFFFA0]  }
0x53: {  	[tilespmem:s11+$0xFFFFFF60] =	vst v0;
	v0 =	vld [tilespmem:s14+$0xFFFFFFB0]  }
0x54: {  	[tilespmem:s11+$0xFFFFFF70] =	vst v1;
	v1 =	vld [tilespmem:s14+$0xFFFFFFC0]  }
0x55: {  	[tilespmem:s11+$0xFFFFFF80] =	vst v2;
	v2 =	vld [tilespmem:s14+$0xFFFFFFD0]  }
0x56: {  	[tilespmem:s11+$0xFFFFFF90] =	vst v3;
	v3 =	vld [tilespmem:s14+$0xFFFFFFE0]  }
0x57: {  	[tilespmem:s11+$0xFFFFFFA0] =	vst v4;
	v4 =	vld [tilespmem:s14+$0xFFFFFFF0]  }
0x58: {  	[tilespmem:s11+$0xFFFFFFB0] =	vst v0;
	v0 =	vld [tilespmem:s14+$0x0]  }
0x59: {  	[tilespmem:s11+$0xFFFFFFC0] =	vst v1;
	v1 =	vld [tilespmem:s14+$0x10]  }
0x5a: {  	[tilespmem:s11+$0xFFFFFFD0] =	vst v2;
	v2 =	vld [tilespmem:s14+$0x20]  }
0x5b: {  	[tilespmem:s11+$0xFFFFFFE0] =	vst v3;
	v3 =	vld [tilespmem:s14+$0x30]  }
0x5c: {  	[tilespmem:s11+$0xFFFFFFF0] =	vst v4;
	v4 =	vld [tilespmem:s14+$0x40]  }
0x5d: {  	[tilespmem:s11+$0x0] =	vst v0;
	v0 =	vld [tilespmem:s14+$0x50]  }
0x5e: {  	[tilespmem:s11+$0x10] =	vst v1;
	v1 =	vld [tilespmem:s14+$0x60]  }
0x5f: {  	[tilespmem:s11+$0x20] =	vst v2;
	v2 =	vld [tilespmem:s14+$0x70]  }
0x60: {  	[tilespmem:s11+$0x30] =	vst v3;
	v3 =	vld [tilespmem:s14+$0x80]  }
0x61: {  	[tilespmem:s11+$0x40] =	vst v4;
	v4 =	vld [tilespmem:s14+$0x90]  }
0x62: {  	[tilespmem:s11+$0x50] =	vst v0;
	v5 =	vld [tilespmem:s14+$0xA0]  }
.Ltmp3:
0x63: {  	[tilespmem:s11+$0x60] =	vst v1;
	v0 =	vld [tilespmem:s14+$0xB0];
	(pc) =	sbr.rel @p2 .LBB2_3-.Ltmp3, $4  }
0x64: {  	[tilespmem:s11+$0x70] =	vst v2;
	v1 =	vld [tilespmem:s14+$0xC0]  }
0x65: {  	[tilespmem:s11+$0x80] =	vst v3;
	v2 =	vld [tilespmem:s14+$0xD0]  }
0x66: {  	[tilespmem:s11+$0x90] =	vst v4;
	v3 =	vld [tilespmem:s14+$0xE0]  }
0x67: {  	v4 =	vld [tilespmem:s14+$0xFFFFFF00];
	[tilespmem:s11+$0xA0] =	vst v5;
	s14 =	sadd.s32 $0x200, s14  }
.Ltmp4:
0x68: {  	_ = 	snop;
	(pc) =	sbr.rel .LBB2_4-.Ltmp4, $1  }
0x69: {  	_ =	sdelay $0x3  }
.LBB2_6:
0x6a: {  	_ =	sfence.sel $0x180000  }
0x6b: {  	s2 =	simm.s32 $0x1;
	[bflag:$0x0] =	sbarrier.arrive $0xFFFF  }
0x6c: {  	s31 =	simm.s32 $0x2;
	[sflag:s2] =	ssyncpa.u1 $0x1  }
0x6d: {  	[sflag:s31] =	ssyncpa.u1 $0x1  }
0x6e: {  	_ =	strace $0x90000053  }
0x6f: {  	s0 =	sadd.s32 @!p0 $0x100000, s0;
	[bflag:$0x2] =	sbarrier.arrive $0xFFFF  }
0x70: {  	[sflag:s0] =	ssyncadd.tile.s32 @!p0 $0x1;
	s0 =	simm.s32 @!p0 $0x3F  }
0x71: {  	_ =	swait.ge @!p0 [sflag:s0], s1  }
0x72: {  	s1 =	ssub.s32 @!p0 $0x0, s1;
	[sflag:s0] =	ssyncset.done @!p0 $0x0  }
0x73: {  	[sflag:s0] =	ssyncadd.s32 @!p0 s1  }
0x74: {  	[bflag:$0x3] =	sbarrier.arrive $0xFFFF  }
0x75: {  	_ =	shalt  }
.Lfunc_end2:
execute1_lowered:
.L_overlay_start_2:
0x76: {  	(tag) =	ssettag $0x2  }
0x77: {  	s0 =	rddreg [dreg:$0x0]  }
0x78: {  	s14 =	stileid.u32;
	_ =	strace $0x80000056;
	s2 =	simm.s32 $0x1  }
0x79: {  	v1 =	vimm.s32 $0xFFFFFFFF;
	s1 =	smin.u32 s14, $0x4;
	[sflag:s2] =	ssyncpa.u1 $0x0  }
0x7a: {  	s1 =	sadd.s32 s14, s1;
	[tilespmem:$0x10] =	vst v1  }
0x7b: {  	v0 =	vimm.f32 $0.0e+00;
	p0 =	slt.u32 s14, $0x4;
	[tilespmem:$0x20] =	vst v1;
	s3 =	smul.u32 $0x1F40, s1;
	s1 =	simm.s32 $0x3E80  }
0x7c: {  	[tilespmem:$0x30] =	vst v0;
	s1 =	simm.s32 @!p0 $0x1F40  }
0x7d: {  	[tilespmem:$0x40] =	vst v0;
	s1 =	sadd.s32 s1, s3  }
0x7e: {  	[tilespmem:$0x50] =	vst v0;
	s4 =	smin.u32 s1, $0x27100  }
0x7f: {  	[tilespmem:$0x60] =	vst v1;
	s9 =	ssub.s32 s4, s3  }
0x80: {  	s7 =	simm.s32 $0x2;
	s8 =	simm.s32 $0x8;
	[tilespmem:$0x70] =	vst v1;
	p0 =	sgt.s32 s9, $0x0  }
0x81: {  	s31 =	simm.s32 $0x9;
	s16 =	simm.s32 $0x0;
	[tilespmem:$0x80] =	vst v1;
	s9 =	simm.s32 @!p0 $0x0  }
0x82: {  	s17 =	simm.s32 $0xF0;
	s18 =	simm.s32 $0xFFFFFFFF;
	v1 =	vimm.s32 $0x0;
	[tilespmem:$0xB0] =	vst v0;
	s5 =	smulhi.u32 $0x10624DD3, s9  }
0x83: {  	s19 =	simm.s32 $0xFFFFC280;
	s20 =	simm.s32 $0xFFFFFFFE;
	s21 =	simm.s32 $0xF;
	[tilespmem:$0x90] =	vst v1  }
0x84: {  	[tilespmem:$0xA0] =	vst v1;
	[sflag:s7] =	ssyncpa.u1 $0x0;
	s7 =	simm.s32 $0x7;
	s10 =	sshrl.u32 s5, $0x9  }
0x85: {  	s25 =	simm.s32 $0x0;
	[sflag:s7] =	ssyncpa.u1 $0x0;
	s11 =	smul.u32 $0x1F40, s10  }
0x86: {  	s24 =	simm.s32 $0x0;
	s6 =	sadd.s32 $0x15200, s0;
	[sflag:s8] =	ssyncpa.u1 $0x0  }
.Ltmp5:
0x87: {  	s23 =	smov.u32 s3;
	p0 =	sne.s32 s9, s11;
	(pc) =	sbr.rel .LBB3_1-.Ltmp5, $4  }
0x88: {  	s1 =	sadd.s32 $0x68CA00, s0;
	[sflag:s31] =	ssyncpa.u1 $0x0;
	s2 =	simm.s32 @!p0 $0x0  }
0x89: {  	s5 =	sadd.s32 $0x10200, s0;
	p0 =	por $0x0, $0x0;
	s9 =	sadd.s32 s2, s10  }
0x8a: {  	vm0 =	vmmov $0xffff;
	v2 =	vlaneseq.u32;
	s10 =	sshll.u32 s14, $0x1;
	s14 =	sshllo.u32 s14, $0x1;
	s11 =	sadd.s32 $0x1, s9  }
0x8b: {  	vm1 =	vmxor vm1, vm1;
	vm2 =	vmmov $0x1;
	vm3 =	vcmask $0x3F3C;
	s12 =	sadd.s32 $0x2, s9;
	s13 =	sor.u32 $0x81, s10;
	s15 =	sor.u32 $0x80, s10  }
.LBB3_9:
0x8c: {  	p1 =	slt.u32 s24, $0x3  }
0x8d: {  	s0 =	simm.s32 @!p1 $0x2  }
0x8e: {  	_ =	swait.ge @!p1 [sflag:s0], $0x1F40  }
0x8f: {  	[sflag:s0] =	ssyncset.done @!p1 $0x0  }
0x90: {  	[sflag:s0] =	ssyncadd.s32 @!p1 $0xFFFFE0C0;
	s0 =	simm.s32 @!p1 $0x9  }
0x91: {  	_ =	swait.ge @!p1 [sflag:s0], $0x10  }
0x92: {  	[sflag:s0] =	ssyncset.done @!p1 $0x0  }
0x93: {  	[sflag:s0] =	ssyncadd.s32 @!p1 $0xFFFFFFF0;
	p1 =	sne.s32 s24, s12  }
.Ltmp6:
0x94: {  	s2 =	sadd.s32 $0x1F40, s23;
	(pc) =	sbr.rel @!p1 .LBB3_10-.Ltmp6, $4  }
0x95: {  	s22 =	smov.u32 s3;
	s31 =	sadd.s32 $0x1, s24;
	s17 =	sadd.s32 $0x1F40, s17  }
0x96: {  	s18 =	sadd.s32 $0x1, s18;
	s25 =	smov.u32 s23;
	p2 =	slt.s32 s2, s4  }
0x97: {  	p0 =	por !p0, !p0;
	s19 =	sadd.s32 $0x1F40, s19;
	s22 =	smov.u32 @p2 s2  }
0x98: {  	s20 =	sadd.s32 $0x1, s20;
	s23 =	smov.u32 s22;
	s24 =	smov.u32 s31  }
.LBB3_1:
0x99: {  	p1 =	sge.u32 s24, s9  }
0x9a: {  	s0 =	smulhi.u32 @!p1 $0xAAAAAAAB, s24;
	_ =	sdelay $0x1  }
0x9b: {  	s0 =	sshrl.u32 @!p1 s0, $0x1  }
0x9c: {  	s0 =	smul.u32 @!p1 $0x3, s0;
	_ =	sdelay $0x1  }
0x9d: {  	s0 =	ssub.s32 @!p1 s24, s0  }
0x9e: {  	s0 =	smul.u32 @!p1 $0x7D00, s0;
	_ =	sdelay $0x1  }
0x9f: {  	s2 =	sshrl.u32 @!p1 s23, $0x3;
	s0 =	sshrl.u32 @!p1 s0, $0x2  }
0xa0: {  	s22 =	sand.u32 @!p1 $0x7, s23;
	s2 =	sadd.s32 @!p1 s5, s2;
	s0 =	sadd.s32 @!p1 $0x100, s0  }
0xa1: {  	[tilespmem:s0], [sflag:$0x7] =	stream.linear.gather @!p1 [hbm4b:s2+s22], $0x1F40, $0x38;
	[tilespmem:$0x11A60] =	vst v63  }
0xa2: {  	s0 =	sadd.s32 $0xFFFFFFFF, s24  }
0xa3: {  	p1 =	sge.u32 s0, s9  }
.Ltmp7:
0xa4: {  	_ = 	snop;
	(pc) =	sbr.rel @p1 .LBB3_5-.Ltmp7, $1  }
0xa5: {  	_ =	sdelay $0x3  }
0xa6: {  	s2 =	smulhi.u32 $0xAAAAAAAB, s0;
	_ =	sdelay $0x1  }
0xa7: {  	s2 =	sshrl.u32 s2, $0x1  }
0xa8: {  	s2 =	smul.u32 $0x3, s2;
	_ =	sdelay $0x1  }
0xa9: {  	s2 =	ssub.s32 s0, s2  }
0xaa: {  	s2 =	smul.u32 $0x7D00, s2  }
0xab: {  	_ =	swait.ge [sflag:s7], $0x1F40  }
0xac: {  	[sflag:s7] =	ssyncset.done $0x0;
	s2 =	sshrl.u32 s2, $0x2  }
0xad: {  	[sflag:s7] =	ssyncadd.s32 $0xFFFFE0C0;
	(ifvalue) =	ssetifvalue $0xFFFFFFFF;
	v3 =	vld.msk [tilespmem:s2+$0x100 ss:$0x1], $0xffff;
	_ =	sdelay $0x2  }
0xae: {  	s30 =	smulhi.u32 $0xAAAAAAAB, s18;
	p1 =	sne.s32 s24, $0x1  }
0xaf: {  	v4 =	vimm.s32 @!p1 $0x0  }
0xb0: {  	s2 =	sshrl.u32 s30, $0x1;
	v4 =	vperm.xlane @!p1 v3, v4  }
0xb1: {  	s22 =	sshll.u32 s24, $0x4;
	s2 =	smul.u32 $0xFFFE8900, s2;
	vm4 =	vlt.u32 v3, $0x3200000  }
0xb2: {  	s22 =	sand.u32 $0x10, s22;
	v3 =	vnsel vm4, $0xFFFFFFFE, v3;
	vm4 =	vlt.u32 @!p1 v4, $0x3200000  }
0xb3: {  	s2 =	sshra.s32 s2, $0x2;
	[tilespmem:s22+$0x60] =	vst v3;
	v3 =	vnsel @!p1 vm4, $0xFFFFFFFE, v4  }
0xb4: {  	s28 =	sadd.s32 s2, s17;
	[tilespmem:$0x80] =	vst @!p1 v3  }
0xb5: {  	v3 =	vld.msk [tilespmem:s28+$0x0 ss:$0x1], $0xffff;
	_ =	sdelay $0x4  }
0xb6: {  	(xrf1) =	vunique.msk.u32 $0xffff, v3;
	_ =	sdelay $0xd  }
0xb7: {  	v4 =	vimm.s32 $0xFFFFFFFF;
	v5, _, _ =	vpop (xrf1)  }
0xb8: {  	vm5 =	vne.s32 v3, v4;
	vm4 =	veq.s32 v5, v2  }
0xb9: {  	vm6 =	vlt.u32 v3, $0x3200000;
	vm4 =	vmand vm5, vm4  }
0xba: {  	vm4 =	vmand vm6, vm4  }
0xbb: {  	v4 =	vnsel vm4, $0xFFFFFFFF, v3  }
0xbc: {  	s31 =	sand.u32 $0x1, s0  }
0xbd: {  	s0 =	simm.s32 $0x1F40;
	p1 =	seq.s32 s31, $0x1  }
0xbe: {  	s0 =	simm.s32 @!p1 $0x0  }
0xbf: {  	s26 =	sadd.s32 $0x7DF0, s0;
	(ifvalue) =	ssetifvalue $0xFFFFFFFF  }
0xc0: {  	v3 =	vperm.xlane v3, v1;
	[tilespmem:s26], [sflag:$0x8] =	stream.indirect_vreg.gather [hbm4b:s1+s16], $0x1, v4, vm0, $0x4038;
	v4 =	vnsel vm6, $0xFFFFFFFE, v4;
	[tilespmem:$0x11A60] =	vst v63  }
0xc1: {  	s2 =	simm.s32 $0x0;
	s22 =	sadd.s32 $0xFFFFFFF0, s28;
	[tilespmem:s28+$0x0] =	vst v4  }
.LBB3_3:
0xc2: {  	v4 =	vld.msk [tilespmem:s22+$0x0 ss:$0x1], $0xffff;
	s2 =	sadd.s32 $0x10, s2;
	v5 =	vmov v3;
	s28 =	smov.u32 s22  }
0xc3: {  	p1 =	slt.u32 s2, $0x1F30;
	_ =	sdelay $0x4  }
0xc4: {  	v3 =	vperm.xlane v4, v1;
	(xrf1) =	vunique.msk.u32 $0xffff, v4;
	_ =	sdelay $0xd  }
0xc5: {  	v6, _, _ =	vpop (xrf1)  }
0xc6: {  	vm5 =	vne.s32 v4, v5;
	vm4 =	veq.s32 v6, v2  }
0xc7: {  	vm6 =	vlt.u32 v4, $0x3200000;
	vm4 =	vmand vm5, vm4  }
0xc8: {  	vm4 =	vmand vm6, vm4  }
0xc9: {  	v4 =	vnsel vm4, $0xFFFFFFFF, v4  }
.Ltmp8:
0xca: {  	v5 =	vnsel vm6, $0xFFFFFFFE, v4;
	(pc) =	sbr.rel @p1 .LBB3_3-.Ltmp8, $3  }
0xcb: {  	_ =	sdelay $0x1  }
0xcc: {  	s22 =	sadd.s32 $0xFFFFFFF0, s22;
	s26 =	sadd.s32 $0xFFFFFFF0, s26;
	(ifvalue) =	ssetifvalue $0xFFFFFFFF  }
0xcd: {  	[tilespmem:s26], [sflag:$0x8] =	stream.indirect_vreg.gather [hbm4b:s1+s16], $0x1, v4, vm0, $0x4038;
	[tilespmem:s28+$0x0] =	vst v5  }
0xce: {  	s2 =	sshrl.u32 s25, $0x3  }
0xcf: {  	s0 =	sadd.s32 $0x9D40, s0;
	s2 =	sadd.s32 s6, s2  }
0xd0: {  	[tilespmem:s0], [sflag:$0x8] =	stream.linear.gather [hbm:s2], $0x1F40, $0x38;
	[tilespmem:$0x11A60] =	vst v63  }
.LBB3_5:
0xd1: {  	p1 =	slt.u32 s24, $0x2  }
0xd2: {  	p2 =	sge.u32 @!p1 s24, s12  }
0xd3: {  	p1 =	por p1, p2  }
.Ltmp9:
0xd4: {  	_ = 	snop;
	(pc) =	sbr.rel @p1 .LBB3_9-.Ltmp9, $1  }
0xd5: {  	_ =	sdelay $0x3  }
0xd6: {  	s0 =	sadd.s32 $0xFFFFFFFE, s24  }
0xd7: {  	s2 =	smulhi.u32 $0xAAAAAAAB, s0;
	_ =	sdelay $0x1  }
0xd8: {  	s2 =	sshrl.u32 s2, $0x1  }
0xd9: {  	s2 =	smul.u32 $0x3, s2;
	_ =	sdelay $0x1  }
0xda: {  	s0 =	ssub.s32 s0, s2  }
0xdb: {  	_ =	swait.ge [sflag:s8], $0x3E80;
	s0 =	smul.u32 $0x1F40, s0  }
0xdc: {  	p1 =	sne.s32 s24, s11;
	[sflag:s8] =	ssyncset.done $0x0  }
0xdd: {  	[sflag:s8] =	ssyncadd.s32 $0xFFFFC180;
	s2 =	sadd.s32 @!p1 $0x203F, s0  }
0xde: {  	[spmem:s13] =	stream.linear.scatter @!p1 [tilespmem:s2], [sflag:$0x1], $0x1, $0x38;
	[tilespmem:$0x11A60] =	vst v63  }
0xdf: {  	s2 =	simm.s32 @!p1 $0x1  }
0xe0: {  	_ =	swait.ge @!p1 [sflag:s2], $0x1  }
0xe1: {  	s22 =	sshll.u32 s24, $0x4;
	[sflag:s2] =	ssyncset.done @!p1 $0x0  }
0xe2: {  	s25 =	sand.u32 $0x10, s22;
	[sflag:s2] =	ssyncadd.s32 @!p1 $0xFFFFFFFF  }
0xe3: {  	s2 =	sxor.u32 $0x10, s25;
	v4 =	vld [tilespmem:s25+$0x10]  }
0xe4: {  	v5 =	vld [tilespmem:s2+$0x60]  }
0xe5: {  	v3 =	vld [tilespmem:$0x80];
	_ =	sdelay $0x2  }
0xe6: {  	(v2sf) =	vpush v4, $0x0  }
0xe7: {  	(v2sf) =	vpush v5, $0x0  }
0xe8: {  	(v2sf) =	vpush v3, $0x0;
	_ =	sdelay $0xc  }
0xe9: {  	s22 =	spop (v2sf)  }
0xea: {  	s26 =	spop (v2sf)  }
0xeb: {  	s28 =	spop (v2sf)  }
0xec: {  	p2 =	seq.s32 s22, s26;
	p3 =	seq.s32 s28, s22  }
0xed: {  	p3 =	por p2, p3  }
0xee: {  	s26 =	sand.u32 $0x1, s24;
	v4 =	vpsel p3, $0xFFFFFFFF, v4  }
0xef: {  	s29 =	smul.u32 $0x1F40, s26;
	[tilespmem:s25+$0x10] =	vst.msk $0x1, v4  }
0xf0: {  	v4 =	vld [tilespmem:$0x30]  }
0xf1: {  	v5 =	vld [tilespmem:s29+$0x9D40]  }
0xf2: {  	v6 =	vld [tilespmem:s25+$0x40];
	_ =	sdelay $0x3  }
0xf3: {  	vm4 =	vmmov vm1;
	v5 =	vadd.f32 v5, v4  }
0xf4: {  	vm5 =	vmmov vm2;
	vm4 =	vmmov @p2 vm2;
	s22 =	sshll.u32 s26, $0x4;
	v4 =	vadd.f32 v6, v4  }
0xf5: {  	s26 =	sor.u32 $0x11A40, s22;
	vm5 =	vmmov @p3 vm1;
	[tilespmem:s29+$0x9D40] =	vst.msk vm4, v5  }
0xf6: {  	[tilespmem:s26+$0x0] =	vst.msk vm5, v4  }
0xf7: {  	v4 =	vld [tilespmem:s29+$0x7DF0];
	_ =	sdelay $0x3  }
0xf8: {  	v5 =	vimm.f32 $0.0e+00  }
0xf9: {  	v4 =	vshift.insert v4, v5, s21  }
0xfa: {  	s22 =	sor.u32 $0x40, s2  }
0xfb: {  	[tilespmem:s22+$0x0] =	vst.msk $0x1, v4  }
0xfc: {  	[tilespmem:s29+$0x7DFF] =	vst.msk $0x1, v5  }
0xfd: {  	v4 =	vld [tilespmem:s0+$0x2030];
	_ =	sdelay $0x1  }
0xfe: {  	s22 =	smulhi.u32 $0xAAAAAAAB, s20;
	s0 =	simm.s32 $0x1  }
0xff: {  	s0 =	simm.s32 @!p0 $0x0  }
0x100: {  	s22 =	sshrl.u32 s22, $0x1;
	s0 =	smul.u32 $0x7D00, s0  }
0x101: {  	s22 =	smul.u32 $0xFFFE8900, s22;
	v4 =	vshift.insert v4, v1, s21  }
0x102: {  	s0 =	sshrl.u32 s0, $0x2  }
0x103: {  	s22 =	sshra.s32 s22, $0x2;
	s30 =	sadd.s32 $0x9D40, s0;
	[tilespmem:s2+$0x10] =	vst.msk $0x1, v4  }
0x104: {  	s22 =	sadd.s32 s22, s19;
	v6 =	vld [tilespmem:s30+$0x0]  }
0x105: {  	v7 =	vld [tilespmem:s22+$0x0];
	_ =	sdelay $0x3  }
0x106: {  	v5 =	vadd.f32 v6, v5  }
0x107: {  	vm4 =	vne.s32 v7, $0xFFFFFFFF  }
0x108: {  	(xrf2) =	vadd.seg.scan.f32 vm4, v5;
	_ =	sdelay $0x3  }
0x109: {  	s31 =	sadd.s32 $0x5EC0, s0;
	v5 =	vperm.xlane v4, v1  }
0x10a: {  	v6 =	vld [tilespmem:s31+$0x0]  }
0x10b: {  	vm5 =	veq.s32 v7, v3;
	vm6 =	veq.s32 v7, v5  }
0x10c: {  	vm7 =	vgt.u32 v7, $0xFFFFFFFD;
	vm6 =	vmor vm6, vm5  }
0x10d: {  	vm6 =	vmor vm6, vm7  }
0x10e: {  	v9 =	vld [tilespmem:$0xA0];
	v7 =	vsel vm6, $0xFFFFFFFF, v7  }
0x10f: {  	v10 =	vld [tilespmem:$0x90];
	v6 =	vsel vm5, $0x0, v6;
	v8, _, _ =	vpop (xrf2)  }
0x110: {  	v6 =	vadd.f32 v8, v6  }
0x111: {  	s0 =	sadd.s32 $0xDBC0, s0  }
0x112: {  	vm4 =	vmand vm4, vm3;
	[tilespmem:s0+$0x0] =	vst v6;
	(ifvalue) =	ssetifvalue $0xFFFFFFFF  }
0x113: {  	vm6 =	veq.s32 v9, $0x1;
	[hbm4b:s1+s16] =	stream.indirect_vreg.scatter [tilespmem:s0], [sflag:$0x2], $0x1, v7, vm0, $0x4038;
	v7 =	vsel vm4, $0x0, v8;
	[tilespmem:$0x11A60] =	vst v63  }
0x114: {  	s2 =	simm.s32 $0x0;
	s22 =	sadd.s32 $0x10, s22;
	vm4 =	vmor vm6, vm5;
	v6 =	vsel vm5, v8, v10;
	v7 =	vshift.insert v7, v0, s21  }
.LBB3_7:
0x115: {  	v8 =	vld [tilespmem:s22+$0x0];
	s30 =	sadd.s32 $0x10, s30  }
0x116: {  	s31 =	sadd.s32 $0x10, s31;
	v9 =	vld [tilespmem:s30+$0x0]  }
0x117: {  	s2 =	sadd.s32 $0x10, s2;
	v10 =	vld [tilespmem:s31+$0x0]  }
0x118: {  	p2 =	slt.u32 s2, $0x1F30;
	_ =	sdelay $0x2  }
0x119: {  	v7 =	vadd.f32 v9, v7  }
0x11a: {  	vm5 =	vne.s32 v8, $0xFFFFFFFF  }
0x11b: {  	vm6 =	vmand vm5, vm3;
	(xrf2) =	vadd.seg.scan.f32 vm5, v7;
	_ =	sdelay $0x5  }
0x11c: {  	vm7 =	veq.s32 v8, v5;
	vm5 =	veq.s32 v8, v3  }
0x11d: {  	vm8 =	vgt.u32 v8, $0xFFFFFFFD;
	vm4 =	vmor vm4, vm5;
	vm7 =	vmor vm7, vm5  }
0x11e: {  	vm7 =	vmor vm7, vm8  }
0x11f: {  	v8 =	vsel vm7, $0xFFFFFFFF, v8  }
.Ltmp10:
0x120: {  	v7 =	vsel vm5, $0x0, v10;
	v9, _, _ =	vpop (xrf2);
	(pc) =	sbr.rel @p2 .LBB3_7-.Ltmp10, $4  }
0x121: {  	v6 =	vsel vm5, v9, v6;
	v10 =	vadd.f32 v9, v7;
	v7 =	vsel vm6, $0x0, v9  }
0x122: {  	s0 =	sadd.s32 $0x10, s0;
	v7 =	vshift.insert v7, v0, s21  }
0x123: {  	s22 =	sadd.s32 $0x10, s22;
	[tilespmem:s0+$0x0] =	vst v10;
	(ifvalue) =	ssetifvalue $0xFFFFFFFF  }
0x124: {  	[hbm4b:s1+s16] =	stream.indirect_vreg.scatter [tilespmem:s0], [sflag:$0x2], $0x1, v8, vm0, $0x4038;
	[tilespmem:$0x11A60] =	vst v63  }
0x125: {  	v3 =	vld [tilespmem:s29+$0xFAF0];
	_ =	sdelay $0x4  }
0x126: {  	v3 =	vshift.insert v3, v0, s21  }
0x127: {  	s0 =	simm.s32 $0x30  }
0x128: {  	[tilespmem:s0+$0x0] =	vst.msk $0x1, v3  }
0x129: {  	v3 =	vsel vm4, $0x1, v1;
	[tilespmem:$0x90] =	vst v6  }
0x12a: {  	s0 =	sadd.s32 @!p1 $0xFAFF, s29;
	[tilespmem:$0xA0] =	vst v3  }
0x12b: {  	[spmem:s14] =	stream.linear.scatter @!p1 [tilespmem:s0], [sflag:$0x1], $0x1, $0x38;
	[tilespmem:$0x11A60] =	vst v63  }
0x12c: {  	s0 =	simm.s32 @!p1 $0x1  }
0x12d: {  	v3 =	vmctz.xlane @!p1 vm4;
	_ =	swait.ge @!p1 [sflag:s0], $0x1  }
0x12e: {  	(v2sf) =	vpush @!p1 v4, $0x0  }
0x12f: {  	(v2sf) =	vpush @!p1 v3, $0x0;
	_ =	sdelay $0xd  }
0x130: {  	s2 =	spop @!p1 (v2sf)  }
0x131: {  	s22 =	spop @!p1 (v2sf)  }
0x132: {  	p2 =	sne.s32 @!p1 s28, s2;
	p3 =	slt.s32 @!p1 s22, $0xF  }
0x133: {  	[sflag:s0] =	ssyncset.done @!p1 $0x0;
	p2 =	por p2, p1;
	p3 =	por !p3, p1  }
0x134: {  	[sflag:s0] =	ssyncadd.s32 @!p1 $0xFFFFFFFF;
	v3 =	vimm.s32 @!p2 $0xFFFFFFFF;
	s22 =	simm.s32 @p3 $0xF  }
0x135: {  	[tilespmem:$0x80] =	vst @!p2 v3;
	s2 =	sadd.s32 @!p1 $0x90, s22  }
0x136: {  	[spmem:s10] =	stream.linear.scatter @!p1 [tilespmem:s2], [sflag:$0x1], $0x1, $0x38;
	[tilespmem:$0x11A60] =	vst v63  }
0x137: {  	_ =	swait.ge @!p1 [sflag:s0], $0x1  }
0x138: {  	[sflag:s0] =	ssyncset.done @!p1 $0x0  }
0x139: {  	s2 =	simm.s32 @!p1 $0x80;
	[sflag:s0] =	ssyncadd.s32 @!p1 $0xFFFFFFFF  }
0x13a: {  	[spmem:s15] =	stream.linear.scatter @!p1 [tilespmem:s2], [sflag:$0x1], $0x1, $0x38;
	[tilespmem:$0x11A60] =	vst v63  }
0x13b: {  	_ =	swait.ge @!p1 [sflag:s0], $0x1  }
0x13c: {  	[sflag:s0] =	ssyncset.done @!p1 $0x0  }
0x13d: {  	[sflag:s0] =	ssyncadd.s32 @!p1 $0xFFFFFFFF;
	(ifvalue) =	ssetifvalue $0xFFFFFFFF;
	v3 =	vld [tilespmem:s25+$0x10];
	_ =	sdelay $0x3  }
.Ltmp11:
0x13e: {  	_ = 	snop;
	(pc) =	sbr.rel .LBB3_9-.Ltmp11, $3  }
0x13f: {  	_ =	sdelay $0x1  }
0x140: {  	(ifvalue) =	ssetifvalue $0xFFFFFFFF  }
0x141: {  	[hbm4b:s1+s16] =	stream.indirect_vreg.scatter [tilespmem:s26], [sflag:$0x9], $0x1, v3, vm0, $0x4038;
	[tilespmem:$0x11A60] =	vst v63  }
.LBB3_10:
0x142: {  	_ =	sfence.sel $0x180000  }
0x143: {  	s0 =	simm.s32 $0x7;
	[bflag:$0x0] =	sbarrier.arrive $0xFFFF  }
0x144: {  	s26 =	simm.s32 $0x8;
	[sflag:s0] =	ssyncpa.u1 $0x1  }
0x145: {  	s28 =	simm.s32 $0x9;
	[sflag:s26] =	ssyncpa.u1 $0x1  }
0x146: {  	[sflag:s28] =	ssyncpa.u1 $0x1  }
0x147: {  	_ =	sfence.stream.spmem  }
0x148: {  	s29 =	simm.s32 $0x3;
	[bflag:$0x0] =	sbarrier.arrive $0xFFFF  }
0x149: {  	s30 =	simm.s32 $0x4;
	[sflag:s29] =	ssyncpa.u1 $0x1  }
0x14a: {  	s31 =	simm.s32 $0x3C;
	s2 =	stileid.u32;
	[sflag:s30] =	ssyncpa.u1 $0x1  }
0x14b: {  	p0 =	sne.s32 s2, $0x0;
	[sflag:s31] =	ssyncpa.u1 $0x1  }
0x14c: {  	s0 =	simm.s32 @p0 $0x1;
	_ =	sfence @p0  }
0x14d: {  	[sflag:s0] =	ssyncpa.u1 @p0 $0x1;
	s0 =	simm.s32 @p0 $0x2  }
0x14e: {  	[sflag:s0] =	ssyncpa.u1 @p0 $0x1  }
0x14f: {  	_ =	strace @p0 $0x90000056  }
0x150: {  	[bflag:$0x2] =	sbarrier.arrive @p0 $0xFFFF  }
0x151: {  	_ =	shalt @p0  }
.LBB3_11:
0x152: {  	_ =	sfence.stream.spmem;
	s0 =	simm.s32 $0x5  }
0x153: {  	s2 =	simm.s32 $0x80;
	s3 =	simm.s32 $0xC0;
	[sflag:s0] =	ssyncpa.u1 $0x0  }
0x154: {  	[tilespmem:s3], [sflag:$0x5] =	stream.linear.gather [spmem:s2], $0x20, $0x38;
	[tilespmem:$0x11A60] =	vst v63  }
0x155: {  	s2 =	simm.s32 $0x0;
	s3 =	simm.s32 $0xE0  }
0x156: {  	[tilespmem:s3], [sflag:$0x5] =	stream.linear.gather [spmem:s2], $0x20, $0x38;
	[tilespmem:$0x11A60] =	vst v63  }
.Ltmp12:
0x157: {  	_ = 	snop;
	(pc) =	sbr.rel .LBB3_12-.Ltmp12, $4  }
0x158: {  	_ =	swait.ge [sflag:s0], $0x40  }
0x159: {  	[sflag:s0] =	ssyncset.done $0x0  }
0x15a: {  	s31 =	simm.s32 $0x6;
	[sflag:s0] =	ssyncadd.s32 $0xFFFFFFC0  }
0x15b: {  	s4 =	simm.s32 $0x0;
	[sflag:s31] =	ssyncpa.u1 $0x0  }
.LBB3_17:
0x15c: {  	p0 =	sgt.u32 s5, $0x31FFFFF  }
0x15d: {  	s0 =	sshrl.u32 @!p0 s5, $0x3  }
0x15e: {  	s5 =	sand.u32 @!p0 $0x7, s5;
	s6 =	simm.s32 @!p0 $0xB0;
	s0 =	sadd.s32 @!p0 s1, s0  }
0x15f: {  	[tilespmem:s6], [sflag:$0x6] =	stream.linear.gather @!p0 [hbm4b:s0+s5], $0x1, $0x38;
	[tilespmem:$0x11A60] =	vst v63  }
0x160: {  	s0 =	simm.s32 @!p0 $0x6  }
0x161: {  	_ =	swait.ge @!p0 [sflag:s0], $0x1  }
0x162: {  	[sflag:s0] =	ssyncset.done @!p0 $0x0  }
0x163: {  	[sflag:s0] =	ssyncadd.s32 @!p0 $0xFFFFFFFF  }
0x164: {  	v2 =	vmov @!p0 s4;
	v1 =	vld.msk @!p0 [tilespmem:$0xB0], $0x1;
	_ =	sdelay $0x3  }
0x165: {  	s0 =	simm.s32 @!p0 $0xE0  }
0x166: {  	[tilespmem:v2+s0+$0x0], v1 =	vst.idx.ret.add.f32.msk @!p0 $0x1, v1  }
0x167: {  	[tilespmem:s2+$0xC0] =	vst.msk $0x1, v0  }
0x168: {  	v0 =	vld.msk [tilespmem:s4+$0xE0], $0x1;
	_ =	sdelay $0x4  }
0x169: {  	[tilespmem:s2+$0xE0] =	vst.msk $0x1, v0;
	s2 =	sadd.s32 $0x1, s2  }
.LBB3_19:
0x16a: {  	s4 =	sadd.s32 $0x1, s4  }
0x16b: {  	p0 =	sne.s32 s4, $0x20  }
.Ltmp13:
0x16c: {  	_ = 	snop;
	(pc) =	sbr.rel @!p0 .LBB3_20-.Ltmp13, $1  }
0x16d: {  	_ =	sdelay $0x3  }
.LBB3_12:
0x16e: {  	v0 =	vld.msk [tilespmem:s4+$0xC0], $0x1;
	_ =	sdelay $0x4  }
0x16f: {  	(v2sf) =	vpush v0, $0x0;
	_ =	sdelay $0xe  }
0x170: {  	s5 =	spop (v2sf)  }
0x171: {  	p0 =	seq.s32 s5, $0xFFFFFFFF  }
.Ltmp14:
0x172: {  	_ = 	snop;
	(pc) =	sbr.rel @p0 .LBB3_19-.Ltmp14, $1  }
0x173: {  	_ =	sdelay $0x3  }
0x174: {  	p0 =	slt.s32 s2, $0x1  }
.Ltmp15:
0x175: {  	_ = 	snop;
	(pc) =	sbr.rel @p0 .LBB3_17-.Ltmp15, $1  }
0x176: {  	_ =	sdelay $0x3  }
0x177: {  	s0 =	simm.s32 $0xC0;
	p0 =	por $0x0, $0x0  }
0x178: {  	v1 =	vld.msk @!p0 [tilespmem:s0+$0x0], $0x1;
	_ =	sdelay $0x4  }
0x179: {  	(v2sf) =	vpush @!p0 v1, $0x0;
	_ =	sdelay $0xd  }
0x17a: {  	p2 =	sne.s32 s2, $0x1  }
.Ltmp16:
0x17b: {  	s6 =	spop @!p0 (v2sf);
	(pc) =	sbr.rel @!p2 .LBB3_16-.Ltmp16, $4  }
0x17c: {  	p1 =	seq.s32 @!p0 s5, s6  }
0x17d: {  	s6 =	simm.s32 $0x0;
	p1 =	por !p1, p0  }
0x17e: {  	s8 =	simm.s32 $0xFFFFFFFF;
	s6 =	simm.s32 @p1 $0xFFFFFFFF  }
0x17f: {  	s7 =	simm.s32 $0x1;
	s6 =	smov.u32 @p0 s8  }
.LBB3_15:
0x180: {  	s8 =	smov.u32 s6;
	p0 =	sne.s32 s6, $0xFFFFFFFF  }
0x181: {  	s0 =	sadd.s32 $0x1, s0;
	s6 =	smov.u32 s7;
	s7 =	sadd.s32 $0x1, s7  }
0x182: {  	p1 =	sne.s32 s2, s7;
	v1 =	vld.msk @!p0 [tilespmem:s0+$0x0], $0x1;
	_ =	sdelay $0x4  }
0x183: {  	(v2sf) =	vpush @!p0 v1, $0x0;
	_ =	sdelay $0xe  }
.Ltmp17:
0x184: {  	s9 =	spop @!p0 (v2sf);
	(pc) =	sbr.rel @p1 .LBB3_15-.Ltmp17, $4  }
0x185: {  	p2 =	seq.s32 @!p0 s5, s9  }
0x186: {  	p2 =	por !p2, p0  }
0x187: {  	s6 =	simm.s32 @p2 $0xFFFFFFFF  }
0x188: {  	s6 =	smov.u32 @p0 s8  }
.LBB3_16:
0x189: {  	p0 =	sne.s32 s6, $0xFFFFFFFF  }
.Ltmp18:
0x18a: {  	_ = 	snop;
	(pc) =	sbr.rel @!p0 .LBB3_17-.Ltmp18, $1  }
0x18b: {  	_ =	sdelay $0x3  }
0x18c: {  	v0 =	vld.msk [tilespmem:s4+$0xE0], $0x1;
	v1 =	vmov s6  }
.Ltmp19:
0x18d: {  	_ = 	snop;
	(pc) =	sbr.rel .LBB3_19-.Ltmp19, $2  }
0x18e: {  	_ =	sdelay $0x2  }
0x18f: {  	[tilespmem:v1+s3+$0x0], v0 =	vst.idx.ret.add.f32.msk $0x1, v0  }
.LBB3_20:
0x190: {  	p0 =	slt.s32 s2, $0x1  }
.Ltmp20:
0x191: {  	_ = 	snop;
	(pc) =	sbr.rel @p0 .LBB3_24-.Ltmp20, $3  }
0x192: {  	_ =	sdelay $0x1  }
0x193: {  	s0 =	simm.s32 $0x6  }
0x194: {  	s3 =	simm.s32 $0x0;
	[sflag:s0] =	ssyncpa.u1 $0x1  }
0x195: {  	s0 =	simm.s32 $0xC0  }
0x196: {  	v0 =	vld.msk [tilespmem:s0+$0x0], $0x1;
	_ =	sdelay $0x4  }
0x197: {  	(v2sf) =	vpush v0, $0x0;
	_ =	sdelay $0xe  }
0x198: {  	s2 =	sadd.s32 $0xFFFFFFFF, s2;
	s4 =	spop (v2sf)  }
0x199: {  	p1 =	sne.s32 s2, $0x0;
	p0 =	sgt.u32 s4, $0x31FFFFF  }
.Ltmp21:
0x19a: {  	s5 =	sshrl.u32 @!p0 s4, $0x3;
	(pc) =	sbr.rel @!p1 .LBB3_23-.Ltmp21, $4  }
0x19b: {  	s0 =	simm.s32 $0xE0;
	s4 =	sand.u32 @!p0 $0x7, s4;
	s5 =	sadd.s32 @!p0 s1, s5  }
0x19c: {  	[hbm4b:s5+s4] =	stream.linear.scatter @!p0 [tilespmem:s0], [sflag:$0x5], $0x1, $0x38;
	[tilespmem:$0x11A60] =	vst v63  }
0x19d: {  	s5 =	simm.s32 $0x0  }
0x19e: {  	s4 =	simm.s32 $0xC1;
	s5 =	simm.s32 @!p0 $0x4  }
.LBB3_22:
0x19f: {  	v0 =	vld.msk [tilespmem:s4+$0x0], $0x1;
	s2 =	sadd.s32 $0xFFFFFFFF, s2;
	s3 =	sadd.s32 s3, s5  }
0x1a0: {  	p0 =	sne.s32 s2, $0x0;
	_ =	sdelay $0x3  }
0x1a1: {  	(v2sf) =	vpush v0, $0x0;
	_ =	sdelay $0xe  }
.Ltmp22:
0x1a2: {  	s6 =	spop (v2sf);
	(pc) =	sbr.rel @p0 .LBB3_22-.Ltmp22, $4  }
0x1a3: {  	s5 =	simm.s32 $0x0;
	p1 =	sgt.u32 s6, $0x31FFFFF  }
0x1a4: {  	s0 =	sadd.s32 $0x1, s0;
	s5 =	simm.s32 @!p1 $0x4;
	s7 =	sshrl.u32 @!p1 s6, $0x3  }
0x1a5: {  	s4 =	sadd.s32 $0x1, s4;
	s6 =	sand.u32 @!p1 $0x7, s6;
	s7 =	sadd.s32 @!p1 s1, s7  }
0x1a6: {  	[hbm4b:s7+s6] =	stream.linear.scatter @!p1 [tilespmem:s0], [sflag:$0x5], $0x1, $0x38;
	[tilespmem:$0x11A60] =	vst v63  }
.LBB3_23:
0x1a7: {  	s0 =	sadd.s32 s3, s5  }
0x1a8: {  	s3 =	sshrl.u32 s0, $0x2  }
.LBB3_24:
0x1a9: {  	s0 =	simm.s32 $0x5  }
0x1aa: {  	_ =	swait.ge [sflag:s0], s3  }
0x1ab: {  	s1 =	ssub.s32 $0x0, s3;
	[sflag:s0] =	ssyncset.done $0x0  }
0x1ac: {  	[sflag:s0] =	ssyncadd.s32 s1  }
0x1ad: {  	[sflag:s0] =	ssyncpa.u1 $0x1  }
0x1ae: {  	s29 =	simm.s32 $0x1;
	_ =	sfence  }
0x1af: {  	s30 =	simm.s32 $0x2;
	[sflag:s29] =	ssyncpa.u1 $0x1  }
0x1b0: {  	[sflag:s30] =	ssyncpa.u1 $0x1  }
0x1b1: {  	_ =	strace $0x90000056  }
0x1b2: {  	[bflag:$0x2] =	sbarrier.arrive $0xFFFF  }
0x1b3: {  	s31 =	rddreg [dreg:$0x1]  }
0x1b4: {  	s0 =	sadd.s32 $0x100000, s31  }
0x1b5: {  	[sflag:s0] =	ssyncadd.tile.s32 $0x1;
	_ =	shalt  }
.Lfunc_end3:
_tile_overlayer_lowered:
.L_overlay_start_3:
0x1b6: {  	(tag) =	ssettag $0x3  }
0x1b7: {  	s0 =	rddreg [dreg:$0x0];
	s2 =	stileid.u32  }
0x1b8: {  	s1 =	rddreg [dreg:$0x1];
	p0 =	sne.s32 s2, $0x0  }
0x1b9: {  	s3 =	rddreg [dreg:$0x2];
	[bflag:$0x3] =	sbarrier.arrive $0xFFFF;
	s2 =	simm.s32 @!p0 $0x1C01  }
0x1ba: {  	[timem:s3], [sflag:s2] =	dma.local @!p0 [hbm:s0], s1  }
0x1bb: {  	s0 =	simm.s32 @!p0 $0x1  }
0x1bc: {  	_ =	swait.ge @!p0 [sflag:s0], s1  }
0x1bd: {  	s1 =	ssub.s32 @!p0 $0x0, s1;
	[sflag:s0] =	ssyncset.done @!p0 $0x0  }
0x1be: {  	[sflag:s0] =	ssyncadd.s32 @!p0 s1  }
0x1bf: {  	[bflag:$0x3] =	sbarrier.arrive $0xFFFF  }
0x1c0: {  	_ =	shalt  }

// kernel: scatter_offload_async_start
scs
__scs_entry_jumppad:
0x0: {  	(pc) =	sbr.rel $0x88, $3  }
0x1: {  	(tag) =	ssettag $0x0;
	lr =	simm.s32 $0x1  }
0x2: {  	[smem:$0x3F95] =	sst lr;
	_ =	strace $0xD0000000  }
0x3: {  	_ = 	snop  }
0x4: {  	_ = 	snop  }
0x5: {  	_ = 	snop  }
0x6: {  	_ = 	snop  }
0x7: {  	_ = 	snop  }
__scs_overlays_trampoline_lowered:
0x8: {  	[smem:$0x3FA4] =	sst s0  }
0x9: {  	[smem:$0x3FA5] =	sst s1  }
0xa: {  	[smem:$0x3FA6] =	sst s2  }
0xb: {  	[smem:$0x3FA7] =	sst s3  }
0xc: {  	[smem:$0x3FA8] =	sst s4  }
0xd: {  	[smem:$0x3FA9] =	sst s5  }
0xe: {  	[smem:$0x3FAA] =	sst s6  }
0xf: {  	[smem:$0x3FAB] =	sst s7  }
0x10: {  	[smem:$0x3FAC] =	sst s8  }
0x11: {  	[smem:$0x3FAD] =	sst s9;
	s0 =	simm.s32 @!p0 $0x0  }
0x12: {  	s1 =	sld [smem:$0x3F93];
	s0 =	simm.s32 @p0 $0x1  }
0x13: {  	[smem:$0x3FAE] =	sst s0;
	s0 =	simm.s32 @!p1 $0x0  }
0x14: {  	s2 =	sld [smem:$0x3F92];
	s0 =	simm.s32 @p1 $0x1  }
0x15: {  	[smem:$0x3FAF] =	sst s0;
	s0 =	simm.s32 @!p2 $0x0  }
0x16: {  	s3 =	sld [smem:$0x3FDB];
	s0 =	simm.s32 @p2 $0x1  }
0x17: {  	s4 =	simm.s32 $0x1BF5;
	[smem:$0x3FB1] =	sst s0  }
0x18: {  	s0 =	sld [smem:$0x3F94];
	_ =	swait.ge [sflag:s4], $0x0  }
0x19: {  	s7 =	sld [smem:$0x3F95]  }
0x1a: {  	s8 =	sadd.s32 $0xFFFFE003, lr  }
0x1b: {  	s9 =	sadd.s32 $0xFFFFFEF7, lr;
	s5 =	simm.s32 $0xFFFFFFFF;
	p2 =	slt.u32 s8, $0xFFFFF086  }
0x1c: {  	p1 =	slt.u32 s9, $0xF7A;
	s5 =	simm.s32 @!p2 $0x0  }
0x1d: {  	s5 =	simm.s32 @p1 $0x1;
	p0 =	seq.s32 s7, s2  }
0x1e: {  	s7 =	smul.u32 @!p0 $0xF7A, s2;
	p2 =	seq.s32 @!p0 s5, $0x0  }
0x1f: {  	s9 =	smul.u32 $0xF7A, s1;
	s8 =	simm.s32 @!p0 $0x1BF5;
	p2 =	por !p2, p0  }
0x20: {  	[sflag:s8] =	ssyncset.s32 @!p0 $0xFFFFF086;
	s6 =	sadd.s32 @!p0 s3, s7;
	s7 =	simm.s32 @!p0 $0x108  }
0x21: {  	s3 =	sadd.s32 s3, s9;
	s6 =	sadd.s32 @!p0 $0x88, s6;
	s7 =	simm.s32 @p2 $0x1082  }
0x22: {  	[simem:s7], [sflag:s8] =	dma.local @!p0 [hbm:s6], $0xF7A  }
0x23: {  	s9 =	sor.u32 $0xD0000000, s2;
	s6 =	simm.s32 $0x108;
	_ =	swait.ge @!p0 [sflag:s8], $0x0  }
0x24: {  	s3 =	sadd.s32 $0x88, s3;
	s6 =	simm.s32 @!p1 $0x1082;
	[sflag:s4] =	ssyncset.s32 $0xFFFFF086  }
0x25: {  	[simem:s6], [sflag:s4] =	dma.local [hbm:s3], $0xF7A  }
0x26: {  	[smem:$0x3F95] =	sst s1;
	(tag) =	ssettag s2;
	_ =	strace s9  }
0x27: {  	s1 =	sld [smem:$0x3FA5]  }
0x28: {  	s2 =	sld [smem:$0x3FA6]  }
0x29: {  	s4 =	sld [smem:$0x3FA8]  }
0x2a: {  	p0 =	seq.s32 s5, $0x0;
	s5 =	sld [smem:$0x3FA9]  }
0x2b: {  	s6 =	sld [smem:$0x3FAA]  }
0x2c: {  	s7 =	sld [smem:$0x3FAB]  }
0x2d: {  	s3 =	simm.s32 $0x108;
	s8 =	sld [smem:$0x3FAC]  }
0x2e: {  	s3 =	simm.s32 @!p0 $0x1082;
	s9 =	sld [smem:$0x3FAD]  }
0x2f: {  	lr =	sadd.s32 s0, s3;
	s0 =	sld [smem:$0x3FA4]  }
0x30: {  	s3 =	sld [smem:$0x3FA7]  }
0x31: {  	[smem:$0x3FB0] =	sst s10  }
0x32: {  	s10 =	sld [smem:$0x3FAE];
	_ =	sdelay $0x3  }
0x33: {  	p0 =	seq.s32 s10, $0x1;
	s10 =	sld [smem:$0x3FB0];
	_ =	sdelay $0x3  }
0x34: {  	[smem:$0x3FB0] =	sst s10  }
0x35: {  	s10 =	sld [smem:$0x3FAF];
	_ =	sdelay $0x3  }
0x36: {  	p1 =	seq.s32 s10, $0x1;
	s10 =	sld [smem:$0x3FB0];
	_ =	sdelay $0x3  }
0x37: {  	[smem:$0x3FB0] =	sst s10  }
0x38: {  	s10 =	sld [smem:$0x3FB1]  }
0x39: {  	_ = 	snop;
	(pc) =	sbr.ind lr, $3  }
0x3a: {  	_ = 	snop  }
0x3b: {  	_ = 	snop  }
0x3c: {  	p2 =	seq.s32 s10, $0x1;
	s10 =	sld [smem:$0x3FB0]  }
0x3d: {  	_ =	shalt  }
0x3e: {  	_ =	shalt  }
0x3f: {  	_ =	shalt  }
0x40: {  	_ =	shalt  }
0x41: {  	_ =	shalt  }
0x42: {  	_ =	shalt  }
0x43: {  	_ =	shalt  }
0x44: {  	_ =	shalt  }
0x45: {  	_ =	shalt  }
0x46: {  	_ =	shalt  }
0x47: {  	_ =	shalt  }
0x48: {  	_ =	shalt  }
0x49: {  	_ =	shalt  }
0x4a: {  	_ =	shalt  }
0x4b: {  	_ =	shalt  }
0x4c: {  	_ =	shalt  }
0x4d: {  	_ =	shalt  }
0x4e: {  	_ =	shalt  }
0x4f: {  	_ =	shalt  }
0x50: {  	_ =	shalt  }
0x51: {  	_ =	shalt  }
0x52: {  	_ =	shalt  }
0x53: {  	_ =	shalt  }
0x54: {  	_ =	shalt  }
0x55: {  	_ =	shalt  }
0x56: {  	_ =	shalt  }
0x57: {  	_ =	shalt  }
0x58: {  	_ =	shalt  }
0x59: {  	_ =	shalt  }
0x5a: {  	_ =	shalt  }
0x5b: {  	_ =	shalt  }
0x5c: {  	_ =	shalt  }
0x5d: {  	_ =	shalt  }
0x5e: {  	_ =	shalt  }
0x5f: {  	_ =	shalt  }
0x60: {  	_ =	shalt  }
0x61: {  	_ =	shalt  }
0x62: {  	_ =	shalt  }
0x63: {  	_ =	shalt  }
0x64: {  	_ =	shalt  }
0x65: {  	_ =	shalt  }
0x66: {  	_ =	shalt  }
0x67: {  	_ =	shalt  }
0x68: {  	_ =	shalt  }
0x69: {  	_ =	shalt  }
0x6a: {  	_ =	shalt  }
0x6b: {  	_ =	shalt  }
0x6c: {  	_ =	shalt  }
0x6d: {  	_ =	shalt  }
0x6e: {  	_ =	shalt  }
0x6f: {  	_ =	shalt  }
0x70: {  	_ =	shalt  }
0x71: {  	_ =	shalt  }
0x72: {  	_ =	shalt  }
0x73: {  	_ =	shalt  }
0x74: {  	_ =	shalt  }
0x75: {  	_ =	shalt  }
0x76: {  	_ =	shalt  }
0x77: {  	_ =	shalt  }
0x78: {  	_ =	shalt  }
0x79: {  	_ =	shalt  }
0x7a: {  	_ =	shalt  }
0x7b: {  	_ =	shalt  }
0x7c: {  	_ =	shalt  }
0x7d: {  	_ =	shalt  }
0x7e: {  	_ =	shalt  }
0x7f: {  	_ =	shalt  }
0x80: {  	_ =	shalt  }
0x81: {  	_ =	shalt  }
0x82: {  	_ =	shalt  }
0x83: {  	_ =	shalt  }
0x84: {  	_ =	shalt  }
0x85: {  	_ =	shalt  }
0x86: {  	_ =	shalt  }
0x87: {  	_ =	shalt  }
.Lfunc_end0:
.L_simem_size_0:
called_computation_lowered:
.L_overlay_start_0:
0x88: {  	s0 =	sld [smem:$0x3FD9]  }
0x89: {  	s1 =	sld [smem:$0x3FFE];
	_ =	sdelay $0x3  }
0x8a: {  	s0 =	sadd.s32 s1, s0  }
0x8b: {  	[smem:$0x3FBC] =	sst s0  }
0x8c: {  	_ = 	snop  }
0x8d: {  	(tm) =	ssettm $0x1  }
0x8e: {  	s15 =	sld [smem:$0x3FFB];
	_ =	sdelay $0x3  }
0x8f: {  	_ =	strace s15  }
0x90: {  	s0 =	sld [smem:$0x3FFC];
	_ =	sdelay $0x3  }
0x91: {  	_ =	strace s0  }
0x92: {  	s0 =	sld [smem:$0x3FFD];
	_ =	sdelay $0x3  }
0x93: {  	_ =	strace s0  }
0x94: {  	_ =	strace $0x8FFFFFFF  }
0x95: {  	s16 =	sld [smem:$0x3FDB];
	_ =	sdelay $0x1  }
0x96: {  	s17 =	simm.s32 $_scs_section_size  }
0x97: {  	s2 =	simm.s32 $_size__tile_overlayer_lowered;
	s3 =	simm.s32 $_tile_overlayer_lowered  }
0x98: {  	s20 =	simm.s32 $0x1BFF;
	s19 =	sshll.u32 s3, $0x1;
	s0 =	sadd.s32 s17, s16  }
0x99: {  	s4 =	simm.s32 $0x0;
	s18 =	sshll.u32 s2, $0x1;
	s2 =	sadd.s32 s19, s0  }
0x9a: {  	[timem:s4], [sflag:s20] =	dma.local [hbm:s2], s18  }
0x9b: {  	_ =	swait.ge [sflag:s20], s18  }
0x9c: {  	s1 =	ssub.s32 $0x0, s18;
	[sflag:s20] =	ssyncset.done $0x0  }
0x9d: {  	[sflag:s20] =	ssyncadd.s32 s1;
	_ =	sdelay $0x1  }
0x9e: {  	s21 =	simm.s32 $0x1B8B  }
0x9f: {  	_ =	swait.ge [sflag:s21], $0x1  }
0xa0: {  	[sflag:s21] =	ssyncset.done $0x0  }
0xa1: {  	s23 =	simm.s32 $0x1B8E;
	s22 =	sld [smem:$0x3FFE];
	[sflag:s21] =	ssyncadd.s32 $0xFFFFFFFF  }
0xa2: {  	s24 =	simm.s32 $execute0_lowered;
	[smem:$0x3FD2] =	sst s23  }
0xa3: {  	s2 =	sshll.u32 s24, $0x1;
	_ =	strace $0x80000046;
	[dreg:$0x1] =	wrdreg $0xFFFFFFFF  }
0xa4: {  	s25 =	simm.s32 $_size_execute0_lowered;
	s0 =	sadd.s32 s0, s2;
	[dreg:$0x0] =	wrdreg $0x0  }
0xa5: {  	s2 =	sshll.u32 s25, $0x1;
	[dreg:$0x2] =	wrdreg s0  }
0xa6: {  	[dreg:$0x3] =	wrdreg s2  }
0xa7: {  	[dreg:$0x4] =	wrdreg $0xC0  }
0xa8: {  	_ =	task [dreg:s4], $0x5FFFF  }
0xa9: {  	[dreg:$0x1] =	wrdreg $0xFFFFFFFF  }
0xaa: {  	[dreg:$0x0] =	wrdreg $0x60  }
0xab: {  	[dreg:$0x2] =	wrdreg s22  }
0xac: {  	[dreg:$0x3] =	wrdreg $0x9  }
0xad: {  	_ =	task.clear_ibuf [dreg:s4], $0x4FFFF;
	_ =	strace $0x90000046  }
0xae: {  	s26 =	simm.s32 $0x9;
	_ =	strace $0x80000048  }
0xaf: {  	_ =	swait.ge [sflag:s26], $0x1  }
0xb0: {  	[sflag:s26] =	ssyncadd.s32 $0xFFFFFFFF  }
0xb1: {  	_ =	strace $0x90000048  }
0xb2: {  	_ =	sfence  }
0xb3: {  	s28 =	sld [smem:$0x0];
	_ =	sdelay $0x1  }
0xb4: {  	s29 =	srdreg.scid  }
0xb5: {  	s30 =	sshll.u32 s29, $0xD;
	s31 =	sshrl.u32 s29, $0x2  }
0xb6: {  	s1 =	sand.u32 $0x1, s29;
	s2 =	sand.u32 $0x4000, s30;
	s0 =	sadd.s32 s31, s28  }
0xb7: {  	s1 =	sor.u32 s2, s1;
	s0 =	sshll.u32 s0, $0x11  }
0xb8: {  	s0 =	sor.u32 s0, s1  }
0xb9: {  	s0 =	sadd.s32 $0x8F2B, s0  }
0xba: {  	[sflag:s0] =	ssyncadd.remote.s32 $0x1  }
0xbb: {  	_ =	sfence.sel $0xFFFF  }
0xbc: {  	[dreg:$0x0] =	wrdreg $0xFFFFFFFF;
	(pc) =	sbr.abs _section_cstart, $3  }
0xbd: {  	[dreg:$0x1] =	wrdreg $0xFFFFFFFF  }
0xbe: {  	_ =	task.clear_ibuf [dreg:s4], $0x2FFFF;
	_ =	strace $0x9FFFFFFF  }
0xbf: {  	(tm) =	ssettm $0x7FFFFFFF  }
tec
execute0_lowered:
.L_overlay_start_1:
0x0: {  	(tag) =	ssettag $0x1  }
0x1: {  	s0 =	rddreg [dreg:$0x0]  }
0x2: {  	s14 =	stileid.u32;
	_ =	strace $0x80000047;
	s2 =	simm.s32 $0x1  }
0x3: {  	v1 =	vimm.s32 $0xFFFFFFFF;
	s1 =	smin.u32 s14, $0x4;
	[sflag:s2] =	ssyncpa.u1 $0x0  }
0x4: {  	s1 =	sadd.s32 s14, s1;
	[tilespmem:$0x10] =	vst v1  }
0x5: {  	v0 =	vimm.f32 $0.0e+00;
	p0 =	slt.u32 s14, $0x4;
	[tilespmem:$0x20] =	vst v1;
	s3 =	smul.u32 $0x1F40, s1;
	s1 =	simm.s32 $0x3E80  }
0x6: {  	[tilespmem:$0x30] =	vst v0;
	s1 =	simm.s32 @!p0 $0x1F40  }
0x7: {  	[tilespmem:$0x40] =	vst v0;
	s1 =	sadd.s32 s1, s3  }
0x8: {  	[tilespmem:$0x50] =	vst v0;
	s4 =	smin.u32 s1, $0x27100  }
0x9: {  	[tilespmem:$0x60] =	vst v1;
	s9 =	ssub.s32 s4, s3  }
0xa: {  	s7 =	simm.s32 $0x2;
	s8 =	simm.s32 $0x8;
	[tilespmem:$0x70] =	vst v1;
	p0 =	sgt.s32 s9, $0x0  }
0xb: {  	s31 =	simm.s32 $0x9;
	s16 =	simm.s32 $0x0;
	[tilespmem:$0x80] =	vst v1;
	s9 =	simm.s32 @!p0 $0x0  }
0xc: {  	s17 =	simm.s32 $0xF0;
	s18 =	simm.s32 $0xFFFFFFFF;
	v1 =	vimm.s32 $0x0;
	[tilespmem:$0xB0] =	vst v0;
	s5 =	smulhi.u32 $0x10624DD3, s9  }
0xd: {  	s19 =	simm.s32 $0xFFFFC280;
	s20 =	simm.s32 $0xFFFFFFFE;
	s21 =	simm.s32 $0xF;
	[tilespmem:$0x90] =	vst v1  }
0xe: {  	[tilespmem:$0xA0] =	vst v1;
	[sflag:s7] =	ssyncpa.u1 $0x0;
	s7 =	simm.s32 $0x7;
	s10 =	sshrl.u32 s5, $0x9  }
0xf: {  	s25 =	simm.s32 $0x0;
	[sflag:s7] =	ssyncpa.u1 $0x0;
	s11 =	smul.u32 $0x1F40, s10  }
0x10: {  	s24 =	simm.s32 $0x0;
	s6 =	sadd.s32 $0x15A00, s0;
	[sflag:s8] =	ssyncpa.u1 $0x0  }
.Ltmp0:
0x11: {  	s23 =	smov.u32 s3;
	p0 =	sne.s32 s9, s11;
	(pc) =	sbr.rel .LBB2_1-.Ltmp0, $4  }
0x12: {  	s1 =	sadd.s32 $0x56A00, s0;
	[sflag:s31] =	ssyncpa.u1 $0x0;
	s2 =	simm.s32 @!p0 $0x0  }
0x13: {  	s5 =	sadd.s32 $0x10A00, s0;
	p0 =	por $0x0, $0x0;
	s9 =	sadd.s32 s2, s10  }
0x14: {  	vm0 =	vmmov $0xffff;
	v2 =	vlaneseq.u32;
	s10 =	sshll.u32 s14, $0x1;
	s14 =	sshllo.u32 s14, $0x1;
	s11 =	sadd.s32 $0x1, s9  }
0x15: {  	vm1 =	vmxor vm1, vm1;
	vm2 =	vmmov $0x1;
	vm3 =	vcmask $0x3F3C;
	s12 =	sadd.s32 $0x2, s9;
	s13 =	sor.u32 $0x81, s10;
	s15 =	sor.u32 $0x80, s10  }
.LBB2_9:
0x16: {  	p1 =	slt.u32 s24, $0x3  }
0x17: {  	s0 =	simm.s32 @!p1 $0x2  }
0x18: {  	_ =	swait.ge @!p1 [sflag:s0], $0x1F40  }
0x19: {  	[sflag:s0] =	ssyncset.done @!p1 $0x0  }
0x1a: {  	[sflag:s0] =	ssyncadd.s32 @!p1 $0xFFFFE0C0;
	s0 =	simm.s32 @!p1 $0x9  }
0x1b: {  	_ =	swait.ge @!p1 [sflag:s0], $0x10  }
0x1c: {  	[sflag:s0] =	ssyncset.done @!p1 $0x0  }
0x1d: {  	[sflag:s0] =	ssyncadd.s32 @!p1 $0xFFFFFFF0;
	p1 =	sne.s32 s24, s12  }
.Ltmp1:
0x1e: {  	s2 =	sadd.s32 $0x1F40, s23;
	(pc) =	sbr.rel @!p1 .LBB2_10-.Ltmp1, $4  }
0x1f: {  	s22 =	smov.u32 s3;
	s31 =	sadd.s32 $0x1, s24;
	s17 =	sadd.s32 $0x1F40, s17  }
0x20: {  	s18 =	sadd.s32 $0x1, s18;
	s25 =	smov.u32 s23;
	p2 =	slt.s32 s2, s4  }
0x21: {  	p0 =	por !p0, !p0;
	s19 =	sadd.s32 $0x1F40, s19;
	s22 =	smov.u32 @p2 s2  }
0x22: {  	s20 =	sadd.s32 $0x1, s20;
	s23 =	smov.u32 s22;
	s24 =	smov.u32 s31  }
.LBB2_1:
0x23: {  	p1 =	sge.u32 s24, s9  }
0x24: {  	s0 =	smulhi.u32 @!p1 $0xAAAAAAAB, s24;
	_ =	sdelay $0x1  }
0x25: {  	s0 =	sshrl.u32 @!p1 s0, $0x1  }
0x26: {  	s0 =	smul.u32 @!p1 $0x3, s0;
	_ =	sdelay $0x1  }
0x27: {  	s0 =	ssub.s32 @!p1 s24, s0  }
0x28: {  	s0 =	smul.u32 @!p1 $0x7D00, s0;
	_ =	sdelay $0x1  }
0x29: {  	s2 =	sshrl.u32 @!p1 s23, $0x3;
	s0 =	sshrl.u32 @!p1 s0, $0x2  }
0x2a: {  	s22 =	sand.u32 @!p1 $0x7, s23;
	s2 =	sadd.s32 @!p1 s5, s2;
	s0 =	sadd.s32 @!p1 $0x100, s0  }
0x2b: {  	[tilespmem:s0], [sflag:$0x7] =	stream.linear.gather @!p1 [hbm4b:s2+s22], $0x1F40, $0x38;
	[tilespmem:$0x11A60] =	vst v63  }
0x2c: {  	s0 =	sadd.s32 $0xFFFFFFFF, s24  }
0x2d: {  	p1 =	sge.u32 s0, s9  }
.Ltmp2:
0x2e: {  	_ = 	snop;
	(pc) =	sbr.rel @p1 .LBB2_5-.Ltmp2, $1  }
0x2f: {  	_ =	sdelay $0x3  }
0x30: {  	s2 =	smulhi.u32 $0xAAAAAAAB, s0;
	_ =	sdelay $0x1  }
0x31: {  	s2 =	sshrl.u32 s2, $0x1  }
0x32: {  	s2 =	smul.u32 $0x3, s2;
	_ =	sdelay $0x1  }
0x33: {  	s2 =	ssub.s32 s0, s2  }
0x34: {  	s2 =	smul.u32 $0x7D00, s2  }
0x35: {  	_ =	swait.ge [sflag:s7], $0x1F40  }
0x36: {  	[sflag:s7] =	ssyncset.done $0x0;
	s2 =	sshrl.u32 s2, $0x2  }
0x37: {  	[sflag:s7] =	ssyncadd.s32 $0xFFFFE0C0;
	(ifvalue) =	ssetifvalue $0xFFFFFFFF;
	v3 =	vld.msk [tilespmem:s2+$0x100 ss:$0x1], $0xffff;
	_ =	sdelay $0x2  }
0x38: {  	s30 =	smulhi.u32 $0xAAAAAAAB, s18;
	p1 =	sne.s32 s24, $0x1  }
0x39: {  	v4 =	vimm.s32 @!p1 $0x0  }
0x3a: {  	s2 =	sshrl.u32 s30, $0x1;
	v4 =	vperm.xlane @!p1 v3, v4  }
0x3b: {  	s22 =	sshll.u32 s24, $0x4;
	s2 =	smul.u32 $0xFFFE8900, s2;
	vm4 =	vlt.u32 v3, $0x2800  }
0x3c: {  	s22 =	sand.u32 $0x10, s22;
	v3 =	vnsel vm4, $0xFFFFFFFE, v3;
	vm4 =	vlt.u32 @!p1 v4, $0x2800  }
0x3d: {  	s2 =	sshra.s32 s2, $0x2;
	[tilespmem:s22+$0x60] =	vst v3;
	v3 =	vnsel @!p1 vm4, $0xFFFFFFFE, v4  }
0x3e: {  	s28 =	sadd.s32 s2, s17;
	[tilespmem:$0x80] =	vst @!p1 v3  }
0x3f: {  	v3 =	vld.msk [tilespmem:s28+$0x0 ss:$0x1], $0xffff;
	_ =	sdelay $0x4  }
0x40: {  	(xrf1) =	vunique.msk.u32 $0xffff, v3;
	_ =	sdelay $0xd  }
0x41: {  	v4 =	vimm.s32 $0xFFFFFFFF;
	v5, _, _ =	vpop (xrf1)  }
0x42: {  	vm5 =	vne.s32 v3, v4;
	vm4 =	veq.s32 v5, v2  }
0x43: {  	vm6 =	vlt.u32 v3, $0x2800;
	vm4 =	vmand vm5, vm4  }
0x44: {  	vm4 =	vmand vm6, vm4  }
0x45: {  	v4 =	vnsel vm4, $0xFFFFFFFF, v3  }
0x46: {  	s31 =	sand.u32 $0x1, s0  }
0x47: {  	s0 =	simm.s32 $0x1F40;
	p1 =	seq.s32 s31, $0x1  }
0x48: {  	s0 =	simm.s32 @!p1 $0x0  }
0x49: {  	s26 =	sadd.s32 $0x7DF0, s0;
	(ifvalue) =	ssetifvalue $0xFFFFFFFF  }
0x4a: {  	v3 =	vperm.xlane v3, v1;
	[tilespmem:s26], [sflag:$0x8] =	stream.indirect_vreg.gather [hbm4b:s1+s16], $0x1, v4, vm0, $0x4038;
	v4 =	vnsel vm6, $0xFFFFFFFE, v4;
	[tilespmem:$0x11A60] =	vst v63  }
0x4b: {  	s2 =	simm.s32 $0x0;
	s22 =	sadd.s32 $0xFFFFFFF0, s28;
	[tilespmem:s28+$0x0] =	vst v4  }
.LBB2_3:
0x4c: {  	v4 =	vld.msk [tilespmem:s22+$0x0 ss:$0x1], $0xffff;
	s2 =	sadd.s32 $0x10, s2;
	v5 =	vmov v3;
	s28 =	smov.u32 s22  }
0x4d: {  	p1 =	slt.u32 s2, $0x1F30;
	_ =	sdelay $0x4  }
0x4e: {  	v3 =	vperm.xlane v4, v1;
	(xrf1) =	vunique.msk.u32 $0xffff, v4;
	_ =	sdelay $0xd  }
0x4f: {  	v6, _, _ =	vpop (xrf1)  }
0x50: {  	vm5 =	vne.s32 v4, v5;
	vm4 =	veq.s32 v6, v2  }
0x51: {  	vm6 =	vlt.u32 v4, $0x2800;
	vm4 =	vmand vm5, vm4  }
0x52: {  	vm4 =	vmand vm6, vm4  }
0x53: {  	v4 =	vnsel vm4, $0xFFFFFFFF, v4  }
.Ltmp3:
0x54: {  	v5 =	vnsel vm6, $0xFFFFFFFE, v4;
	(pc) =	sbr.rel @p1 .LBB2_3-.Ltmp3, $3  }
0x55: {  	_ =	sdelay $0x1  }
0x56: {  	s22 =	sadd.s32 $0xFFFFFFF0, s22;
	s26 =	sadd.s32 $0xFFFFFFF0, s26;
	(ifvalue) =	ssetifvalue $0xFFFFFFFF  }
0x57: {  	[tilespmem:s26], [sflag:$0x8] =	stream.indirect_vreg.gather [hbm4b:s1+s16], $0x1, v4, vm0, $0x4038;
	[tilespmem:s28+$0x0] =	vst v5  }
0x58: {  	s2 =	sshrl.u32 s25, $0x3  }
0x59: {  	s0 =	sadd.s32 $0x9D40, s0;
	s2 =	sadd.s32 s6, s2  }
0x5a: {  	[tilespmem:s0], [sflag:$0x8] =	stream.linear.gather [hbm:s2], $0x1F40, $0x38;
	[tilespmem:$0x11A60] =	vst v63  }
.LBB2_5:
0x5b: {  	p1 =	slt.u32 s24, $0x2  }
0x5c: {  	p2 =	sge.u32 @!p1 s24, s12  }
0x5d: {  	p1 =	por p1, p2  }
.Ltmp4:
0x5e: {  	_ = 	snop;
	(pc) =	sbr.rel @p1 .LBB2_9-.Ltmp4, $1  }
0x5f: {  	_ =	sdelay $0x3  }
0x60: {  	s0 =	sadd.s32 $0xFFFFFFFE, s24  }
0x61: {  	s2 =	smulhi.u32 $0xAAAAAAAB, s0;
	_ =	sdelay $0x1  }
0x62: {  	s2 =	sshrl.u32 s2, $0x1  }
0x63: {  	s2 =	smul.u32 $0x3, s2;
	_ =	sdelay $0x1  }
0x64: {  	s0 =	ssub.s32 s0, s2  }
0x65: {  	_ =	swait.ge [sflag:s8], $0x3E80;
	s0 =	smul.u32 $0x1F40, s0  }
0x66: {  	p1 =	sne.s32 s24, s11;
	[sflag:s8] =	ssyncset.done $0x0  }
0x67: {  	[sflag:s8] =	ssyncadd.s32 $0xFFFFC180;
	s2 =	sadd.s32 @!p1 $0x203F, s0  }
0x68: {  	[spmem:s13] =	stream.linear.scatter @!p1 [tilespmem:s2], [sflag:$0x1], $0x1, $0x38;
	[tilespmem:$0x11A60] =	vst v63  }
0x69: {  	s2 =	simm.s32 @!p1 $0x1  }
0x6a: {  	_ =	swait.ge @!p1 [sflag:s2], $0x1  }
0x6b: {  	s22 =	sshll.u32 s24, $0x4;
	[sflag:s2] =	ssyncset.done @!p1 $0x0  }
0x6c: {  	s25 =	sand.u32 $0x10, s22;
	[sflag:s2] =	ssyncadd.s32 @!p1 $0xFFFFFFFF  }
0x6d: {  	s2 =	sxor.u32 $0x10, s25;
	v4 =	vld [tilespmem:s25+$0x10]  }
0x6e: {  	v5 =	vld [tilespmem:s2+$0x60]  }
0x6f: {  	v3 =	vld [tilespmem:$0x80];
	_ =	sdelay $0x2  }
0x70: {  	(v2sf) =	vpush v4, $0x0  }
0x71: {  	(v2sf) =	vpush v5, $0x0  }
0x72: {  	(v2sf) =	vpush v3, $0x0;
	_ =	sdelay $0xc  }
0x73: {  	s22 =	spop (v2sf)  }
0x74: {  	s26 =	spop (v2sf)  }
0x75: {  	s28 =	spop (v2sf)  }
0x76: {  	p2 =	seq.s32 s22, s26;
	p3 =	seq.s32 s28, s22  }
0x77: {  	p3 =	por p2, p3  }
0x78: {  	s26 =	sand.u32 $0x1, s24;
	v4 =	vpsel p3, $0xFFFFFFFF, v4  }
0x79: {  	s29 =	smul.u32 $0x1F40, s26;
	[tilespmem:s25+$0x10] =	vst.msk $0x1, v4  }
0x7a: {  	v4 =	vld [tilespmem:$0x30]  }
0x7b: {  	v5 =	vld [tilespmem:s29+$0x9D40]  }
0x7c: {  	v6 =	vld [tilespmem:s25+$0x40];
	_ =	sdelay $0x3  }
0x7d: {  	vm4 =	vmmov vm1;
	v5 =	vadd.f32 v5, v4  }
0x7e: {  	vm5 =	vmmov vm2;
	vm4 =	vmmov @p2 vm2;
	s22 =	sshll.u32 s26, $0x4;
	v4 =	vadd.f32 v6, v4  }
0x7f: {  	s26 =	sor.u32 $0x11A40, s22;
	vm5 =	vmmov @p3 vm1;
	[tilespmem:s29+$0x9D40] =	vst.msk vm4, v5  }
0x80: {  	[tilespmem:s26+$0x0] =	vst.msk vm5, v4  }
0x81: {  	v4 =	vld [tilespmem:s29+$0x7DF0];
	_ =	sdelay $0x3  }
0x82: {  	v5 =	vimm.f32 $0.0e+00  }
0x83: {  	v4 =	vshift.insert v4, v5, s21  }
0x84: {  	s22 =	sor.u32 $0x40, s2  }
0x85: {  	[tilespmem:s22+$0x0] =	vst.msk $0x1, v4  }
0x86: {  	[tilespmem:s29+$0x7DFF] =	vst.msk $0x1, v5  }
0x87: {  	v4 =	vld [tilespmem:s0+$0x2030];
	_ =	sdelay $0x1  }
0x88: {  	s22 =	smulhi.u32 $0xAAAAAAAB, s20;
	s0 =	simm.s32 $0x1  }
0x89: {  	s0 =	simm.s32 @!p0 $0x0  }
0x8a: {  	s22 =	sshrl.u32 s22, $0x1;
	s0 =	smul.u32 $0x7D00, s0  }
0x8b: {  	s22 =	smul.u32 $0xFFFE8900, s22;
	v4 =	vshift.insert v4, v1, s21  }
0x8c: {  	s0 =	sshrl.u32 s0, $0x2  }
0x8d: {  	s22 =	sshra.s32 s22, $0x2;
	s30 =	sadd.s32 $0x9D40, s0;
	[tilespmem:s2+$0x10] =	vst.msk $0x1, v4  }
0x8e: {  	s22 =	sadd.s32 s22, s19;
	v6 =	vld [tilespmem:s30+$0x0]  }
0x8f: {  	v7 =	vld [tilespmem:s22+$0x0];
	_ =	sdelay $0x3  }
0x90: {  	v5 =	vadd.f32 v6, v5  }
0x91: {  	vm4 =	vne.s32 v7, $0xFFFFFFFF  }
0x92: {  	(xrf2) =	vadd.seg.scan.f32 vm4, v5;
	_ =	sdelay $0x3  }
0x93: {  	s31 =	sadd.s32 $0x5EC0, s0;
	v5 =	vperm.xlane v4, v1  }
0x94: {  	v6 =	vld [tilespmem:s31+$0x0]  }
0x95: {  	vm5 =	veq.s32 v7, v3;
	vm6 =	veq.s32 v7, v5  }
0x96: {  	vm7 =	vgt.u32 v7, $0xFFFFFFFD;
	vm6 =	vmor vm6, vm5  }
0x97: {  	vm6 =	vmor vm6, vm7  }
0x98: {  	v9 =	vld [tilespmem:$0xA0];
	v7 =	vsel vm6, $0xFFFFFFFF, v7  }
0x99: {  	v10 =	vld [tilespmem:$0x90];
	v6 =	vsel vm5, $0x0, v6;
	v8, _, _ =	vpop (xrf2)  }
0x9a: {  	v6 =	vadd.f32 v8, v6  }
0x9b: {  	s0 =	sadd.s32 $0xDBC0, s0  }
0x9c: {  	vm4 =	vmand vm4, vm3;
	[tilespmem:s0+$0x0] =	vst v6;
	(ifvalue) =	ssetifvalue $0xFFFFFFFF  }
0x9d: {  	vm6 =	veq.s32 v9, $0x1;
	[hbm4b:s1+s16] =	stream.indirect_vreg.scatter [tilespmem:s0], [sflag:$0x2], $0x1, v7, vm0, $0x4038;
	v7 =	vsel vm4, $0x0, v8;
	[tilespmem:$0x11A60] =	vst v63  }
0x9e: {  	s2 =	simm.s32 $0x0;
	s22 =	sadd.s32 $0x10, s22;
	vm4 =	vmor vm6, vm5;
	v6 =	vsel vm5, v8, v10;
	v7 =	vshift.insert v7, v0, s21  }
.LBB2_7:
0x9f: {  	v8 =	vld [tilespmem:s22+$0x0];
	s30 =	sadd.s32 $0x10, s30  }
0xa0: {  	s31 =	sadd.s32 $0x10, s31;
	v9 =	vld [tilespmem:s30+$0x0]  }
0xa1: {  	s2 =	sadd.s32 $0x10, s2;
	v10 =	vld [tilespmem:s31+$0x0]  }
0xa2: {  	p2 =	slt.u32 s2, $0x1F30;
	_ =	sdelay $0x2  }
0xa3: {  	v7 =	vadd.f32 v9, v7  }
0xa4: {  	vm5 =	vne.s32 v8, $0xFFFFFFFF  }
0xa5: {  	vm6 =	vmand vm5, vm3;
	(xrf2) =	vadd.seg.scan.f32 vm5, v7;
	_ =	sdelay $0x5  }
0xa6: {  	vm7 =	veq.s32 v8, v5;
	vm5 =	veq.s32 v8, v3  }
0xa7: {  	vm8 =	vgt.u32 v8, $0xFFFFFFFD;
	vm4 =	vmor vm4, vm5;
	vm7 =	vmor vm7, vm5  }
0xa8: {  	vm7 =	vmor vm7, vm8  }
0xa9: {  	v8 =	vsel vm7, $0xFFFFFFFF, v8  }
.Ltmp5:
0xaa: {  	v7 =	vsel vm5, $0x0, v10;
	v9, _, _ =	vpop (xrf2);
	(pc) =	sbr.rel @p2 .LBB2_7-.Ltmp5, $4  }
0xab: {  	v6 =	vsel vm5, v9, v6;
	v10 =	vadd.f32 v9, v7;
	v7 =	vsel vm6, $0x0, v9  }
0xac: {  	s0 =	sadd.s32 $0x10, s0;
	v7 =	vshift.insert v7, v0, s21  }
0xad: {  	s22 =	sadd.s32 $0x10, s22;
	[tilespmem:s0+$0x0] =	vst v10;
	(ifvalue) =	ssetifvalue $0xFFFFFFFF  }
0xae: {  	[hbm4b:s1+s16] =	stream.indirect_vreg.scatter [tilespmem:s0], [sflag:$0x2], $0x1, v8, vm0, $0x4038;
	[tilespmem:$0x11A60] =	vst v63  }
0xaf: {  	v3 =	vld [tilespmem:s29+$0xFAF0];
	_ =	sdelay $0x4  }
0xb0: {  	v3 =	vshift.insert v3, v0, s21  }
0xb1: {  	s0 =	simm.s32 $0x30  }
0xb2: {  	[tilespmem:s0+$0x0] =	vst.msk $0x1, v3  }
0xb3: {  	v3 =	vsel vm4, $0x1, v1;
	[tilespmem:$0x90] =	vst v6  }
0xb4: {  	s0 =	sadd.s32 @!p1 $0xFAFF, s29;
	[tilespmem:$0xA0] =	vst v3  }
0xb5: {  	[spmem:s14] =	stream.linear.scatter @!p1 [tilespmem:s0], [sflag:$0x1], $0x1, $0x38;
	[tilespmem:$0x11A60] =	vst v63  }
0xb6: {  	s0 =	simm.s32 @!p1 $0x1  }
0xb7: {  	v3 =	vmctz.xlane @!p1 vm4;
	_ =	swait.ge @!p1 [sflag:s0], $0x1  }
0xb8: {  	(v2sf) =	vpush @!p1 v4, $0x0  }
0xb9: {  	(v2sf) =	vpush @!p1 v3, $0x0;
	_ =	sdelay $0xd  }
0xba: {  	s2 =	spop @!p1 (v2sf)  }
0xbb: {  	s22 =	spop @!p1 (v2sf)  }
0xbc: {  	p2 =	sne.s32 @!p1 s28, s2;
	p3 =	slt.s32 @!p1 s22, $0xF  }
0xbd: {  	[sflag:s0] =	ssyncset.done @!p1 $0x0;
	p2 =	por p2, p1;
	p3 =	por !p3, p1  }
0xbe: {  	[sflag:s0] =	ssyncadd.s32 @!p1 $0xFFFFFFFF;
	v3 =	vimm.s32 @!p2 $0xFFFFFFFF;
	s22 =	simm.s32 @p3 $0xF  }
0xbf: {  	[tilespmem:$0x80] =	vst @!p2 v3;
	s2 =	sadd.s32 @!p1 $0x90, s22  }
0xc0: {  	[spmem:s10] =	stream.linear.scatter @!p1 [tilespmem:s2], [sflag:$0x1], $0x1, $0x38;
	[tilespmem:$0x11A60] =	vst v63  }
0xc1: {  	_ =	swait.ge @!p1 [sflag:s0], $0x1  }
0xc2: {  	[sflag:s0] =	ssyncset.done @!p1 $0x0  }
0xc3: {  	s2 =	simm.s32 @!p1 $0x80;
	[sflag:s0] =	ssyncadd.s32 @!p1 $0xFFFFFFFF  }
0xc4: {  	[spmem:s15] =	stream.linear.scatter @!p1 [tilespmem:s2], [sflag:$0x1], $0x1, $0x38;
	[tilespmem:$0x11A60] =	vst v63  }
0xc5: {  	_ =	swait.ge @!p1 [sflag:s0], $0x1  }
0xc6: {  	[sflag:s0] =	ssyncset.done @!p1 $0x0  }
0xc7: {  	[sflag:s0] =	ssyncadd.s32 @!p1 $0xFFFFFFFF;
	(ifvalue) =	ssetifvalue $0xFFFFFFFF;
	v3 =	vld [tilespmem:s25+$0x10];
	_ =	sdelay $0x3  }
.Ltmp6:
0xc8: {  	_ = 	snop;
	(pc) =	sbr.rel .LBB2_9-.Ltmp6, $3  }
0xc9: {  	_ =	sdelay $0x1  }
0xca: {  	(ifvalue) =	ssetifvalue $0xFFFFFFFF  }
0xcb: {  	[hbm4b:s1+s16] =	stream.indirect_vreg.scatter [tilespmem:s26], [sflag:$0x9], $0x1, v3, vm0, $0x4038;
	[tilespmem:$0x11A60] =	vst v63  }
.LBB2_10:
0xcc: {  	_ =	sfence.sel $0x180000  }
0xcd: {  	s0 =	simm.s32 $0x7;
	[bflag:$0x0] =	sbarrier.arrive $0xFFFF  }
0xce: {  	s26 =	simm.s32 $0x8;
	[sflag:s0] =	ssyncpa.u1 $0x1  }
0xcf: {  	s28 =	simm.s32 $0x9;
	[sflag:s26] =	ssyncpa.u1 $0x1  }
0xd0: {  	[sflag:s28] =	ssyncpa.u1 $0x1  }
0xd1: {  	_ =	sfence.stream.spmem  }
0xd2: {  	s29 =	simm.s32 $0x3;
	[bflag:$0x0] =	sbarrier.arrive $0xFFFF  }
0xd3: {  	s30 =	simm.s32 $0x4;
	[sflag:s29] =	ssyncpa.u1 $0x1  }
0xd4: {  	s31 =	simm.s32 $0x3C;
	s2 =	stileid.u32;
	[sflag:s30] =	ssyncpa.u1 $0x1  }
0xd5: {  	p0 =	sne.s32 s2, $0x0;
	[sflag:s31] =	ssyncpa.u1 $0x1  }
0xd6: {  	s0 =	simm.s32 @p0 $0x1;
	_ =	sfence @p0  }
0xd7: {  	[sflag:s0] =	ssyncpa.u1 @p0 $0x1;
	s0 =	simm.s32 @p0 $0x2  }
0xd8: {  	[sflag:s0] =	ssyncpa.u1 @p0 $0x1  }
0xd9: {  	_ =	strace @p0 $0x90000047  }
0xda: {  	[bflag:$0x2] =	sbarrier.arrive @p0 $0xFFFF  }
0xdb: {  	_ =	shalt @p0  }
.LBB2_11:
0xdc: {  	_ =	sfence.stream.spmem;
	s0 =	simm.s32 $0x5  }
0xdd: {  	s2 =	simm.s32 $0x80;
	s3 =	simm.s32 $0xC0;
	[sflag:s0] =	ssyncpa.u1 $0x0  }
0xde: {  	[tilespmem:s3], [sflag:$0x5] =	stream.linear.gather [spmem:s2], $0x20, $0x38;
	[tilespmem:$0x11A60] =	vst v63  }
0xdf: {  	s2 =	simm.s32 $0x0;
	s3 =	simm.s32 $0xE0  }
0xe0: {  	[tilespmem:s3], [sflag:$0x5] =	stream.linear.gather [spmem:s2], $0x20, $0x38;
	[tilespmem:$0x11A60] =	vst v63  }
.Ltmp7:
0xe1: {  	_ = 	snop;
	(pc) =	sbr.rel .LBB2_12-.Ltmp7, $4  }
0xe2: {  	_ =	swait.ge [sflag:s0], $0x40  }
0xe3: {  	[sflag:s0] =	ssyncset.done $0x0  }
0xe4: {  	s31 =	simm.s32 $0x6;
	[sflag:s0] =	ssyncadd.s32 $0xFFFFFFC0  }
0xe5: {  	s4 =	simm.s32 $0x0;
	[sflag:s31] =	ssyncpa.u1 $0x0  }
.LBB2_17:
0xe6: {  	p0 =	sgt.u32 s5, $0x27FF  }
0xe7: {  	s0 =	sshrl.u32 @!p0 s5, $0x3  }
0xe8: {  	s5 =	sand.u32 @!p0 $0x7, s5;
	s6 =	simm.s32 @!p0 $0xB0;
	s0 =	sadd.s32 @!p0 s1, s0  }
0xe9: {  	[tilespmem:s6], [sflag:$0x6] =	stream.linear.gather @!p0 [hbm4b:s0+s5], $0x1, $0x38;
	[tilespmem:$0x11A60] =	vst v63  }
0xea: {  	s0 =	simm.s32 @!p0 $0x6  }
0xeb: {  	_ =	swait.ge @!p0 [sflag:s0], $0x1  }
0xec: {  	[sflag:s0] =	ssyncset.done @!p0 $0x0  }
0xed: {  	[sflag:s0] =	ssyncadd.s32 @!p0 $0xFFFFFFFF  }
0xee: {  	v2 =	vmov @!p0 s4;
	v1 =	vld.msk @!p0 [tilespmem:$0xB0], $0x1;
	_ =	sdelay $0x3  }
0xef: {  	s0 =	simm.s32 @!p0 $0xE0  }
0xf0: {  	[tilespmem:v2+s0+$0x0], v1 =	vst.idx.ret.add.f32.msk @!p0 $0x1, v1  }
0xf1: {  	[tilespmem:s2+$0xC0] =	vst.msk $0x1, v0  }
0xf2: {  	v0 =	vld.msk [tilespmem:s4+$0xE0], $0x1;
	_ =	sdelay $0x4  }
0xf3: {  	[tilespmem:s2+$0xE0] =	vst.msk $0x1, v0;
	s2 =	sadd.s32 $0x1, s2  }
.LBB2_19:
0xf4: {  	s4 =	sadd.s32 $0x1, s4  }
0xf5: {  	p0 =	sne.s32 s4, $0x20  }
.Ltmp8:
0xf6: {  	_ = 	snop;
	(pc) =	sbr.rel @!p0 .LBB2_20-.Ltmp8, $1  }
0xf7: {  	_ =	sdelay $0x3  }
.LBB2_12:
0xf8: {  	v0 =	vld.msk [tilespmem:s4+$0xC0], $0x1;
	_ =	sdelay $0x4  }
0xf9: {  	(v2sf) =	vpush v0, $0x0;
	_ =	sdelay $0xe  }
0xfa: {  	s5 =	spop (v2sf)  }
0xfb: {  	p0 =	seq.s32 s5, $0xFFFFFFFF  }
.Ltmp9:
0xfc: {  	_ = 	snop;
	(pc) =	sbr.rel @p0 .LBB2_19-.Ltmp9, $1  }
0xfd: {  	_ =	sdelay $0x3  }
0xfe: {  	p0 =	slt.s32 s2, $0x1  }
.Ltmp10:
0xff: {  	_ = 	snop;
	(pc) =	sbr.rel @p0 .LBB2_17-.Ltmp10, $1  }
0x100: {  	_ =	sdelay $0x3  }
0x101: {  	s0 =	simm.s32 $0xC0;
	p0 =	por $0x0, $0x0  }
0x102: {  	v1 =	vld.msk @!p0 [tilespmem:s0+$0x0], $0x1;
	_ =	sdelay $0x4  }
0x103: {  	(v2sf) =	vpush @!p0 v1, $0x0;
	_ =	sdelay $0xd  }
0x104: {  	p2 =	sne.s32 s2, $0x1  }
.Ltmp11:
0x105: {  	s6 =	spop @!p0 (v2sf);
	(pc) =	sbr.rel @!p2 .LBB2_16-.Ltmp11, $4  }
0x106: {  	p1 =	seq.s32 @!p0 s5, s6  }
0x107: {  	s6 =	simm.s32 $0x0;
	p1 =	por !p1, p0  }
0x108: {  	s8 =	simm.s32 $0xFFFFFFFF;
	s6 =	simm.s32 @p1 $0xFFFFFFFF  }
0x109: {  	s7 =	simm.s32 $0x1;
	s6 =	smov.u32 @p0 s8  }
.LBB2_15:
0x10a: {  	s8 =	smov.u32 s6;
	p0 =	sne.s32 s6, $0xFFFFFFFF  }
0x10b: {  	s0 =	sadd.s32 $0x1, s0;
	s6 =	smov.u32 s7;
	s7 =	sadd.s32 $0x1, s7  }
0x10c: {  	p1 =	sne.s32 s2, s7;
	v1 =	vld.msk @!p0 [tilespmem:s0+$0x0], $0x1;
	_ =	sdelay $0x4  }
0x10d: {  	(v2sf) =	vpush @!p0 v1, $0x0;
	_ =	sdelay $0xe  }
.Ltmp12:
0x10e: {  	s9 =	spop @!p0 (v2sf);
	(pc) =	sbr.rel @p1 .LBB2_15-.Ltmp12, $4  }
0x10f: {  	p2 =	seq.s32 @!p0 s5, s9  }
0x110: {  	p2 =	por !p2, p0  }
0x111: {  	s6 =	simm.s32 @p2 $0xFFFFFFFF  }
0x112: {  	s6 =	smov.u32 @p0 s8  }
.LBB2_16:
0x113: {  	p0 =	sne.s32 s6, $0xFFFFFFFF  }
.Ltmp13:
0x114: {  	_ = 	snop;
	(pc) =	sbr.rel @!p0 .LBB2_17-.Ltmp13, $1  }
0x115: {  	_ =	sdelay $0x3  }
0x116: {  	v0 =	vld.msk [tilespmem:s4+$0xE0], $0x1;
	v1 =	vmov s6  }
.Ltmp14:
0x117: {  	_ = 	snop;
	(pc) =	sbr.rel .LBB2_19-.Ltmp14, $2  }
0x118: {  	_ =	sdelay $0x2  }
0x119: {  	[tilespmem:v1+s3+$0x0], v0 =	vst.idx.ret.add.f32.msk $0x1, v0  }
.LBB2_20:
0x11a: {  	p0 =	slt.s32 s2, $0x1  }
.Ltmp15:
0x11b: {  	_ = 	snop;
	(pc) =	sbr.rel @p0 .LBB2_24-.Ltmp15, $3  }
0x11c: {  	_ =	sdelay $0x1  }
0x11d: {  	s0 =	simm.s32 $0x6  }
0x11e: {  	s3 =	simm.s32 $0x0;
	[sflag:s0] =	ssyncpa.u1 $0x1  }
0x11f: {  	s0 =	simm.s32 $0xC0  }
0x120: {  	v0 =	vld.msk [tilespmem:s0+$0x0], $0x1;
	_ =	sdelay $0x4  }
0x121: {  	(v2sf) =	vpush v0, $0x0;
	_ =	sdelay $0xe  }
0x122: {  	s2 =	sadd.s32 $0xFFFFFFFF, s2;
	s4 =	spop (v2sf)  }
0x123: {  	p1 =	sne.s32 s2, $0x0;
	p0 =	sgt.u32 s4, $0x27FF  }
.Ltmp16:
0x124: {  	s5 =	sshrl.u32 @!p0 s4, $0x3;
	(pc) =	sbr.rel @!p1 .LBB2_23-.Ltmp16, $4  }
0x125: {  	s0 =	simm.s32 $0xE0;
	s4 =	sand.u32 @!p0 $0x7, s4;
	s5 =	sadd.s32 @!p0 s1, s5  }
0x126: {  	[hbm4b:s5+s4] =	stream.linear.scatter @!p0 [tilespmem:s0], [sflag:$0x5], $0x1, $0x38;
	[tilespmem:$0x11A60] =	vst v63  }
0x127: {  	s5 =	simm.s32 $0x0  }
0x128: {  	s4 =	simm.s32 $0xC1;
	s5 =	simm.s32 @!p0 $0x4  }
.LBB2_22:
0x129: {  	v0 =	vld.msk [tilespmem:s4+$0x0], $0x1;
	s2 =	sadd.s32 $0xFFFFFFFF, s2;
	s3 =	sadd.s32 s3, s5  }
0x12a: {  	p0 =	sne.s32 s2, $0x0;
	_ =	sdelay $0x3  }
0x12b: {  	(v2sf) =	vpush v0, $0x0;
	_ =	sdelay $0xe  }
.Ltmp17:
0x12c: {  	s6 =	spop (v2sf);
	(pc) =	sbr.rel @p0 .LBB2_22-.Ltmp17, $4  }
0x12d: {  	s5 =	simm.s32 $0x0;
	p1 =	sgt.u32 s6, $0x27FF  }
0x12e: {  	s0 =	sadd.s32 $0x1, s0;
	s5 =	simm.s32 @!p1 $0x4;
	s7 =	sshrl.u32 @!p1 s6, $0x3  }
0x12f: {  	s4 =	sadd.s32 $0x1, s4;
	s6 =	sand.u32 @!p1 $0x7, s6;
	s7 =	sadd.s32 @!p1 s1, s7  }
0x130: {  	[hbm4b:s7+s6] =	stream.linear.scatter @!p1 [tilespmem:s0], [sflag:$0x5], $0x1, $0x38;
	[tilespmem:$0x11A60] =	vst v63  }
.LBB2_23:
0x131: {  	s0 =	sadd.s32 s3, s5  }
0x132: {  	s3 =	sshrl.u32 s0, $0x2  }
.LBB2_24:
0x133: {  	s0 =	simm.s32 $0x5  }
0x134: {  	_ =	swait.ge [sflag:s0], s3  }
0x135: {  	s1 =	ssub.s32 $0x0, s3;
	[sflag:s0] =	ssyncset.done $0x0  }
0x136: {  	[sflag:s0] =	ssyncadd.s32 s1  }
0x137: {  	[sflag:s0] =	ssyncpa.u1 $0x1  }
0x138: {  	s29 =	simm.s32 $0x1;
	_ =	sfence  }
0x139: {  	s30 =	simm.s32 $0x2;
	[sflag:s29] =	ssyncpa.u1 $0x1  }
0x13a: {  	[sflag:s30] =	ssyncpa.u1 $0x1  }
0x13b: {  	_ =	strace $0x90000047  }
0x13c: {  	[bflag:$0x2] =	sbarrier.arrive $0xFFFF  }
0x13d: {  	s31 =	rddreg [dreg:$0x1]  }
0x13e: {  	s0 =	sadd.s32 $0x100000, s31  }
0x13f: {  	[sflag:s0] =	ssyncadd.tile.s32 $0x1;
	_ =	shalt  }
.Lfunc_end2:
_tile_overlayer_lowered:
.L_overlay_start_2:
0x140: {  	(tag) =	ssettag $0x2  }
0x141: {  	s0 =	rddreg [dreg:$0x0];
	s2 =	stileid.u32  }
0x142: {  	s1 =	rddreg [dreg:$0x1];
	p0 =	sne.s32 s2, $0x0  }
0x143: {  	s3 =	rddreg [dreg:$0x2];
	[bflag:$0x3] =	sbarrier.arrive $0xFFFF;
	s2 =	simm.s32 @!p0 $0x1C01  }
0x144: {  	[timem:s3], [sflag:s2] =	dma.local @!p0 [hbm:s0], s1  }
0x145: {  	s0 =	simm.s32 @!p0 $0x1  }
0x146: {  	_ =	swait.ge @!p0 [sflag:s0], s1  }
0x147: {  	s1 =	ssub.s32 @!p0 $0x0, s1;
	[sflag:s0] =	ssyncset.done @!p0 $0x0  }
0x148: {  	[sflag:s0] =	ssyncadd.s32 @!p0 s1  }
0x149: {  	[bflag:$0x3] =	sbarrier.arrive $0xFFFF  }
0x14a: {  	_ =	shalt  }

// kernel: sparse-core-data-format-call.1.cloned.1.call-start
scs
called_computation.6_lowered:
.L_overlay_start_0:
0x0: {  	s2 =	sld [smem:$0x3FD9]  }
0x1: {  	s3 =	sld [smem:$0x3FFE];
	_ =	sdelay $0x1  }
0x2: {  	s1 =	srdreg.scid  }
0x3: {  	s0 =	sand.u32 $0x1, s1  }
0x4: {  	s18 =	sshll.u32 s0, $0xA;
	s2 =	sadd.s32 s3, s2  }
0x5: {  	s2 =	sadd.s32 s2, s18  }
0x6: {  	[smem:$0x3FBC] =	sst s2  }
0x7: {  	_ = 	snop  }
0x8: {  	(tm) =	ssettm $0x1  }
0x9: {  	s19 =	sld [smem:$0x3FFB];
	_ =	sdelay $0x3  }
0xa: {  	_ =	strace s19  }
0xb: {  	s2 =	sld [smem:$0x3FFC];
	_ =	sdelay $0x3  }
0xc: {  	_ =	strace s2  }
0xd: {  	s2 =	sld [smem:$0x3FFD];
	_ =	sdelay $0x3  }
0xe: {  	_ =	strace s2  }
0xf: {  	_ =	strace $0x8FFFFFFF  }
0x10: {  	s20 =	sld [smem:$0x3FDB];
	_ =	sdelay $0x1  }
0x11: {  	s21 =	simm.s32 $_scs_section_size  }
0x12: {  	s4 =	simm.s32 $_size__tile_overlayer_lowered;
	s5 =	simm.s32 $_tile_overlayer_lowered  }
0x13: {  	s6 =	simm.s32 $0x1BFF;
	s22 =	sshll.u32 s5, $0x1;
	s3 =	sadd.s32 s21, s20  }
0x14: {  	s23 =	simm.s32 $0x0;
	s4 =	sshll.u32 s4, $0x1;
	s5 =	sadd.s32 s22, s3  }
0x15: {  	[timem:s23], [sflag:s6] =	dma.local [hbm:s5], s4  }
0x16: {  	_ =	swait.ge [sflag:s6], s4  }
0x17: {  	s4 =	ssub.s32 $0x0, s4;
	[sflag:s6] =	ssyncset.done $0x0  }
0x18: {  	[sflag:s6] =	ssyncadd.s32 s4;
	_ =	sdelay $0x1  }
0x19: {  	s24 =	simm.s32 $0x1B8B  }
0x1a: {  	_ =	swait.ge [sflag:s24], $0x1  }
0x1b: {  	[sflag:s24] =	ssyncset.done $0x0  }
0x1c: {  	[sflag:s24] =	ssyncadd.s32 $0xFFFFFFFF  }
0x1d: {  	s4 =	sld [smem:$0x0]  }
0x1e: {  	s5 =	sand.u32 $0xFFFFFFFE, s1  }
0x1f: {  	p0 =	sne.s32 s1, s5  }
0x20: {  	s5 =	sshll.u32 @p0 s5, $0xE  }
0x21: {  	s5 =	sadd.s32 @p0 $0x11B8D, s5;
	s6 =	sshll.u32 @p0 s4, $0x11  }
0x22: {  	s5 =	sor.u32 @p0 s6, s5  }
0x23: {  	[sflag:s5] =	ssyncadd.remote.s32 @p0 $0x1;
	_ =	sdelay $0x1  }
0x24: {  	s5 =	simm.s32 @p0 $0x1B8D  }
0x25: {  	_ =	swait.eq @p0 [sflag:s5], $0x1  }
0x26: {  	[sflag:s5] =	ssyncadd.s32 @p0 $0xFFFFFFFF  }
0x27: {  	s6 =	sshll.u32 @!p0 s1, $0xE  }
0x28: {  	s6 =	sor.u32 @!p0 $0x4000, s6;
	s5 =	simm.s32 @!p0 $0x1B8D  }
0x29: {  	s4 =	sshll.u32 @!p0 s4, $0x11;
	s6 =	sadd.s32 @!p0 $0x11B8D, s6;
	_ =	swait.eq @!p0 [sflag:s5], $0x1  }
0x2a: {  	s4 =	sor.u32 @!p0 s4, s6;
	[sflag:s5] =	ssyncadd.s32 @!p0 $0xFFFFFFFF  }
0x2b: {  	s26 =	simm.s32 $0x1B8E;
	s25 =	sld [smem:$0x3FFE];
	[sflag:s4] =	ssyncadd.remote.s32 @!p0 $0x1  }
0x2c: {  	s27 =	simm.s32 $execute0_lowered;
	[smem:$0x3FD2] =	sst s26  }
0x2d: {  	s5 =	sshll.u32 s27, $0x1;
	_ =	strace $0x80000061;
	[dreg:$0x1] =	wrdreg $0xFFFFFFFF  }
0x2e: {  	s28 =	simm.s32 $_size_execute0_lowered;
	s3 =	sadd.s32 s3, s5;
	[dreg:$0x0] =	wrdreg $0x0  }
0x2f: {  	s5 =	sshll.u32 s28, $0x1;
	[dreg:$0x2] =	wrdreg s3  }
0x30: {  	[dreg:$0x3] =	wrdreg s5  }
0x31: {  	[dreg:$0x4] =	wrdreg $0xC0  }
0x32: {  	_ =	task [dreg:s23], $0x5FFFF  }
0x33: {  	[dreg:$0x1] =	wrdreg $0xFFFFFFFF  }
0x34: {  	[dreg:$0x0] =	wrdreg $0x60  }
0x35: {  	[dreg:$0x2] =	wrdreg s25  }
0x36: {  	[dreg:$0x3] =	wrdreg $0x9  }
0x37: {  	_ =	task.clear_ibuf [dreg:s23], $0x4FFFF;
	_ =	strace $0x90000061  }
0x38: {  	s29 =	simm.s32 $0x9;
	_ =	strace $0x80000063  }
0x39: {  	_ =	swait.ge [sflag:s29], $0x1  }
0x3a: {  	[sflag:s29] =	ssyncadd.s32 $0xFFFFFFFF  }
0x3b: {  	_ =	strace $0x90000063  }
0x3c: {  	_ =	sfence  }
0x3d: {  	s30 =	sld [smem:$0x0];
	_ =	sdelay $0x2  }
0x3e: {  	s31 =	sshll.u32 s1, $0xD;
	s1 =	sshrl.u32 s1, $0x2  }
0x3f: {  	s4 =	sand.u32 $0x4000, s31;
	s1 =	sadd.s32 s1, s30  }
0x40: {  	s0 =	sor.u32 s4, s0;
	s1 =	sshll.u32 s1, $0x11  }
0x41: {  	s0 =	sor.u32 s1, s0  }
0x42: {  	s0 =	sadd.s32 $0x8F2B, s0  }
0x43: {  	[sflag:s0] =	ssyncadd.remote.s32 $0x1  }
0x44: {  	_ =	sfence.sel $0xFFFF  }
0x45: {  	[dreg:$0x0] =	wrdreg $0xFFFFFFFF;
	(pc) =	sbr.abs _section_cstart, $3  }
0x46: {  	[dreg:$0x1] =	wrdreg $0xFFFFFFFF  }
0x47: {  	_ =	task.clear_ibuf [dreg:s23], $0x2FFFF;
	_ =	strace $0x9FFFFFFF  }
0x48: {  	(tm) =	ssettm $0x7FFFFFFF  }
0x49: {  	_ =	shalt  }
tec
execute0_lowered:
.L_overlay_start_1:
0x0: {  	(tag) =	ssettag $0x1  }
0x1: {  	s1 =	rddreg [dreg:$0x0]  }
0x2: {  	s0 =	rddreg [dreg:$0x1]  }
0x3: {  	_ =	strace $0x80000062;
	s4 =	srdreg.scid;
	s6 =	simm.s32 $0x2  }
0x4: {  	s11 =	simm.s32 $0x0;
	p0 =	por $0x0, $0x0;
	s7 =	simm.s32 $0x2800  }
.Ltmp0:
0x5: {  	s12 =	simm.s32 $0x0;
	s9 =	simm.s32 $0x0;
	(pc) =	sbr.rel .LBB1_1-.Ltmp0, $4  }
0x6: {  	s2 =	sadd.s32 $0x4CA00, s1;
	s3 =	sadd.s32 $0xCCCA00, s1;
	s5 =	sshll.u32 s4, $0x4  }
0x7: {  	s1 =	stileid.u32;
	s4 =	simm.s32 $0x1;
	s5 =	sand.u32 $0x10, s5  }
0x8: {  	s8 =	simm.s32 $0x0;
	[sflag:s4] =	ssyncpa.u1 $0x0;
	s5 =	sor.u32 s1, s5  }
0x9: {  	[sflag:s6] =	ssyncpa.u1 $0x0;
	s6 =	simm.s32 $0x800;
	s10 =	smov.u32 s5  }
.LBB1_7:
0xa: {  	s13 =	sadd.s32 $0x10, s9  }
0xb: {  	s11 =	sadd.s32 $0x20, s10;
	s15 =	smov.u32 s10;
	p2 =	sgt.s32 s13, $0x4F  }
0xc: {  	p1 =	slt.u32 s8, $0x2;
	s15 =	smov.u32 @p2 s11  }
0xd: {  	s8 =	sadd.s32 $0x1, s8;
	s13 =	simm.s32 @p2 $0x0;
	p2 =	sgt.s32 s15, $0x27F  }
0xe: {  	s15 =	smov.u32 @p2 s5;
	p2 =	sne.s32 s8, $0x66  }
.Ltmp1:
0xf: {  	_ = 	snop;
	(pc) =	sbr.rel @!p2 .LBB1_8-.Ltmp1, $4  }
0x10: {  	s14 =	simm.s32 @!p1 $0x2  }
0x11: {  	s12 =	smov.u32 s10;
	_ =	swait.ge @!p1 [sflag:s14], $0x4000  }
0x12: {  	p0 =	por !p0, !p0;
	s11 =	smov.u32 s9;
	[sflag:s14] =	ssyncset.done @!p1 $0x0  }
0x13: {  	s9 =	smov.u32 s13;
	[sflag:s14] =	ssyncadd.s32 @!p1 $0xFFFFC000;
	s10 =	smov.u32 s15  }
.LBB1_1:
0x14: {  	p1 =	sgt.u32 s8, $0x63  }
0x15: {  	s13 =	smul.u32 @!p1 $0x2800, s10  }
0x16: {  	s14 =	sxor.u32 @!p1 $0xFFFFFFFF, s8  }
0x17: {  	s15 =	sshll.u32 @!p1 s9, $0x7;
	s14 =	sshll.u32 @!p1 s14, $0xE;
	s13 =	sadd.s32 @!p1 s2, s13  }
0x18: {  	s14 =	sand.u32 @!p1 $0x4000, s14;
	s13 =	sadd.s32 @!p1 s15, s13;
	s15 =	simm.s32 @!p1 $0x0  }
0x19: {  	[tilespmem:s14], [sflag:$0x1] =	stream.linear.gather @!p1 [hbm4b:s13+s15], $0x4000, $0x38;
	[tilespmem:$0x10000] =	vst v63  }
0x1a: {  	p1 =	seq.s32 s8, $0x0  }
0x1b: {  	p2 =	seq.s32 @!p1 s8, $0x65  }
0x1c: {  	p1 =	por p1, p2  }
.Ltmp2:
0x1d: {  	_ = 	snop;
	(pc) =	sbr.rel @p1 .LBB1_7-.Ltmp2, $1  }
0x1e: {  	_ =	sdelay $0x3  }
0x1f: {  	s13 =	simm.s32 $0x1;
	_ =	swait.ge [sflag:s4], $0x4000;
	s16 =	sshll.u32 s8, $0xE  }
0x20: {  	s13 =	simm.s32 @!p0 $0x0;
	[sflag:s4] =	ssyncset.done $0x0;
	s31 =	sand.u32 $0x4000, s16  }
0x21: {  	s16 =	simm.s32 $0x0;
	s13 =	sshll.u32 s13, $0xE;
	[sflag:s4] =	ssyncadd.s32 $0xFFFFC000  }
0x22: {  	s14 =	sor.u32 $0x8040, s13;
	s15 =	sor.u32 $0x40, s13;
	s13 =	sor.u32 $0x8000, s31  }
.LBB1_3:
0x23: {  	v0 =	vmov s15;
	_ =	sdelay $0x3  }
0x24: {  	s18 =	simm.s32 $0x0  }
0x25: {  	v6 =	vld.idx.msk [tilespmem:v0+s18+$0x30 ss:$0x1], $0xffff  }
0x26: {  	v7 =	vld.idx.msk [tilespmem:v0+s18+$0xFFFFFFC0 ss:$0x1], $0xffff  }
0x27: {  	v5 =	vld.idx.msk [tilespmem:v0+s18+$0xFFFFFFD0 ss:$0x1], $0xffff  }
0x28: {  	v4 =	vld.idx.msk [tilespmem:v0+s18+$0xFFFFFFE0 ss:$0x1], $0xffff  }
0x29: {  	v3 =	vld.idx.msk [tilespmem:v0+s18+$0xFFFFFFF0 ss:$0x1], $0xffff  }
0x2a: {  	v1 =	vld.idx.msk [tilespmem:v0+s18+$0x0 ss:$0x1], $0xffff  }
0x2b: {  	v2 =	vld.idx.msk [tilespmem:v0+s18+$0x10 ss:$0x1], $0xffff;
	[tilespmem:s14+$0x30] =	vst v6  }
0x2c: {  	s17 =	simm.s32 $0x80;
	s19 =	simm.s32 $0x400;
	[tilespmem:s14+$0xFFFFFFC0] =	vst v7;
	v6 =	vld.idx.msk [tilespmem:v0+s18+$0x20 ss:$0x1], $0xffff;
	s18 =	smov.u32 s14  }
.LBB1_4:
0x2d: {  	p1 =	sne.s32 s19, $0xE00;
	v7 =	vld.idx.msk [tilespmem:v0+s17+$0x30 ss:$0x1], $0xffff;
	[tilespmem:s18+$0xFFFFFFD0] =	vst v5  }
0x2e: {  	v8 =	vld.idx.msk [tilespmem:v0+s17+$0xFFFFFFC0 ss:$0x1], $0xffff;
	[tilespmem:s18+$0xFFFFFFE0] =	vst v4  }
0x2f: {  	v5 =	vld.idx.msk [tilespmem:v0+s17+$0xFFFFFFD0 ss:$0x1], $0xffff;
	[tilespmem:s18+$0xFFFFFFF0] =	vst v3  }
.Ltmp3:
0x30: {  	v4 =	vld.idx.msk [tilespmem:v0+s17+$0xFFFFFFE0 ss:$0x1], $0xffff;
	[tilespmem:s18+$0x0] =	vst v1;
	(pc) =	sbr.rel @p1 .LBB1_4-.Ltmp3, $4  }
0x31: {  	v3 =	vld.idx.msk [tilespmem:v0+s17+$0xFFFFFFF0 ss:$0x1], $0xffff;
	[tilespmem:s18+$0x10] =	vst v2  }
0x32: {  	v1 =	vld.idx.msk [tilespmem:v0+s17+$0x0 ss:$0x1], $0xffff;
	[tilespmem:s18+$0x20] =	vst v6;
	s18 =	sadd.s32 $0x800, s18  }
0x33: {  	v2 =	vld.idx.msk [tilespmem:v0+s17+$0x10 ss:$0x1], $0xffff;
	[tilespmem:s18+$0x30] =	vst v7  }
0x34: {  	[tilespmem:s18+$0xFFFFFFC0] =	vst v8;
	v6 =	vld.idx.msk [tilespmem:v0+s17+$0x20 ss:$0x1], $0xffff;
	s17 =	sshra.s32 s19, $0x2;
	s19 =	sadd.s32 $0x200, s19  }
0x35: {  	_ =	sdelay $0x2  }
0x36: {  	[tilespmem:s18+$0xFFFFFFD0] =	vst v5  }
0x37: {  	v56 =	vld.idx.msk [tilespmem:v0+s17+$0x30 ss:$0x1], $0xffff;
	[tilespmem:s18+$0xFFFFFFE0] =	vst v4  }
0x38: {  	v57 =	vld.idx.msk [tilespmem:v0+s17+$0xFFFFFFC0 ss:$0x1], $0xffff;
	[tilespmem:s18+$0xFFFFFFF0] =	vst v3  }
0x39: {  	v58 =	vld.idx.msk [tilespmem:v0+s17+$0xFFFFFFD0 ss:$0x1], $0xffff;
	[tilespmem:s18+$0x0] =	vst v1  }
0x3a: {  	v59 =	vld.idx.msk [tilespmem:v0+s17+$0xFFFFFFE0 ss:$0x1], $0xffff;
	[tilespmem:s18+$0x10] =	vst v2  }
0x3b: {  	v60 =	vld.idx.msk [tilespmem:v0+s17+$0xFFFFFFF0 ss:$0x1], $0xffff;
	s31 =	sadd.s32 $0x800, s18;
	[tilespmem:s18+$0x20] =	vst v6  }
0x3c: {  	v61 =	vld.idx.msk [tilespmem:v0+s17+$0x0 ss:$0x1], $0xffff;
	[tilespmem:s31+$0x30] =	vst v56  }
0x3d: {  	v62 =	vld.idx.msk [tilespmem:v0+s17+$0x10 ss:$0x1], $0xffff;
	s16 =	sadd.s32 $0x1, s16;
	[tilespmem:s31+$0xFFFFFFC0] =	vst v57  }
0x3e: {  	v63 =	vld.idx.msk [tilespmem:v0+s17+$0x20 ss:$0x1], $0xffff;
	p1 =	sne.s32 s16, $0x10;
	[tilespmem:s31+$0xFFFFFFD0] =	vst v58  }
.Ltmp4:
0x3f: {  	[tilespmem:s31+$0xFFFFFFE0] =	vst v59;
	(pc) =	sbr.rel @p1 .LBB1_3-.Ltmp4, $4  }
0x40: {  	[tilespmem:s31+$0xFFFFFFF0] =	vst v60  }
0x41: {  	[tilespmem:s31+$0x0] =	vst v61  }
0x42: {  	[tilespmem:s31+$0x10] =	vst v62  }
0x43: {  	s14 =	sadd.s32 $0x80, s14;
	s15 =	sadd.s32 $0x400, s15;
	[tilespmem:s31+$0x20] =	vst v63  }
0x44: {  	s11 =	sand.u32 $0x1FFFFFF, s11  }
0x45: {  	s14 =	smulhi.u32 $0x3333334, s11  }
0x46: {  	s12 =	smul.u32 $0x2800, s12  }
0x47: {  	s14 =	smul.u32 $0x50, s14  }
.Ltmp5:
0x48: {  	_ = 	snop;
	(pc) =	sbr.rel .LBB1_7-.Ltmp5, $4  }
0x49: {  	s11 =	ssub.s32 s11, s14  }
0x4a: {  	s12 =	sadd.s32 s3, s12;
	s11 =	sshll.u32 s11, $0x4  }
0x4b: {  	s11 =	sadd.s32 s11, s12  }
0x4c: {  	[hbm4b:s11+s6] =	stream.strided.scatter [tilespmem:s13], [sflag:$0x2], $0x4000, s7, s6, $0x38;
	[tilespmem:$0x10000] =	vst v63  }
.LBB1_8:
0x4d: {  	_ =	sfence.sel $0x180000  }
0x4e: {  	s2 =	simm.s32 $0x1;
	[bflag:$0x0] =	sbarrier.arrive $0xFFFF  }
0x4f: {  	s31 =	simm.s32 $0x2;
	[sflag:s2] =	ssyncpa.u1 $0x1  }
0x50: {  	[sflag:s31] =	ssyncpa.u1 $0x1  }
0x51: {  	p0 =	sne.s32 s1, $0x0;
	_ =	strace $0x90000062  }
0x52: {  	s0 =	sadd.s32 @!p0 $0x100000, s0;
	[bflag:$0x2] =	sbarrier.arrive $0xFFFF  }
0x53: {  	[sflag:s0] =	ssyncadd.tile.s32 @!p0 $0x1;
	_ =	shalt  }
.Lfunc_end1:
_tile_overlayer_lowered:
.L_overlay_start_2:
0x54: {  	(tag) =	ssettag $0x2  }
0x55: {  	s0 =	rddreg [dreg:$0x0];
	s2 =	stileid.u32  }
0x56: {  	s1 =	rddreg [dreg:$0x1];
	p0 =	sne.s32 s2, $0x0  }
0x57: {  	s3 =	rddreg [dreg:$0x2];
	[bflag:$0x3] =	sbarrier.arrive $0xFFFF;
	s2 =	simm.s32 @!p0 $0x1C01  }
0x58: {  	[timem:s3], [sflag:s2] =	dma.local @!p0 [hbm:s0], s1  }
0x59: {  	s0 =	simm.s32 @!p0 $0x1  }
0x5a: {  	_ =	swait.ge @!p0 [sflag:s0], s1  }
0x5b: {  	s1 =	ssub.s32 @!p0 $0x0, s1;
	[sflag:s0] =	ssyncset.done @!p0 $0x0  }
0x5c: {  	[sflag:s0] =	ssyncadd.s32 @!p0 s1  }
0x5d: {  	[bflag:$0x3] =	sbarrier.arrive $0xFFFF  }
0x5e: {  	_ =	shalt  }

// kernel: sparse-core-data-format-call.cloned.1.call-start
scs
called_computation.5_lowered:
.L_overlay_start_0:
0x0: {  	s2 =	sld [smem:$0x3FD9]  }
0x1: {  	s3 =	sld [smem:$0x3FFE];
	_ =	sdelay $0x1  }
0x2: {  	s1 =	srdreg.scid  }
0x3: {  	s0 =	sand.u32 $0x1, s1  }
0x4: {  	s18 =	sshll.u32 s0, $0xA;
	s2 =	sadd.s32 s3, s2  }
0x5: {  	s2 =	sadd.s32 s2, s18  }
0x6: {  	[smem:$0x3FBC] =	sst s2  }
0x7: {  	_ = 	snop  }
0x8: {  	(tm) =	ssettm $0x1  }
0x9: {  	s19 =	sld [smem:$0x3FFB];
	_ =	sdelay $0x3  }
0xa: {  	_ =	strace s19  }
0xb: {  	s2 =	sld [smem:$0x3FFC];
	_ =	sdelay $0x3  }
0xc: {  	_ =	strace s2  }
0xd: {  	s2 =	sld [smem:$0x3FFD];
	_ =	sdelay $0x3  }
0xe: {  	_ =	strace s2  }
0xf: {  	_ =	strace $0x8FFFFFFF  }
0x10: {  	s20 =	sld [smem:$0x3FDB];
	_ =	sdelay $0x1  }
0x11: {  	s21 =	simm.s32 $_scs_section_size  }
0x12: {  	s4 =	simm.s32 $_size__tile_overlayer_lowered;
	s5 =	simm.s32 $_tile_overlayer_lowered  }
0x13: {  	s6 =	simm.s32 $0x1BFF;
	s22 =	sshll.u32 s5, $0x1;
	s3 =	sadd.s32 s21, s20  }
0x14: {  	s23 =	simm.s32 $0x0;
	s4 =	sshll.u32 s4, $0x1;
	s5 =	sadd.s32 s22, s3  }
0x15: {  	[timem:s23], [sflag:s6] =	dma.local [hbm:s5], s4  }
0x16: {  	_ =	swait.ge [sflag:s6], s4  }
0x17: {  	s4 =	ssub.s32 $0x0, s4;
	[sflag:s6] =	ssyncset.done $0x0  }
0x18: {  	[sflag:s6] =	ssyncadd.s32 s4;
	_ =	sdelay $0x1  }
0x19: {  	s24 =	simm.s32 $0x1B8B  }
0x1a: {  	_ =	swait.ge [sflag:s24], $0x1  }
0x1b: {  	[sflag:s24] =	ssyncset.done $0x0  }
0x1c: {  	[sflag:s24] =	ssyncadd.s32 $0xFFFFFFFF  }
0x1d: {  	s4 =	sld [smem:$0x0]  }
0x1e: {  	s5 =	sand.u32 $0xFFFFFFFE, s1  }
0x1f: {  	p0 =	sne.s32 s1, s5  }
0x20: {  	s5 =	sshll.u32 @p0 s5, $0xE  }
0x21: {  	s5 =	sadd.s32 @p0 $0x11B8D, s5;
	s6 =	sshll.u32 @p0 s4, $0x11  }
0x22: {  	s5 =	sor.u32 @p0 s6, s5  }
0x23: {  	[sflag:s5] =	ssyncadd.remote.s32 @p0 $0x1;
	_ =	sdelay $0x1  }
0x24: {  	s5 =	simm.s32 @p0 $0x1B8D  }
0x25: {  	_ =	swait.eq @p0 [sflag:s5], $0x1  }
0x26: {  	[sflag:s5] =	ssyncadd.s32 @p0 $0xFFFFFFFF  }
0x27: {  	s6 =	sshll.u32 @!p0 s1, $0xE  }
0x28: {  	s6 =	sor.u32 @!p0 $0x4000, s6;
	s5 =	simm.s32 @!p0 $0x1B8D  }
0x29: {  	s4 =	sshll.u32 @!p0 s4, $0x11;
	s6 =	sadd.s32 @!p0 $0x11B8D, s6;
	_ =	swait.eq @!p0 [sflag:s5], $0x1  }
0x2a: {  	s4 =	sor.u32 @!p0 s4, s6;
	[sflag:s5] =	ssyncadd.s32 @!p0 $0xFFFFFFFF  }
0x2b: {  	s26 =	simm.s32 $0x1B8E;
	s25 =	sld [smem:$0x3FFE];
	[sflag:s4] =	ssyncadd.remote.s32 @!p0 $0x1  }
0x2c: {  	s27 =	simm.s32 $execute0_lowered;
	[smem:$0x3FD2] =	sst s26  }
0x2d: {  	s5 =	sshll.u32 s27, $0x1;
	_ =	strace $0x8000005E;
	[dreg:$0x1] =	wrdreg $0xFFFFFFFF  }
0x2e: {  	s28 =	simm.s32 $_size_execute0_lowered;
	s3 =	sadd.s32 s3, s5;
	[dreg:$0x0] =	wrdreg $0x0  }
0x2f: {  	s5 =	sshll.u32 s28, $0x1;
	[dreg:$0x2] =	wrdreg s3  }
0x30: {  	[dreg:$0x3] =	wrdreg s5  }
0x31: {  	[dreg:$0x4] =	wrdreg $0xC0  }
0x32: {  	_ =	task [dreg:s23], $0x5FFFF  }
0x33: {  	[dreg:$0x1] =	wrdreg $0xFFFFFFFF  }
0x34: {  	[dreg:$0x0] =	wrdreg $0x60  }
0x35: {  	[dreg:$0x2] =	wrdreg s25  }
0x36: {  	[dreg:$0x3] =	wrdreg $0xB  }
0x37: {  	_ =	task.clear_ibuf [dreg:s23], $0x4FFFF;
	_ =	strace $0x9000005E  }
0x38: {  	s29 =	simm.s32 $0xB;
	_ =	strace $0x80000060  }
0x39: {  	_ =	swait.ge [sflag:s29], $0x1  }
0x3a: {  	[sflag:s29] =	ssyncadd.s32 $0xFFFFFFFF  }
0x3b: {  	_ =	strace $0x90000060  }
0x3c: {  	_ =	sfence  }
0x3d: {  	s30 =	sld [smem:$0x0];
	_ =	sdelay $0x2  }
0x3e: {  	s31 =	sshll.u32 s1, $0xD;
	s1 =	sshrl.u32 s1, $0x2  }
0x3f: {  	s4 =	sand.u32 $0x4000, s31;
	s1 =	sadd.s32 s1, s30  }
0x40: {  	s0 =	sor.u32 s4, s0;
	s1 =	sshll.u32 s1, $0x11  }
0x41: {  	s0 =	sor.u32 s1, s0  }
0x42: {  	s0 =	sadd.s32 $0x8F2B, s0  }
0x43: {  	[sflag:s0] =	ssyncadd.remote.s32 $0x1  }
0x44: {  	_ =	sfence.sel $0xFFFF  }
0x45: {  	[dreg:$0x0] =	wrdreg $0xFFFFFFFF;
	(pc) =	sbr.abs _section_cstart, $3  }
0x46: {  	[dreg:$0x1] =	wrdreg $0xFFFFFFFF  }
0x47: {  	_ =	task.clear_ibuf [dreg:s23], $0x2FFFF;
	_ =	strace $0x9FFFFFFF  }
0x48: {  	(tm) =	ssettm $0x7FFFFFFF  }
0x49: {  	_ =	shalt  }
tec
execute0_lowered:
.L_overlay_start_1:
0x0: {  	(tag) =	ssettag $0x1  }
0x1: {  	s1 =	rddreg [dreg:$0x0]  }
0x2: {  	s0 =	rddreg [dreg:$0x1]  }
0x3: {  	_ =	strace $0x8000005F;
	s4 =	srdreg.scid;
	s6 =	simm.s32 $0x2  }
0x4: {  	s11 =	simm.s32 $0x0;
	p0 =	por $0x0, $0x0;
	s7 =	simm.s32 $0x2800  }
.Ltmp0:
0x5: {  	s12 =	simm.s32 $0x0;
	s9 =	simm.s32 $0x0;
	(pc) =	sbr.rel .LBB1_1-.Ltmp0, $4  }
0x6: {  	s2 =	sadd.s32 $0x130CA00, s1;
	s3 =	sadd.s32 $0x68CA00, s1;
	s5 =	sshll.u32 s4, $0x4  }
0x7: {  	s1 =	stileid.u32;
	s4 =	simm.s32 $0x1;
	s5 =	sand.u32 $0x10, s5  }
0x8: {  	s8 =	simm.s32 $0x0;
	[sflag:s4] =	ssyncpa.u1 $0x0;
	s5 =	sor.u32 s1, s5  }
0x9: {  	[sflag:s6] =	ssyncpa.u1 $0x0;
	s6 =	simm.s32 $0x800;
	s10 =	smov.u32 s5  }
.LBB1_7:
0xa: {  	s13 =	sadd.s32 $0x10, s9  }
0xb: {  	s11 =	sadd.s32 $0x20, s10;
	s15 =	smov.u32 s10;
	p2 =	sgt.s32 s13, $0x4F  }
0xc: {  	p1 =	slt.u32 s8, $0x2;
	s15 =	smov.u32 @p2 s11  }
0xd: {  	s8 =	sadd.s32 $0x1, s8;
	s13 =	simm.s32 @p2 $0x0;
	p2 =	sgt.s32 s15, $0x27F  }
0xe: {  	s15 =	smov.u32 @p2 s5;
	p2 =	sne.s32 s8, $0x66  }
.Ltmp1:
0xf: {  	_ = 	snop;
	(pc) =	sbr.rel @!p2 .LBB1_8-.Ltmp1, $4  }
0x10: {  	s14 =	simm.s32 @!p1 $0x2  }
0x11: {  	s12 =	smov.u32 s10;
	_ =	swait.ge @!p1 [sflag:s14], $0x4000  }
0x12: {  	p0 =	por !p0, !p0;
	s11 =	smov.u32 s9;
	[sflag:s14] =	ssyncset.done @!p1 $0x0  }
0x13: {  	s9 =	smov.u32 s13;
	[sflag:s14] =	ssyncadd.s32 @!p1 $0xFFFFC000;
	s10 =	smov.u32 s15  }
.LBB1_1:
0x14: {  	p1 =	sgt.u32 s8, $0x63  }
0x15: {  	s13 =	smul.u32 @!p1 $0x2800, s10  }
0x16: {  	s14 =	sxor.u32 @!p1 $0xFFFFFFFF, s8  }
0x17: {  	s15 =	sshll.u32 @!p1 s9, $0x7;
	s14 =	sshll.u32 @!p1 s14, $0xE;
	s13 =	sadd.s32 @!p1 s2, s13  }
0x18: {  	s14 =	sand.u32 @!p1 $0x4000, s14;
	s13 =	sadd.s32 @!p1 s15, s13;
	s15 =	simm.s32 @!p1 $0x0  }
0x19: {  	[tilespmem:s14], [sflag:$0x1] =	stream.linear.gather @!p1 [hbm4b:s13+s15], $0x4000, $0x38;
	[tilespmem:$0x10000] =	vst v63  }
0x1a: {  	p1 =	seq.s32 s8, $0x0  }
0x1b: {  	p2 =	seq.s32 @!p1 s8, $0x65  }
0x1c: {  	p1 =	por p1, p2  }
.Ltmp2:
0x1d: {  	_ = 	snop;
	(pc) =	sbr.rel @p1 .LBB1_7-.Ltmp2, $1  }
0x1e: {  	_ =	sdelay $0x3  }
0x1f: {  	s13 =	simm.s32 $0x1;
	_ =	swait.ge [sflag:s4], $0x4000;
	s16 =	sshll.u32 s8, $0xE  }
0x20: {  	s13 =	simm.s32 @!p0 $0x0;
	[sflag:s4] =	ssyncset.done $0x0;
	s31 =	sand.u32 $0x4000, s16  }
0x21: {  	s16 =	simm.s32 $0x0;
	s13 =	sshll.u32 s13, $0xE;
	[sflag:s4] =	ssyncadd.s32 $0xFFFFC000  }
0x22: {  	s14 =	sor.u32 $0x8040, s13;
	s15 =	sor.u32 $0x40, s13;
	s13 =	sor.u32 $0x8000, s31  }
.LBB1_3:
0x23: {  	v0 =	vmov s15;
	_ =	sdelay $0x3  }
0x24: {  	s18 =	simm.s32 $0x0  }
0x25: {  	v6 =	vld.idx.msk [tilespmem:v0+s18+$0x30 ss:$0x1], $0xffff  }
0x26: {  	v7 =	vld.idx.msk [tilespmem:v0+s18+$0xFFFFFFC0 ss:$0x1], $0xffff  }
0x27: {  	v5 =	vld.idx.msk [tilespmem:v0+s18+$0xFFFFFFD0 ss:$0x1], $0xffff  }
0x28: {  	v4 =	vld.idx.msk [tilespmem:v0+s18+$0xFFFFFFE0 ss:$0x1], $0xffff  }
0x29: {  	v3 =	vld.idx.msk [tilespmem:v0+s18+$0xFFFFFFF0 ss:$0x1], $0xffff  }
0x2a: {  	v1 =	vld.idx.msk [tilespmem:v0+s18+$0x0 ss:$0x1], $0xffff  }
0x2b: {  	v2 =	vld.idx.msk [tilespmem:v0+s18+$0x10 ss:$0x1], $0xffff;
	[tilespmem:s14+$0x30] =	vst v6  }
0x2c: {  	s17 =	simm.s32 $0x80;
	s19 =	simm.s32 $0x400;
	[tilespmem:s14+$0xFFFFFFC0] =	vst v7;
	v6 =	vld.idx.msk [tilespmem:v0+s18+$0x20 ss:$0x1], $0xffff;
	s18 =	smov.u32 s14  }
.LBB1_4:
0x2d: {  	p1 =	sne.s32 s19, $0xE00;
	v7 =	vld.idx.msk [tilespmem:v0+s17+$0x30 ss:$0x1], $0xffff;
	[tilespmem:s18+$0xFFFFFFD0] =	vst v5  }
0x2e: {  	v8 =	vld.idx.msk [tilespmem:v0+s17+$0xFFFFFFC0 ss:$0x1], $0xffff;
	[tilespmem:s18+$0xFFFFFFE0] =	vst v4  }
0x2f: {  	v5 =	vld.idx.msk [tilespmem:v0+s17+$0xFFFFFFD0 ss:$0x1], $0xffff;
	[tilespmem:s18+$0xFFFFFFF0] =	vst v3  }
.Ltmp3:
0x30: {  	v4 =	vld.idx.msk [tilespmem:v0+s17+$0xFFFFFFE0 ss:$0x1], $0xffff;
	[tilespmem:s18+$0x0] =	vst v1;
	(pc) =	sbr.rel @p1 .LBB1_4-.Ltmp3, $4  }
0x31: {  	v3 =	vld.idx.msk [tilespmem:v0+s17+$0xFFFFFFF0 ss:$0x1], $0xffff;
	[tilespmem:s18+$0x10] =	vst v2  }
0x32: {  	v1 =	vld.idx.msk [tilespmem:v0+s17+$0x0 ss:$0x1], $0xffff;
	[tilespmem:s18+$0x20] =	vst v6;
	s18 =	sadd.s32 $0x800, s18  }
0x33: {  	v2 =	vld.idx.msk [tilespmem:v0+s17+$0x10 ss:$0x1], $0xffff;
	[tilespmem:s18+$0x30] =	vst v7  }
0x34: {  	[tilespmem:s18+$0xFFFFFFC0] =	vst v8;
	v6 =	vld.idx.msk [tilespmem:v0+s17+$0x20 ss:$0x1], $0xffff;
	s17 =	sshra.s32 s19, $0x2;
	s19 =	sadd.s32 $0x200, s19  }
0x35: {  	_ =	sdelay $0x2  }
0x36: {  	[tilespmem:s18+$0xFFFFFFD0] =	vst v5  }
0x37: {  	v56 =	vld.idx.msk [tilespmem:v0+s17+$0x30 ss:$0x1], $0xffff;
	[tilespmem:s18+$0xFFFFFFE0] =	vst v4  }
0x38: {  	v57 =	vld.idx.msk [tilespmem:v0+s17+$0xFFFFFFC0 ss:$0x1], $0xffff;
	[tilespmem:s18+$0xFFFFFFF0] =	vst v3  }
0x39: {  	v58 =	vld.idx.msk [tilespmem:v0+s17+$0xFFFFFFD0 ss:$0x1], $0xffff;
	[tilespmem:s18+$0x0] =	vst v1  }
0x3a: {  	v59 =	vld.idx.msk [tilespmem:v0+s17+$0xFFFFFFE0 ss:$0x1], $0xffff;
	[tilespmem:s18+$0x10] =	vst v2  }
0x3b: {  	v60 =	vld.idx.msk [tilespmem:v0+s17+$0xFFFFFFF0 ss:$0x1], $0xffff;
	s31 =	sadd.s32 $0x800, s18;
	[tilespmem:s18+$0x20] =	vst v6  }
0x3c: {  	v61 =	vld.idx.msk [tilespmem:v0+s17+$0x0 ss:$0x1], $0xffff;
	[tilespmem:s31+$0x30] =	vst v56  }
0x3d: {  	v62 =	vld.idx.msk [tilespmem:v0+s17+$0x10 ss:$0x1], $0xffff;
	s16 =	sadd.s32 $0x1, s16;
	[tilespmem:s31+$0xFFFFFFC0] =	vst v57  }
0x3e: {  	v63 =	vld.idx.msk [tilespmem:v0+s17+$0x20 ss:$0x1], $0xffff;
	p1 =	sne.s32 s16, $0x10;
	[tilespmem:s31+$0xFFFFFFD0] =	vst v58  }
.Ltmp4:
0x3f: {  	[tilespmem:s31+$0xFFFFFFE0] =	vst v59;
	(pc) =	sbr.rel @p1 .LBB1_3-.Ltmp4, $4  }
0x40: {  	[tilespmem:s31+$0xFFFFFFF0] =	vst v60  }
0x41: {  	[tilespmem:s31+$0x0] =	vst v61  }
0x42: {  	[tilespmem:s31+$0x10] =	vst v62  }
0x43: {  	s14 =	sadd.s32 $0x80, s14;
	s15 =	sadd.s32 $0x400, s15;
	[tilespmem:s31+$0x20] =	vst v63  }
0x44: {  	s11 =	sand.u32 $0x1FFFFFF, s11  }
0x45: {  	s14 =	smulhi.u32 $0x3333334, s11  }
0x46: {  	s12 =	smul.u32 $0x2800, s12  }
0x47: {  	s14 =	smul.u32 $0x50, s14  }
.Ltmp5:
0x48: {  	_ = 	snop;
	(pc) =	sbr.rel .LBB1_7-.Ltmp5, $4  }
0x49: {  	s11 =	ssub.s32 s11, s14  }
0x4a: {  	s12 =	sadd.s32 s3, s12;
	s11 =	sshll.u32 s11, $0x4  }
0x4b: {  	s11 =	sadd.s32 s11, s12  }
0x4c: {  	[hbm4b:s11+s6] =	stream.strided.scatter [tilespmem:s13], [sflag:$0x2], $0x4000, s7, s6, $0x38;
	[tilespmem:$0x10000] =	vst v63  }
.LBB1_8:
0x4d: {  	_ =	sfence.sel $0x180000  }
0x4e: {  	s2 =	simm.s32 $0x1;
	[bflag:$0x0] =	sbarrier.arrive $0xFFFF  }
0x4f: {  	s31 =	simm.s32 $0x2;
	[sflag:s2] =	ssyncpa.u1 $0x1  }
0x50: {  	[sflag:s31] =	ssyncpa.u1 $0x1  }
0x51: {  	p0 =	sne.s32 s1, $0x0;
	_ =	strace $0x9000005F  }
0x52: {  	s0 =	sadd.s32 @!p0 $0x100000, s0;
	[bflag:$0x2] =	sbarrier.arrive $0xFFFF  }
0x53: {  	[sflag:s0] =	ssyncadd.tile.s32 @!p0 $0x1;
	_ =	shalt  }
.Lfunc_end1:
_tile_overlayer_lowered:
.L_overlay_start_2:
0x54: {  	(tag) =	ssettag $0x2  }
0x55: {  	s0 =	rddreg [dreg:$0x0];
	s2 =	stileid.u32  }
0x56: {  	s1 =	rddreg [dreg:$0x1];
	p0 =	sne.s32 s2, $0x0  }
0x57: {  	s3 =	rddreg [dreg:$0x2];
	[bflag:$0x3] =	sbarrier.arrive $0xFFFF;
	s2 =	simm.s32 @!p0 $0x1C01  }
0x58: {  	[timem:s3], [sflag:s2] =	dma.local @!p0 [hbm:s0], s1  }
0x59: {  	s0 =	simm.s32 @!p0 $0x1  }
0x5a: {  	_ =	swait.ge @!p0 [sflag:s0], s1  }
0x5b: {  	s1 =	ssub.s32 @!p0 $0x0, s1;
	[sflag:s0] =	ssyncset.done @!p0 $0x0  }
0x5c: {  	[sflag:s0] =	ssyncadd.s32 @!p0 s1  }
0x5d: {  	[bflag:$0x3] =	sbarrier.arrive $0xFFFF  }
0x5e: {  	_ =	shalt  }

</sc_bundles>
